<compile_context>
chip_gen: v7x
topology: tpu7x:2x2x1
jax: 0.10.2.dev20260603
libtpu: 0.0.44.dev20260713+nightly
codegen_flags: <defaults>
</compile_context>

<pallas_src>
import functools

import jax
import jax.numpy as jnp
from jax import lax
from jax.experimental import pallas as pl
from jax.experimental.pallas import tpu as pltpu
from jax.experimental.pallas import tpu_sc as plsc

DIM = 32
NH = 8
R = 2049
CH = 256
NCHUNK = 9
ROW = NH * DIM * DIM


PACK = 128 // DIM
SUBR = DIM // PACK


def _mm(x, y):
    return jnp.dot(x, y, preferred_element_type=jnp.float32)


def _table_body(prim_ref, out_ref, p1_ref, a_ref, b_ref):
    rc = pl.program_id(1)
    eye = jnp.eye(DIM, dtype=jnp.float32)

    @pl.when(rc == 0)
    def _init():
        P = prim_ref[0]
        A0 = (P - P.T) * (1.0 / 1024.0)
        term = eye
        result = eye
        for k in range(1, 17):
            term = _mm(term, A0) * (1.0 / k)
            result = result + term
        for _ in range(10):
            result = _mm(result, result)
        r2 = lax.broadcasted_iota(jnp.int32, (128, DIM), 0)
        c2 = lax.broadcasted_iota(jnp.int32, (128, DIM), 1)
        J = jnp.where(r2 % DIM == c2, 1.0, 0.0)
        u = lax.broadcasted_iota(jnp.int32, (128, 128), 0)
        v = lax.broadcasted_iota(jnp.int32, (128, 128), 1)
        mask = jnp.where(u // DIM == v // DIM, 1.0, 0.0)
        b_ref[...] = _mm(_mm(J, result), J.T) * mask
        s8 = lax.broadcasted_iota(jnp.int32, (SUBR, 128), 0)
        l8 = lax.broadcasted_iota(jnp.int32, (SUBR, 128), 1)
        p1_ref[0:SUBR, :] = jnp.where(l8 % DIM == PACK * s8 + l8 // DIM,
                                      1.0, 0.0)
        n = 1
        while n < CH:
            p1_ref[n * SUBR:2 * n * SUBR, :] = _mm(p1_ref[0:n * SUBR, :],
                                                   b_ref[...])
            b_ref[...] = _mm(b_ref[...], b_ref[...])
            n *= 2
        a_ref[...] = jnp.eye(128, dtype=jnp.float32)

    chunk = _mm(p1_ref[...], a_ref[...])
    out_ref[...] = chunk.reshape(CH, SUBR, 128)
    a_ref[...] = _mm(a_ref[...], b_ref[...])


def _build_table(prim_axis):
    return pl.pallas_call(
        _table_body,
        grid=(NH, NCHUNK),
        in_specs=[pl.BlockSpec((1, DIM, DIM), lambda h, rc: (h, 0, 0))],
        out_specs=pl.BlockSpec((CH, SUBR, 128), lambda h, rc: (rc, h, 0)),
        out_shape=jax.ShapeDtypeStruct((R, ROW // 128, 128), jnp.float32),
        scratch_shapes=[
            pltpu.VMEM((CH * SUBR, 128), jnp.float32),
            pltpu.VMEM((128, 128), jnp.float32),
            pltpu.VMEM((128, 128), jnp.float32),
        ],
    )(prim_axis)


def _gather(table, idx3):
    info = plsc.get_sparse_core_info()
    nc, ns = info.num_cores, info.num_subcores
    nw = nc * ns
    _, k_chunks, c_rows = idx3.shape
    per_w = k_chunks * c_rows
    n_out = nw * per_w
    mesh = plsc.VectorSubcoreMesh(core_axis_name="c", subcore_axis_name="s")

    @functools.partial(
        pl.kernel, mesh=mesh,
        out_type=jax.ShapeDtypeStruct((n_out, ROW // 128, 128), jnp.float32),
        scratch_types=[
            pltpu.VMEM((k_chunks, c_rows), jnp.int32),
            pltpu.VMEM((c_rows, ROW // 128, 128), jnp.float32),
            pltpu.VMEM((c_rows, ROW // 128, 128), jnp.float32),
            pltpu.SemaphoreType.DMA,
            pltpu.SemaphoreType.DMA,
            pltpu.SemaphoreType.DMA,
            pltpu.SemaphoreType.DMA,
        ],
    )
    def gather_k(table_hbm, idx_hbm, out_hbm, idx_v, buf0, buf1,
                 gsem0, gsem1, osem0, osem1):
        wid = lax.axis_index("s") * nc + lax.axis_index("c")
        pltpu.sync_copy(idx_hbm.at[wid], idx_v)
        bufs, gsems, osems = (buf0, buf1), (gsem0, gsem1), (osem0, osem1)
        gathers = [None, None]
        stores = [None, None]
        gathers[0] = pltpu.async_copy(table_hbm.at[idx_v.at[0]], bufs[0],
                                      gsems[0])
        for ci in range(k_chunks):
            p = ci % 2
            q = (ci + 1) % 2
            if ci + 1 < k_chunks:
                if stores[q] is not None:
                    stores[q].wait()
                gathers[q] = pltpu.async_copy(
                    table_hbm.at[idx_v.at[ci + 1]], bufs[q], gsems[q])
            gathers[p].wait()
            stores[p] = pltpu.async_copy(
                bufs[p],
                out_hbm.at[pl.ds(wid * per_w + ci * c_rows, c_rows)],
                osems[p])
        stores[0].wait()
        stores[1].wait()

    return gather_k(table, idx3)


FB = 8


def _transpose_body(in_ref, out_ref):
    x = in_ref[...]
    n = x.shape[0]
    out_ref[...] = x.reshape(n, FB * 128).T.reshape(1, FB * 128, n)


def _to_seq_minor(g, nb, n):
    return pl.pallas_call(
        _transpose_body,
        grid=(nb, ROW // (FB * 128)),
        in_specs=[pl.BlockSpec((n, FB, 128), lambda b, f: (b, f, 0))],
        out_specs=pl.BlockSpec((1, FB * 128, n), lambda b, f: (b, f, 0)),
        out_shape=jax.ShapeDtypeStruct((nb, ROW, n), jnp.float32),
    )(g.reshape(nb * n, ROW // 128, 128))


def kernel(xs, ys, primitives):
    prim = primitives.reshape(2, NH, DIM, DIM)
    info = plsc.get_sparse_core_info()
    nw = info.num_cores * info.num_subcores
    c_rows = 4
    k_chunks = xs.size // (nw * c_rows)
    nb, n = xs.shape

    tx = _build_table(prim[0])
    gx = _gather(tx, xs.reshape(nw, k_chunks, c_rows))
    ty = _build_table(prim[1])
    gy = _gather(ty, ys.reshape(nw, k_chunks, c_rows))
    tposed = [_to_seq_minor(g, nb, n) for g in (gx, gy)]

    return tuple(
        t.reshape(nb, NH, DIM, DIM, n).transpose(0, 4, 1, 2, 3)
        for t in tposed)

# --- scband reference (transcript-rebuilt; emitter-appended) ---
"""Pipeline reference for scband-unitary-grid-16372415332714 (READ-ONLY COPY).

The authoritative reference and input builder live on the scoring server;
editing this copy changes nothing except your own understanding.
"""

import jax, jax.numpy as jnp
import numpy as np

NUM_AXES = 2
NUM_HEADS = 8
DIM = 32
SIZE = 2048


def _expm(A, s=10, order=16):
    # differentiable scaling-and-squaring Taylor approximation of matrix_exp,
    # batched over leading dims
    A = A / (2.0 ** s)
    n = A.shape[-1]
    eye = jnp.eye(n, dtype=A.dtype)
    result = jnp.broadcast_to(eye, A.shape)
    term = jnp.broadcast_to(eye, A.shape)
    for k in range(1, order + 1):
        term = jnp.matmul(term, A) / k
        result = result + term
    for _ in range(s):
        result = jnp.matmul(result, result)
    return result


def _make_maps(primitives):
    # hermitian = P - P^H (real-valued, so plain transpose)
    herm = primitives - jnp.swapaxes(primitives, -1, -2)
    prim = _expm(herm)  # (num_axes*num_heads, dim, dim)
    maps = prim[None]
    steps = int(np.ceil(np.log2(SIZE)))
    for _ in range(steps):
        longest = maps[-1]
        expanded = jnp.matmul(maps, longest)
        maps = jnp.concatenate([maps, expanded], axis=0)
    maps = maps[:SIZE]
    eye = jnp.broadcast_to(jnp.eye(DIM, dtype=primitives.dtype), (NUM_AXES * NUM_HEADS, DIM, DIM))
    maps = jnp.concatenate([eye[None], maps], axis=0)  # (SIZE+1, A*H, d, d)
    return maps.reshape(-1, NUM_AXES, NUM_HEADS, DIM, DIM)


def setup_inputs(seed: int = 0) -> dict:
    key = jax.random.key(seed)
    k1, k2, k3 = jax.random.split(key, 3)
    u = jax.random.uniform(k1, (NUM_AXES * NUM_HEADS, DIM, DIM), dtype=jnp.float32)
    primitives = jnp.cumsum(jax.nn.softmax(u, axis=-1), axis=-1)
    xs = jax.random.randint(k2, (2, 2048), 0, SIZE + 1, dtype=jnp.int32)
    ys = jax.random.randint(k3, (2, 2048), 0, SIZE + 1, dtype=jnp.int32)
    return {"xs": xs, "ys": ys, "primitives": primitives}


def reference(xs, ys, primitives):
    maps = _make_maps(primitives)  # (SIZE+1, 2, H, d, d)
    maps_x = maps[:, 0]  # chunk(2, dim=1) -> first half, squeezed
    maps_y = maps[:, 1]
    return (maps_x[xs], maps_y[ys])

if __name__ == "__main__":
    import jax
    _d = setup_inputs()
    print(jax.jit(kernel)(*tuple(_d.values())))

</pallas_src>

<mosaic_0001>
#map = affine_map<(d0, d1) -> (0, 0, 0)>
module attributes {stable_mosaic.version = 14 : i64} {
  func.func @gather_k(%arg0: i32, %arg1: i32, %arg2: memref<2049x64x128xf32, #tpu.memory_space<hbm>>, %arg3: memref<32x32x4xi32, #tpu.memory_space<hbm>>, %arg4: memref<4096x64x128xf32, #tpu.memory_space<hbm>>, %arg5: memref<32x4xi32, #tpu.memory_space<vmem>>, %arg6: memref<4x64x128xf32, #tpu.memory_space<vmem>>, %arg7: memref<4x64x128xf32, #tpu.memory_space<vmem>>, %arg8: memref<!tpu.dma_semaphore, #tpu.memory_space<semaphore_mem>>, %arg9: memref<!tpu.dma_semaphore, #tpu.memory_space<semaphore_mem>>, %arg10: memref<!tpu.dma_semaphore, #tpu.memory_space<semaphore_mem>>, %arg11: memref<!tpu.dma_semaphore, #tpu.memory_space<semaphore_mem>>) attributes {dimension_semantics = [#tpu.dimension_semantics<core_parallel>, #tpu.dimension_semantics<subcore_parallel>], iteration_bounds = array<i64: 2, 16>, scalar_prefetch = 0 : i64, scratch_operands = 7 : i64, tpu.core_type = #tpu.core_type<sc_vector_subcore>, window_params = [{transform_indices = #map}, {transform_indices = #map}, {transform_indices = #map}]} {
    %mul3A = arith.constant 2 : i32
    %mul3A_0 = arith.muli %arg1, %mul3A : i32
    %add3A = arith.addi %mul3A_0, %arg0 : i32
    "tpu.region"() ({
      %run_scoped3A = tpu.sem_alloc : memref<!tpu.dma_semaphore, #tpu.memory_space<semaphore_mem>>
      %dma_start3A_1023 = arith.constant 0 : i32
      %dma_start3A_1024 = arith.constant 0 : i32
      %dma_start3A_1025 = tpu.memref_slice %arg3[%add3A, %dma_start3A_1023, %dma_start3A_1024] : memref<32x32x4xi32, #tpu.memory_space<hbm>> -> memref<1x32x4xi32, #tpu.memory_space<hbm>>
      %dma_start3A_1026 = tpu.memref_squeeze %dma_start3A_1025 : memref<1x32x4xi32, #tpu.memory_space<hbm>> -> memref<32x4xi32, #tpu.memory_space<hbm>>
      %dma_start3A_1027 = arith.constant 0 : i32
      %dma_start3A_1028 = arith.constant 0 : i32
      %dma_start3A_1029 = tpu.memref_slice %arg3[%add3A, %dma_start3A_1027, %dma_start3A_1028] : memref<32x32x4xi32, #tpu.memory_space<hbm>> -> memref<1x32x4xi32, #tpu.memory_space<hbm>>
      %dma_start3A_1030 = tpu.memref_squeeze %dma_start3A_1029 : memref<1x32x4xi32, #tpu.memory_space<hbm>> -> memref<32x4xi32, #tpu.memory_space<hbm>>
      tpu.enqueue_dma source(%dma_start3A_1030 : memref<32x4xi32, #tpu.memory_space<hbm>>) target(%arg5 : memref<32x4xi32, #tpu.memory_space<vmem>>) target_semaphore(%run_scoped3A : memref<!tpu.dma_semaphore, #tpu.memory_space<semaphore_mem>>)
      %dma_wait3A_1031 = arith.constant 0 : i32
      %dma_wait3A_1032 = arith.constant 0 : i32
      %dma_wait3A_1033 = tpu.memref_slice %arg3[%add3A, %dma_wait3A_1031, %dma_wait3A_1032] : memref<32x32x4xi32, #tpu.memory_space<hbm>> -> memref<1x32x4xi32, #tpu.memory_space<hbm>>
      %dma_wait3A_1034 = tpu.memref_squeeze %dma_wait3A_1033 : memref<1x32x4xi32, #tpu.memory_space<hbm>> -> memref<32x4xi32, #tpu.memory_space<hbm>>
      %dma_wait3A_1035 = arith.constant 0 : i32
      %dma_wait3A_1036 = arith.constant 0 : i32
      %dma_wait3A_1037 = tpu.memref_slice %arg3[%add3A, %dma_wait3A_1035, %dma_wait3A_1036] : memref<32x32x4xi32, #tpu.memory_space<hbm>> -> memref<1x32x4xi32, #tpu.memory_space<hbm>>
      %dma_wait3A_1038 = tpu.memref_squeeze %dma_wait3A_1037 : memref<1x32x4xi32, #tpu.memory_space<hbm>> -> memref<32x4xi32, #tpu.memory_space<hbm>>
      tpu.wait_dma2 semaphore(%run_scoped3A : memref<!tpu.dma_semaphore, #tpu.memory_space<semaphore_mem>>) src(%dma_wait3A_1038 : memref<32x4xi32, #tpu.memory_space<hbm>>) dst(%arg5 : memref<32x4xi32, #tpu.memory_space<vmem>>)
      tpu.yield
    }) : () -> ()
    %dma_start3A = arith.constant 0 : i32
    %dma_start3A_1 = arith.constant 0 : i32
    %dma_start3A_2 = tpu.memref_slice %arg5[%dma_start3A, %dma_start3A_1] : memref<32x4xi32, #tpu.memory_space<vmem>> -> memref<1x4xi32, #tpu.memory_space<vmem>>
    %dma_start3A_3 = tpu.memref_squeeze %dma_start3A_2 : memref<1x4xi32, #tpu.memory_space<vmem>> -> memref<4xi32, #tpu.memory_space<vmem>>
    %dma_start3A_4 = arith.constant 0 : i32
    %dma_start3A_5 = arith.constant 0 : i32
    %dma_start3A_6 = arith.constant 0 : i32
    %dma_start3A_7 = tpu.memref_slice %arg2[%dma_start3A_4, %dma_start3A_5, %dma_start3A_6] : memref<2049x64x128xf32, #tpu.memory_space<hbm>> -> memref<2049x64x128xf32, #tpu.memory_space<hbm>>
    tpu.enqueue_indirect_dma source(%dma_start3A_7 : memref<2049x64x128xf32, #tpu.memory_space<hbm>>) target(%arg6 : memref<4x64x128xf32, #tpu.memory_space<vmem>>) offsets(%dma_start3A_3 : memref<4xi32, #tpu.memory_space<vmem>>) semaphore(%arg8 : memref<!tpu.dma_semaphore, #tpu.memory_space<semaphore_mem>>)
    %dma_start3A_8 = arith.constant 1 : i32
    %dma_start3A_9 = arith.constant 0 : i32
    %dma_start3A_10 = tpu.memref_slice %arg5[%dma_start3A_8, %dma_start3A_9] : memref<32x4xi32, #tpu.memory_space<vmem>> -> memref<1x4xi32, #tpu.memory_space<vmem>>
    %dma_start3A_11 = tpu.memref_squeeze %dma_start3A_10 : memref<1x4xi32, #tpu.memory_space<vmem>> -> memref<4xi32, #tpu.memory_space<vmem>>
    %dma_start3A_12 = arith.constant 0 : i32
    %dma_start3A_13 = arith.constant 0 : i32
    %dma_start3A_14 = arith.constant 0 : i32
    %dma_start3A_15 = tpu.memref_slice %arg2[%dma_start3A_12, %dma_start3A_13, %dma_start3A_14] : memref<2049x64x128xf32, #tpu.memory_space<hbm>> -> memref<2049x64x128xf32, #tpu.memory_space<hbm>>
    tpu.enqueue_indirect_dma source(%dma_start3A_15 : memref<2049x64x128xf32, #tpu.memory_space<hbm>>) target(%arg7 : memref<4x64x128xf32, #tpu.memory_space<vmem>>) offsets(%dma_start3A_11 : memref<4xi32, #tpu.memory_space<vmem>>) semaphore(%arg9 : memref<!tpu.dma_semaphore, #tpu.memory_space<semaphore_mem>>)
    %dma_wait3A = arith.constant 0 : i32
    %dma_wait3A_16 = arith.constant 0 : i32
    %dma_wait3A_17 = tpu.memref_slice %arg5[%dma_wait3A, %dma_wait3A_16] : memref<32x4xi32, #tpu.memory_space<vmem>> -> memref<1x4xi32, #tpu.memory_space<vmem>>
    %dma_wait3A_18 = tpu.memref_squeeze %dma_wait3A_17 : memref<1x4xi32, #tpu.memory_space<vmem>> -> memref<4xi32, #tpu.memory_space<vmem>>
    %dma_wait3A_19 = arith.constant 0 : i32
    %dma_wait3A_20 = arith.constant 0 : i32
    %dma_wait3A_21 = arith.constant 0 : i32
    %dma_wait3A_22 = tpu.memref_slice %arg2[%dma_wait3A_19, %dma_wait3A_20, %dma_wait3A_21] : memref<2049x64x128xf32, #tpu.memory_space<hbm>> -> memref<2049x64x128xf32, #tpu.memory_space<hbm>>
    tpu.wait_indirect_dma semaphore(%arg8 : memref<!tpu.dma_semaphore, #tpu.memory_space<semaphore_mem>>) src(%dma_wait3A_22 : memref<2049x64x128xf32, #tpu.memory_space<hbm>>) dst(%arg6 : memref<4x64x128xf32, #tpu.memory_space<vmem>>)
    %mul3A_23 = arith.constant 128 : i32
    %mul3A_24 = arith.muli %add3A, %mul3A_23 : i32
    %add3A_25 = arith.constant 0 : i32
    %add3A_26 = arith.addi %mul3A_24, %add3A_25 : i32
    %dma_start3A_27 = arith.constant 0 : i32
    %dma_start3A_28 = arith.constant 0 : i32
    %dma_start3A_29 = tpu.memref_slice %arg4[%add3A_26, %dma_start3A_27, %dma_start3A_28] : memref<4096x64x128xf32, #tpu.memory_space<hbm>> -> memref<4x64x128xf32, #tpu.memory_space<hbm>>
    %dma_start3A_30 = arith.constant 0 : i32
    %dma_start3A_31 = arith.constant 0 : i32
    %dma_start3A_32 = tpu.memref_slice %arg4[%add3A_26, %dma_start3A_30, %dma_start3A_31] : memref<4096x64x128xf32, #tpu.memory_space<hbm>> -> memref<4x64x128xf32, #tpu.memory_space<hbm>>
    tpu.enqueue_dma source(%arg6 : memref<4x64x128xf32, #tpu.memory_space<vmem>>) target(%dma_start3A_32 : memref<4x64x128xf32, #tpu.memory_space<hbm>>) target_semaphore(%arg10 : memref<!tpu.dma_semaphore, #tpu.memory_space<semaphore_mem>>)
    %dma_wait3A_33 = arith.constant 0 : i32
    %dma_wait3A_34 = arith.constant 0 : i32
    %dma_wait3A_35 = tpu.memref_slice %arg4[%add3A_26, %dma_wait3A_33, %dma_wait3A_34] : memref<4096x64x128xf32, #tpu.memory_space<hbm>> -> memref<4x64x128xf32, #tpu.memory_space<hbm>>
    %dma_wait3A_36 = arith.constant 0 : i32
    %dma_wait3A_37 = arith.constant 0 : i32
    %dma_wait3A_38 = tpu.memref_slice %arg4[%add3A_26, %dma_wait3A_36, %dma_wait3A_37] : memref<4096x64x128xf32, #tpu.memory_space<hbm>> -> memref<4x64x128xf32, #tpu.memory_space<hbm>>
    tpu.wait_dma2 semaphore(%arg10 : memref<!tpu.dma_semaphore, #tpu.memory_space<semaphore_mem>>) src(%arg6 : memref<4x64x128xf32, #tpu.memory_space<vmem>>) dst(%dma_wait3A_38 : memref<4x64x128xf32, #tpu.memory_space<hbm>>)
    %dma_start3A_39 = arith.constant 2 : i32
    %dma_start3A_40 = arith.constant 0 : i32
    %dma_start3A_41 = tpu.memref_slice %arg5[%dma_start3A_39, %dma_start3A_40] : memref<32x4xi32, #tpu.memory_space<vmem>> -> memref<1x4xi32, #tpu.memory_space<vmem>>
    %dma_start3A_42 = tpu.memref_squeeze %dma_start3A_41 : memref<1x4xi32, #tpu.memory_space<vmem>> -> memref<4xi32, #tpu.memory_space<vmem>>
    %dma_start3A_43 = arith.constant 0 : i32
    %dma_start3A_44 = arith.constant 0 : i32
    %dma_start3A_45 = arith.constant 0 : i32
    %dma_start3A_46 = tpu.memref_slice %arg2[%dma_start3A_43, %dma_start3A_44, %dma_start3A_45] : memref<2049x64x128xf32, #tpu.memory_space<hbm>> -> memref<2049x64x128xf32, #tpu.memory_space<hbm>>
    tpu.enqueue_indirect_dma source(%dma_start3A_46 : memref<2049x64x128xf32, #tpu.memory_space<hbm>>) target(%arg6 : memref<4x64x128xf32, #tpu.memory_space<vmem>>) offsets(%dma_start3A_42 : memref<4xi32, #tpu.memory_space<vmem>>) semaphore(%arg8 : memref<!tpu.dma_semaphore, #tpu.memory_space<semaphore_mem>>)
    %dma_wait3A_47 = arith.constant 1 : i32
    %dma_wait3A_48 = arith.constant 0 : i32
    %dma_wait3A_49 = tpu.memref_slice %arg5[%dma_wait3A_47, %dma_wait3A_48] : memref<32x4xi32, #tpu.memory_space<vmem>> -> memref<1x4xi32, #tpu.memory_space<vmem>>
    %dma_wait3A_50 = tpu.memref_squeeze %dma_wait3A_49 : memref<1x4xi32, #tpu.memory_space<vmem>> -> memref<4xi32, #tpu.memory_space<vmem>>
    %dma_wait3A_51 = arith.constant 0 : i32
    %dma_wait3A_52 = arith.constant 0 : i32
    %dma_wait3A_53 = arith.constant 0 : i32
    %dma_wait3A_54 = tpu.memref_slice %arg2[%dma_wait3A_51, %dma_wait3A_52, %dma_wait3A_53] : memref<2049x64x128xf32, #tpu.memory_space<hbm>> -> memref<2049x64x128xf32, #tpu.memory_space<hbm>>
    tpu.wait_indirect_dma semaphore(%arg9 : memref<!tpu.dma_semaphore, #tpu.memory_space<semaphore_mem>>) src(%dma_wait3A_54 : memref<2049x64x128xf32, #tpu.memory_space<hbm>>) dst(%arg7 : memref<4x64x128xf32, #tpu.memory_space<vmem>>)
    %mul3A_55 = arith.constant 128 : i32
    %mul3A_56 = arith.muli %add3A, %mul3A_55 : i32
    %add3A_57 = arith.constant 4 : i32
    %add3A_58 = arith.addi %mul3A_56, %add3A_57 : i32
    %dma_start3A_59 = arith.constant 0 : i32
    %dma_start3A_60 = arith.constant 0 : i32
    %dma_start3A_61 = tpu.memref_slice %arg4[%add3A_58, %dma_start3A_59, %dma_start3A_60] : memref<4096x64x128xf32, #tpu.memory_space<hbm>> -> memref<4x64x128xf32, #tpu.memory_space<hbm>>
    %dma_start3A_62 = arith.constant 0 : i32
    %dma_start3A_63 = arith.constant 0 : i32
    %dma_start3A_64 = tpu.memref_slice %arg4[%add3A_58, %dma_start3A_62, %dma_start3A_63] : memref<4096x64x128xf32, #tpu.memory_space<hbm>> -> memref<4x64x128xf32, #tpu.memory_space<hbm>>
    tpu.enqueue_dma source(%arg7 : memref<4x64x128xf32, #tpu.memory_space<vmem>>) target(%dma_start3A_64 : memref<4x64x128xf32, #tpu.memory_space<hbm>>) target_semaphore(%arg11 : memref<!tpu.dma_semaphore, #tpu.memory_space<semaphore_mem>>)
    %dma_wait3A_65 = arith.constant 0 : i32
    %dma_wait3A_66 = arith.constant 0 : i32
    %dma_wait3A_67 = tpu.memref_slice %arg4[%add3A_58, %dma_wait3A_65, %dma_wait3A_66] : memref<4096x64x128xf32, #tpu.memory_space<hbm>> -> memref<4x64x128xf32, #tpu.memory_space<hbm>>
    %dma_wait3A_68 = arith.constant 0 : i32
    %dma_wait3A_69 = arith.constant 0 : i32
    %dma_wait3A_70 = tpu.memref_slice %arg4[%add3A_58, %dma_wait3A_68, %dma_wait3A_69] : memref<4096x64x128xf32, #tpu.memory_space<hbm>> -> memref<4x64x128xf32, #tpu.memory_space<hbm>>
    tpu.wait_dma2 semaphore(%arg11 : memref<!tpu.dma_semaphore, #tpu.memory_space<semaphore_mem>>) src(%arg7 : memref<4x64x128xf32, #tpu.memory_space<vmem>>) dst(%dma_wait3A_70 : memref<4x64x128xf32, #tpu.memory_space<hbm>>)
    %dma_start3A_71 = arith.constant 3 : i32
    %dma_start3A_72 = arith.constant 0 : i32
    %dma_start3A_73 = tpu.memref_slice %arg5[%dma_start3A_71, %dma_start3A_72] : memref<32x4xi32, #tpu.memory_space<vmem>> -> memref<1x4xi32, #tpu.memory_space<vmem>>
    %dma_start3A_74 = tpu.memref_squeeze %dma_start3A_73 : memref<1x4xi32, #tpu.memory_space<vmem>> -> memref<4xi32, #tpu.memory_space<vmem>>
    %dma_start3A_75 = arith.constant 0 : i32
    %dma_start3A_76 = arith.constant 0 : i32
    %dma_start3A_77 = arith.constant 0 : i32
    %dma_start3A_78 = tpu.memref_slice %arg2[%dma_start3A_75, %dma_start3A_76, %dma_start3A_77] : memref<2049x64x128xf32, #tpu.memory_space<hbm>> -> memref<2049x64x128xf32, #tpu.memory_space<hbm>>
    tpu.enqueue_indirect_dma source(%dma_start3A_78 : memref<2049x64x128xf32, #tpu.memory_space<hbm>>) target(%arg7 : memref<4x64x128xf32, #tpu.memory_space<vmem>>) offsets(%dma_start3A_74 : memref<4xi32, #tpu.memory_space<vmem>>) semaphore(%arg9 : memref<!tpu.dma_semaphore, #tpu.memory_space<semaphore_mem>>)
    %dma_wait3A_79 = arith.constant 2 : i32
    %dma_wait3A_80 = arith.constant 0 : i32
    %dma_wait3A_81 = tpu.memref_slice %arg5[%dma_wait3A_79, %dma_wait3A_80] : memref<32x4xi32, #tpu.memory_space<vmem>> -> memref<1x4xi32, #tpu.memory_space<vmem>>
    %dma_wait3A_82 = tpu.memref_squeeze %dma_wait3A_81 : memref<1x4xi32, #tpu.memory_space<vmem>> -> memref<4xi32, #tpu.memory_space<vmem>>
    %dma_wait3A_83 = arith.constant 0 : i32
    %dma_wait3A_84 = arith.constant 0 : i32
    %dma_wait3A_85 = arith.constant 0 : i32
    %dma_wait3A_86 = tpu.memref_slice %arg2[%dma_wait3A_83, %dma_wait3A_84, %dma_wait3A_85] : memref<2049x64x128xf32, #tpu.memory_space<hbm>> -> memref<2049x64x128xf32, #tpu.memory_space<hbm>>
    tpu.wait_indirect_dma semaphore(%arg8 : memref<!tpu.dma_semaphore, #tpu.memory_space<semaphore_mem>>) src(%dma_wait3A_86 : memref<2049x64x128xf32, #tpu.memory_space<hbm>>) dst(%arg6 : memref<4x64x128xf32, #tpu.memory_space<vmem>>)
    %mul3A_87 = arith.constant 128 : i32
    %mul3A_88 = arith.muli %add3A, %mul3A_87 : i32
    %add3A_89 = arith.constant 8 : i32
    %add3A_90 = arith.addi %mul3A_88, %add3A_89 : i32
    %dma_start3A_91 = arith.constant 0 : i32
    %dma_start3A_92 = arith.constant 0 : i32
    %dma_start3A_93 = tpu.memref_slice %arg4[%add3A_90, %dma_start3A_91, %dma_start3A_92] : memref<4096x64x128xf32, #tpu.memory_space<hbm>> -> memref<4x64x128xf32, #tpu.memory_space<hbm>>
    %dma_start3A_94 = arith.constant 0 : i32
    %dma_start3A_95 = arith.constant 0 : i32
    %dma_start3A_96 = tpu.memref_slice %arg4[%add3A_90, %dma_start3A_94, %dma_start3A_95] : memref<4096x64x128xf32, #tpu.memory_space<hbm>> -> memref<4x64x128xf32, #tpu.memory_space<hbm>>
    tpu.enqueue_dma source(%arg6 : memref<4x64x128xf32, #tpu.memory_space<vmem>>) target(%dma_start3A_96 : memref<4x64x128xf32, #tpu.memory_space<hbm>>) target_semaphore(%arg10 : memref<!tpu.dma_semaphore, #tpu.memory_space<semaphore_mem>>)
    %dma_wait3A_97 = arith.constant 0 : i32
    %dma_wait3A_98 = arith.constant 0 : i32
    %dma_wait3A_99 = tpu.memref_slice %arg4[%add3A_90, %dma_wait3A_97, %dma_wait3A_98] : memref<4096x64x128xf32, #tpu.memory_space<hbm>> -> memref<4x64x128xf32, #tpu.memory_space<hbm>>
    %dma_wait3A_100 = arith.constant 0 : i32
    %dma_wait3A_101 = arith.constant 0 : i32
    %dma_wait3A_102 = tpu.memref_slice %arg4[%add3A_90, %dma_wait3A_100, %dma_wait3A_101] : memref<4096x64x128xf32, #tpu.memory_space<hbm>> -> memref<4x64x128xf32, #tpu.memory_space<hbm>>
    tpu.wait_dma2 semaphore(%arg10 : memref<!tpu.dma_semaphore, #tpu.memory_space<semaphore_mem>>) src(%arg6 : memref<4x64x128xf32, #tpu.memory_space<vmem>>) dst(%dma_wait3A_102 : memref<4x64x128xf32, #tpu.memory_space<hbm>>)
    %dma_start3A_103 = arith.constant 4 : i32
    %dma_start3A_104 = arith.constant 0 : i32
    %dma_start3A_105 = tpu.memref_slice %arg5[%dma_start3A_103, %dma_start3A_104] : memref<32x4xi32, #tpu.memory_space<vmem>> -> memref<1x4xi32, #tpu.memory_space<vmem>>
    %dma_start3A_106 = tpu.memref_squeeze %dma_start3A_105 : memref<1x4xi32, #tpu.memory_space<vmem>> -> memref<4xi32, #tpu.memory_space<vmem>>
    %dma_start3A_107 = arith.constant 0 : i32
    %dma_start3A_108 = arith.constant 0 : i32
    %dma_start3A_109 = arith.constant 0 : i32
    %dma_start3A_110 = tpu.memref_slice %arg2[%dma_start3A_107, %dma_start3A_108, %dma_start3A_109] : memref<2049x64x128xf32, #tpu.memory_space<hbm>> -> memref<2049x64x128xf32, #tpu.memory_space<hbm>>
    tpu.enqueue_indirect_dma source(%dma_start3A_110 : memref<2049x64x128xf32, #tpu.memory_space<hbm>>) target(%arg6 : memref<4x64x128xf32, #tpu.memory_space<vmem>>) offsets(%dma_start3A_106 : memref<4xi32, #tpu.memory_space<vmem>>) semaphore(%arg8 : memref<!tpu.dma_semaphore, #tpu.memory_space<semaphore_mem>>)
    %dma_wait3A_111 = arith.constant 3 : i32
    %dma_wait3A_112 = arith.constant 0 : i32
    %dma_wait3A_113 = tpu.memref_slice %arg5[%dma_wait3A_111, %dma_wait3A_112] : memref<32x4xi32, #tpu.memory_space<vmem>> -> memref<1x4xi32, #tpu.memory_space<vmem>>
    %dma_wait3A_114 = tpu.memref_squeeze %dma_wait3A_113 : memref<1x4xi32, #tpu.memory_space<vmem>> -> memref<4xi32, #tpu.memory_space<vmem>>
    %dma_wait3A_115 = arith.constant 0 : i32
    %dma_wait3A_116 = arith.constant 0 : i32
    %dma_wait3A_117 = arith.constant 0 : i32
    %dma_wait3A_118 = tpu.memref_slice %arg2[%dma_wait3A_115, %dma_wait3A_116, %dma_wait3A_117] : memref<2049x64x128xf32, #tpu.memory_space<hbm>> -> memref<2049x64x128xf32, #tpu.memory_space<hbm>>
    tpu.wait_indirect_dma semaphore(%arg9 : memref<!tpu.dma_semaphore, #tpu.memory_space<semaphore_mem>>) src(%dma_wait3A_118 : memref<2049x64x128xf32, #tpu.memory_space<hbm>>) dst(%arg7 : memref<4x64x128xf32, #tpu.memory_space<vmem>>)
    %mul3A_119 = arith.constant 128 : i32
    %mul3A_120 = arith.muli %add3A, %mul3A_119 : i32
    %add3A_121 = arith.constant 12 : i32
    %add3A_122 = arith.addi %mul3A_120, %add3A_121 : i32
    %dma_start3A_123 = arith.constant 0 : i32
    %dma_start3A_124 = arith.constant 0 : i32
    %dma_start3A_125 = tpu.memref_slice %arg4[%add3A_122, %dma_start3A_123, %dma_start3A_124] : memref<4096x64x128xf32, #tpu.memory_space<hbm>> -> memref<4x64x128xf32, #tpu.memory_space<hbm>>
    %dma_start3A_126 = arith.constant 0 : i32
    %dma_start3A_127 = arith.constant 0 : i32
    %dma_start3A_128 = tpu.memref_slice %arg4[%add3A_122, %dma_start3A_126, %dma_start3A_127] : memref<4096x64x128xf32, #tpu.memory_space<hbm>> -> memref<4x64x128xf32, #tpu.memory_space<hbm>>
    tpu.enqueue_dma source(%arg7 : memref<4x64x128xf32, #tpu.memory_space<vmem>>) target(%dma_start3A_128 : memref<4x64x128xf32, #tpu.memory_space<hbm>>) target_semaphore(%arg11 : memref<!tpu.dma_semaphore, #tpu.memory_space<semaphore_mem>>)
    %dma_wait3A_129 = arith.constant 0 : i32
    %dma_wait3A_130 = arith.constant 0 : i32
    %dma_wait3A_131 = tpu.memref_slice %arg4[%add3A_122, %dma_wait3A_129, %dma_wait3A_130] : memref<4096x64x128xf32, #tpu.memory_space<hbm>> -> memref<4x64x128xf32, #tpu.memory_space<hbm>>
    %dma_wait3A_132 = arith.constant 0 : i32
    %dma_wait3A_133 = arith.constant 0 : i32
    %dma_wait3A_134 = tpu.memref_slice %arg4[%add3A_122, %dma_wait3A_132, %dma_wait3A_133] : memref<4096x64x128xf32, #tpu.memory_space<hbm>> -> memref<4x64x128xf32, #tpu.memory_space<hbm>>
    tpu.wait_dma2 semaphore(%arg11 : memref<!tpu.dma_semaphore, #tpu.memory_space<semaphore_mem>>) src(%arg7 : memref<4x64x128xf32, #tpu.memory_space<vmem>>) dst(%dma_wait3A_134 : memref<4x64x128xf32, #tpu.memory_space<hbm>>)
    %dma_start3A_135 = arith.constant 5 : i32
    %dma_start3A_136 = arith.constant 0 : i32
    %dma_start3A_137 = tpu.memref_slice %arg5[%dma_start3A_135, %dma_start3A_136] : memref<32x4xi32, #tpu.memory_space<vmem>> -> memref<1x4xi32, #tpu.memory_space<vmem>>
    %dma_start3A_138 = tpu.memref_squeeze %dma_start3A_137 : memref<1x4xi32, #tpu.memory_space<vmem>> -> memref<4xi32, #tpu.memory_space<vmem>>
    %dma_start3A_139 = arith.constant 0 : i32
    %dma_start3A_140 = arith.constant 0 : i32
    %dma_start3A_141 = arith.constant 0 : i32
    %dma_start3A_142 = tpu.memref_slice %arg2[%dma_start3A_139, %dma_start3A_140, %dma_start3A_141] : memref<2049x64x128xf32, #tpu.memory_space<hbm>> -> memref<2049x64x128xf32, #tpu.memory_space<hbm>>
    tpu.enqueue_indirect_dma source(%dma_start3A_142 : memref<2049x64x128xf32, #tpu.memory_space<hbm>>) target(%arg7 : memref<4x64x128xf32, #tpu.memory_space<vmem>>) offsets(%dma_start3A_138 : memref<4xi32, #tpu.memory_space<vmem>>) semaphore(%arg9 : memref<!tpu.dma_semaphore, #tpu.memory_space<semaphore_mem>>)
    %dma_wait3A_143 = arith.constant 4 : i32
    %dma_wait3A_144 = arith.constant 0 : i32
    %dma_wait3A_145 = tpu.memref_slice %arg5[%dma_wait3A_143, %dma_wait3A_144] : memref<32x4xi32, #tpu.memory_space<vmem>> -> memref<1x4xi32, #tpu.memory_space<vmem>>
    %dma_wait3A_146 = tpu.memref_squeeze %dma_wait3A_145 : memref<1x4xi32, #tpu.memory_space<vmem>> -> memref<4xi32, #tpu.memory_space<vmem>>
    %dma_wait3A_147 = arith.constant 0 : i32
    %dma_wait3A_148 = arith.constant 0 : i32
    %dma_wait3A_149 = arith.constant 0 : i32
    %dma_wait3A_150 = tpu.memref_slice %arg2[%dma_wait3A_147, %dma_wait3A_148, %dma_wait3A_149] : memref<2049x64x128xf32, #tpu.memory_space<hbm>> -> memref<2049x64x128xf32, #tpu.memory_space<hbm>>
    tpu.wait_indirect_dma semaphore(%arg8 : memref<!tpu.dma_semaphore, #tpu.memory_space<semaphore_mem>>) src(%dma_wait3A_150 : memref<2049x64x128xf32, #tpu.memory_space<hbm>>) dst(%arg6 : memref<4x64x128xf32, #tpu.memory_space<vmem>>)
    %mul3A_151 = arith.constant 128 : i32
    %mul3A_152 = arith.muli %add3A, %mul3A_151 : i32
    %add3A_153 = arith.constant 16 : i32
    %add3A_154 = arith.addi %mul3A_152, %add3A_153 : i32
    %dma_start3A_155 = arith.constant 0 : i32
    %dma_start3A_156 = arith.constant 0 : i32
    %dma_start3A_157 = tpu.memref_slice %arg4[%add3A_154, %dma_start3A_155, %dma_start3A_156] : memref<4096x64x128xf32, #tpu.memory_space<hbm>> -> memref<4x64x128xf32, #tpu.memory_space<hbm>>
    %dma_start3A_158 = arith.constant 0 : i32
    %dma_start3A_159 = arith.constant 0 : i32
    %dma_start3A_160 = tpu.memref_slice %arg4[%add3A_154, %dma_start3A_158, %dma_start3A_159] : memref<4096x64x128xf32, #tpu.memory_space<hbm>> -> memref<4x64x128xf32, #tpu.memory_space<hbm>>
    tpu.enqueue_dma source(%arg6 : memref<4x64x128xf32, #tpu.memory_space<vmem>>) target(%dma_start3A_160 : memref<4x64x128xf32, #tpu.memory_space<hbm>>) target_semaphore(%arg10 : memref<!tpu.dma_semaphore, #tpu.memory_space<semaphore_mem>>)
    %dma_wait3A_161 = arith.constant 0 : i32
    %dma_wait3A_162 = arith.constant 0 : i32
    %dma_wait3A_163 = tpu.memref_slice %arg4[%add3A_154, %dma_wait3A_161, %dma_wait3A_162] : memref<4096x64x128xf32, #tpu.memory_space<hbm>> -> memref<4x64x128xf32, #tpu.memory_space<hbm>>
    %dma_wait3A_164 = arith.constant 0 : i32
    %dma_wait3A_165 = arith.constant 0 : i32
    %dma_wait3A_166 = tpu.memref_slice %arg4[%add3A_154, %dma_wait3A_164, %dma_wait3A_165] : memref<4096x64x128xf32, #tpu.memory_space<hbm>> -> memref<4x64x128xf32, #tpu.memory_space<hbm>>
    tpu.wait_dma2 semaphore(%arg10 : memref<!tpu.dma_semaphore, #tpu.memory_space<semaphore_mem>>) src(%arg6 : memref<4x64x128xf32, #tpu.memory_space<vmem>>) dst(%dma_wait3A_166 : memref<4x64x128xf32, #tpu.memory_space<hbm>>)
    %dma_start3A_167 = arith.constant 6 : i32
    %dma_start3A_168 = arith.constant 0 : i32
    %dma_start3A_169 = tpu.memref_slice %arg5[%dma_start3A_167, %dma_start3A_168] : memref<32x4xi32, #tpu.memory_space<vmem>> -> memref<1x4xi32, #tpu.memory_space<vmem>>
    %dma_start3A_170 = tpu.memref_squeeze %dma_start3A_169 : memref<1x4xi32, #tpu.memory_space<vmem>> -> memref<4xi32, #tpu.memory_space<vmem>>
    %dma_start3A_171 = arith.constant 0 : i32
    %dma_start3A_172 = arith.constant 0 : i32
    %dma_start3A_173 = arith.constant 0 : i32
    %dma_start3A_174 = tpu.memref_slice %arg2[%dma_start3A_171, %dma_start3A_172, %dma_start3A_173] : memref<2049x64x128xf32, #tpu.memory_space<hbm>> -> memref<2049x64x128xf32, #tpu.memory_space<hbm>>
    tpu.enqueue_indirect_dma source(%dma_start3A_174 : memref<2049x64x128xf32, #tpu.memory_space<hbm>>) target(%arg6 : memref<4x64x128xf32, #tpu.memory_space<vmem>>) offsets(%dma_start3A_170 : memref<4xi32, #tpu.memory_space<vmem>>) semaphore(%arg8 : memref<!tpu.dma_semaphore, #tpu.memory_space<semaphore_mem>>)
    %dma_wait3A_175 = arith.constant 5 : i32
    %dma_wait3A_176 = arith.constant 0 : i32
    %dma_wait3A_177 = tpu.memref_slice %arg5[%dma_wait3A_175, %dma_wait3A_176] : memref<32x4xi32, #tpu.memory_space<vmem>> -> memref<1x4xi32, #tpu.memory_space<vmem>>
    %dma_wait3A_178 = tpu.memref_squeeze %dma_wait3A_177 : memref<1x4xi32, #tpu.memory_space<vmem>> -> memref<4xi32, #tpu.memory_space<vmem>>
    %dma_wait3A_179 = arith.constant 0 : i32
    %dma_wait3A_180 = arith.constant 0 : i32
    %dma_wait3A_181 = arith.constant 0 : i32
    %dma_wait3A_182 = tpu.memref_slice %arg2[%dma_wait3A_179, %dma_wait3A_180, %dma_wait3A_181] : memref<2049x64x128xf32, #tpu.memory_space<hbm>> -> memref<2049x64x128xf32, #tpu.memory_space<hbm>>
    tpu.wait_indirect_dma semaphore(%arg9 : memref<!tpu.dma_semaphore, #tpu.memory_space<semaphore_mem>>) src(%dma_wait3A_182 : memref<2049x64x128xf32, #tpu.memory_space<hbm>>) dst(%arg7 : memref<4x64x128xf32, #tpu.memory_space<vmem>>)
    %mul3A_183 = arith.constant 128 : i32
    %mul3A_184 = arith.muli %add3A, %mul3A_183 : i32
    %add3A_185 = arith.constant 20 : i32
    %add3A_186 = arith.addi %mul3A_184, %add3A_185 : i32
    %dma_start3A_187 = arith.constant 0 : i32
    %dma_start3A_188 = arith.constant 0 : i32
    %dma_start3A_189 = tpu.memref_slice %arg4[%add3A_186, %dma_start3A_187, %dma_start3A_188] : memref<4096x64x128xf32, #tpu.memory_space<hbm>> -> memref<4x64x128xf32, #tpu.memory_space<hbm>>
    %dma_start3A_190 = arith.constant 0 : i32
    %dma_start3A_191 = arith.constant 0 : i32
    %dma_start3A_192 = tpu.memref_slice %arg4[%add3A_186, %dma_start3A_190, %dma_start3A_191] : memref<4096x64x128xf32, #tpu.memory_space<hbm>> -> memref<4x64x128xf32, #tpu.memory_space<hbm>>
    tpu.enqueue_dma source(%arg7 : memref<4x64x128xf32, #tpu.memory_space<vmem>>) target(%dma_start3A_192 : memref<4x64x128xf32, #tpu.memory_space<hbm>>) target_semaphore(%arg11 : memref<!tpu.dma_semaphore, #tpu.memory_space<semaphore_mem>>)
    %dma_wait3A_193 = arith.constant 0 : i32
    %dma_wait3A_194 = arith.constant 0 : i32
    %dma_wait3A_195 = tpu.memref_slice %arg4[%add3A_186, %dma_wait3A_193, %dma_wait3A_194] : memref<4096x64x128xf32, #tpu.memory_space<hbm>> -> memref<4x64x128xf32, #tpu.memory_space<hbm>>
    %dma_wait3A_196 = arith.constant 0 : i32
    %dma_wait3A_197 = arith.constant 0 : i32
    %dma_wait3A_198 = tpu.memref_slice %arg4[%add3A_186, %dma_wait3A_196, %dma_wait3A_197] : memref<4096x64x128xf32, #tpu.memory_space<hbm>> -> memref<4x64x128xf32, #tpu.memory_space<hbm>>
    tpu.wait_dma2 semaphore(%arg11 : memref<!tpu.dma_semaphore, #tpu.memory_space<semaphore_mem>>) src(%arg7 : memref<4x64x128xf32, #tpu.memory_space<vmem>>) dst(%dma_wait3A_198 : memref<4x64x128xf32, #tpu.memory_space<hbm>>)
    %dma_start3A_199 = arith.constant 7 : i32
    %dma_start3A_200 = arith.constant 0 : i32
    %dma_start3A_201 = tpu.memref_slice %arg5[%dma_start3A_199, %dma_start3A_200] : memref<32x4xi32, #tpu.memory_space<vmem>> -> memref<1x4xi32, #tpu.memory_space<vmem>>
    %dma_start3A_202 = tpu.memref_squeeze %dma_start3A_201 : memref<1x4xi32, #tpu.memory_space<vmem>> -> memref<4xi32, #tpu.memory_space<vmem>>
    %dma_start3A_203 = arith.constant 0 : i32
    %dma_start3A_204 = arith.constant 0 : i32
    %dma_start3A_205 = arith.constant 0 : i32
    %dma_start3A_206 = tpu.memref_slice %arg2[%dma_start3A_203, %dma_start3A_204, %dma_start3A_205] : memref<2049x64x128xf32, #tpu.memory_space<hbm>> -> memref<2049x64x128xf32, #tpu.memory_space<hbm>>
    tpu.enqueue_indirect_dma source(%dma_start3A_206 : memref<2049x64x128xf32, #tpu.memory_space<hbm>>) target(%arg7 : memref<4x64x128xf32, #tpu.memory_space<vmem>>) offsets(%dma_start3A_202 : memref<4xi32, #tpu.memory_space<vmem>>) semaphore(%arg9 : memref<!tpu.dma_semaphore, #tpu.memory_space<semaphore_mem>>)
    %dma_wait3A_207 = arith.constant 6 : i32
    %dma_wait3A_208 = arith.constant 0 : i32
    %dma_wait3A_209 = tpu.memref_slice %arg5[%dma_wait3A_207, %dma_wait3A_208] : memref<32x4xi32, #tpu.memory_space<vmem>> -> memref<1x4xi32, #tpu.memory_space<vmem>>
    %dma_wait3A_210 = tpu.memref_squeeze %dma_wait3A_209 : memref<1x4xi32, #tpu.memory_space<vmem>> -> memref<4xi32, #tpu.memory_space<vmem>>
    %dma_wait3A_211 = arith.constant 0 : i32
    %dma_wait3A_212 = arith.constant 0 : i32
    %dma_wait3A_213 = arith.constant 0 : i32
    %dma_wait3A_214 = tpu.memref_slice %arg2[%dma_wait3A_211, %dma_wait3A_212, %dma_wait3A_213] : memref<2049x64x128xf32, #tpu.memory_space<hbm>> -> memref<2049x64x128xf32, #tpu.memory_space<hbm>>
    tpu.wait_indirect_dma semaphore(%arg8 : memref<!tpu.dma_semaphore, #tpu.memory_space<semaphore_mem>>) src(%dma_wait3A_214 : memref<2049x64x128xf32, #tpu.memory_space<hbm>>) dst(%arg6 : memref<4x64x128xf32, #tpu.memory_space<vmem>>)
    %mul3A_215 = arith.constant 128 : i32
    %mul3A_216 = arith.muli %add3A, %mul3A_215 : i32
    %add3A_217 = arith.constant 24 : i32
    %add3A_218 = arith.addi %mul3A_216, %add3A_217 : i32
    %dma_start3A_219 = arith.constant 0 : i32
    %dma_start3A_220 = arith.constant 0 : i32
    %dma_start3A_221 = tpu.memref_slice %arg4[%add3A_218, %dma_start3A_219, %dma_start3A_220] : memref<4096x64x128xf32, #tpu.memory_space<hbm>> -> memref<4x64x128xf32, #tpu.memory_space<hbm>>
    %dma_start3A_222 = arith.constant 0 : i32
    %dma_start3A_223 = arith.constant 0 : i32
    %dma_start3A_224 = tpu.memref_slice %arg4[%add3A_218, %dma_start3A_222, %dma_start3A_223] : memref<4096x64x128xf32, #tpu.memory_space<hbm>> -> memref<4x64x128xf32, #tpu.memory_space<hbm>>
    tpu.enqueue_dma source(%arg6 : memref<4x64x128xf32, #tpu.memory_space<vmem>>) target(%dma_start3A_224 : memref<4x64x128xf32, #tpu.memory_space<hbm>>) target_semaphore(%arg10 : memref<!tpu.dma_semaphore, #tpu.memory_space<semaphore_mem>>)
    %dma_wait3A_225 = arith.constant 0 : i32
    %dma_wait3A_226 = arith.constant 0 : i32
    %dma_wait3A_227 = tpu.memref_slice %arg4[%add3A_218, %dma_wait3A_225, %dma_wait3A_226] : memref<4096x64x128xf32, #tpu.memory_space<hbm>> -> memref<4x64x128xf32, #tpu.memory_space<hbm>>
    %dma_wait3A_228 = arith.constant 0 : i32
    %dma_wait3A_229 = arith.constant 0 : i32
    %dma_wait3A_230 = tpu.memref_slice %arg4[%add3A_218, %dma_wait3A_228, %dma_wait3A_229] : memref<4096x64x128xf32, #tpu.memory_space<hbm>> -> memref<4x64x128xf32, #tpu.memory_space<hbm>>
    tpu.wait_dma2 semaphore(%arg10 : memref<!tpu.dma_semaphore, #tpu.memory_space<semaphore_mem>>) src(%arg6 : memref<4x64x128xf32, #tpu.memory_space<vmem>>) dst(%dma_wait3A_230 : memref<4x64x128xf32, #tpu.memory_space<hbm>>)
    %dma_start3A_231 = arith.constant 8 : i32
    %dma_start3A_232 = arith.constant 0 : i32
    %dma_start3A_233 = tpu.memref_slice %arg5[%dma_start3A_231, %dma_start3A_232] : memref<32x4xi32, #tpu.memory_space<vmem>> -> memref<1x4xi32, #tpu.memory_space<vmem>>
    %dma_start3A_234 = tpu.memref_squeeze %dma_start3A_233 : memref<1x4xi32, #tpu.memory_space<vmem>> -> memref<4xi32, #tpu.memory_space<vmem>>
    %dma_start3A_235 = arith.constant 0 : i32
    %dma_start3A_236 = arith.constant 0 : i32
    %dma_start3A_237 = arith.constant 0 : i32
    %dma_start3A_238 = tpu.memref_slice %arg2[%dma_start3A_235, %dma_start3A_236, %dma_start3A_237] : memref<2049x64x128xf32, #tpu.memory_space<hbm>> -> memref<2049x64x128xf32, #tpu.memory_space<hbm>>
    tpu.enqueue_indirect_dma source(%dma_start3A_238 : memref<2049x64x128xf32, #tpu.memory_space<hbm>>) target(%arg6 : memref<4x64x128xf32, #tpu.memory_space<vmem>>) offsets(%dma_start3A_234 : memref<4xi32, #tpu.memory_space<vmem>>) semaphore(%arg8 : memref<!tpu.dma_semaphore, #tpu.memory_space<semaphore_mem>>)
    %dma_wait3A_239 = arith.constant 7 : i32
    %dma_wait3A_240 = arith.constant 0 : i32
    %dma_wait3A_241 = tpu.memref_slice %arg5[%dma_wait3A_239, %dma_wait3A_240] : memref<32x4xi32, #tpu.memory_space<vmem>> -> memref<1x4xi32, #tpu.memory_space<vmem>>
    %dma_wait3A_242 = tpu.memref_squeeze %dma_wait3A_241 : memref<1x4xi32, #tpu.memory_space<vmem>> -> memref<4xi32, #tpu.memory_space<vmem>>
    %dma_wait3A_243 = arith.constant 0 : i32
    %dma_wait3A_244 = arith.constant 0 : i32
    %dma_wait3A_245 = arith.constant 0 : i32
    %dma_wait3A_246 = tpu.memref_slice %arg2[%dma_wait3A_243, %dma_wait3A_244, %dma_wait3A_245] : memref<2049x64x128xf32, #tpu.memory_space<hbm>> -> memref<2049x64x128xf32, #tpu.memory_space<hbm>>
    tpu.wait_indirect_dma semaphore(%arg9 : memref<!tpu.dma_semaphore, #tpu.memory_space<semaphore_mem>>) src(%dma_wait3A_246 : memref<2049x64x128xf32, #tpu.memory_space<hbm>>) dst(%arg7 : memref<4x64x128xf32, #tpu.memory_space<vmem>>)
    %mul3A_247 = arith.constant 128 : i32
    %mul3A_248 = arith.muli %add3A, %mul3A_247 : i32
    %add3A_249 = arith.constant 28 : i32
    %add3A_250 = arith.addi %mul3A_248, %add3A_249 : i32
    %dma_start3A_251 = arith.constant 0 : i32
    %dma_start3A_252 = arith.constant 0 : i32
    %dma_start3A_253 = tpu.memref_slice %arg4[%add3A_250, %dma_start3A_251, %dma_start3A_252] : memref<4096x64x128xf32, #tpu.memory_space<hbm>> -> memref<4x64x128xf32, #tpu.memory_space<hbm>>
    %dma_start3A_254 = arith.constant 0 : i32
    %dma_start3A_255 = arith.constant 0 : i32
    %dma_start3A_256 = tpu.memref_slice %arg4[%add3A_250, %dma_start3A_254, %dma_start3A_255] : memref<4096x64x128xf32, #tpu.memory_space<hbm>> -> memref<4x64x128xf32, #tpu.memory_space<hbm>>
    tpu.enqueue_dma source(%arg7 : memref<4x64x128xf32, #tpu.memory_space<vmem>>) target(%dma_start3A_256 : memref<4x64x128xf32, #tpu.memory_space<hbm>>) target_semaphore(%arg11 : memref<!tpu.dma_semaphore, #tpu.memory_space<semaphore_mem>>)
    %dma_wait3A_257 = arith.constant 0 : i32
    %dma_wait3A_258 = arith.constant 0 : i32
    %dma_wait3A_259 = tpu.memref_slice %arg4[%add3A_250, %dma_wait3A_257, %dma_wait3A_258] : memref<4096x64x128xf32, #tpu.memory_space<hbm>> -> memref<4x64x128xf32, #tpu.memory_space<hbm>>
    %dma_wait3A_260 = arith.constant 0 : i32
    %dma_wait3A_261 = arith.constant 0 : i32
    %dma_wait3A_262 = tpu.memref_slice %arg4[%add3A_250, %dma_wait3A_260, %dma_wait3A_261] : memref<4096x64x128xf32, #tpu.memory_space<hbm>> -> memref<4x64x128xf32, #tpu.memory_space<hbm>>
    tpu.wait_dma2 semaphore(%arg11 : memref<!tpu.dma_semaphore, #tpu.memory_space<semaphore_mem>>) src(%arg7 : memref<4x64x128xf32, #tpu.memory_space<vmem>>) dst(%dma_wait3A_262 : memref<4x64x128xf32, #tpu.memory_space<hbm>>)
    %dma_start3A_263 = arith.constant 9 : i32
    %dma_start3A_264 = arith.constant 0 : i32
    %dma_start3A_265 = tpu.memref_slice %arg5[%dma_start3A_263, %dma_start3A_264] : memref<32x4xi32, #tpu.memory_space<vmem>> -> memref<1x4xi32, #tpu.memory_space<vmem>>
    %dma_start3A_266 = tpu.memref_squeeze %dma_start3A_265 : memref<1x4xi32, #tpu.memory_space<vmem>> -> memref<4xi32, #tpu.memory_space<vmem>>
    %dma_start3A_267 = arith.constant 0 : i32
    %dma_start3A_268 = arith.constant 0 : i32
    %dma_start3A_269 = arith.constant 0 : i32
    %dma_start3A_270 = tpu.memref_slice %arg2[%dma_start3A_267, %dma_start3A_268, %dma_start3A_269] : memref<2049x64x128xf32, #tpu.memory_space<hbm>> -> memref<2049x64x128xf32, #tpu.memory_space<hbm>>
    tpu.enqueue_indirect_dma source(%dma_start3A_270 : memref<2049x64x128xf32, #tpu.memory_space<hbm>>) target(%arg7 : memref<4x64x128xf32, #tpu.memory_space<vmem>>) offsets(%dma_start3A_266 : memref<4xi32, #tpu.memory_space<vmem>>) semaphore(%arg9 : memref<!tpu.dma_semaphore, #tpu.memory_space<semaphore_mem>>)
    %dma_wait3A_271 = arith.constant 8 : i32
    %dma_wait3A_272 = arith.constant 0 : i32
    %dma_wait3A_273 = tpu.memref_slice %arg5[%dma_wait3A_271, %dma_wait3A_272] : memref<32x4xi32, #tpu.memory_space<vmem>> -> memref<1x4xi32, #tpu.memory_space<vmem>>
    %dma_wait3A_274 = tpu.memref_squeeze %dma_wait3A_273 : memref<1x4xi32, #tpu.memory_space<vmem>> -> memref<4xi32, #tpu.memory_space<vmem>>
    %dma_wait3A_275 = arith.constant 0 : i32
    %dma_wait3A_276 = arith.constant 0 : i32
    %dma_wait3A_277 = arith.constant 0 : i32
    %dma_wait3A_278 = tpu.memref_slice %arg2[%dma_wait3A_275, %dma_wait3A_276, %dma_wait3A_277] : memref<2049x64x128xf32, #tpu.memory_space<hbm>> -> memref<2049x64x128xf32, #tpu.memory_space<hbm>>
    tpu.wait_indirect_dma semaphore(%arg8 : memref<!tpu.dma_semaphore, #tpu.memory_space<semaphore_mem>>) src(%dma_wait3A_278 : memref<2049x64x128xf32, #tpu.memory_space<hbm>>) dst(%arg6 : memref<4x64x128xf32, #tpu.memory_space<vmem>>)
    %mul3A_279 = arith.constant 128 : i32
    %mul3A_280 = arith.muli %add3A, %mul3A_279 : i32
    %add3A_281 = arith.constant 32 : i32
    %add3A_282 = arith.addi %mul3A_280, %add3A_281 : i32
    %dma_start3A_283 = arith.constant 0 : i32
    %dma_start3A_284 = arith.constant 0 : i32
    %dma_start3A_285 = tpu.memref_slice %arg4[%add3A_282, %dma_start3A_283, %dma_start3A_284] : memref<4096x64x128xf32, #tpu.memory_space<hbm>> -> memref<4x64x128xf32, #tpu.memory_space<hbm>>
    %dma_start3A_286 = arith.constant 0 : i32
    %dma_start3A_287 = arith.constant 0 : i32
    %dma_start3A_288 = tpu.memref_slice %arg4[%add3A_282, %dma_start3A_286, %dma_start3A_287] : memref<4096x64x128xf32, #tpu.memory_space<hbm>> -> memref<4x64x128xf32, #tpu.memory_space<hbm>>
    tpu.enqueue_dma source(%arg6 : memref<4x64x128xf32, #tpu.memory_space<vmem>>) target(%dma_start3A_288 : memref<4x64x128xf32, #tpu.memory_space<hbm>>) target_semaphore(%arg10 : memref<!tpu.dma_semaphore, #tpu.memory_space<semaphore_mem>>)
    %dma_wait3A_289 = arith.constant 0 : i32
    %dma_wait3A_290 = arith.constant 0 : i32
    %dma_wait3A_291 = tpu.memref_slice %arg4[%add3A_282, %dma_wait3A_289, %dma_wait3A_290] : memref<4096x64x128xf32, #tpu.memory_space<hbm>> -> memref<4x64x128xf32, #tpu.memory_space<hbm>>
    %dma_wait3A_292 = arith.constant 0 : i32
    %dma_wait3A_293 = arith.constant 0 : i32
    %dma_wait3A_294 = tpu.memref_slice %arg4[%add3A_282, %dma_wait3A_292, %dma_wait3A_293] : memref<4096x64x128xf32, #tpu.memory_space<hbm>> -> memref<4x64x128xf32, #tpu.memory_space<hbm>>
    tpu.wait_dma2 semaphore(%arg10 : memref<!tpu.dma_semaphore, #tpu.memory_space<semaphore_mem>>) src(%arg6 : memref<4x64x128xf32, #tpu.memory_space<vmem>>) dst(%dma_wait3A_294 : memref<4x64x128xf32, #tpu.memory_space<hbm>>)
    %dma_start3A_295 = arith.constant 10 : i32
    %dma_start3A_296 = arith.constant 0 : i32
    %dma_start3A_297 = tpu.memref_slice %arg5[%dma_start3A_295, %dma_start3A_296] : memref<32x4xi32, #tpu.memory_space<vmem>> -> memref<1x4xi32, #tpu.memory_space<vmem>>
    %dma_start3A_298 = tpu.memref_squeeze %dma_start3A_297 : memref<1x4xi32, #tpu.memory_space<vmem>> -> memref<4xi32, #tpu.memory_space<vmem>>
    %dma_start3A_299 = arith.constant 0 : i32
    %dma_start3A_300 = arith.constant 0 : i32
    %dma_start3A_301 = arith.constant 0 : i32
    %dma_start3A_302 = tpu.memref_slice %arg2[%dma_start3A_299, %dma_start3A_300, %dma_start3A_301] : memref<2049x64x128xf32, #tpu.memory_space<hbm>> -> memref<2049x64x128xf32, #tpu.memory_space<hbm>>
    tpu.enqueue_indirect_dma source(%dma_start3A_302 : memref<2049x64x128xf32, #tpu.memory_space<hbm>>) target(%arg6 : memref<4x64x128xf32, #tpu.memory_space<vmem>>) offsets(%dma_start3A_298 : memref<4xi32, #tpu.memory_space<vmem>>) semaphore(%arg8 : memref<!tpu.dma_semaphore, #tpu.memory_space<semaphore_mem>>)
    %dma_wait3A_303 = arith.constant 9 : i32
    %dma_wait3A_304 = arith.constant 0 : i32
    %dma_wait3A_305 = tpu.memref_slice %arg5[%dma_wait3A_303, %dma_wait3A_304] : memref<32x4xi32, #tpu.memory_space<vmem>> -> memref<1x4xi32, #tpu.memory_space<vmem>>
    %dma_wait3A_306 = tpu.memref_squeeze %dma_wait3A_305 : memref<1x4xi32, #tpu.memory_space<vmem>> -> memref<4xi32, #tpu.memory_space<vmem>>
    %dma_wait3A_307 = arith.constant 0 : i32
    %dma_wait3A_308 = arith.constant 0 : i32
    %dma_wait3A_309 = arith.constant 0 : i32
    %dma_wait3A_310 = tpu.memref_slice %arg2[%dma_wait3A_307, %dma_wait3A_308, %dma_wait3A_309] : memref<2049x64x128xf32, #tpu.memory_space<hbm>> -> memref<2049x64x128xf32, #tpu.memory_space<hbm>>
    tpu.wait_indirect_dma semaphore(%arg9 : memref<!tpu.dma_semaphore, #tpu.memory_space<semaphore_mem>>) src(%dma_wait3A_310 : memref<2049x64x128xf32, #tpu.memory_space<hbm>>) dst(%arg7 : memref<4x64x128xf32, #tpu.memory_space<vmem>>)
    %mul3A_311 = arith.constant 128 : i32
    %mul3A_312 = arith.muli %add3A, %mul3A_311 : i32
    %add3A_313 = arith.constant 36 : i32
    %add3A_314 = arith.addi %mul3A_312, %add3A_313 : i32
    %dma_start3A_315 = arith.constant 0 : i32
    %dma_start3A_316 = arith.constant 0 : i32
    %dma_start3A_317 = tpu.memref_slice %arg4[%add3A_314, %dma_start3A_315, %dma_start3A_316] : memref<4096x64x128xf32, #tpu.memory_space<hbm>> -> memref<4x64x128xf32, #tpu.memory_space<hbm>>
    %dma_start3A_318 = arith.constant 0 : i32
    %dma_start3A_319 = arith.constant 0 : i32
    %dma_start3A_320 = tpu.memref_slice %arg4[%add3A_314, %dma_start3A_318, %dma_start3A_319] : memref<4096x64x128xf32, #tpu.memory_space<hbm>> -> memref<4x64x128xf32, #tpu.memory_space<hbm>>
    tpu.enqueue_dma source(%arg7 : memref<4x64x128xf32, #tpu.memory_space<vmem>>) target(%dma_start3A_320 : memref<4x64x128xf32, #tpu.memory_space<hbm>>) target_semaphore(%arg11 : memref<!tpu.dma_semaphore, #tpu.memory_space<semaphore_mem>>)
    %dma_wait3A_321 = arith.constant 0 : i32
    %dma_wait3A_322 = arith.constant 0 : i32
    %dma_wait3A_323 = tpu.memref_slice %arg4[%add3A_314, %dma_wait3A_321, %dma_wait3A_322] : memref<4096x64x128xf32, #tpu.memory_space<hbm>> -> memref<4x64x128xf32, #tpu.memory_space<hbm>>
    %dma_wait3A_324 = arith.constant 0 : i32
    %dma_wait3A_325 = arith.constant 0 : i32
    %dma_wait3A_326 = tpu.memref_slice %arg4[%add3A_314, %dma_wait3A_324, %dma_wait3A_325] : memref<4096x64x128xf32, #tpu.memory_space<hbm>> -> memref<4x64x128xf32, #tpu.memory_space<hbm>>
    tpu.wait_dma2 semaphore(%arg11 : memref<!tpu.dma_semaphore, #tpu.memory_space<semaphore_mem>>) src(%arg7 : memref<4x64x128xf32, #tpu.memory_space<vmem>>) dst(%dma_wait3A_326 : memref<4x64x128xf32, #tpu.memory_space<hbm>>)
    %dma_start3A_327 = arith.constant 11 : i32
    %dma_start3A_328 = arith.constant 0 : i32
    %dma_start3A_329 = tpu.memref_slice %arg5[%dma_start3A_327, %dma_start3A_328] : memref<32x4xi32, #tpu.memory_space<vmem>> -> memref<1x4xi32, #tpu.memory_space<vmem>>
    %dma_start3A_330 = tpu.memref_squeeze %dma_start3A_329 : memref<1x4xi32, #tpu.memory_space<vmem>> -> memref<4xi32, #tpu.memory_space<vmem>>
    %dma_start3A_331 = arith.constant 0 : i32
    %dma_start3A_332 = arith.constant 0 : i32
    %dma_start3A_333 = arith.constant 0 : i32
    %dma_start3A_334 = tpu.memref_slice %arg2[%dma_start3A_331, %dma_start3A_332, %dma_start3A_333] : memref<2049x64x128xf32, #tpu.memory_space<hbm>> -> memref<2049x64x128xf32, #tpu.memory_space<hbm>>
    tpu.enqueue_indirect_dma source(%dma_start3A_334 : memref<2049x64x128xf32, #tpu.memory_space<hbm>>) target(%arg7 : memref<4x64x128xf32, #tpu.memory_space<vmem>>) offsets(%dma_start3A_330 : memref<4xi32, #tpu.memory_space<vmem>>) semaphore(%arg9 : memref<!tpu.dma_semaphore, #tpu.memory_space<semaphore_mem>>)
    %dma_wait3A_335 = arith.constant 10 : i32
    %dma_wait3A_336 = arith.constant 0 : i32
    %dma_wait3A_337 = tpu.memref_slice %arg5[%dma_wait3A_335, %dma_wait3A_336] : memref<32x4xi32, #tpu.memory_space<vmem>> -> memref<1x4xi32, #tpu.memory_space<vmem>>
    %dma_wait3A_338 = tpu.memref_squeeze %dma_wait3A_337 : memref<1x4xi32, #tpu.memory_space<vmem>> -> memref<4xi32, #tpu.memory_space<vmem>>
    %dma_wait3A_339 = arith.constant 0 : i32
    %dma_wait3A_340 = arith.constant 0 : i32
    %dma_wait3A_341 = arith.constant 0 : i32
    %dma_wait3A_342 = tpu.memref_slice %arg2[%dma_wait3A_339, %dma_wait3A_340, %dma_wait3A_341] : memref<2049x64x128xf32, #tpu.memory_space<hbm>> -> memref<2049x64x128xf32, #tpu.memory_space<hbm>>
    tpu.wait_indirect_dma semaphore(%arg8 : memref<!tpu.dma_semaphore, #tpu.memory_space<semaphore_mem>>) src(%dma_wait3A_342 : memref<2049x64x128xf32, #tpu.memory_space<hbm>>) dst(%arg6 : memref<4x64x128xf32, #tpu.memory_space<vmem>>)
    %mul3A_343 = arith.constant 128 : i32
    %mul3A_344 = arith.muli %add3A, %mul3A_343 : i32
    %add3A_345 = arith.constant 40 : i32
    %add3A_346 = arith.addi %mul3A_344, %add3A_345 : i32
    %dma_start3A_347 = arith.constant 0 : i32
    %dma_start3A_348 = arith.constant 0 : i32
    %dma_start3A_349 = tpu.memref_slice %arg4[%add3A_346, %dma_start3A_347, %dma_start3A_348] : memref<4096x64x128xf32, #tpu.memory_space<hbm>> -> memref<4x64x128xf32, #tpu.memory_space<hbm>>
    %dma_start3A_350 = arith.constant 0 : i32
    %dma_start3A_351 = arith.constant 0 : i32
    %dma_start3A_352 = tpu.memref_slice %arg4[%add3A_346, %dma_start3A_350, %dma_start3A_351] : memref<4096x64x128xf32, #tpu.memory_space<hbm>> -> memref<4x64x128xf32, #tpu.memory_space<hbm>>
    tpu.enqueue_dma source(%arg6 : memref<4x64x128xf32, #tpu.memory_space<vmem>>) target(%dma_start3A_352 : memref<4x64x128xf32, #tpu.memory_space<hbm>>) target_semaphore(%arg10 : memref<!tpu.dma_semaphore, #tpu.memory_space<semaphore_mem>>)
    %dma_wait3A_353 = arith.constant 0 : i32
    %dma_wait3A_354 = arith.constant 0 : i32
    %dma_wait3A_355 = tpu.memref_slice %arg4[%add3A_346, %dma_wait3A_353, %dma_wait3A_354] : memref<4096x64x128xf32, #tpu.memory_space<hbm>> -> memref<4x64x128xf32, #tpu.memory_space<hbm>>
    %dma_wait3A_356 = arith.constant 0 : i32
    %dma_wait3A_357 = arith.constant 0 : i32
    %dma_wait3A_358 = tpu.memref_slice %arg4[%add3A_346, %dma_wait3A_356, %dma_wait3A_357] : memref<4096x64x128xf32, #tpu.memory_space<hbm>> -> memref<4x64x128xf32, #tpu.memory_space<hbm>>
    tpu.wait_dma2 semaphore(%arg10 : memref<!tpu.dma_semaphore, #tpu.memory_space<semaphore_mem>>) src(%arg6 : memref<4x64x128xf32, #tpu.memory_space<vmem>>) dst(%dma_wait3A_358 : memref<4x64x128xf32, #tpu.memory_space<hbm>>)
    %dma_start3A_359 = arith.constant 12 : i32
    %dma_start3A_360 = arith.constant 0 : i32
    %dma_start3A_361 = tpu.memref_slice %arg5[%dma_start3A_359, %dma_start3A_360] : memref<32x4xi32, #tpu.memory_space<vmem>> -> memref<1x4xi32, #tpu.memory_space<vmem>>
    %dma_start3A_362 = tpu.memref_squeeze %dma_start3A_361 : memref<1x4xi32, #tpu.memory_space<vmem>> -> memref<4xi32, #tpu.memory_space<vmem>>
    %dma_start3A_363 = arith.constant 0 : i32
    %dma_start3A_364 = arith.constant 0 : i32
    %dma_start3A_365 = arith.constant 0 : i32
    %dma_start3A_366 = tpu.memref_slice %arg2[%dma_start3A_363, %dma_start3A_364, %dma_start3A_365] : memref<2049x64x128xf32, #tpu.memory_space<hbm>> -> memref<2049x64x128xf32, #tpu.memory_space<hbm>>
    tpu.enqueue_indirect_dma source(%dma_start3A_366 : memref<2049x64x128xf32, #tpu.memory_space<hbm>>) target(%arg6 : memref<4x64x128xf32, #tpu.memory_space<vmem>>) offsets(%dma_start3A_362 : memref<4xi32, #tpu.memory_space<vmem>>) semaphore(%arg8 : memref<!tpu.dma_semaphore, #tpu.memory_space<semaphore_mem>>)
    %dma_wait3A_367 = arith.constant 11 : i32
    %dma_wait3A_368 = arith.constant 0 : i32
    %dma_wait3A_369 = tpu.memref_slice %arg5[%dma_wait3A_367, %dma_wait3A_368] : memref<32x4xi32, #tpu.memory_space<vmem>> -> memref<1x4xi32, #tpu.memory_space<vmem>>
    %dma_wait3A_370 = tpu.memref_squeeze %dma_wait3A_369 : memref<1x4xi32, #tpu.memory_space<vmem>> -> memref<4xi32, #tpu.memory_space<vmem>>
    %dma_wait3A_371 = arith.constant 0 : i32
    %dma_wait3A_372 = arith.constant 0 : i32
    %dma_wait3A_373 = arith.constant 0 : i32
    %dma_wait3A_374 = tpu.memref_slice %arg2[%dma_wait3A_371, %dma_wait3A_372, %dma_wait3A_373] : memref<2049x64x128xf32, #tpu.memory_space<hbm>> -> memref<2049x64x128xf32, #tpu.memory_space<hbm>>
    tpu.wait_indirect_dma semaphore(%arg9 : memref<!tpu.dma_semaphore, #tpu.memory_space<semaphore_mem>>) src(%dma_wait3A_374 : memref<2049x64x128xf32, #tpu.memory_space<hbm>>) dst(%arg7 : memref<4x64x128xf32, #tpu.memory_space<vmem>>)
    %mul3A_375 = arith.constant 128 : i32
    %mul3A_376 = arith.muli %add3A, %mul3A_375 : i32
    %add3A_377 = arith.constant 44 : i32
    %add3A_378 = arith.addi %mul3A_376, %add3A_377 : i32
    %dma_start3A_379 = arith.constant 0 : i32
    %dma_start3A_380 = arith.constant 0 : i32
    %dma_start3A_381 = tpu.memref_slice %arg4[%add3A_378, %dma_start3A_379, %dma_start3A_380] : memref<4096x64x128xf32, #tpu.memory_space<hbm>> -> memref<4x64x128xf32, #tpu.memory_space<hbm>>
    %dma_start3A_382 = arith.constant 0 : i32
    %dma_start3A_383 = arith.constant 0 : i32
    %dma_start3A_384 = tpu.memref_slice %arg4[%add3A_378, %dma_start3A_382, %dma_start3A_383] : memref<4096x64x128xf32, #tpu.memory_space<hbm>> -> memref<4x64x128xf32, #tpu.memory_space<hbm>>
    tpu.enqueue_dma source(%arg7 : memref<4x64x128xf32, #tpu.memory_space<vmem>>) target(%dma_start3A_384 : memref<4x64x128xf32, #tpu.memory_space<hbm>>) target_semaphore(%arg11 : memref<!tpu.dma_semaphore, #tpu.memory_space<semaphore_mem>>)
    %dma_wait3A_385 = arith.constant 0 : i32
    %dma_wait3A_386 = arith.constant 0 : i32
    %dma_wait3A_387 = tpu.memref_slice %arg4[%add3A_378, %dma_wait3A_385, %dma_wait3A_386] : memref<4096x64x128xf32, #tpu.memory_space<hbm>> -> memref<4x64x128xf32, #tpu.memory_space<hbm>>
    %dma_wait3A_388 = arith.constant 0 : i32
    %dma_wait3A_389 = arith.constant 0 : i32
    %dma_wait3A_390 = tpu.memref_slice %arg4[%add3A_378, %dma_wait3A_388, %dma_wait3A_389] : memref<4096x64x128xf32, #tpu.memory_space<hbm>> -> memref<4x64x128xf32, #tpu.memory_space<hbm>>
    tpu.wait_dma2 semaphore(%arg11 : memref<!tpu.dma_semaphore, #tpu.memory_space<semaphore_mem>>) src(%arg7 : memref<4x64x128xf32, #tpu.memory_space<vmem>>) dst(%dma_wait3A_390 : memref<4x64x128xf32, #tpu.memory_space<hbm>>)
    %dma_start3A_391 = arith.constant 13 : i32
    %dma_start3A_392 = arith.constant 0 : i32
    %dma_start3A_393 = tpu.memref_slice %arg5[%dma_start3A_391, %dma_start3A_392] : memref<32x4xi32, #tpu.memory_space<vmem>> -> memref<1x4xi32, #tpu.memory_space<vmem>>
    %dma_start3A_394 = tpu.memref_squeeze %dma_start3A_393 : memref<1x4xi32, #tpu.memory_space<vmem>> -> memref<4xi32, #tpu.memory_space<vmem>>
    %dma_start3A_395 = arith.constant 0 : i32
    %dma_start3A_396 = arith.constant 0 : i32
    %dma_start3A_397 = arith.constant 0 : i32
    %dma_start3A_398 = tpu.memref_slice %arg2[%dma_start3A_395, %dma_start3A_396, %dma_start3A_397] : memref<2049x64x128xf32, #tpu.memory_space<hbm>> -> memref<2049x64x128xf32, #tpu.memory_space<hbm>>
    tpu.enqueue_indirect_dma source(%dma_start3A_398 : memref<2049x64x128xf32, #tpu.memory_space<hbm>>) target(%arg7 : memref<4x64x128xf32, #tpu.memory_space<vmem>>) offsets(%dma_start3A_394 : memref<4xi32, #tpu.memory_space<vmem>>) semaphore(%arg9 : memref<!tpu.dma_semaphore, #tpu.memory_space<semaphore_mem>>)
    %dma_wait3A_399 = arith.constant 12 : i32
    %dma_wait3A_400 = arith.constant 0 : i32
    %dma_wait3A_401 = tpu.memref_slice %arg5[%dma_wait3A_399, %dma_wait3A_400] : memref<32x4xi32, #tpu.memory_space<vmem>> -> memref<1x4xi32, #tpu.memory_space<vmem>>
    %dma_wait3A_402 = tpu.memref_squeeze %dma_wait3A_401 : memref<1x4xi32, #tpu.memory_space<vmem>> -> memref<4xi32, #tpu.memory_space<vmem>>
    %dma_wait3A_403 = arith.constant 0 : i32
    %dma_wait3A_404 = arith.constant 0 : i32
    %dma_wait3A_405 = arith.constant 0 : i32
    %dma_wait3A_406 = tpu.memref_slice %arg2[%dma_wait3A_403, %dma_wait3A_404, %dma_wait3A_405] : memref<2049x64x128xf32, #tpu.memory_space<hbm>> -> memref<2049x64x128xf32, #tpu.memory_space<hbm>>
    tpu.wait_indirect_dma semaphore(%arg8 : memref<!tpu.dma_semaphore, #tpu.memory_space<semaphore_mem>>) src(%dma_wait3A_406 : memref<2049x64x128xf32, #tpu.memory_space<hbm>>) dst(%arg6 : memref<4x64x128xf32, #tpu.memory_space<vmem>>)
    %mul3A_407 = arith.constant 128 : i32
    %mul3A_408 = arith.muli %add3A, %mul3A_407 : i32
    %add3A_409 = arith.constant 48 : i32
    %add3A_410 = arith.addi %mul3A_408, %add3A_409 : i32
    %dma_start3A_411 = arith.constant 0 : i32
    %dma_start3A_412 = arith.constant 0 : i32
    %dma_start3A_413 = tpu.memref_slice %arg4[%add3A_410, %dma_start3A_411, %dma_start3A_412] : memref<4096x64x128xf32, #tpu.memory_space<hbm>> -> memref<4x64x128xf32, #tpu.memory_space<hbm>>
    %dma_start3A_414 = arith.constant 0 : i32
    %dma_start3A_415 = arith.constant 0 : i32
    %dma_start3A_416 = tpu.memref_slice %arg4[%add3A_410, %dma_start3A_414, %dma_start3A_415] : memref<4096x64x128xf32, #tpu.memory_space<hbm>> -> memref<4x64x128xf32, #tpu.memory_space<hbm>>
    tpu.enqueue_dma source(%arg6 : memref<4x64x128xf32, #tpu.memory_space<vmem>>) target(%dma_start3A_416 : memref<4x64x128xf32, #tpu.memory_space<hbm>>) target_semaphore(%arg10 : memref<!tpu.dma_semaphore, #tpu.memory_space<semaphore_mem>>)
    %dma_wait3A_417 = arith.constant 0 : i32
    %dma_wait3A_418 = arith.constant 0 : i32
    %dma_wait3A_419 = tpu.memref_slice %arg4[%add3A_410, %dma_wait3A_417, %dma_wait3A_418] : memref<4096x64x128xf32, #tpu.memory_space<hbm>> -> memref<4x64x128xf32, #tpu.memory_space<hbm>>
    %dma_wait3A_420 = arith.constant 0 : i32
    %dma_wait3A_421 = arith.constant 0 : i32
    %dma_wait3A_422 = tpu.memref_slice %arg4[%add3A_410, %dma_wait3A_420, %dma_wait3A_421] : memref<4096x64x128xf32, #tpu.memory_space<hbm>> -> memref<4x64x128xf32, #tpu.memory_space<hbm>>
    tpu.wait_dma2 semaphore(%arg10 : memref<!tpu.dma_semaphore, #tpu.memory_space<semaphore_mem>>) src(%arg6 : memref<4x64x128xf32, #tpu.memory_space<vmem>>) dst(%dma_wait3A_422 : memref<4x64x128xf32, #tpu.memory_space<hbm>>)
    %dma_start3A_423 = arith.constant 14 : i32
    %dma_start3A_424 = arith.constant 0 : i32
    %dma_start3A_425 = tpu.memref_slice %arg5[%dma_start3A_423, %dma_start3A_424] : memref<32x4xi32, #tpu.memory_space<vmem>> -> memref<1x4xi32, #tpu.memory_space<vmem>>
    %dma_start3A_426 = tpu.memref_squeeze %dma_start3A_425 : memref<1x4xi32, #tpu.memory_space<vmem>> -> memref<4xi32, #tpu.memory_space<vmem>>
    %dma_start3A_427 = arith.constant 0 : i32
    %dma_start3A_428 = arith.constant 0 : i32
    %dma_start3A_429 = arith.constant 0 : i32
    %dma_start3A_430 = tpu.memref_slice %arg2[%dma_start3A_427, %dma_start3A_428, %dma_start3A_429] : memref<2049x64x128xf32, #tpu.memory_space<hbm>> -> memref<2049x64x128xf32, #tpu.memory_space<hbm>>
    tpu.enqueue_indirect_dma source(%dma_start3A_430 : memref<2049x64x128xf32, #tpu.memory_space<hbm>>) target(%arg6 : memref<4x64x128xf32, #tpu.memory_space<vmem>>) offsets(%dma_start3A_426 : memref<4xi32, #tpu.memory_space<vmem>>) semaphore(%arg8 : memref<!tpu.dma_semaphore, #tpu.memory_space<semaphore_mem>>)
    %dma_wait3A_431 = arith.constant 13 : i32
    %dma_wait3A_432 = arith.constant 0 : i32
    %dma_wait3A_433 = tpu.memref_slice %arg5[%dma_wait3A_431, %dma_wait3A_432] : memref<32x4xi32, #tpu.memory_space<vmem>> -> memref<1x4xi32, #tpu.memory_space<vmem>>
    %dma_wait3A_434 = tpu.memref_squeeze %dma_wait3A_433 : memref<1x4xi32, #tpu.memory_space<vmem>> -> memref<4xi32, #tpu.memory_space<vmem>>
    %dma_wait3A_435 = arith.constant 0 : i32
    %dma_wait3A_436 = arith.constant 0 : i32
    %dma_wait3A_437 = arith.constant 0 : i32
    %dma_wait3A_438 = tpu.memref_slice %arg2[%dma_wait3A_435, %dma_wait3A_436, %dma_wait3A_437] : memref<2049x64x128xf32, #tpu.memory_space<hbm>> -> memref<2049x64x128xf32, #tpu.memory_space<hbm>>
    tpu.wait_indirect_dma semaphore(%arg9 : memref<!tpu.dma_semaphore, #tpu.memory_space<semaphore_mem>>) src(%dma_wait3A_438 : memref<2049x64x128xf32, #tpu.memory_space<hbm>>) dst(%arg7 : memref<4x64x128xf32, #tpu.memory_space<vmem>>)
    %mul3A_439 = arith.constant 128 : i32
    %mul3A_440 = arith.muli %add3A, %mul3A_439 : i32
    %add3A_441 = arith.constant 52 : i32
    %add3A_442 = arith.addi %mul3A_440, %add3A_441 : i32
    %dma_start3A_443 = arith.constant 0 : i32
    %dma_start3A_444 = arith.constant 0 : i32
    %dma_start3A_445 = tpu.memref_slice %arg4[%add3A_442, %dma_start3A_443, %dma_start3A_444] : memref<4096x64x128xf32, #tpu.memory_space<hbm>> -> memref<4x64x128xf32, #tpu.memory_space<hbm>>
    %dma_start3A_446 = arith.constant 0 : i32
    %dma_start3A_447 = arith.constant 0 : i32
    %dma_start3A_448 = tpu.memref_slice %arg4[%add3A_442, %dma_start3A_446, %dma_start3A_447] : memref<4096x64x128xf32, #tpu.memory_space<hbm>> -> memref<4x64x128xf32, #tpu.memory_space<hbm>>
    tpu.enqueue_dma source(%arg7 : memref<4x64x128xf32, #tpu.memory_space<vmem>>) target(%dma_start3A_448 : memref<4x64x128xf32, #tpu.memory_space<hbm>>) target_semaphore(%arg11 : memref<!tpu.dma_semaphore, #tpu.memory_space<semaphore_mem>>)
    %dma_wait3A_449 = arith.constant 0 : i32
    %dma_wait3A_450 = arith.constant 0 : i32
    %dma_wait3A_451 = tpu.memref_slice %arg4[%add3A_442, %dma_wait3A_449, %dma_wait3A_450] : memref<4096x64x128xf32, #tpu.memory_space<hbm>> -> memref<4x64x128xf32, #tpu.memory_space<hbm>>
    %dma_wait3A_452 = arith.constant 0 : i32
    %dma_wait3A_453 = arith.constant 0 : i32
    %dma_wait3A_454 = tpu.memref_slice %arg4[%add3A_442, %dma_wait3A_452, %dma_wait3A_453] : memref<4096x64x128xf32, #tpu.memory_space<hbm>> -> memref<4x64x128xf32, #tpu.memory_space<hbm>>
    tpu.wait_dma2 semaphore(%arg11 : memref<!tpu.dma_semaphore, #tpu.memory_space<semaphore_mem>>) src(%arg7 : memref<4x64x128xf32, #tpu.memory_space<vmem>>) dst(%dma_wait3A_454 : memref<4x64x128xf32, #tpu.memory_space<hbm>>)
    %dma_start3A_455 = arith.constant 15 : i32
    %dma_start3A_456 = arith.constant 0 : i32
    %dma_start3A_457 = tpu.memref_slice %arg5[%dma_start3A_455, %dma_start3A_456] : memref<32x4xi32, #tpu.memory_space<vmem>> -> memref<1x4xi32, #tpu.memory_space<vmem>>
    %dma_start3A_458 = tpu.memref_squeeze %dma_start3A_457 : memref<1x4xi32, #tpu.memory_space<vmem>> -> memref<4xi32, #tpu.memory_space<vmem>>
    %dma_start3A_459 = arith.constant 0 : i32
    %dma_start3A_460 = arith.constant 0 : i32
    %dma_start3A_461 = arith.constant 0 : i32
    %dma_start3A_462 = tpu.memref_slice %arg2[%dma_start3A_459, %dma_start3A_460, %dma_start3A_461] : memref<2049x64x128xf32, #tpu.memory_space<hbm>> -> memref<2049x64x128xf32, #tpu.memory_space<hbm>>
    tpu.enqueue_indirect_dma source(%dma_start3A_462 : memref<2049x64x128xf32, #tpu.memory_space<hbm>>) target(%arg7 : memref<4x64x128xf32, #tpu.memory_space<vmem>>) offsets(%dma_start3A_458 : memref<4xi32, #tpu.memory_space<vmem>>) semaphore(%arg9 : memref<!tpu.dma_semaphore, #tpu.memory_space<semaphore_mem>>)
    %dma_wait3A_463 = arith.constant 14 : i32
    %dma_wait3A_464 = arith.constant 0 : i32
    %dma_wait3A_465 = tpu.memref_slice %arg5[%dma_wait3A_463, %dma_wait3A_464] : memref<32x4xi32, #tpu.memory_space<vmem>> -> memref<1x4xi32, #tpu.memory_space<vmem>>
    %dma_wait3A_466 = tpu.memref_squeeze %dma_wait3A_465 : memref<1x4xi32, #tpu.memory_space<vmem>> -> memref<4xi32, #tpu.memory_space<vmem>>
    %dma_wait3A_467 = arith.constant 0 : i32
    %dma_wait3A_468 = arith.constant 0 : i32
    %dma_wait3A_469 = arith.constant 0 : i32
    %dma_wait3A_470 = tpu.memref_slice %arg2[%dma_wait3A_467, %dma_wait3A_468, %dma_wait3A_469] : memref<2049x64x128xf32, #tpu.memory_space<hbm>> -> memref<2049x64x128xf32, #tpu.memory_space<hbm>>
    tpu.wait_indirect_dma semaphore(%arg8 : memref<!tpu.dma_semaphore, #tpu.memory_space<semaphore_mem>>) src(%dma_wait3A_470 : memref<2049x64x128xf32, #tpu.memory_space<hbm>>) dst(%arg6 : memref<4x64x128xf32, #tpu.memory_space<vmem>>)
    %mul3A_471 = arith.constant 128 : i32
    %mul3A_472 = arith.muli %add3A, %mul3A_471 : i32
    %add3A_473 = arith.constant 56 : i32
    %add3A_474 = arith.addi %mul3A_472, %add3A_473 : i32
    %dma_start3A_475 = arith.constant 0 : i32
    %dma_start3A_476 = arith.constant 0 : i32
    %dma_start3A_477 = tpu.memref_slice %arg4[%add3A_474, %dma_start3A_475, %dma_start3A_476] : memref<4096x64x128xf32, #tpu.memory_space<hbm>> -> memref<4x64x128xf32, #tpu.memory_space<hbm>>
    %dma_start3A_478 = arith.constant 0 : i32
    %dma_start3A_479 = arith.constant 0 : i32
    %dma_start3A_480 = tpu.memref_slice %arg4[%add3A_474, %dma_start3A_478, %dma_start3A_479] : memref<4096x64x128xf32, #tpu.memory_space<hbm>> -> memref<4x64x128xf32, #tpu.memory_space<hbm>>
    tpu.enqueue_dma source(%arg6 : memref<4x64x128xf32, #tpu.memory_space<vmem>>) target(%dma_start3A_480 : memref<4x64x128xf32, #tpu.memory_space<hbm>>) target_semaphore(%arg10 : memref<!tpu.dma_semaphore, #tpu.memory_space<semaphore_mem>>)
    %dma_wait3A_481 = arith.constant 0 : i32
    %dma_wait3A_482 = arith.constant 0 : i32
    %dma_wait3A_483 = tpu.memref_slice %arg4[%add3A_474, %dma_wait3A_481, %dma_wait3A_482] : memref<4096x64x128xf32, #tpu.memory_space<hbm>> -> memref<4x64x128xf32, #tpu.memory_space<hbm>>
    %dma_wait3A_484 = arith.constant 0 : i32
    %dma_wait3A_485 = arith.constant 0 : i32
    %dma_wait3A_486 = tpu.memref_slice %arg4[%add3A_474, %dma_wait3A_484, %dma_wait3A_485] : memref<4096x64x128xf32, #tpu.memory_space<hbm>> -> memref<4x64x128xf32, #tpu.memory_space<hbm>>
    tpu.wait_dma2 semaphore(%arg10 : memref<!tpu.dma_semaphore, #tpu.memory_space<semaphore_mem>>) src(%arg6 : memref<4x64x128xf32, #tpu.memory_space<vmem>>) dst(%dma_wait3A_486 : memref<4x64x128xf32, #tpu.memory_space<hbm>>)
    %dma_start3A_487 = arith.constant 16 : i32
    %dma_start3A_488 = arith.constant 0 : i32
    %dma_start3A_489 = tpu.memref_slice %arg5[%dma_start3A_487, %dma_start3A_488] : memref<32x4xi32, #tpu.memory_space<vmem>> -> memref<1x4xi32, #tpu.memory_space<vmem>>
    %dma_start3A_490 = tpu.memref_squeeze %dma_start3A_489 : memref<1x4xi32, #tpu.memory_space<vmem>> -> memref<4xi32, #tpu.memory_space<vmem>>
    %dma_start3A_491 = arith.constant 0 : i32
    %dma_start3A_492 = arith.constant 0 : i32
    %dma_start3A_493 = arith.constant 0 : i32
    %dma_start3A_494 = tpu.memref_slice %arg2[%dma_start3A_491, %dma_start3A_492, %dma_start3A_493] : memref<2049x64x128xf32, #tpu.memory_space<hbm>> -> memref<2049x64x128xf32, #tpu.memory_space<hbm>>
    tpu.enqueue_indirect_dma source(%dma_start3A_494 : memref<2049x64x128xf32, #tpu.memory_space<hbm>>) target(%arg6 : memref<4x64x128xf32, #tpu.memory_space<vmem>>) offsets(%dma_start3A_490 : memref<4xi32, #tpu.memory_space<vmem>>) semaphore(%arg8 : memref<!tpu.dma_semaphore, #tpu.memory_space<semaphore_mem>>)
    %dma_wait3A_495 = arith.constant 15 : i32
    %dma_wait3A_496 = arith.constant 0 : i32
    %dma_wait3A_497 = tpu.memref_slice %arg5[%dma_wait3A_495, %dma_wait3A_496] : memref<32x4xi32, #tpu.memory_space<vmem>> -> memref<1x4xi32, #tpu.memory_space<vmem>>
    %dma_wait3A_498 = tpu.memref_squeeze %dma_wait3A_497 : memref<1x4xi32, #tpu.memory_space<vmem>> -> memref<4xi32, #tpu.memory_space<vmem>>
    %dma_wait3A_499 = arith.constant 0 : i32
    %dma_wait3A_500 = arith.constant 0 : i32
    %dma_wait3A_501 = arith.constant 0 : i32
    %dma_wait3A_502 = tpu.memref_slice %arg2[%dma_wait3A_499, %dma_wait3A_500, %dma_wait3A_501] : memref<2049x64x128xf32, #tpu.memory_space<hbm>> -> memref<2049x64x128xf32, #tpu.memory_space<hbm>>
    tpu.wait_indirect_dma semaphore(%arg9 : memref<!tpu.dma_semaphore, #tpu.memory_space<semaphore_mem>>) src(%dma_wait3A_502 : memref<2049x64x128xf32, #tpu.memory_space<hbm>>) dst(%arg7 : memref<4x64x128xf32, #tpu.memory_space<vmem>>)
    %mul3A_503 = arith.constant 128 : i32
    %mul3A_504 = arith.muli %add3A, %mul3A_503 : i32
    %add3A_505 = arith.constant 60 : i32
    %add3A_506 = arith.addi %mul3A_504, %add3A_505 : i32
    %dma_start3A_507 = arith.constant 0 : i32
    %dma_start3A_508 = arith.constant 0 : i32
    %dma_start3A_509 = tpu.memref_slice %arg4[%add3A_506, %dma_start3A_507, %dma_start3A_508] : memref<4096x64x128xf32, #tpu.memory_space<hbm>> -> memref<4x64x128xf32, #tpu.memory_space<hbm>>
    %dma_start3A_510 = arith.constant 0 : i32
    %dma_start3A_511 = arith.constant 0 : i32
    %dma_start3A_512 = tpu.memref_slice %arg4[%add3A_506, %dma_start3A_510, %dma_start3A_511] : memref<4096x64x128xf32, #tpu.memory_space<hbm>> -> memref<4x64x128xf32, #tpu.memory_space<hbm>>
    tpu.enqueue_dma source(%arg7 : memref<4x64x128xf32, #tpu.memory_space<vmem>>) target(%dma_start3A_512 : memref<4x64x128xf32, #tpu.memory_space<hbm>>) target_semaphore(%arg11 : memref<!tpu.dma_semaphore, #tpu.memory_space<semaphore_mem>>)
    %dma_wait3A_513 = arith.constant 0 : i32
    %dma_wait3A_514 = arith.constant 0 : i32
    %dma_wait3A_515 = tpu.memref_slice %arg4[%add3A_506, %dma_wait3A_513, %dma_wait3A_514] : memref<4096x64x128xf32, #tpu.memory_space<hbm>> -> memref<4x64x128xf32, #tpu.memory_space<hbm>>
    %dma_wait3A_516 = arith.constant 0 : i32
    %dma_wait3A_517 = arith.constant 0 : i32
    %dma_wait3A_518 = tpu.memref_slice %arg4[%add3A_506, %dma_wait3A_516, %dma_wait3A_517] : memref<4096x64x128xf32, #tpu.memory_space<hbm>> -> memref<4x64x128xf32, #tpu.memory_space<hbm>>
    tpu.wait_dma2 semaphore(%arg11 : memref<!tpu.dma_semaphore, #tpu.memory_space<semaphore_mem>>) src(%arg7 : memref<4x64x128xf32, #tpu.memory_space<vmem>>) dst(%dma_wait3A_518 : memref<4x64x128xf32, #tpu.memory_space<hbm>>)
    %dma_start3A_519 = arith.constant 17 : i32
    %dma_start3A_520 = arith.constant 0 : i32
    %dma_start3A_521 = tpu.memref_slice %arg5[%dma_start3A_519, %dma_start3A_520] : memref<32x4xi32, #tpu.memory_space<vmem>> -> memref<1x4xi32, #tpu.memory_space<vmem>>
    %dma_start3A_522 = tpu.memref_squeeze %dma_start3A_521 : memref<1x4xi32, #tpu.memory_space<vmem>> -> memref<4xi32, #tpu.memory_space<vmem>>
    %dma_start3A_523 = arith.constant 0 : i32
    %dma_start3A_524 = arith.constant 0 : i32
    %dma_start3A_525 = arith.constant 0 : i32
    %dma_start3A_526 = tpu.memref_slice %arg2[%dma_start3A_523, %dma_start3A_524, %dma_start3A_525] : memref<2049x64x128xf32, #tpu.memory_space<hbm>> -> memref<2049x64x128xf32, #tpu.memory_space<hbm>>
    tpu.enqueue_indirect_dma source(%dma_start3A_526 : memref<2049x64x128xf32, #tpu.memory_space<hbm>>) target(%arg7 : memref<4x64x128xf32, #tpu.memory_space<vmem>>) offsets(%dma_start3A_522 : memref<4xi32, #tpu.memory_space<vmem>>) semaphore(%arg9 : memref<!tpu.dma_semaphore, #tpu.memory_space<semaphore_mem>>)
    %dma_wait3A_527 = arith.constant 16 : i32
    %dma_wait3A_528 = arith.constant 0 : i32
    %dma_wait3A_529 = tpu.memref_slice %arg5[%dma_wait3A_527, %dma_wait3A_528] : memref<32x4xi32, #tpu.memory_space<vmem>> -> memref<1x4xi32, #tpu.memory_space<vmem>>
    %dma_wait3A_530 = tpu.memref_squeeze %dma_wait3A_529 : memref<1x4xi32, #tpu.memory_space<vmem>> -> memref<4xi32, #tpu.memory_space<vmem>>
    %dma_wait3A_531 = arith.constant 0 : i32
    %dma_wait3A_532 = arith.constant 0 : i32
    %dma_wait3A_533 = arith.constant 0 : i32
    %dma_wait3A_534 = tpu.memref_slice %arg2[%dma_wait3A_531, %dma_wait3A_532, %dma_wait3A_533] : memref<2049x64x128xf32, #tpu.memory_space<hbm>> -> memref<2049x64x128xf32, #tpu.memory_space<hbm>>
    tpu.wait_indirect_dma semaphore(%arg8 : memref<!tpu.dma_semaphore, #tpu.memory_space<semaphore_mem>>) src(%dma_wait3A_534 : memref<2049x64x128xf32, #tpu.memory_space<hbm>>) dst(%arg6 : memref<4x64x128xf32, #tpu.memory_space<vmem>>)
    %mul3A_535 = arith.constant 128 : i32
    %mul3A_536 = arith.muli %add3A, %mul3A_535 : i32
    %add3A_537 = arith.constant 64 : i32
    %add3A_538 = arith.addi %mul3A_536, %add3A_537 : i32
    %dma_start3A_539 = arith.constant 0 : i32
    %dma_start3A_540 = arith.constant 0 : i32
    %dma_start3A_541 = tpu.memref_slice %arg4[%add3A_538, %dma_start3A_539, %dma_start3A_540] : memref<4096x64x128xf32, #tpu.memory_space<hbm>> -> memref<4x64x128xf32, #tpu.memory_space<hbm>>
    %dma_start3A_542 = arith.constant 0 : i32
    %dma_start3A_543 = arith.constant 0 : i32
    %dma_start3A_544 = tpu.memref_slice %arg4[%add3A_538, %dma_start3A_542, %dma_start3A_543] : memref<4096x64x128xf32, #tpu.memory_space<hbm>> -> memref<4x64x128xf32, #tpu.memory_space<hbm>>
    tpu.enqueue_dma source(%arg6 : memref<4x64x128xf32, #tpu.memory_space<vmem>>) target(%dma_start3A_544 : memref<4x64x128xf32, #tpu.memory_space<hbm>>) target_semaphore(%arg10 : memref<!tpu.dma_semaphore, #tpu.memory_space<semaphore_mem>>)
    %dma_wait3A_545 = arith.constant 0 : i32
    %dma_wait3A_546 = arith.constant 0 : i32
    %dma_wait3A_547 = tpu.memref_slice %arg4[%add3A_538, %dma_wait3A_545, %dma_wait3A_546] : memref<4096x64x128xf32, #tpu.memory_space<hbm>> -> memref<4x64x128xf32, #tpu.memory_space<hbm>>
    %dma_wait3A_548 = arith.constant 0 : i32
    %dma_wait3A_549 = arith.constant 0 : i32
    %dma_wait3A_550 = tpu.memref_slice %arg4[%add3A_538, %dma_wait3A_548, %dma_wait3A_549] : memref<4096x64x128xf32, #tpu.memory_space<hbm>> -> memref<4x64x128xf32, #tpu.memory_space<hbm>>
    tpu.wait_dma2 semaphore(%arg10 : memref<!tpu.dma_semaphore, #tpu.memory_space<semaphore_mem>>) src(%arg6 : memref<4x64x128xf32, #tpu.memory_space<vmem>>) dst(%dma_wait3A_550 : memref<4x64x128xf32, #tpu.memory_space<hbm>>)
    %dma_start3A_551 = arith.constant 18 : i32
    %dma_start3A_552 = arith.constant 0 : i32
    %dma_start3A_553 = tpu.memref_slice %arg5[%dma_start3A_551, %dma_start3A_552] : memref<32x4xi32, #tpu.memory_space<vmem>> -> memref<1x4xi32, #tpu.memory_space<vmem>>
    %dma_start3A_554 = tpu.memref_squeeze %dma_start3A_553 : memref<1x4xi32, #tpu.memory_space<vmem>> -> memref<4xi32, #tpu.memory_space<vmem>>
    %dma_start3A_555 = arith.constant 0 : i32
    %dma_start3A_556 = arith.constant 0 : i32
    %dma_start3A_557 = arith.constant 0 : i32
    %dma_start3A_558 = tpu.memref_slice %arg2[%dma_start3A_555, %dma_start3A_556, %dma_start3A_557] : memref<2049x64x128xf32, #tpu.memory_space<hbm>> -> memref<2049x64x128xf32, #tpu.memory_space<hbm>>
    tpu.enqueue_indirect_dma source(%dma_start3A_558 : memref<2049x64x128xf32, #tpu.memory_space<hbm>>) target(%arg6 : memref<4x64x128xf32, #tpu.memory_space<vmem>>) offsets(%dma_start3A_554 : memref<4xi32, #tpu.memory_space<vmem>>) semaphore(%arg8 : memref<!tpu.dma_semaphore, #tpu.memory_space<semaphore_mem>>)
    %dma_wait3A_559 = arith.constant 17 : i32
    %dma_wait3A_560 = arith.constant 0 : i32
    %dma_wait3A_561 = tpu.memref_slice %arg5[%dma_wait3A_559, %dma_wait3A_560] : memref<32x4xi32, #tpu.memory_space<vmem>> -> memref<1x4xi32, #tpu.memory_space<vmem>>
    %dma_wait3A_562 = tpu.memref_squeeze %dma_wait3A_561 : memref<1x4xi32, #tpu.memory_space<vmem>> -> memref<4xi32, #tpu.memory_space<vmem>>
    %dma_wait3A_563 = arith.constant 0 : i32
    %dma_wait3A_564 = arith.constant 0 : i32
    %dma_wait3A_565 = arith.constant 0 : i32
    %dma_wait3A_566 = tpu.memref_slice %arg2[%dma_wait3A_563, %dma_wait3A_564, %dma_wait3A_565] : memref<2049x64x128xf32, #tpu.memory_space<hbm>> -> memref<2049x64x128xf32, #tpu.memory_space<hbm>>
    tpu.wait_indirect_dma semaphore(%arg9 : memref<!tpu.dma_semaphore, #tpu.memory_space<semaphore_mem>>) src(%dma_wait3A_566 : memref<2049x64x128xf32, #tpu.memory_space<hbm>>) dst(%arg7 : memref<4x64x128xf32, #tpu.memory_space<vmem>>)
    %mul3A_567 = arith.constant 128 : i32
    %mul3A_568 = arith.muli %add3A, %mul3A_567 : i32
    %add3A_569 = arith.constant 68 : i32
    %add3A_570 = arith.addi %mul3A_568, %add3A_569 : i32
    %dma_start3A_571 = arith.constant 0 : i32
    %dma_start3A_572 = arith.constant 0 : i32
    %dma_start3A_573 = tpu.memref_slice %arg4[%add3A_570, %dma_start3A_571, %dma_start3A_572] : memref<4096x64x128xf32, #tpu.memory_space<hbm>> -> memref<4x64x128xf32, #tpu.memory_space<hbm>>
    %dma_start3A_574 = arith.constant 0 : i32
    %dma_start3A_575 = arith.constant 0 : i32
    %dma_start3A_576 = tpu.memref_slice %arg4[%add3A_570, %dma_start3A_574, %dma_start3A_575] : memref<4096x64x128xf32, #tpu.memory_space<hbm>> -> memref<4x64x128xf32, #tpu.memory_space<hbm>>
    tpu.enqueue_dma source(%arg7 : memref<4x64x128xf32, #tpu.memory_space<vmem>>) target(%dma_start3A_576 : memref<4x64x128xf32, #tpu.memory_space<hbm>>) target_semaphore(%arg11 : memref<!tpu.dma_semaphore, #tpu.memory_space<semaphore_mem>>)
    %dma_wait3A_577 = arith.constant 0 : i32
    %dma_wait3A_578 = arith.constant 0 : i32
    %dma_wait3A_579 = tpu.memref_slice %arg4[%add3A_570, %dma_wait3A_577, %dma_wait3A_578] : memref<4096x64x128xf32, #tpu.memory_space<hbm>> -> memref<4x64x128xf32, #tpu.memory_space<hbm>>
    %dma_wait3A_580 = arith.constant 0 : i32
    %dma_wait3A_581 = arith.constant 0 : i32
    %dma_wait3A_582 = tpu.memref_slice %arg4[%add3A_570, %dma_wait3A_580, %dma_wait3A_581] : memref<4096x64x128xf32, #tpu.memory_space<hbm>> -> memref<4x64x128xf32, #tpu.memory_space<hbm>>
    tpu.wait_dma2 semaphore(%arg11 : memref<!tpu.dma_semaphore, #tpu.memory_space<semaphore_mem>>) src(%arg7 : memref<4x64x128xf32, #tpu.memory_space<vmem>>) dst(%dma_wait3A_582 : memref<4x64x128xf32, #tpu.memory_space<hbm>>)
    %dma_start3A_583 = arith.constant 19 : i32
    %dma_start3A_584 = arith.constant 0 : i32
    %dma_start3A_585 = tpu.memref_slice %arg5[%dma_start3A_583, %dma_start3A_584] : memref<32x4xi32, #tpu.memory_space<vmem>> -> memref<1x4xi32, #tpu.memory_space<vmem>>
    %dma_start3A_586 = tpu.memref_squeeze %dma_start3A_585 : memref<1x4xi32, #tpu.memory_space<vmem>> -> memref<4xi32, #tpu.memory_space<vmem>>
    %dma_start3A_587 = arith.constant 0 : i32
    %dma_start3A_588 = arith.constant 0 : i32
    %dma_start3A_589 = arith.constant 0 : i32
    %dma_start3A_590 = tpu.memref_slice %arg2[%dma_start3A_587, %dma_start3A_588, %dma_start3A_589] : memref<2049x64x128xf32, #tpu.memory_space<hbm>> -> memref<2049x64x128xf32, #tpu.memory_space<hbm>>
    tpu.enqueue_indirect_dma source(%dma_start3A_590 : memref<2049x64x128xf32, #tpu.memory_space<hbm>>) target(%arg7 : memref<4x64x128xf32, #tpu.memory_space<vmem>>) offsets(%dma_start3A_586 : memref<4xi32, #tpu.memory_space<vmem>>) semaphore(%arg9 : memref<!tpu.dma_semaphore, #tpu.memory_space<semaphore_mem>>)
    %dma_wait3A_591 = arith.constant 18 : i32
    %dma_wait3A_592 = arith.constant 0 : i32
    %dma_wait3A_593 = tpu.memref_slice %arg5[%dma_wait3A_591, %dma_wait3A_592] : memref<32x4xi32, #tpu.memory_space<vmem>> -> memref<1x4xi32, #tpu.memory_space<vmem>>
    %dma_wait3A_594 = tpu.memref_squeeze %dma_wait3A_593 : memref<1x4xi32, #tpu.memory_space<vmem>> -> memref<4xi32, #tpu.memory_space<vmem>>
    %dma_wait3A_595 = arith.constant 0 : i32
    %dma_wait3A_596 = arith.constant 0 : i32
    %dma_wait3A_597 = arith.constant 0 : i32
    %dma_wait3A_598 = tpu.memref_slice %arg2[%dma_wait3A_595, %dma_wait3A_596, %dma_wait3A_597] : memref<2049x64x128xf32, #tpu.memory_space<hbm>> -> memref<2049x64x128xf32, #tpu.memory_space<hbm>>
    tpu.wait_indirect_dma semaphore(%arg8 : memref<!tpu.dma_semaphore, #tpu.memory_space<semaphore_mem>>) src(%dma_wait3A_598 : memref<2049x64x128xf32, #tpu.memory_space<hbm>>) dst(%arg6 : memref<4x64x128xf32, #tpu.memory_space<vmem>>)
    %mul3A_599 = arith.constant 128 : i32
    %mul3A_600 = arith.muli %add3A, %mul3A_599 : i32
    %add3A_601 = arith.constant 72 : i32
    %add3A_602 = arith.addi %mul3A_600, %add3A_601 : i32
    %dma_start3A_603 = arith.constant 0 : i32
    %dma_start3A_604 = arith.constant 0 : i32
    %dma_start3A_605 = tpu.memref_slice %arg4[%add3A_602, %dma_start3A_603, %dma_start3A_604] : memref<4096x64x128xf32, #tpu.memory_space<hbm>> -> memref<4x64x128xf32, #tpu.memory_space<hbm>>
    %dma_start3A_606 = arith.constant 0 : i32
    %dma_start3A_607 = arith.constant 0 : i32
    %dma_start3A_608 = tpu.memref_slice %arg4[%add3A_602, %dma_start3A_606, %dma_start3A_607] : memref<4096x64x128xf32, #tpu.memory_space<hbm>> -> memref<4x64x128xf32, #tpu.memory_space<hbm>>
    tpu.enqueue_dma source(%arg6 : memref<4x64x128xf32, #tpu.memory_space<vmem>>) target(%dma_start3A_608 : memref<4x64x128xf32, #tpu.memory_space<hbm>>) target_semaphore(%arg10 : memref<!tpu.dma_semaphore, #tpu.memory_space<semaphore_mem>>)
    %dma_wait3A_609 = arith.constant 0 : i32
    %dma_wait3A_610 = arith.constant 0 : i32
    %dma_wait3A_611 = tpu.memref_slice %arg4[%add3A_602, %dma_wait3A_609, %dma_wait3A_610] : memref<4096x64x128xf32, #tpu.memory_space<hbm>> -> memref<4x64x128xf32, #tpu.memory_space<hbm>>
    %dma_wait3A_612 = arith.constant 0 : i32
    %dma_wait3A_613 = arith.constant 0 : i32
    %dma_wait3A_614 = tpu.memref_slice %arg4[%add3A_602, %dma_wait3A_612, %dma_wait3A_613] : memref<4096x64x128xf32, #tpu.memory_space<hbm>> -> memref<4x64x128xf32, #tpu.memory_space<hbm>>
    tpu.wait_dma2 semaphore(%arg10 : memref<!tpu.dma_semaphore, #tpu.memory_space<semaphore_mem>>) src(%arg6 : memref<4x64x128xf32, #tpu.memory_space<vmem>>) dst(%dma_wait3A_614 : memref<4x64x128xf32, #tpu.memory_space<hbm>>)
    %dma_start3A_615 = arith.constant 20 : i32
    %dma_start3A_616 = arith.constant 0 : i32
    %dma_start3A_617 = tpu.memref_slice %arg5[%dma_start3A_615, %dma_start3A_616] : memref<32x4xi32, #tpu.memory_space<vmem>> -> memref<1x4xi32, #tpu.memory_space<vmem>>
    %dma_start3A_618 = tpu.memref_squeeze %dma_start3A_617 : memref<1x4xi32, #tpu.memory_space<vmem>> -> memref<4xi32, #tpu.memory_space<vmem>>
    %dma_start3A_619 = arith.constant 0 : i32
    %dma_start3A_620 = arith.constant 0 : i32
    %dma_start3A_621 = arith.constant 0 : i32
    %dma_start3A_622 = tpu.memref_slice %arg2[%dma_start3A_619, %dma_start3A_620, %dma_start3A_621] : memref<2049x64x128xf32, #tpu.memory_space<hbm>> -> memref<2049x64x128xf32, #tpu.memory_space<hbm>>
    tpu.enqueue_indirect_dma source(%dma_start3A_622 : memref<2049x64x128xf32, #tpu.memory_space<hbm>>) target(%arg6 : memref<4x64x128xf32, #tpu.memory_space<vmem>>) offsets(%dma_start3A_618 : memref<4xi32, #tpu.memory_space<vmem>>) semaphore(%arg8 : memref<!tpu.dma_semaphore, #tpu.memory_space<semaphore_mem>>)
    %dma_wait3A_623 = arith.constant 19 : i32
    %dma_wait3A_624 = arith.constant 0 : i32
    %dma_wait3A_625 = tpu.memref_slice %arg5[%dma_wait3A_623, %dma_wait3A_624] : memref<32x4xi32, #tpu.memory_space<vmem>> -> memref<1x4xi32, #tpu.memory_space<vmem>>
    %dma_wait3A_626 = tpu.memref_squeeze %dma_wait3A_625 : memref<1x4xi32, #tpu.memory_space<vmem>> -> memref<4xi32, #tpu.memory_space<vmem>>
    %dma_wait3A_627 = arith.constant 0 : i32
    %dma_wait3A_628 = arith.constant 0 : i32
    %dma_wait3A_629 = arith.constant 0 : i32
    %dma_wait3A_630 = tpu.memref_slice %arg2[%dma_wait3A_627, %dma_wait3A_628, %dma_wait3A_629] : memref<2049x64x128xf32, #tpu.memory_space<hbm>> -> memref<2049x64x128xf32, #tpu.memory_space<hbm>>
    tpu.wait_indirect_dma semaphore(%arg9 : memref<!tpu.dma_semaphore, #tpu.memory_space<semaphore_mem>>) src(%dma_wait3A_630 : memref<2049x64x128xf32, #tpu.memory_space<hbm>>) dst(%arg7 : memref<4x64x128xf32, #tpu.memory_space<vmem>>)
    %mul3A_631 = arith.constant 128 : i32
    %mul3A_632 = arith.muli %add3A, %mul3A_631 : i32
    %add3A_633 = arith.constant 76 : i32
    %add3A_634 = arith.addi %mul3A_632, %add3A_633 : i32
    %dma_start3A_635 = arith.constant 0 : i32
    %dma_start3A_636 = arith.constant 0 : i32
    %dma_start3A_637 = tpu.memref_slice %arg4[%add3A_634, %dma_start3A_635, %dma_start3A_636] : memref<4096x64x128xf32, #tpu.memory_space<hbm>> -> memref<4x64x128xf32, #tpu.memory_space<hbm>>
    %dma_start3A_638 = arith.constant 0 : i32
    %dma_start3A_639 = arith.constant 0 : i32
    %dma_start3A_640 = tpu.memref_slice %arg4[%add3A_634, %dma_start3A_638, %dma_start3A_639] : memref<4096x64x128xf32, #tpu.memory_space<hbm>> -> memref<4x64x128xf32, #tpu.memory_space<hbm>>
    tpu.enqueue_dma source(%arg7 : memref<4x64x128xf32, #tpu.memory_space<vmem>>) target(%dma_start3A_640 : memref<4x64x128xf32, #tpu.memory_space<hbm>>) target_semaphore(%arg11 : memref<!tpu.dma_semaphore, #tpu.memory_space<semaphore_mem>>)
    %dma_wait3A_641 = arith.constant 0 : i32
    %dma_wait3A_642 = arith.constant 0 : i32
    %dma_wait3A_643 = tpu.memref_slice %arg4[%add3A_634, %dma_wait3A_641, %dma_wait3A_642] : memref<4096x64x128xf32, #tpu.memory_space<hbm>> -> memref<4x64x128xf32, #tpu.memory_space<hbm>>
    %dma_wait3A_644 = arith.constant 0 : i32
    %dma_wait3A_645 = arith.constant 0 : i32
    %dma_wait3A_646 = tpu.memref_slice %arg4[%add3A_634, %dma_wait3A_644, %dma_wait3A_645] : memref<4096x64x128xf32, #tpu.memory_space<hbm>> -> memref<4x64x128xf32, #tpu.memory_space<hbm>>
    tpu.wait_dma2 semaphore(%arg11 : memref<!tpu.dma_semaphore, #tpu.memory_space<semaphore_mem>>) src(%arg7 : memref<4x64x128xf32, #tpu.memory_space<vmem>>) dst(%dma_wait3A_646 : memref<4x64x128xf32, #tpu.memory_space<hbm>>)
    %dma_start3A_647 = arith.constant 21 : i32
    %dma_start3A_648 = arith.constant 0 : i32
    %dma_start3A_649 = tpu.memref_slice %arg5[%dma_start3A_647, %dma_start3A_648] : memref<32x4xi32, #tpu.memory_space<vmem>> -> memref<1x4xi32, #tpu.memory_space<vmem>>
    %dma_start3A_650 = tpu.memref_squeeze %dma_start3A_649 : memref<1x4xi32, #tpu.memory_space<vmem>> -> memref<4xi32, #tpu.memory_space<vmem>>
    %dma_start3A_651 = arith.constant 0 : i32
    %dma_start3A_652 = arith.constant 0 : i32
    %dma_start3A_653 = arith.constant 0 : i32
    %dma_start3A_654 = tpu.memref_slice %arg2[%dma_start3A_651, %dma_start3A_652, %dma_start3A_653] : memref<2049x64x128xf32, #tpu.memory_space<hbm>> -> memref<2049x64x128xf32, #tpu.memory_space<hbm>>
    tpu.enqueue_indirect_dma source(%dma_start3A_654 : memref<2049x64x128xf32, #tpu.memory_space<hbm>>) target(%arg7 : memref<4x64x128xf32, #tpu.memory_space<vmem>>) offsets(%dma_start3A_650 : memref<4xi32, #tpu.memory_space<vmem>>) semaphore(%arg9 : memref<!tpu.dma_semaphore, #tpu.memory_space<semaphore_mem>>)
    %dma_wait3A_655 = arith.constant 20 : i32
    %dma_wait3A_656 = arith.constant 0 : i32
    %dma_wait3A_657 = tpu.memref_slice %arg5[%dma_wait3A_655, %dma_wait3A_656] : memref<32x4xi32, #tpu.memory_space<vmem>> -> memref<1x4xi32, #tpu.memory_space<vmem>>
    %dma_wait3A_658 = tpu.memref_squeeze %dma_wait3A_657 : memref<1x4xi32, #tpu.memory_space<vmem>> -> memref<4xi32, #tpu.memory_space<vmem>>
    %dma_wait3A_659 = arith.constant 0 : i32
    %dma_wait3A_660 = arith.constant 0 : i32
    %dma_wait3A_661 = arith.constant 0 : i32
    %dma_wait3A_662 = tpu.memref_slice %arg2[%dma_wait3A_659, %dma_wait3A_660, %dma_wait3A_661] : memref<2049x64x128xf32, #tpu.memory_space<hbm>> -> memref<2049x64x128xf32, #tpu.memory_space<hbm>>
    tpu.wait_indirect_dma semaphore(%arg8 : memref<!tpu.dma_semaphore, #tpu.memory_space<semaphore_mem>>) src(%dma_wait3A_662 : memref<2049x64x128xf32, #tpu.memory_space<hbm>>) dst(%arg6 : memref<4x64x128xf32, #tpu.memory_space<vmem>>)
    %mul3A_663 = arith.constant 128 : i32
    %mul3A_664 = arith.muli %add3A, %mul3A_663 : i32
    %add3A_665 = arith.constant 80 : i32
    %add3A_666 = arith.addi %mul3A_664, %add3A_665 : i32
    %dma_start3A_667 = arith.constant 0 : i32
    %dma_start3A_668 = arith.constant 0 : i32
    %dma_start3A_669 = tpu.memref_slice %arg4[%add3A_666, %dma_start3A_667, %dma_start3A_668] : memref<4096x64x128xf32, #tpu.memory_space<hbm>> -> memref<4x64x128xf32, #tpu.memory_space<hbm>>
    %dma_start3A_670 = arith.constant 0 : i32
    %dma_start3A_671 = arith.constant 0 : i32
    %dma_start3A_672 = tpu.memref_slice %arg4[%add3A_666, %dma_start3A_670, %dma_start3A_671] : memref<4096x64x128xf32, #tpu.memory_space<hbm>> -> memref<4x64x128xf32, #tpu.memory_space<hbm>>
    tpu.enqueue_dma source(%arg6 : memref<4x64x128xf32, #tpu.memory_space<vmem>>) target(%dma_start3A_672 : memref<4x64x128xf32, #tpu.memory_space<hbm>>) target_semaphore(%arg10 : memref<!tpu.dma_semaphore, #tpu.memory_space<semaphore_mem>>)
    %dma_wait3A_673 = arith.constant 0 : i32
    %dma_wait3A_674 = arith.constant 0 : i32
    %dma_wait3A_675 = tpu.memref_slice %arg4[%add3A_666, %dma_wait3A_673, %dma_wait3A_674] : memref<4096x64x128xf32, #tpu.memory_space<hbm>> -> memref<4x64x128xf32, #tpu.memory_space<hbm>>
    %dma_wait3A_676 = arith.constant 0 : i32
    %dma_wait3A_677 = arith.constant 0 : i32
    %dma_wait3A_678 = tpu.memref_slice %arg4[%add3A_666, %dma_wait3A_676, %dma_wait3A_677] : memref<4096x64x128xf32, #tpu.memory_space<hbm>> -> memref<4x64x128xf32, #tpu.memory_space<hbm>>
    tpu.wait_dma2 semaphore(%arg10 : memref<!tpu.dma_semaphore, #tpu.memory_space<semaphore_mem>>) src(%arg6 : memref<4x64x128xf32, #tpu.memory_space<vmem>>) dst(%dma_wait3A_678 : memref<4x64x128xf32, #tpu.memory_space<hbm>>)
    %dma_start3A_679 = arith.constant 22 : i32
    %dma_start3A_680 = arith.constant 0 : i32
    %dma_start3A_681 = tpu.memref_slice %arg5[%dma_start3A_679, %dma_start3A_680] : memref<32x4xi32, #tpu.memory_space<vmem>> -> memref<1x4xi32, #tpu.memory_space<vmem>>
    %dma_start3A_682 = tpu.memref_squeeze %dma_start3A_681 : memref<1x4xi32, #tpu.memory_space<vmem>> -> memref<4xi32, #tpu.memory_space<vmem>>
    %dma_start3A_683 = arith.constant 0 : i32
    %dma_start3A_684 = arith.constant 0 : i32
    %dma_start3A_685 = arith.constant 0 : i32
    %dma_start3A_686 = tpu.memref_slice %arg2[%dma_start3A_683, %dma_start3A_684, %dma_start3A_685] : memref<2049x64x128xf32, #tpu.memory_space<hbm>> -> memref<2049x64x128xf32, #tpu.memory_space<hbm>>
    tpu.enqueue_indirect_dma source(%dma_start3A_686 : memref<2049x64x128xf32, #tpu.memory_space<hbm>>) target(%arg6 : memref<4x64x128xf32, #tpu.memory_space<vmem>>) offsets(%dma_start3A_682 : memref<4xi32, #tpu.memory_space<vmem>>) semaphore(%arg8 : memref<!tpu.dma_semaphore, #tpu.memory_space<semaphore_mem>>)
    %dma_wait3A_687 = arith.constant 21 : i32
    %dma_wait3A_688 = arith.constant 0 : i32
    %dma_wait3A_689 = tpu.memref_slice %arg5[%dma_wait3A_687, %dma_wait3A_688] : memref<32x4xi32, #tpu.memory_space<vmem>> -> memref<1x4xi32, #tpu.memory_space<vmem>>
    %dma_wait3A_690 = tpu.memref_squeeze %dma_wait3A_689 : memref<1x4xi32, #tpu.memory_space<vmem>> -> memref<4xi32, #tpu.memory_space<vmem>>
    %dma_wait3A_691 = arith.constant 0 : i32
    %dma_wait3A_692 = arith.constant 0 : i32
    %dma_wait3A_693 = arith.constant 0 : i32
    %dma_wait3A_694 = tpu.memref_slice %arg2[%dma_wait3A_691, %dma_wait3A_692, %dma_wait3A_693] : memref<2049x64x128xf32, #tpu.memory_space<hbm>> -> memref<2049x64x128xf32, #tpu.memory_space<hbm>>
    tpu.wait_indirect_dma semaphore(%arg9 : memref<!tpu.dma_semaphore, #tpu.memory_space<semaphore_mem>>) src(%dma_wait3A_694 : memref<2049x64x128xf32, #tpu.memory_space<hbm>>) dst(%arg7 : memref<4x64x128xf32, #tpu.memory_space<vmem>>)
    %mul3A_695 = arith.constant 128 : i32
    %mul3A_696 = arith.muli %add3A, %mul3A_695 : i32
    %add3A_697 = arith.constant 84 : i32
    %add3A_698 = arith.addi %mul3A_696, %add3A_697 : i32
    %dma_start3A_699 = arith.constant 0 : i32
    %dma_start3A_700 = arith.constant 0 : i32
    %dma_start3A_701 = tpu.memref_slice %arg4[%add3A_698, %dma_start3A_699, %dma_start3A_700] : memref<4096x64x128xf32, #tpu.memory_space<hbm>> -> memref<4x64x128xf32, #tpu.memory_space<hbm>>
    %dma_start3A_702 = arith.constant 0 : i32
    %dma_start3A_703 = arith.constant 0 : i32
    %dma_start3A_704 = tpu.memref_slice %arg4[%add3A_698, %dma_start3A_702, %dma_start3A_703] : memref<4096x64x128xf32, #tpu.memory_space<hbm>> -> memref<4x64x128xf32, #tpu.memory_space<hbm>>
    tpu.enqueue_dma source(%arg7 : memref<4x64x128xf32, #tpu.memory_space<vmem>>) target(%dma_start3A_704 : memref<4x64x128xf32, #tpu.memory_space<hbm>>) target_semaphore(%arg11 : memref<!tpu.dma_semaphore, #tpu.memory_space<semaphore_mem>>)
    %dma_wait3A_705 = arith.constant 0 : i32
    %dma_wait3A_706 = arith.constant 0 : i32
    %dma_wait3A_707 = tpu.memref_slice %arg4[%add3A_698, %dma_wait3A_705, %dma_wait3A_706] : memref<4096x64x128xf32, #tpu.memory_space<hbm>> -> memref<4x64x128xf32, #tpu.memory_space<hbm>>
    %dma_wait3A_708 = arith.constant 0 : i32
    %dma_wait3A_709 = arith.constant 0 : i32
    %dma_wait3A_710 = tpu.memref_slice %arg4[%add3A_698, %dma_wait3A_708, %dma_wait3A_709] : memref<4096x64x128xf32, #tpu.memory_space<hbm>> -> memref<4x64x128xf32, #tpu.memory_space<hbm>>
    tpu.wait_dma2 semaphore(%arg11 : memref<!tpu.dma_semaphore, #tpu.memory_space<semaphore_mem>>) src(%arg7 : memref<4x64x128xf32, #tpu.memory_space<vmem>>) dst(%dma_wait3A_710 : memref<4x64x128xf32, #tpu.memory_space<hbm>>)
    %dma_start3A_711 = arith.constant 23 : i32
    %dma_start3A_712 = arith.constant 0 : i32
    %dma_start3A_713 = tpu.memref_slice %arg5[%dma_start3A_711, %dma_start3A_712] : memref<32x4xi32, #tpu.memory_space<vmem>> -> memref<1x4xi32, #tpu.memory_space<vmem>>
    %dma_start3A_714 = tpu.memref_squeeze %dma_start3A_713 : memref<1x4xi32, #tpu.memory_space<vmem>> -> memref<4xi32, #tpu.memory_space<vmem>>
    %dma_start3A_715 = arith.constant 0 : i32
    %dma_start3A_716 = arith.constant 0 : i32
    %dma_start3A_717 = arith.constant 0 : i32
    %dma_start3A_718 = tpu.memref_slice %arg2[%dma_start3A_715, %dma_start3A_716, %dma_start3A_717] : memref<2049x64x128xf32, #tpu.memory_space<hbm>> -> memref<2049x64x128xf32, #tpu.memory_space<hbm>>
    tpu.enqueue_indirect_dma source(%dma_start3A_718 : memref<2049x64x128xf32, #tpu.memory_space<hbm>>) target(%arg7 : memref<4x64x128xf32, #tpu.memory_space<vmem>>) offsets(%dma_start3A_714 : memref<4xi32, #tpu.memory_space<vmem>>) semaphore(%arg9 : memref<!tpu.dma_semaphore, #tpu.memory_space<semaphore_mem>>)
    %dma_wait3A_719 = arith.constant 22 : i32
    %dma_wait3A_720 = arith.constant 0 : i32
    %dma_wait3A_721 = tpu.memref_slice %arg5[%dma_wait3A_719, %dma_wait3A_720] : memref<32x4xi32, #tpu.memory_space<vmem>> -> memref<1x4xi32, #tpu.memory_space<vmem>>
    %dma_wait3A_722 = tpu.memref_squeeze %dma_wait3A_721 : memref<1x4xi32, #tpu.memory_space<vmem>> -> memref<4xi32, #tpu.memory_space<vmem>>
    %dma_wait3A_723 = arith.constant 0 : i32
    %dma_wait3A_724 = arith.constant 0 : i32
    %dma_wait3A_725 = arith.constant 0 : i32
    %dma_wait3A_726 = tpu.memref_slice %arg2[%dma_wait3A_723, %dma_wait3A_724, %dma_wait3A_725] : memref<2049x64x128xf32, #tpu.memory_space<hbm>> -> memref<2049x64x128xf32, #tpu.memory_space<hbm>>
    tpu.wait_indirect_dma semaphore(%arg8 : memref<!tpu.dma_semaphore, #tpu.memory_space<semaphore_mem>>) src(%dma_wait3A_726 : memref<2049x64x128xf32, #tpu.memory_space<hbm>>) dst(%arg6 : memref<4x64x128xf32, #tpu.memory_space<vmem>>)
    %mul3A_727 = arith.constant 128 : i32
    %mul3A_728 = arith.muli %add3A, %mul3A_727 : i32
    %add3A_729 = arith.constant 88 : i32
    %add3A_730 = arith.addi %mul3A_728, %add3A_729 : i32
    %dma_start3A_731 = arith.constant 0 : i32
    %dma_start3A_732 = arith.constant 0 : i32
    %dma_start3A_733 = tpu.memref_slice %arg4[%add3A_730, %dma_start3A_731, %dma_start3A_732] : memref<4096x64x128xf32, #tpu.memory_space<hbm>> -> memref<4x64x128xf32, #tpu.memory_space<hbm>>
    %dma_start3A_734 = arith.constant 0 : i32
    %dma_start3A_735 = arith.constant 0 : i32
    %dma_start3A_736 = tpu.memref_slice %arg4[%add3A_730, %dma_start3A_734, %dma_start3A_735] : memref<4096x64x128xf32, #tpu.memory_space<hbm>> -> memref<4x64x128xf32, #tpu.memory_space<hbm>>
    tpu.enqueue_dma source(%arg6 : memref<4x64x128xf32, #tpu.memory_space<vmem>>) target(%dma_start3A_736 : memref<4x64x128xf32, #tpu.memory_space<hbm>>) target_semaphore(%arg10 : memref<!tpu.dma_semaphore, #tpu.memory_space<semaphore_mem>>)
    %dma_wait3A_737 = arith.constant 0 : i32
    %dma_wait3A_738 = arith.constant 0 : i32
    %dma_wait3A_739 = tpu.memref_slice %arg4[%add3A_730, %dma_wait3A_737, %dma_wait3A_738] : memref<4096x64x128xf32, #tpu.memory_space<hbm>> -> memref<4x64x128xf32, #tpu.memory_space<hbm>>
    %dma_wait3A_740 = arith.constant 0 : i32
    %dma_wait3A_741 = arith.constant 0 : i32
    %dma_wait3A_742 = tpu.memref_slice %arg4[%add3A_730, %dma_wait3A_740, %dma_wait3A_741] : memref<4096x64x128xf32, #tpu.memory_space<hbm>> -> memref<4x64x128xf32, #tpu.memory_space<hbm>>
    tpu.wait_dma2 semaphore(%arg10 : memref<!tpu.dma_semaphore, #tpu.memory_space<semaphore_mem>>) src(%arg6 : memref<4x64x128xf32, #tpu.memory_space<vmem>>) dst(%dma_wait3A_742 : memref<4x64x128xf32, #tpu.memory_space<hbm>>)
    %dma_start3A_743 = arith.constant 24 : i32
    %dma_start3A_744 = arith.constant 0 : i32
    %dma_start3A_745 = tpu.memref_slice %arg5[%dma_start3A_743, %dma_start3A_744] : memref<32x4xi32, #tpu.memory_space<vmem>> -> memref<1x4xi32, #tpu.memory_space<vmem>>
    %dma_start3A_746 = tpu.memref_squeeze %dma_start3A_745 : memref<1x4xi32, #tpu.memory_space<vmem>> -> memref<4xi32, #tpu.memory_space<vmem>>
    %dma_start3A_747 = arith.constant 0 : i32
    %dma_start3A_748 = arith.constant 0 : i32
    %dma_start3A_749 = arith.constant 0 : i32
    %dma_start3A_750 = tpu.memref_slice %arg2[%dma_start3A_747, %dma_start3A_748, %dma_start3A_749] : memref<2049x64x128xf32, #tpu.memory_space<hbm>> -> memref<2049x64x128xf32, #tpu.memory_space<hbm>>
    tpu.enqueue_indirect_dma source(%dma_start3A_750 : memref<2049x64x128xf32, #tpu.memory_space<hbm>>) target(%arg6 : memref<4x64x128xf32, #tpu.memory_space<vmem>>) offsets(%dma_start3A_746 : memref<4xi32, #tpu.memory_space<vmem>>) semaphore(%arg8 : memref<!tpu.dma_semaphore, #tpu.memory_space<semaphore_mem>>)
    %dma_wait3A_751 = arith.constant 23 : i32
    %dma_wait3A_752 = arith.constant 0 : i32
    %dma_wait3A_753 = tpu.memref_slice %arg5[%dma_wait3A_751, %dma_wait3A_752] : memref<32x4xi32, #tpu.memory_space<vmem>> -> memref<1x4xi32, #tpu.memory_space<vmem>>
    %dma_wait3A_754 = tpu.memref_squeeze %dma_wait3A_753 : memref<1x4xi32, #tpu.memory_space<vmem>> -> memref<4xi32, #tpu.memory_space<vmem>>
    %dma_wait3A_755 = arith.constant 0 : i32
    %dma_wait3A_756 = arith.constant 0 : i32
    %dma_wait3A_757 = arith.constant 0 : i32
    %dma_wait3A_758 = tpu.memref_slice %arg2[%dma_wait3A_755, %dma_wait3A_756, %dma_wait3A_757] : memref<2049x64x128xf32, #tpu.memory_space<hbm>> -> memref<2049x64x128xf32, #tpu.memory_space<hbm>>
    tpu.wait_indirect_dma semaphore(%arg9 : memref<!tpu.dma_semaphore, #tpu.memory_space<semaphore_mem>>) src(%dma_wait3A_758 : memref<2049x64x128xf32, #tpu.memory_space<hbm>>) dst(%arg7 : memref<4x64x128xf32, #tpu.memory_space<vmem>>)
    %mul3A_759 = arith.constant 128 : i32
    %mul3A_760 = arith.muli %add3A, %mul3A_759 : i32
    %add3A_761 = arith.constant 92 : i32
    %add3A_762 = arith.addi %mul3A_760, %add3A_761 : i32
    %dma_start3A_763 = arith.constant 0 : i32
    %dma_start3A_764 = arith.constant 0 : i32
    %dma_start3A_765 = tpu.memref_slice %arg4[%add3A_762, %dma_start3A_763, %dma_start3A_764] : memref<4096x64x128xf32, #tpu.memory_space<hbm>> -> memref<4x64x128xf32, #tpu.memory_space<hbm>>
    %dma_start3A_766 = arith.constant 0 : i32
    %dma_start3A_767 = arith.constant 0 : i32
    %dma_start3A_768 = tpu.memref_slice %arg4[%add3A_762, %dma_start3A_766, %dma_start3A_767] : memref<4096x64x128xf32, #tpu.memory_space<hbm>> -> memref<4x64x128xf32, #tpu.memory_space<hbm>>
    tpu.enqueue_dma source(%arg7 : memref<4x64x128xf32, #tpu.memory_space<vmem>>) target(%dma_start3A_768 : memref<4x64x128xf32, #tpu.memory_space<hbm>>) target_semaphore(%arg11 : memref<!tpu.dma_semaphore, #tpu.memory_space<semaphore_mem>>)
    %dma_wait3A_769 = arith.constant 0 : i32
    %dma_wait3A_770 = arith.constant 0 : i32
    %dma_wait3A_771 = tpu.memref_slice %arg4[%add3A_762, %dma_wait3A_769, %dma_wait3A_770] : memref<4096x64x128xf32, #tpu.memory_space<hbm>> -> memref<4x64x128xf32, #tpu.memory_space<hbm>>
    %dma_wait3A_772 = arith.constant 0 : i32
    %dma_wait3A_773 = arith.constant 0 : i32
    %dma_wait3A_774 = tpu.memref_slice %arg4[%add3A_762, %dma_wait3A_772, %dma_wait3A_773] : memref<4096x64x128xf32, #tpu.memory_space<hbm>> -> memref<4x64x128xf32, #tpu.memory_space<hbm>>
    tpu.wait_dma2 semaphore(%arg11 : memref<!tpu.dma_semaphore, #tpu.memory_space<semaphore_mem>>) src(%arg7 : memref<4x64x128xf32, #tpu.memory_space<vmem>>) dst(%dma_wait3A_774 : memref<4x64x128xf32, #tpu.memory_space<hbm>>)
    %dma_start3A_775 = arith.constant 25 : i32
    %dma_start3A_776 = arith.constant 0 : i32
    %dma_start3A_777 = tpu.memref_slice %arg5[%dma_start3A_775, %dma_start3A_776] : memref<32x4xi32, #tpu.memory_space<vmem>> -> memref<1x4xi32, #tpu.memory_space<vmem>>
    %dma_start3A_778 = tpu.memref_squeeze %dma_start3A_777 : memref<1x4xi32, #tpu.memory_space<vmem>> -> memref<4xi32, #tpu.memory_space<vmem>>
    %dma_start3A_779 = arith.constant 0 : i32
    %dma_start3A_780 = arith.constant 0 : i32
    %dma_start3A_781 = arith.constant 0 : i32
    %dma_start3A_782 = tpu.memref_slice %arg2[%dma_start3A_779, %dma_start3A_780, %dma_start3A_781] : memref<2049x64x128xf32, #tpu.memory_space<hbm>> -> memref<2049x64x128xf32, #tpu.memory_space<hbm>>
    tpu.enqueue_indirect_dma source(%dma_start3A_782 : memref<2049x64x128xf32, #tpu.memory_space<hbm>>) target(%arg7 : memref<4x64x128xf32, #tpu.memory_space<vmem>>) offsets(%dma_start3A_778 : memref<4xi32, #tpu.memory_space<vmem>>) semaphore(%arg9 : memref<!tpu.dma_semaphore, #tpu.memory_space<semaphore_mem>>)
    %dma_wait3A_783 = arith.constant 24 : i32
    %dma_wait3A_784 = arith.constant 0 : i32
    %dma_wait3A_785 = tpu.memref_slice %arg5[%dma_wait3A_783, %dma_wait3A_784] : memref<32x4xi32, #tpu.memory_space<vmem>> -> memref<1x4xi32, #tpu.memory_space<vmem>>
    %dma_wait3A_786 = tpu.memref_squeeze %dma_wait3A_785 : memref<1x4xi32, #tpu.memory_space<vmem>> -> memref<4xi32, #tpu.memory_space<vmem>>
    %dma_wait3A_787 = arith.constant 0 : i32
    %dma_wait3A_788 = arith.constant 0 : i32
    %dma_wait3A_789 = arith.constant 0 : i32
    %dma_wait3A_790 = tpu.memref_slice %arg2[%dma_wait3A_787, %dma_wait3A_788, %dma_wait3A_789] : memref<2049x64x128xf32, #tpu.memory_space<hbm>> -> memref<2049x64x128xf32, #tpu.memory_space<hbm>>
    tpu.wait_indirect_dma semaphore(%arg8 : memref<!tpu.dma_semaphore, #tpu.memory_space<semaphore_mem>>) src(%dma_wait3A_790 : memref<2049x64x128xf32, #tpu.memory_space<hbm>>) dst(%arg6 : memref<4x64x128xf32, #tpu.memory_space<vmem>>)
    %mul3A_791 = arith.constant 128 : i32
    %mul3A_792 = arith.muli %add3A, %mul3A_791 : i32
    %add3A_793 = arith.constant 96 : i32
    %add3A_794 = arith.addi %mul3A_792, %add3A_793 : i32
    %dma_start3A_795 = arith.constant 0 : i32
    %dma_start3A_796 = arith.constant 0 : i32
    %dma_start3A_797 = tpu.memref_slice %arg4[%add3A_794, %dma_start3A_795, %dma_start3A_796] : memref<4096x64x128xf32, #tpu.memory_space<hbm>> -> memref<4x64x128xf32, #tpu.memory_space<hbm>>
    %dma_start3A_798 = arith.constant 0 : i32
    %dma_start3A_799 = arith.constant 0 : i32
    %dma_start3A_800 = tpu.memref_slice %arg4[%add3A_794, %dma_start3A_798, %dma_start3A_799] : memref<4096x64x128xf32, #tpu.memory_space<hbm>> -> memref<4x64x128xf32, #tpu.memory_space<hbm>>
    tpu.enqueue_dma source(%arg6 : memref<4x64x128xf32, #tpu.memory_space<vmem>>) target(%dma_start3A_800 : memref<4x64x128xf32, #tpu.memory_space<hbm>>) target_semaphore(%arg10 : memref<!tpu.dma_semaphore, #tpu.memory_space<semaphore_mem>>)
    %dma_wait3A_801 = arith.constant 0 : i32
    %dma_wait3A_802 = arith.constant 0 : i32
    %dma_wait3A_803 = tpu.memref_slice %arg4[%add3A_794, %dma_wait3A_801, %dma_wait3A_802] : memref<4096x64x128xf32, #tpu.memory_space<hbm>> -> memref<4x64x128xf32, #tpu.memory_space<hbm>>
    %dma_wait3A_804 = arith.constant 0 : i32
    %dma_wait3A_805 = arith.constant 0 : i32
    %dma_wait3A_806 = tpu.memref_slice %arg4[%add3A_794, %dma_wait3A_804, %dma_wait3A_805] : memref<4096x64x128xf32, #tpu.memory_space<hbm>> -> memref<4x64x128xf32, #tpu.memory_space<hbm>>
    tpu.wait_dma2 semaphore(%arg10 : memref<!tpu.dma_semaphore, #tpu.memory_space<semaphore_mem>>) src(%arg6 : memref<4x64x128xf32, #tpu.memory_space<vmem>>) dst(%dma_wait3A_806 : memref<4x64x128xf32, #tpu.memory_space<hbm>>)
    %dma_start3A_807 = arith.constant 26 : i32
    %dma_start3A_808 = arith.constant 0 : i32
    %dma_start3A_809 = tpu.memref_slice %arg5[%dma_start3A_807, %dma_start3A_808] : memref<32x4xi32, #tpu.memory_space<vmem>> -> memref<1x4xi32, #tpu.memory_space<vmem>>
    %dma_start3A_810 = tpu.memref_squeeze %dma_start3A_809 : memref<1x4xi32, #tpu.memory_space<vmem>> -> memref<4xi32, #tpu.memory_space<vmem>>
    %dma_start3A_811 = arith.constant 0 : i32
    %dma_start3A_812 = arith.constant 0 : i32
    %dma_start3A_813 = arith.constant 0 : i32
    %dma_start3A_814 = tpu.memref_slice %arg2[%dma_start3A_811, %dma_start3A_812, %dma_start3A_813] : memref<2049x64x128xf32, #tpu.memory_space<hbm>> -> memref<2049x64x128xf32, #tpu.memory_space<hbm>>
    tpu.enqueue_indirect_dma source(%dma_start3A_814 : memref<2049x64x128xf32, #tpu.memory_space<hbm>>) target(%arg6 : memref<4x64x128xf32, #tpu.memory_space<vmem>>) offsets(%dma_start3A_810 : memref<4xi32, #tpu.memory_space<vmem>>) semaphore(%arg8 : memref<!tpu.dma_semaphore, #tpu.memory_space<semaphore_mem>>)
    %dma_wait3A_815 = arith.constant 25 : i32
    %dma_wait3A_816 = arith.constant 0 : i32
    %dma_wait3A_817 = tpu.memref_slice %arg5[%dma_wait3A_815, %dma_wait3A_816] : memref<32x4xi32, #tpu.memory_space<vmem>> -> memref<1x4xi32, #tpu.memory_space<vmem>>
    %dma_wait3A_818 = tpu.memref_squeeze %dma_wait3A_817 : memref<1x4xi32, #tpu.memory_space<vmem>> -> memref<4xi32, #tpu.memory_space<vmem>>
    %dma_wait3A_819 = arith.constant 0 : i32
    %dma_wait3A_820 = arith.constant 0 : i32
    %dma_wait3A_821 = arith.constant 0 : i32
    %dma_wait3A_822 = tpu.memref_slice %arg2[%dma_wait3A_819, %dma_wait3A_820, %dma_wait3A_821] : memref<2049x64x128xf32, #tpu.memory_space<hbm>> -> memref<2049x64x128xf32, #tpu.memory_space<hbm>>
    tpu.wait_indirect_dma semaphore(%arg9 : memref<!tpu.dma_semaphore, #tpu.memory_space<semaphore_mem>>) src(%dma_wait3A_822 : memref<2049x64x128xf32, #tpu.memory_space<hbm>>) dst(%arg7 : memref<4x64x128xf32, #tpu.memory_space<vmem>>)
    %mul3A_823 = arith.constant 128 : i32
    %mul3A_824 = arith.muli %add3A, %mul3A_823 : i32
    %add3A_825 = arith.constant 100 : i32
    %add3A_826 = arith.addi %mul3A_824, %add3A_825 : i32
    %dma_start3A_827 = arith.constant 0 : i32
    %dma_start3A_828 = arith.constant 0 : i32
    %dma_start3A_829 = tpu.memref_slice %arg4[%add3A_826, %dma_start3A_827, %dma_start3A_828] : memref<4096x64x128xf32, #tpu.memory_space<hbm>> -> memref<4x64x128xf32, #tpu.memory_space<hbm>>
    %dma_start3A_830 = arith.constant 0 : i32
    %dma_start3A_831 = arith.constant 0 : i32
    %dma_start3A_832 = tpu.memref_slice %arg4[%add3A_826, %dma_start3A_830, %dma_start3A_831] : memref<4096x64x128xf32, #tpu.memory_space<hbm>> -> memref<4x64x128xf32, #tpu.memory_space<hbm>>
    tpu.enqueue_dma source(%arg7 : memref<4x64x128xf32, #tpu.memory_space<vmem>>) target(%dma_start3A_832 : memref<4x64x128xf32, #tpu.memory_space<hbm>>) target_semaphore(%arg11 : memref<!tpu.dma_semaphore, #tpu.memory_space<semaphore_mem>>)
    %dma_wait3A_833 = arith.constant 0 : i32
    %dma_wait3A_834 = arith.constant 0 : i32
    %dma_wait3A_835 = tpu.memref_slice %arg4[%add3A_826, %dma_wait3A_833, %dma_wait3A_834] : memref<4096x64x128xf32, #tpu.memory_space<hbm>> -> memref<4x64x128xf32, #tpu.memory_space<hbm>>
    %dma_wait3A_836 = arith.constant 0 : i32
    %dma_wait3A_837 = arith.constant 0 : i32
    %dma_wait3A_838 = tpu.memref_slice %arg4[%add3A_826, %dma_wait3A_836, %dma_wait3A_837] : memref<4096x64x128xf32, #tpu.memory_space<hbm>> -> memref<4x64x128xf32, #tpu.memory_space<hbm>>
    tpu.wait_dma2 semaphore(%arg11 : memref<!tpu.dma_semaphore, #tpu.memory_space<semaphore_mem>>) src(%arg7 : memref<4x64x128xf32, #tpu.memory_space<vmem>>) dst(%dma_wait3A_838 : memref<4x64x128xf32, #tpu.memory_space<hbm>>)
    %dma_start3A_839 = arith.constant 27 : i32
    %dma_start3A_840 = arith.constant 0 : i32
    %dma_start3A_841 = tpu.memref_slice %arg5[%dma_start3A_839, %dma_start3A_840] : memref<32x4xi32, #tpu.memory_space<vmem>> -> memref<1x4xi32, #tpu.memory_space<vmem>>
    %dma_start3A_842 = tpu.memref_squeeze %dma_start3A_841 : memref<1x4xi32, #tpu.memory_space<vmem>> -> memref<4xi32, #tpu.memory_space<vmem>>
    %dma_start3A_843 = arith.constant 0 : i32
    %dma_start3A_844 = arith.constant 0 : i32
    %dma_start3A_845 = arith.constant 0 : i32
    %dma_start3A_846 = tpu.memref_slice %arg2[%dma_start3A_843, %dma_start3A_844, %dma_start3A_845] : memref<2049x64x128xf32, #tpu.memory_space<hbm>> -> memref<2049x64x128xf32, #tpu.memory_space<hbm>>
    tpu.enqueue_indirect_dma source(%dma_start3A_846 : memref<2049x64x128xf32, #tpu.memory_space<hbm>>) target(%arg7 : memref<4x64x128xf32, #tpu.memory_space<vmem>>) offsets(%dma_start3A_842 : memref<4xi32, #tpu.memory_space<vmem>>) semaphore(%arg9 : memref<!tpu.dma_semaphore, #tpu.memory_space<semaphore_mem>>)
    %dma_wait3A_847 = arith.constant 26 : i32
    %dma_wait3A_848 = arith.constant 0 : i32
    %dma_wait3A_849 = tpu.memref_slice %arg5[%dma_wait3A_847, %dma_wait3A_848] : memref<32x4xi32, #tpu.memory_space<vmem>> -> memref<1x4xi32, #tpu.memory_space<vmem>>
    %dma_wait3A_850 = tpu.memref_squeeze %dma_wait3A_849 : memref<1x4xi32, #tpu.memory_space<vmem>> -> memref<4xi32, #tpu.memory_space<vmem>>
    %dma_wait3A_851 = arith.constant 0 : i32
    %dma_wait3A_852 = arith.constant 0 : i32
    %dma_wait3A_853 = arith.constant 0 : i32
    %dma_wait3A_854 = tpu.memref_slice %arg2[%dma_wait3A_851, %dma_wait3A_852, %dma_wait3A_853] : memref<2049x64x128xf32, #tpu.memory_space<hbm>> -> memref<2049x64x128xf32, #tpu.memory_space<hbm>>
    tpu.wait_indirect_dma semaphore(%arg8 : memref<!tpu.dma_semaphore, #tpu.memory_space<semaphore_mem>>) src(%dma_wait3A_854 : memref<2049x64x128xf32, #tpu.memory_space<hbm>>) dst(%arg6 : memref<4x64x128xf32, #tpu.memory_space<vmem>>)
    %mul3A_855 = arith.constant 128 : i32
    %mul3A_856 = arith.muli %add3A, %mul3A_855 : i32
    %add3A_857 = arith.constant 104 : i32
    %add3A_858 = arith.addi %mul3A_856, %add3A_857 : i32
    %dma_start3A_859 = arith.constant 0 : i32
    %dma_start3A_860 = arith.constant 0 : i32
    %dma_start3A_861 = tpu.memref_slice %arg4[%add3A_858, %dma_start3A_859, %dma_start3A_860] : memref<4096x64x128xf32, #tpu.memory_space<hbm>> -> memref<4x64x128xf32, #tpu.memory_space<hbm>>
    %dma_start3A_862 = arith.constant 0 : i32
    %dma_start3A_863 = arith.constant 0 : i32
    %dma_start3A_864 = tpu.memref_slice %arg4[%add3A_858, %dma_start3A_862, %dma_start3A_863] : memref<4096x64x128xf32, #tpu.memory_space<hbm>> -> memref<4x64x128xf32, #tpu.memory_space<hbm>>
    tpu.enqueue_dma source(%arg6 : memref<4x64x128xf32, #tpu.memory_space<vmem>>) target(%dma_start3A_864 : memref<4x64x128xf32, #tpu.memory_space<hbm>>) target_semaphore(%arg10 : memref<!tpu.dma_semaphore, #tpu.memory_space<semaphore_mem>>)
    %dma_wait3A_865 = arith.constant 0 : i32
    %dma_wait3A_866 = arith.constant 0 : i32
    %dma_wait3A_867 = tpu.memref_slice %arg4[%add3A_858, %dma_wait3A_865, %dma_wait3A_866] : memref<4096x64x128xf32, #tpu.memory_space<hbm>> -> memref<4x64x128xf32, #tpu.memory_space<hbm>>
    %dma_wait3A_868 = arith.constant 0 : i32
    %dma_wait3A_869 = arith.constant 0 : i32
    %dma_wait3A_870 = tpu.memref_slice %arg4[%add3A_858, %dma_wait3A_868, %dma_wait3A_869] : memref<4096x64x128xf32, #tpu.memory_space<hbm>> -> memref<4x64x128xf32, #tpu.memory_space<hbm>>
    tpu.wait_dma2 semaphore(%arg10 : memref<!tpu.dma_semaphore, #tpu.memory_space<semaphore_mem>>) src(%arg6 : memref<4x64x128xf32, #tpu.memory_space<vmem>>) dst(%dma_wait3A_870 : memref<4x64x128xf32, #tpu.memory_space<hbm>>)
    %dma_start3A_871 = arith.constant 28 : i32
    %dma_start3A_872 = arith.constant 0 : i32
    %dma_start3A_873 = tpu.memref_slice %arg5[%dma_start3A_871, %dma_start3A_872] : memref<32x4xi32, #tpu.memory_space<vmem>> -> memref<1x4xi32, #tpu.memory_space<vmem>>
    %dma_start3A_874 = tpu.memref_squeeze %dma_start3A_873 : memref<1x4xi32, #tpu.memory_space<vmem>> -> memref<4xi32, #tpu.memory_space<vmem>>
    %dma_start3A_875 = arith.constant 0 : i32
    %dma_start3A_876 = arith.constant 0 : i32
    %dma_start3A_877 = arith.constant 0 : i32
    %dma_start3A_878 = tpu.memref_slice %arg2[%dma_start3A_875, %dma_start3A_876, %dma_start3A_877] : memref<2049x64x128xf32, #tpu.memory_space<hbm>> -> memref<2049x64x128xf32, #tpu.memory_space<hbm>>
    tpu.enqueue_indirect_dma source(%dma_start3A_878 : memref<2049x64x128xf32, #tpu.memory_space<hbm>>) target(%arg6 : memref<4x64x128xf32, #tpu.memory_space<vmem>>) offsets(%dma_start3A_874 : memref<4xi32, #tpu.memory_space<vmem>>) semaphore(%arg8 : memref<!tpu.dma_semaphore, #tpu.memory_space<semaphore_mem>>)
    %dma_wait3A_879 = arith.constant 27 : i32
    %dma_wait3A_880 = arith.constant 0 : i32
    %dma_wait3A_881 = tpu.memref_slice %arg5[%dma_wait3A_879, %dma_wait3A_880] : memref<32x4xi32, #tpu.memory_space<vmem>> -> memref<1x4xi32, #tpu.memory_space<vmem>>
    %dma_wait3A_882 = tpu.memref_squeeze %dma_wait3A_881 : memref<1x4xi32, #tpu.memory_space<vmem>> -> memref<4xi32, #tpu.memory_space<vmem>>
    %dma_wait3A_883 = arith.constant 0 : i32
    %dma_wait3A_884 = arith.constant 0 : i32
    %dma_wait3A_885 = arith.constant 0 : i32
    %dma_wait3A_886 = tpu.memref_slice %arg2[%dma_wait3A_883, %dma_wait3A_884, %dma_wait3A_885] : memref<2049x64x128xf32, #tpu.memory_space<hbm>> -> memref<2049x64x128xf32, #tpu.memory_space<hbm>>
    tpu.wait_indirect_dma semaphore(%arg9 : memref<!tpu.dma_semaphore, #tpu.memory_space<semaphore_mem>>) src(%dma_wait3A_886 : memref<2049x64x128xf32, #tpu.memory_space<hbm>>) dst(%arg7 : memref<4x64x128xf32, #tpu.memory_space<vmem>>)
    %mul3A_887 = arith.constant 128 : i32
    %mul3A_888 = arith.muli %add3A, %mul3A_887 : i32
    %add3A_889 = arith.constant 108 : i32
    %add3A_890 = arith.addi %mul3A_888, %add3A_889 : i32
    %dma_start3A_891 = arith.constant 0 : i32
    %dma_start3A_892 = arith.constant 0 : i32
    %dma_start3A_893 = tpu.memref_slice %arg4[%add3A_890, %dma_start3A_891, %dma_start3A_892] : memref<4096x64x128xf32, #tpu.memory_space<hbm>> -> memref<4x64x128xf32, #tpu.memory_space<hbm>>
    %dma_start3A_894 = arith.constant 0 : i32
    %dma_start3A_895 = arith.constant 0 : i32
    %dma_start3A_896 = tpu.memref_slice %arg4[%add3A_890, %dma_start3A_894, %dma_start3A_895] : memref<4096x64x128xf32, #tpu.memory_space<hbm>> -> memref<4x64x128xf32, #tpu.memory_space<hbm>>
    tpu.enqueue_dma source(%arg7 : memref<4x64x128xf32, #tpu.memory_space<vmem>>) target(%dma_start3A_896 : memref<4x64x128xf32, #tpu.memory_space<hbm>>) target_semaphore(%arg11 : memref<!tpu.dma_semaphore, #tpu.memory_space<semaphore_mem>>)
    %dma_wait3A_897 = arith.constant 0 : i32
    %dma_wait3A_898 = arith.constant 0 : i32
    %dma_wait3A_899 = tpu.memref_slice %arg4[%add3A_890, %dma_wait3A_897, %dma_wait3A_898] : memref<4096x64x128xf32, #tpu.memory_space<hbm>> -> memref<4x64x128xf32, #tpu.memory_space<hbm>>
    %dma_wait3A_900 = arith.constant 0 : i32
    %dma_wait3A_901 = arith.constant 0 : i32
    %dma_wait3A_902 = tpu.memref_slice %arg4[%add3A_890, %dma_wait3A_900, %dma_wait3A_901] : memref<4096x64x128xf32, #tpu.memory_space<hbm>> -> memref<4x64x128xf32, #tpu.memory_space<hbm>>
    tpu.wait_dma2 semaphore(%arg11 : memref<!tpu.dma_semaphore, #tpu.memory_space<semaphore_mem>>) src(%arg7 : memref<4x64x128xf32, #tpu.memory_space<vmem>>) dst(%dma_wait3A_902 : memref<4x64x128xf32, #tpu.memory_space<hbm>>)
    %dma_start3A_903 = arith.constant 29 : i32
    %dma_start3A_904 = arith.constant 0 : i32
    %dma_start3A_905 = tpu.memref_slice %arg5[%dma_start3A_903, %dma_start3A_904] : memref<32x4xi32, #tpu.memory_space<vmem>> -> memref<1x4xi32, #tpu.memory_space<vmem>>
    %dma_start3A_906 = tpu.memref_squeeze %dma_start3A_905 : memref<1x4xi32, #tpu.memory_space<vmem>> -> memref<4xi32, #tpu.memory_space<vmem>>
    %dma_start3A_907 = arith.constant 0 : i32
    %dma_start3A_908 = arith.constant 0 : i32
    %dma_start3A_909 = arith.constant 0 : i32
    %dma_start3A_910 = tpu.memref_slice %arg2[%dma_start3A_907, %dma_start3A_908, %dma_start3A_909] : memref<2049x64x128xf32, #tpu.memory_space<hbm>> -> memref<2049x64x128xf32, #tpu.memory_space<hbm>>
    tpu.enqueue_indirect_dma source(%dma_start3A_910 : memref<2049x64x128xf32, #tpu.memory_space<hbm>>) target(%arg7 : memref<4x64x128xf32, #tpu.memory_space<vmem>>) offsets(%dma_start3A_906 : memref<4xi32, #tpu.memory_space<vmem>>) semaphore(%arg9 : memref<!tpu.dma_semaphore, #tpu.memory_space<semaphore_mem>>)
    %dma_wait3A_911 = arith.constant 28 : i32
    %dma_wait3A_912 = arith.constant 0 : i32
    %dma_wait3A_913 = tpu.memref_slice %arg5[%dma_wait3A_911, %dma_wait3A_912] : memref<32x4xi32, #tpu.memory_space<vmem>> -> memref<1x4xi32, #tpu.memory_space<vmem>>
    %dma_wait3A_914 = tpu.memref_squeeze %dma_wait3A_913 : memref<1x4xi32, #tpu.memory_space<vmem>> -> memref<4xi32, #tpu.memory_space<vmem>>
    %dma_wait3A_915 = arith.constant 0 : i32
    %dma_wait3A_916 = arith.constant 0 : i32
    %dma_wait3A_917 = arith.constant 0 : i32
    %dma_wait3A_918 = tpu.memref_slice %arg2[%dma_wait3A_915, %dma_wait3A_916, %dma_wait3A_917] : memref<2049x64x128xf32, #tpu.memory_space<hbm>> -> memref<2049x64x128xf32, #tpu.memory_space<hbm>>
    tpu.wait_indirect_dma semaphore(%arg8 : memref<!tpu.dma_semaphore, #tpu.memory_space<semaphore_mem>>) src(%dma_wait3A_918 : memref<2049x64x128xf32, #tpu.memory_space<hbm>>) dst(%arg6 : memref<4x64x128xf32, #tpu.memory_space<vmem>>)
    %mul3A_919 = arith.constant 128 : i32
    %mul3A_920 = arith.muli %add3A, %mul3A_919 : i32
    %add3A_921 = arith.constant 112 : i32
    %add3A_922 = arith.addi %mul3A_920, %add3A_921 : i32
    %dma_start3A_923 = arith.constant 0 : i32
    %dma_start3A_924 = arith.constant 0 : i32
    %dma_start3A_925 = tpu.memref_slice %arg4[%add3A_922, %dma_start3A_923, %dma_start3A_924] : memref<4096x64x128xf32, #tpu.memory_space<hbm>> -> memref<4x64x128xf32, #tpu.memory_space<hbm>>
    %dma_start3A_926 = arith.constant 0 : i32
    %dma_start3A_927 = arith.constant 0 : i32
    %dma_start3A_928 = tpu.memref_slice %arg4[%add3A_922, %dma_start3A_926, %dma_start3A_927] : memref<4096x64x128xf32, #tpu.memory_space<hbm>> -> memref<4x64x128xf32, #tpu.memory_space<hbm>>
    tpu.enqueue_dma source(%arg6 : memref<4x64x128xf32, #tpu.memory_space<vmem>>) target(%dma_start3A_928 : memref<4x64x128xf32, #tpu.memory_space<hbm>>) target_semaphore(%arg10 : memref<!tpu.dma_semaphore, #tpu.memory_space<semaphore_mem>>)
    %dma_wait3A_929 = arith.constant 0 : i32
    %dma_wait3A_930 = arith.constant 0 : i32
    %dma_wait3A_931 = tpu.memref_slice %arg4[%add3A_922, %dma_wait3A_929, %dma_wait3A_930] : memref<4096x64x128xf32, #tpu.memory_space<hbm>> -> memref<4x64x128xf32, #tpu.memory_space<hbm>>
    %dma_wait3A_932 = arith.constant 0 : i32
    %dma_wait3A_933 = arith.constant 0 : i32
    %dma_wait3A_934 = tpu.memref_slice %arg4[%add3A_922, %dma_wait3A_932, %dma_wait3A_933] : memref<4096x64x128xf32, #tpu.memory_space<hbm>> -> memref<4x64x128xf32, #tpu.memory_space<hbm>>
    tpu.wait_dma2 semaphore(%arg10 : memref<!tpu.dma_semaphore, #tpu.memory_space<semaphore_mem>>) src(%arg6 : memref<4x64x128xf32, #tpu.memory_space<vmem>>) dst(%dma_wait3A_934 : memref<4x64x128xf32, #tpu.memory_space<hbm>>)
    %dma_start3A_935 = arith.constant 30 : i32
    %dma_start3A_936 = arith.constant 0 : i32
    %dma_start3A_937 = tpu.memref_slice %arg5[%dma_start3A_935, %dma_start3A_936] : memref<32x4xi32, #tpu.memory_space<vmem>> -> memref<1x4xi32, #tpu.memory_space<vmem>>
    %dma_start3A_938 = tpu.memref_squeeze %dma_start3A_937 : memref<1x4xi32, #tpu.memory_space<vmem>> -> memref<4xi32, #tpu.memory_space<vmem>>
    %dma_start3A_939 = arith.constant 0 : i32
    %dma_start3A_940 = arith.constant 0 : i32
    %dma_start3A_941 = arith.constant 0 : i32
    %dma_start3A_942 = tpu.memref_slice %arg2[%dma_start3A_939, %dma_start3A_940, %dma_start3A_941] : memref<2049x64x128xf32, #tpu.memory_space<hbm>> -> memref<2049x64x128xf32, #tpu.memory_space<hbm>>
    tpu.enqueue_indirect_dma source(%dma_start3A_942 : memref<2049x64x128xf32, #tpu.memory_space<hbm>>) target(%arg6 : memref<4x64x128xf32, #tpu.memory_space<vmem>>) offsets(%dma_start3A_938 : memref<4xi32, #tpu.memory_space<vmem>>) semaphore(%arg8 : memref<!tpu.dma_semaphore, #tpu.memory_space<semaphore_mem>>)
    %dma_wait3A_943 = arith.constant 29 : i32
    %dma_wait3A_944 = arith.constant 0 : i32
    %dma_wait3A_945 = tpu.memref_slice %arg5[%dma_wait3A_943, %dma_wait3A_944] : memref<32x4xi32, #tpu.memory_space<vmem>> -> memref<1x4xi32, #tpu.memory_space<vmem>>
    %dma_wait3A_946 = tpu.memref_squeeze %dma_wait3A_945 : memref<1x4xi32, #tpu.memory_space<vmem>> -> memref<4xi32, #tpu.memory_space<vmem>>
    %dma_wait3A_947 = arith.constant 0 : i32
    %dma_wait3A_948 = arith.constant 0 : i32
    %dma_wait3A_949 = arith.constant 0 : i32
    %dma_wait3A_950 = tpu.memref_slice %arg2[%dma_wait3A_947, %dma_wait3A_948, %dma_wait3A_949] : memref<2049x64x128xf32, #tpu.memory_space<hbm>> -> memref<2049x64x128xf32, #tpu.memory_space<hbm>>
    tpu.wait_indirect_dma semaphore(%arg9 : memref<!tpu.dma_semaphore, #tpu.memory_space<semaphore_mem>>) src(%dma_wait3A_950 : memref<2049x64x128xf32, #tpu.memory_space<hbm>>) dst(%arg7 : memref<4x64x128xf32, #tpu.memory_space<vmem>>)
    %mul3A_951 = arith.constant 128 : i32
    %mul3A_952 = arith.muli %add3A, %mul3A_951 : i32
    %add3A_953 = arith.constant 116 : i32
    %add3A_954 = arith.addi %mul3A_952, %add3A_953 : i32
    %dma_start3A_955 = arith.constant 0 : i32
    %dma_start3A_956 = arith.constant 0 : i32
    %dma_start3A_957 = tpu.memref_slice %arg4[%add3A_954, %dma_start3A_955, %dma_start3A_956] : memref<4096x64x128xf32, #tpu.memory_space<hbm>> -> memref<4x64x128xf32, #tpu.memory_space<hbm>>
    %dma_start3A_958 = arith.constant 0 : i32
    %dma_start3A_959 = arith.constant 0 : i32
    %dma_start3A_960 = tpu.memref_slice %arg4[%add3A_954, %dma_start3A_958, %dma_start3A_959] : memref<4096x64x128xf32, #tpu.memory_space<hbm>> -> memref<4x64x128xf32, #tpu.memory_space<hbm>>
    tpu.enqueue_dma source(%arg7 : memref<4x64x128xf32, #tpu.memory_space<vmem>>) target(%dma_start3A_960 : memref<4x64x128xf32, #tpu.memory_space<hbm>>) target_semaphore(%arg11 : memref<!tpu.dma_semaphore, #tpu.memory_space<semaphore_mem>>)
    %dma_wait3A_961 = arith.constant 0 : i32
    %dma_wait3A_962 = arith.constant 0 : i32
    %dma_wait3A_963 = tpu.memref_slice %arg4[%add3A_954, %dma_wait3A_961, %dma_wait3A_962] : memref<4096x64x128xf32, #tpu.memory_space<hbm>> -> memref<4x64x128xf32, #tpu.memory_space<hbm>>
    %dma_wait3A_964 = arith.constant 0 : i32
    %dma_wait3A_965 = arith.constant 0 : i32
    %dma_wait3A_966 = tpu.memref_slice %arg4[%add3A_954, %dma_wait3A_964, %dma_wait3A_965] : memref<4096x64x128xf32, #tpu.memory_space<hbm>> -> memref<4x64x128xf32, #tpu.memory_space<hbm>>
    tpu.wait_dma2 semaphore(%arg11 : memref<!tpu.dma_semaphore, #tpu.memory_space<semaphore_mem>>) src(%arg7 : memref<4x64x128xf32, #tpu.memory_space<vmem>>) dst(%dma_wait3A_966 : memref<4x64x128xf32, #tpu.memory_space<hbm>>)
    %dma_start3A_967 = arith.constant 31 : i32
    %dma_start3A_968 = arith.constant 0 : i32
    %dma_start3A_969 = tpu.memref_slice %arg5[%dma_start3A_967, %dma_start3A_968] : memref<32x4xi32, #tpu.memory_space<vmem>> -> memref<1x4xi32, #tpu.memory_space<vmem>>
    %dma_start3A_970 = tpu.memref_squeeze %dma_start3A_969 : memref<1x4xi32, #tpu.memory_space<vmem>> -> memref<4xi32, #tpu.memory_space<vmem>>
    %dma_start3A_971 = arith.constant 0 : i32
    %dma_start3A_972 = arith.constant 0 : i32
    %dma_start3A_973 = arith.constant 0 : i32
    %dma_start3A_974 = tpu.memref_slice %arg2[%dma_start3A_971, %dma_start3A_972, %dma_start3A_973] : memref<2049x64x128xf32, #tpu.memory_space<hbm>> -> memref<2049x64x128xf32, #tpu.memory_space<hbm>>
    tpu.enqueue_indirect_dma source(%dma_start3A_974 : memref<2049x64x128xf32, #tpu.memory_space<hbm>>) target(%arg7 : memref<4x64x128xf32, #tpu.memory_space<vmem>>) offsets(%dma_start3A_970 : memref<4xi32, #tpu.memory_space<vmem>>) semaphore(%arg9 : memref<!tpu.dma_semaphore, #tpu.memory_space<semaphore_mem>>)
    %dma_wait3A_975 = arith.constant 30 : i32
    %dma_wait3A_976 = arith.constant 0 : i32
    %dma_wait3A_977 = tpu.memref_slice %arg5[%dma_wait3A_975, %dma_wait3A_976] : memref<32x4xi32, #tpu.memory_space<vmem>> -> memref<1x4xi32, #tpu.memory_space<vmem>>
    %dma_wait3A_978 = tpu.memref_squeeze %dma_wait3A_977 : memref<1x4xi32, #tpu.memory_space<vmem>> -> memref<4xi32, #tpu.memory_space<vmem>>
    %dma_wait3A_979 = arith.constant 0 : i32
    %dma_wait3A_980 = arith.constant 0 : i32
    %dma_wait3A_981 = arith.constant 0 : i32
    %dma_wait3A_982 = tpu.memref_slice %arg2[%dma_wait3A_979, %dma_wait3A_980, %dma_wait3A_981] : memref<2049x64x128xf32, #tpu.memory_space<hbm>> -> memref<2049x64x128xf32, #tpu.memory_space<hbm>>
    tpu.wait_indirect_dma semaphore(%arg8 : memref<!tpu.dma_semaphore, #tpu.memory_space<semaphore_mem>>) src(%dma_wait3A_982 : memref<2049x64x128xf32, #tpu.memory_space<hbm>>) dst(%arg6 : memref<4x64x128xf32, #tpu.memory_space<vmem>>)
    %mul3A_983 = arith.constant 128 : i32
    %mul3A_984 = arith.muli %add3A, %mul3A_983 : i32
    %add3A_985 = arith.constant 120 : i32
    %add3A_986 = arith.addi %mul3A_984, %add3A_985 : i32
    %dma_start3A_987 = arith.constant 0 : i32
    %dma_start3A_988 = arith.constant 0 : i32
    %dma_start3A_989 = tpu.memref_slice %arg4[%add3A_986, %dma_start3A_987, %dma_start3A_988] : memref<4096x64x128xf32, #tpu.memory_space<hbm>> -> memref<4x64x128xf32, #tpu.memory_space<hbm>>
    %dma_start3A_990 = arith.constant 0 : i32
    %dma_start3A_991 = arith.constant 0 : i32
    %dma_start3A_992 = tpu.memref_slice %arg4[%add3A_986, %dma_start3A_990, %dma_start3A_991] : memref<4096x64x128xf32, #tpu.memory_space<hbm>> -> memref<4x64x128xf32, #tpu.memory_space<hbm>>
    tpu.enqueue_dma source(%arg6 : memref<4x64x128xf32, #tpu.memory_space<vmem>>) target(%dma_start3A_992 : memref<4x64x128xf32, #tpu.memory_space<hbm>>) target_semaphore(%arg10 : memref<!tpu.dma_semaphore, #tpu.memory_space<semaphore_mem>>)
    %dma_wait3A_993 = arith.constant 31 : i32
    %dma_wait3A_994 = arith.constant 0 : i32
    %dma_wait3A_995 = tpu.memref_slice %arg5[%dma_wait3A_993, %dma_wait3A_994] : memref<32x4xi32, #tpu.memory_space<vmem>> -> memref<1x4xi32, #tpu.memory_space<vmem>>
    %dma_wait3A_996 = tpu.memref_squeeze %dma_wait3A_995 : memref<1x4xi32, #tpu.memory_space<vmem>> -> memref<4xi32, #tpu.memory_space<vmem>>
    %dma_wait3A_997 = arith.constant 0 : i32
    %dma_wait3A_998 = arith.constant 0 : i32
    %dma_wait3A_999 = arith.constant 0 : i32
    %dma_wait3A_1000 = tpu.memref_slice %arg2[%dma_wait3A_997, %dma_wait3A_998, %dma_wait3A_999] : memref<2049x64x128xf32, #tpu.memory_space<hbm>> -> memref<2049x64x128xf32, #tpu.memory_space<hbm>>
    tpu.wait_indirect_dma semaphore(%arg9 : memref<!tpu.dma_semaphore, #tpu.memory_space<semaphore_mem>>) src(%dma_wait3A_1000 : memref<2049x64x128xf32, #tpu.memory_space<hbm>>) dst(%arg7 : memref<4x64x128xf32, #tpu.memory_space<vmem>>)
    %mul3A_1001 = arith.constant 128 : i32
    %mul3A_1002 = arith.muli %add3A, %mul3A_1001 : i32
    %add3A_1003 = arith.constant 124 : i32
    %add3A_1004 = arith.addi %mul3A_1002, %add3A_1003 : i32
    %dma_start3A_1005 = arith.constant 0 : i32
    %dma_start3A_1006 = arith.constant 0 : i32
    %dma_start3A_1007 = tpu.memref_slice %arg4[%add3A_1004, %dma_start3A_1005, %dma_start3A_1006] : memref<4096x64x128xf32, #tpu.memory_space<hbm>> -> memref<4x64x128xf32, #tpu.memory_space<hbm>>
    %dma_start3A_1008 = arith.constant 0 : i32
    %dma_start3A_1009 = arith.constant 0 : i32
    %dma_start3A_1010 = tpu.memref_slice %arg4[%add3A_1004, %dma_start3A_1008, %dma_start3A_1009] : memref<4096x64x128xf32, #tpu.memory_space<hbm>> -> memref<4x64x128xf32, #tpu.memory_space<hbm>>
    tpu.enqueue_dma source(%arg7 : memref<4x64x128xf32, #tpu.memory_space<vmem>>) target(%dma_start3A_1010 : memref<4x64x128xf32, #tpu.memory_space<hbm>>) target_semaphore(%arg11 : memref<!tpu.dma_semaphore, #tpu.memory_space<semaphore_mem>>)
    %dma_wait3A_1011 = arith.constant 0 : i32
    %dma_wait3A_1012 = arith.constant 0 : i32
    %dma_wait3A_1013 = tpu.memref_slice %arg4[%add3A_986, %dma_wait3A_1011, %dma_wait3A_1012] : memref<4096x64x128xf32, #tpu.memory_space<hbm>> -> memref<4x64x128xf32, #tpu.memory_space<hbm>>
    %dma_wait3A_1014 = arith.constant 0 : i32
    %dma_wait3A_1015 = arith.constant 0 : i32
    %dma_wait3A_1016 = tpu.memref_slice %arg4[%add3A_986, %dma_wait3A_1014, %dma_wait3A_1015] : memref<4096x64x128xf32, #tpu.memory_space<hbm>> -> memref<4x64x128xf32, #tpu.memory_space<hbm>>
    tpu.wait_dma2 semaphore(%arg10 : memref<!tpu.dma_semaphore, #tpu.memory_space<semaphore_mem>>) src(%arg6 : memref<4x64x128xf32, #tpu.memory_space<vmem>>) dst(%dma_wait3A_1016 : memref<4x64x128xf32, #tpu.memory_space<hbm>>)
    %dma_wait3A_1017 = arith.constant 0 : i32
    %dma_wait3A_1018 = arith.constant 0 : i32
    %dma_wait3A_1019 = tpu.memref_slice %arg4[%add3A_1004, %dma_wait3A_1017, %dma_wait3A_1018] : memref<4096x64x128xf32, #tpu.memory_space<hbm>> -> memref<4x64x128xf32, #tpu.memory_space<hbm>>
    %dma_wait3A_1020 = arith.constant 0 : i32
    %dma_wait3A_1021 = arith.constant 0 : i32
    %dma_wait3A_1022 = tpu.memref_slice %arg4[%add3A_1004, %dma_wait3A_1020, %dma_wait3A_1021] : memref<4096x64x128xf32, #tpu.memory_space<hbm>> -> memref<4x64x128xf32, #tpu.memory_space<hbm>>
    tpu.wait_dma2 semaphore(%arg11 : memref<!tpu.dma_semaphore, #tpu.memory_space<semaphore_mem>>) src(%arg7 : memref<4x64x128xf32, #tpu.memory_space<vmem>>) dst(%dma_wait3A_1022 : memref<4x64x128xf32, #tpu.memory_space<hbm>>)
    return
  }
}

#map = affine_map<(d0, d1) -> (0, 0, 0)>
module attributes {stable_mosaic.version = 14 : i64} {
  func.func @gather_k(%arg0: i32, %arg1: i32, %arg2: memref<2049x64x128xf32, #tpu.memory_space<hbm>>, %arg3: memref<32x32x4xi32, #tpu.memory_space<hbm>>, %arg4: memref<4096x64x128xf32, #tpu.memory_space<hbm>>, %arg5: memref<32x4xi32, #tpu.memory_space<vmem>>, %arg6: memref<4x64x128xf32, #tpu.memory_space<vmem>>, %arg7: memref<4x64x128xf32, #tpu.memory_space<vmem>>, %arg8: memref<!tpu.dma_semaphore, #tpu.memory_space<semaphore_mem>>, %arg9: memref<!tpu.dma_semaphore, #tpu.memory_space<semaphore_mem>>, %arg10: memref<!tpu.dma_semaphore, #tpu.memory_space<semaphore_mem>>, %arg11: memref<!tpu.dma_semaphore, #tpu.memory_space<semaphore_mem>>) attributes {dimension_semantics = [#tpu.dimension_semantics<core_parallel>, #tpu.dimension_semantics<subcore_parallel>], iteration_bounds = array<i64: 2, 16>, scalar_prefetch = 0 : i64, scratch_operands = 7 : i64, tpu.core_type = #tpu.core_type<sc_vector_subcore>, window_params = [{transform_indices = #map}, {transform_indices = #map}, {transform_indices = #map}]} {
    %mul3A = arith.constant 2 : i32
    %mul3A_0 = arith.muli %arg1, %mul3A : i32
    %add3A = arith.addi %mul3A_0, %arg0 : i32
    "tpu.region"() ({
      %run_scoped3A = tpu.sem_alloc : memref<!tpu.dma_semaphore, #tpu.memory_space<semaphore_mem>>
      %dma_start3A_1023 = arith.constant 0 : i32
      %dma_start3A_1024 = arith.constant 0 : i32
      %dma_start3A_1025 = tpu.memref_slice %arg3[%add3A, %dma_start3A_1023, %dma_start3A_1024] : memref<32x32x4xi32, #tpu.memory_space<hbm>> -> memref<1x32x4xi32, #tpu.memory_space<hbm>>
      %dma_start3A_1026 = tpu.memref_squeeze %dma_start3A_1025 : memref<1x32x4xi32, #tpu.memory_space<hbm>> -> memref<32x4xi32, #tpu.memory_space<hbm>>
      %dma_start3A_1027 = arith.constant 0 : i32
      %dma_start3A_1028 = arith.constant 0 : i32
      %dma_start3A_1029 = tpu.memref_slice %arg3[%add3A, %dma_start3A_1027, %dma_start3A_1028] : memref<32x32x4xi32, #tpu.memory_space<hbm>> -> memref<1x32x4xi32, #tpu.memory_space<hbm>>
      %dma_start3A_1030 = tpu.memref_squeeze %dma_start3A_1029 : memref<1x32x4xi32, #tpu.memory_space<hbm>> -> memref<32x4xi32, #tpu.memory_space<hbm>>
      tpu.enqueue_dma source(%dma_start3A_1030 : memref<32x4xi32, #tpu.memory_space<hbm>>) target(%arg5 : memref<32x4xi32, #tpu.memory_space<vmem>>) target_semaphore(%run_scoped3A : memref<!tpu.dma_semaphore, #tpu.memory_space<semaphore_mem>>)
      %dma_wait3A_1031 = arith.constant 0 : i32
      %dma_wait3A_1032 = arith.constant 0 : i32
      %dma_wait3A_1033 = tpu.memref_slice %arg3[%add3A, %dma_wait3A_1031, %dma_wait3A_1032] : memref<32x32x4xi32, #tpu.memory_space<hbm>> -> memref<1x32x4xi32, #tpu.memory_space<hbm>>
      %dma_wait3A_1034 = tpu.memref_squeeze %dma_wait3A_1033 : memref<1x32x4xi32, #tpu.memory_space<hbm>> -> memref<32x4xi32, #tpu.memory_space<hbm>>
      %dma_wait3A_1035 = arith.constant 0 : i32
      %dma_wait3A_1036 = arith.constant 0 : i32
      %dma_wait3A_1037 = tpu.memref_slice %arg3[%add3A, %dma_wait3A_1035, %dma_wait3A_1036] : memref<32x32x4xi32, #tpu.memory_space<hbm>> -> memref<1x32x4xi32, #tpu.memory_space<hbm>>
      %dma_wait3A_1038 = tpu.memref_squeeze %dma_wait3A_1037 : memref<1x32x4xi32, #tpu.memory_space<hbm>> -> memref<32x4xi32, #tpu.memory_space<hbm>>
      tpu.wait_dma2 semaphore(%run_scoped3A : memref<!tpu.dma_semaphore, #tpu.memory_space<semaphore_mem>>) src(%dma_wait3A_1038 : memref<32x4xi32, #tpu.memory_space<hbm>>) dst(%arg5 : memref<32x4xi32, #tpu.memory_space<vmem>>)
      tpu.yield
    }) : () -> ()
    %dma_start3A = arith.constant 0 : i32
    %dma_start3A_1 = arith.constant 0 : i32
    %dma_start3A_2 = tpu.memref_slice %arg5[%dma_start3A, %dma_start3A_1] : memref<32x4xi32, #tpu.memory_space<vmem>> -> memref<1x4xi32, #tpu.memory_space<vmem>>
    %dma_start3A_3 = tpu.memref_squeeze %dma_start3A_2 : memref<1x4xi32, #tpu.memory_space<vmem>> -> memref<4xi32, #tpu.memory_space<vmem>>
    %dma_start3A_4 = arith.constant 0 : i32
    %dma_start3A_5 = arith.constant 0 : i32
    %dma_start3A_6 = arith.constant 0 : i32
    %dma_start3A_7 = tpu.memref_slice %arg2[%dma_start3A_4, %dma_start3A_5, %dma_start3A_6] : memref<2049x64x128xf32, #tpu.memory_space<hbm>> -> memref<2049x64x128xf32, #tpu.memory_space<hbm>>
    tpu.enqueue_indirect_dma source(%dma_start3A_7 : memref<2049x64x128xf32, #tpu.memory_space<hbm>>) target(%arg6 : memref<4x64x128xf32, #tpu.memory_space<vmem>>) offsets(%dma_start3A_3 : memref<4xi32, #tpu.memory_space<vmem>>) semaphore(%arg8 : memref<!tpu.dma_semaphore, #tpu.memory_space<semaphore_mem>>)
    %dma_start3A_8 = arith.constant 1 : i32
    %dma_start3A_9 = arith.constant 0 : i32
    %dma_start3A_10 = tpu.memref_slice %arg5[%dma_start3A_8, %dma_start3A_9] : memref<32x4xi32, #tpu.memory_space<vmem>> -> memref<1x4xi32, #tpu.memory_space<vmem>>
    %dma_start3A_11 = tpu.memref_squeeze %dma_start3A_10 : memref<1x4xi32, #tpu.memory_space<vmem>> -> memref<4xi32, #tpu.memory_space<vmem>>
    %dma_start3A_12 = arith.constant 0 : i32
    %dma_start3A_13 = arith.constant 0 : i32
    %dma_start3A_14 = arith.constant 0 : i32
    %dma_start3A_15 = tpu.memref_slice %arg2[%dma_start3A_12, %dma_start3A_13, %dma_start3A_14] : memref<2049x64x128xf32, #tpu.memory_space<hbm>> -> memref<2049x64x128xf32, #tpu.memory_space<hbm>>
    tpu.enqueue_indirect_dma source(%dma_start3A_15 : memref<2049x64x128xf32, #tpu.memory_space<hbm>>) target(%arg7 : memref<4x64x128xf32, #tpu.memory_space<vmem>>) offsets(%dma_start3A_11 : memref<4xi32, #tpu.memory_space<vmem>>) semaphore(%arg9 : memref<!tpu.dma_semaphore, #tpu.memory_space<semaphore_mem>>)
    %dma_wait3A = arith.constant 0 : i32
    %dma_wait3A_16 = arith.constant 0 : i32
    %dma_wait3A_17 = tpu.memref_slice %arg5[%dma_wait3A, %dma_wait3A_16] : memref<32x4xi32, #tpu.memory_space<vmem>> -> memref<1x4xi32, #tpu.memory_space<vmem>>
    %dma_wait3A_18 = tpu.memref_squeeze %dma_wait3A_17 : memref<1x4xi32, #tpu.memory_space<vmem>> -> memref<4xi32, #tpu.memory_space<vmem>>
    %dma_wait3A_19 = arith.constant 0 : i32
    %dma_wait3A_20 = arith.constant 0 : i32
    %dma_wait3A_21 = arith.constant 0 : i32
    %dma_wait3A_22 = tpu.memref_slice %arg2[%dma_wait3A_19, %dma_wait3A_20, %dma_wait3A_21] : memref<2049x64x128xf32, #tpu.memory_space<hbm>> -> memref<2049x64x128xf32, #tpu.memory_space<hbm>>
    tpu.wait_indirect_dma semaphore(%arg8 : memref<!tpu.dma_semaphore, #tpu.memory_space<semaphore_mem>>) src(%dma_wait3A_22 : memref<2049x64x128xf32, #tpu.memory_space<hbm>>) dst(%arg6 : memref<4x64x128xf32, #tpu.memory_space<vmem>>)
    %mul3A_23 = arith.constant 128 : i32
    %mul3A_24 = arith.muli %add3A, %mul3A_23 : i32
    %add3A_25 = arith.constant 0 : i32
    %add3A_26 = arith.addi %mul3A_24, %add3A_25 : i32
    %dma_start3A_27 = arith.constant 0 : i32
    %dma_start3A_28 = arith.constant 0 : i32
    %dma_start3A_29 = tpu.memref_slice %arg4[%add3A_26, %dma_start3A_27, %dma_start3A_28] : memref<4096x64x128xf32, #tpu.memory_space<hbm>> -> memref<4x64x128xf32, #tpu.memory_space<hbm>>
    %dma_start3A_30 = arith.constant 0 : i32
    %dma_start3A_31 = arith.constant 0 : i32
    %dma_start3A_32 = tpu.memref_slice %arg4[%add3A_26, %dma_start3A_30, %dma_start3A_31] : memref<4096x64x128xf32, #tpu.memory_space<hbm>> -> memref<4x64x128xf32, #tpu.memory_space<hbm>>
    tpu.enqueue_dma source(%arg6 : memref<4x64x128xf32, #tpu.memory_space<vmem>>) target(%dma_start3A_32 : memref<4x64x128xf32, #tpu.memory_space<hbm>>) target_semaphore(%arg10 : memref<!tpu.dma_semaphore, #tpu.memory_space<semaphore_mem>>)
    %dma_wait3A_33 = arith.constant 0 : i32
    %dma_wait3A_34 = arith.constant 0 : i32
    %dma_wait3A_35 = tpu.memref_slice %arg4[%add3A_26, %dma_wait3A_33, %dma_wait3A_34] : memref<4096x64x128xf32, #tpu.memory_space<hbm>> -> memref<4x64x128xf32, #tpu.memory_space<hbm>>
    %dma_wait3A_36 = arith.constant 0 : i32
    %dma_wait3A_37 = arith.constant 0 : i32
    %dma_wait3A_38 = tpu.memref_slice %arg4[%add3A_26, %dma_wait3A_36, %dma_wait3A_37] : memref<4096x64x128xf32, #tpu.memory_space<hbm>> -> memref<4x64x128xf32, #tpu.memory_space<hbm>>
    tpu.wait_dma2 semaphore(%arg10 : memref<!tpu.dma_semaphore, #tpu.memory_space<semaphore_mem>>) src(%arg6 : memref<4x64x128xf32, #tpu.memory_space<vmem>>) dst(%dma_wait3A_38 : memref<4x64x128xf32, #tpu.memory_space<hbm>>)
    %dma_start3A_39 = arith.constant 2 : i32
    %dma_start3A_40 = arith.constant 0 : i32
    %dma_start3A_41 = tpu.memref_slice %arg5[%dma_start3A_39, %dma_start3A_40] : memref<32x4xi32, #tpu.memory_space<vmem>> -> memref<1x4xi32, #tpu.memory_space<vmem>>
    %dma_start3A_42 = tpu.memref_squeeze %dma_start3A_41 : memref<1x4xi32, #tpu.memory_space<vmem>> -> memref<4xi32, #tpu.memory_space<vmem>>
    %dma_start3A_43 = arith.constant 0 : i32
    %dma_start3A_44 = arith.constant 0 : i32
    %dma_start3A_45 = arith.constant 0 : i32
    %dma_start3A_46 = tpu.memref_slice %arg2[%dma_start3A_43, %dma_start3A_44, %dma_start3A_45] : memref<2049x64x128xf32, #tpu.memory_space<hbm>> -> memref<2049x64x128xf32, #tpu.memory_space<hbm>>
    tpu.enqueue_indirect_dma source(%dma_start3A_46 : memref<2049x64x128xf32, #tpu.memory_space<hbm>>) target(%arg6 : memref<4x64x128xf32, #tpu.memory_space<vmem>>) offsets(%dma_start3A_42 : memref<4xi32, #tpu.memory_space<vmem>>) semaphore(%arg8 : memref<!tpu.dma_semaphore, #tpu.memory_space<semaphore_mem>>)
    %dma_wait3A_47 = arith.constant 1 : i32
    %dma_wait3A_48 = arith.constant 0 : i32
    %dma_wait3A_49 = tpu.memref_slice %arg5[%dma_wait3A_47, %dma_wait3A_48] : memref<32x4xi32, #tpu.memory_space<vmem>> -> memref<1x4xi32, #tpu.memory_space<vmem>>
    %dma_wait3A_50 = tpu.memref_squeeze %dma_wait3A_49 : memref<1x4xi32, #tpu.memory_space<vmem>> -> memref<4xi32, #tpu.memory_space<vmem>>
    %dma_wait3A_51 = arith.constant 0 : i32
    %dma_wait3A_52 = arith.constant 0 : i32
    %dma_wait3A_53 = arith.constant 0 : i32
    %dma_wait3A_54 = tpu.memref_slice %arg2[%dma_wait3A_51, %dma_wait3A_52, %dma_wait3A_53] : memref<2049x64x128xf32, #tpu.memory_space<hbm>> -> memref<2049x64x128xf32, #tpu.memory_space<hbm>>
    tpu.wait_indirect_dma semaphore(%arg9 : memref<!tpu.dma_semaphore, #tpu.memory_space<semaphore_mem>>) src(%dma_wait3A_54 : memref<2049x64x128xf32, #tpu.memory_space<hbm>>) dst(%arg7 : memref<4x64x128xf32, #tpu.memory_space<vmem>>)
    %mul3A_55 = arith.constant 128 : i32
    %mul3A_56 = arith.muli %add3A, %mul3A_55 : i32
    %add3A_57 = arith.constant 4 : i32
    %add3A_58 = arith.addi %mul3A_56, %add3A_57 : i32
    %dma_start3A_59 = arith.constant 0 : i32
    %dma_start3A_60 = arith.constant 0 : i32
    %dma_start3A_61 = tpu.memref_slice %arg4[%add3A_58, %dma_start3A_59, %dma_start3A_60] : memref<4096x64x128xf32, #tpu.memory_space<hbm>> -> memref<4x64x128xf32, #tpu.memory_space<hbm>>
    %dma_start3A_62 = arith.constant 0 : i32
    %dma_start3A_63 = arith.constant 0 : i32
    %dma_start3A_64 = tpu.memref_slice %arg4[%add3A_58, %dma_start3A_62, %dma_start3A_63] : memref<4096x64x128xf32, #tpu.memory_space<hbm>> -> memref<4x64x128xf32, #tpu.memory_space<hbm>>
    tpu.enqueue_dma source(%arg7 : memref<4x64x128xf32, #tpu.memory_space<vmem>>) target(%dma_start3A_64 : memref<4x64x128xf32, #tpu.memory_space<hbm>>) target_semaphore(%arg11 : memref<!tpu.dma_semaphore, #tpu.memory_space<semaphore_mem>>)
    %dma_wait3A_65 = arith.constant 0 : i32
    %dma_wait3A_66 = arith.constant 0 : i32
    %dma_wait3A_67 = tpu.memref_slice %arg4[%add3A_58, %dma_wait3A_65, %dma_wait3A_66] : memref<4096x64x128xf32, #tpu.memory_space<hbm>> -> memref<4x64x128xf32, #tpu.memory_space<hbm>>
    %dma_wait3A_68 = arith.constant 0 : i32
    %dma_wait3A_69 = arith.constant 0 : i32
    %dma_wait3A_70 = tpu.memref_slice %arg4[%add3A_58, %dma_wait3A_68, %dma_wait3A_69] : memref<4096x64x128xf32, #tpu.memory_space<hbm>> -> memref<4x64x128xf32, #tpu.memory_space<hbm>>
    tpu.wait_dma2 semaphore(%arg11 : memref<!tpu.dma_semaphore, #tpu.memory_space<semaphore_mem>>) src(%arg7 : memref<4x64x128xf32, #tpu.memory_space<vmem>>) dst(%dma_wait3A_70 : memref<4x64x128xf32, #tpu.memory_space<hbm>>)
    %dma_start3A_71 = arith.constant 3 : i32
    %dma_start3A_72 = arith.constant 0 : i32
    %dma_start3A_73 = tpu.memref_slice %arg5[%dma_start3A_71, %dma_start3A_72] : memref<32x4xi32, #tpu.memory_space<vmem>> -> memref<1x4xi32, #tpu.memory_space<vmem>>
    %dma_start3A_74 = tpu.memref_squeeze %dma_start3A_73 : memref<1x4xi32, #tpu.memory_space<vmem>> -> memref<4xi32, #tpu.memory_space<vmem>>
    %dma_start3A_75 = arith.constant 0 : i32
    %dma_start3A_76 = arith.constant 0 : i32
    %dma_start3A_77 = arith.constant 0 : i32
    %dma_start3A_78 = tpu.memref_slice %arg2[%dma_start3A_75, %dma_start3A_76, %dma_start3A_77] : memref<2049x64x128xf32, #tpu.memory_space<hbm>> -> memref<2049x64x128xf32, #tpu.memory_space<hbm>>
    tpu.enqueue_indirect_dma source(%dma_start3A_78 : memref<2049x64x128xf32, #tpu.memory_space<hbm>>) target(%arg7 : memref<4x64x128xf32, #tpu.memory_space<vmem>>) offsets(%dma_start3A_74 : memref<4xi32, #tpu.memory_space<vmem>>) semaphore(%arg9 : memref<!tpu.dma_semaphore, #tpu.memory_space<semaphore_mem>>)
    %dma_wait3A_79 = arith.constant 2 : i32
    %dma_wait3A_80 = arith.constant 0 : i32
    %dma_wait3A_81 = tpu.memref_slice %arg5[%dma_wait3A_79, %dma_wait3A_80] : memref<32x4xi32, #tpu.memory_space<vmem>> -> memref<1x4xi32, #tpu.memory_space<vmem>>
    %dma_wait3A_82 = tpu.memref_squeeze %dma_wait3A_81 : memref<1x4xi32, #tpu.memory_space<vmem>> -> memref<4xi32, #tpu.memory_space<vmem>>
    %dma_wait3A_83 = arith.constant 0 : i32
    %dma_wait3A_84 = arith.constant 0 : i32
    %dma_wait3A_85 = arith.constant 0 : i32
    %dma_wait3A_86 = tpu.memref_slice %arg2[%dma_wait3A_83, %dma_wait3A_84, %dma_wait3A_85] : memref<2049x64x128xf32, #tpu.memory_space<hbm>> -> memref<2049x64x128xf32, #tpu.memory_space<hbm>>
    tpu.wait_indirect_dma semaphore(%arg8 : memref<!tpu.dma_semaphore, #tpu.memory_space<semaphore_mem>>) src(%dma_wait3A_86 : memref<2049x64x128xf32, #tpu.memory_space<hbm>>) dst(%arg6 : memref<4x64x128xf32, #tpu.memory_space<vmem>>)
    %mul3A_87 = arith.constant 128 : i32
    %mul3A_88 = arith.muli %add3A, %mul3A_87 : i32
    %add3A_89 = arith.constant 8 : i32
    %add3A_90 = arith.addi %mul3A_88, %add3A_89 : i32
    %dma_start3A_91 = arith.constant 0 : i32
    %dma_start3A_92 = arith.constant 0 : i32
    %dma_start3A_93 = tpu.memref_slice %arg4[%add3A_90, %dma_start3A_91, %dma_start3A_92] : memref<4096x64x128xf32, #tpu.memory_space<hbm>> -> memref<4x64x128xf32, #tpu.memory_space<hbm>>
    %dma_start3A_94 = arith.constant 0 : i32
    %dma_start3A_95 = arith.constant 0 : i32
    %dma_start3A_96 = tpu.memref_slice %arg4[%add3A_90, %dma_start3A_94, %dma_start3A_95] : memref<4096x64x128xf32, #tpu.memory_space<hbm>> -> memref<4x64x128xf32, #tpu.memory_space<hbm>>
    tpu.enqueue_dma source(%arg6 : memref<4x64x128xf32, #tpu.memory_space<vmem>>) target(%dma_start3A_96 : memref<4x64x128xf32, #tpu.memory_space<hbm>>) target_semaphore(%arg10 : memref<!tpu.dma_semaphore, #tpu.memory_space<semaphore_mem>>)
    %dma_wait3A_97 = arith.constant 0 : i32
    %dma_wait3A_98 = arith.constant 0 : i32
    %dma_wait3A_99 = tpu.memref_slice %arg4[%add3A_90, %dma_wait3A_97, %dma_wait3A_98] : memref<4096x64x128xf32, #tpu.memory_space<hbm>> -> memref<4x64x128xf32, #tpu.memory_space<hbm>>
    %dma_wait3A_100 = arith.constant 0 : i32
    %dma_wait3A_101 = arith.constant 0 : i32
    %dma_wait3A_102 = tpu.memref_slice %arg4[%add3A_90, %dma_wait3A_100, %dma_wait3A_101] : memref<4096x64x128xf32, #tpu.memory_space<hbm>> -> memref<4x64x128xf32, #tpu.memory_space<hbm>>
    tpu.wait_dma2 semaphore(%arg10 : memref<!tpu.dma_semaphore, #tpu.memory_space<semaphore_mem>>) src(%arg6 : memref<4x64x128xf32, #tpu.memory_space<vmem>>) dst(%dma_wait3A_102 : memref<4x64x128xf32, #tpu.memory_space<hbm>>)
    %dma_start3A_103 = arith.constant 4 : i32
    %dma_start3A_104 = arith.constant 0 : i32
    %dma_start3A_105 = tpu.memref_slice %arg5[%dma_start3A_103, %dma_start3A_104] : memref<32x4xi32, #tpu.memory_space<vmem>> -> memref<1x4xi32, #tpu.memory_space<vmem>>
    %dma_start3A_106 = tpu.memref_squeeze %dma_start3A_105 : memref<1x4xi32, #tpu.memory_space<vmem>> -> memref<4xi32, #tpu.memory_space<vmem>>
    %dma_start3A_107 = arith.constant 0 : i32
    %dma_start3A_108 = arith.constant 0 : i32
    %dma_start3A_109 = arith.constant 0 : i32
    %dma_start3A_110 = tpu.memref_slice %arg2[%dma_start3A_107, %dma_start3A_108, %dma_start3A_109] : memref<2049x64x128xf32, #tpu.memory_space<hbm>> -> memref<2049x64x128xf32, #tpu.memory_space<hbm>>
    tpu.enqueue_indirect_dma source(%dma_start3A_110 : memref<2049x64x128xf32, #tpu.memory_space<hbm>>) target(%arg6 : memref<4x64x128xf32, #tpu.memory_space<vmem>>) offsets(%dma_start3A_106 : memref<4xi32, #tpu.memory_space<vmem>>) semaphore(%arg8 : memref<!tpu.dma_semaphore, #tpu.memory_space<semaphore_mem>>)
    %dma_wait3A_111 = arith.constant 3 : i32
    %dma_wait3A_112 = arith.constant 0 : i32
    %dma_wait3A_113 = tpu.memref_slice %arg5[%dma_wait3A_111, %dma_wait3A_112] : memref<32x4xi32, #tpu.memory_space<vmem>> -> memref<1x4xi32, #tpu.memory_space<vmem>>
    %dma_wait3A_114 = tpu.memref_squeeze %dma_wait3A_113 : memref<1x4xi32, #tpu.memory_space<vmem>> -> memref<4xi32, #tpu.memory_space<vmem>>
    %dma_wait3A_115 = arith.constant 0 : i32
    %dma_wait3A_116 = arith.constant 0 : i32
    %dma_wait3A_117 = arith.constant 0 : i32
    %dma_wait3A_118 = tpu.memref_slice %arg2[%dma_wait3A_115, %dma_wait3A_116, %dma_wait3A_117] : memref<2049x64x128xf32, #tpu.memory_space<hbm>> -> memref<2049x64x128xf32, #tpu.memory_space<hbm>>
    tpu.wait_indirect_dma semaphore(%arg9 : memref<!tpu.dma_semaphore, #tpu.memory_space<semaphore_mem>>) src(%dma_wait3A_118 : memref<2049x64x128xf32, #tpu.memory_space<hbm>>) dst(%arg7 : memref<4x64x128xf32, #tpu.memory_space<vmem>>)
    %mul3A_119 = arith.constant 128 : i32
    %mul3A_120 = arith.muli %add3A, %mul3A_119 : i32
    %add3A_121 = arith.constant 12 : i32
    %add3A_122 = arith.addi %mul3A_120, %add3A_121 : i32
    %dma_start3A_123 = arith.constant 0 : i32
    %dma_start3A_124 = arith.constant 0 : i32
    %dma_start3A_125 = tpu.memref_slice %arg4[%add3A_122, %dma_start3A_123, %dma_start3A_124] : memref<4096x64x128xf32, #tpu.memory_space<hbm>> -> memref<4x64x128xf32, #tpu.memory_space<hbm>>
    %dma_start3A_126 = arith.constant 0 : i32
    %dma_start3A_127 = arith.constant 0 : i32
    %dma_start3A_128 = tpu.memref_slice %arg4[%add3A_122, %dma_start3A_126, %dma_start3A_127] : memref<4096x64x128xf32, #tpu.memory_space<hbm>> -> memref<4x64x128xf32, #tpu.memory_space<hbm>>
    tpu.enqueue_dma source(%arg7 : memref<4x64x128xf32, #tpu.memory_space<vmem>>) target(%dma_start3A_128 : memref<4x64x128xf32, #tpu.memory_space<hbm>>) target_semaphore(%arg11 : memref<!tpu.dma_semaphore, #tpu.memory_space<semaphore_mem>>)
    %dma_wait3A_129 = arith.constant 0 : i32
    %dma_wait3A_130 = arith.constant 0 : i32
    %dma_wait3A_131 = tpu.memref_slice %arg4[%add3A_122, %dma_wait3A_129, %dma_wait3A_130] : memref<4096x64x128xf32, #tpu.memory_space<hbm>> -> memref<4x64x128xf32, #tpu.memory_space<hbm>>
    %dma_wait3A_132 = arith.constant 0 : i32
    %dma_wait3A_133 = arith.constant 0 : i32
    %dma_wait3A_134 = tpu.memref_slice %arg4[%add3A_122, %dma_wait3A_132, %dma_wait3A_133] : memref<4096x64x128xf32, #tpu.memory_space<hbm>> -> memref<4x64x128xf32, #tpu.memory_space<hbm>>
    tpu.wait_dma2 semaphore(%arg11 : memref<!tpu.dma_semaphore, #tpu.memory_space<semaphore_mem>>) src(%arg7 : memref<4x64x128xf32, #tpu.memory_space<vmem>>) dst(%dma_wait3A_134 : memref<4x64x128xf32, #tpu.memory_space<hbm>>)
    %dma_start3A_135 = arith.constant 5 : i32
    %dma_start3A_136 = arith.constant 0 : i32
    %dma_start3A_137 = tpu.memref_slice %arg5[%dma_start3A_135, %dma_start3A_136] : memref<32x4xi32, #tpu.memory_space<vmem>> -> memref<1x4xi32, #tpu.memory_space<vmem>>
    %dma_start3A_138 = tpu.memref_squeeze %dma_start3A_137 : memref<1x4xi32, #tpu.memory_space<vmem>> -> memref<4xi32, #tpu.memory_space<vmem>>
    %dma_start3A_139 = arith.constant 0 : i32
    %dma_start3A_140 = arith.constant 0 : i32
    %dma_start3A_141 = arith.constant 0 : i32
    %dma_start3A_142 = tpu.memref_slice %arg2[%dma_start3A_139, %dma_start3A_140, %dma_start3A_141] : memref<2049x64x128xf32, #tpu.memory_space<hbm>> -> memref<2049x64x128xf32, #tpu.memory_space<hbm>>
    tpu.enqueue_indirect_dma source(%dma_start3A_142 : memref<2049x64x128xf32, #tpu.memory_space<hbm>>) target(%arg7 : memref<4x64x128xf32, #tpu.memory_space<vmem>>) offsets(%dma_start3A_138 : memref<4xi32, #tpu.memory_space<vmem>>) semaphore(%arg9 : memref<!tpu.dma_semaphore, #tpu.memory_space<semaphore_mem>>)
    %dma_wait3A_143 = arith.constant 4 : i32
    %dma_wait3A_144 = arith.constant 0 : i32
    %dma_wait3A_145 = tpu.memref_slice %arg5[%dma_wait3A_143, %dma_wait3A_144] : memref<32x4xi32, #tpu.memory_space<vmem>> -> memref<1x4xi32, #tpu.memory_space<vmem>>
    %dma_wait3A_146 = tpu.memref_squeeze %dma_wait3A_145 : memref<1x4xi32, #tpu.memory_space<vmem>> -> memref<4xi32, #tpu.memory_space<vmem>>
    %dma_wait3A_147 = arith.constant 0 : i32
    %dma_wait3A_148 = arith.constant 0 : i32
    %dma_wait3A_149 = arith.constant 0 : i32
    %dma_wait3A_150 = tpu.memref_slice %arg2[%dma_wait3A_147, %dma_wait3A_148, %dma_wait3A_149] : memref<2049x64x128xf32, #tpu.memory_space<hbm>> -> memref<2049x64x128xf32, #tpu.memory_space<hbm>>
    tpu.wait_indirect_dma semaphore(%arg8 : memref<!tpu.dma_semaphore, #tpu.memory_space<semaphore_mem>>) src(%dma_wait3A_150 : memref<2049x64x128xf32, #tpu.memory_space<hbm>>) dst(%arg6 : memref<4x64x128xf32, #tpu.memory_space<vmem>>)
    %mul3A_151 = arith.constant 128 : i32
    %mul3A_152 = arith.muli %add3A, %mul3A_151 : i32
    %add3A_153 = arith.constant 16 : i32
    %add3A_154 = arith.addi %mul3A_152, %add3A_153 : i32
    %dma_start3A_155 = arith.constant 0 : i32
    %dma_start3A_156 = arith.constant 0 : i32
    %dma_start3A_157 = tpu.memref_slice %arg4[%add3A_154, %dma_start3A_155, %dma_start3A_156] : memref<4096x64x128xf32, #tpu.memory_space<hbm>> -> memref<4x64x128xf32, #tpu.memory_space<hbm>>
    %dma_start3A_158 = arith.constant 0 : i32
    %dma_start3A_159 = arith.constant 0 : i32
    %dma_start3A_160 = tpu.memref_slice %arg4[%add3A_154, %dma_start3A_158, %dma_start3A_159] : memref<4096x64x128xf32, #tpu.memory_space<hbm>> -> memref<4x64x128xf32, #tpu.memory_space<hbm>>
    tpu.enqueue_dma source(%arg6 : memref<4x64x128xf32, #tpu.memory_space<vmem>>) target(%dma_start3A_160 : memref<4x64x128xf32, #tpu.memory_space<hbm>>) target_semaphore(%arg10 : memref<!tpu.dma_semaphore, #tpu.memory_space<semaphore_mem>>)
    %dma_wait3A_161 = arith.constant 0 : i32
    %dma_wait3A_162 = arith.constant 0 : i32
    %dma_wait3A_163 = tpu.memref_slice %arg4[%add3A_154, %dma_wait3A_161, %dma_wait3A_162] : memref<4096x64x128xf32, #tpu.memory_space<hbm>> -> memref<4x64x128xf32, #tpu.memory_space<hbm>>
    %dma_wait3A_164 = arith.constant 0 : i32
    %dma_wait3A_165 = arith.constant 0 : i32
    %dma_wait3A_166 = tpu.memref_slice %arg4[%add3A_154, %dma_wait3A_164, %dma_wait3A_165] : memref<4096x64x128xf32, #tpu.memory_space<hbm>> -> memref<4x64x128xf32, #tpu.memory_space<hbm>>
    tpu.wait_dma2 semaphore(%arg10 : memref<!tpu.dma_semaphore, #tpu.memory_space<semaphore_mem>>) src(%arg6 : memref<4x64x128xf32, #tpu.memory_space<vmem>>) dst(%dma_wait3A_166 : memref<4x64x128xf32, #tpu.memory_space<hbm>>)
    %dma_start3A_167 = arith.constant 6 : i32
    %dma_start3A_168 = arith.constant 0 : i32
    %dma_start3A_169 = tpu.memref_slice %arg5[%dma_start3A_167, %dma_start3A_168] : memref<32x4xi32, #tpu.memory_space<vmem>> -> memref<1x4xi32, #tpu.memory_space<vmem>>
    %dma_start3A_170 = tpu.memref_squeeze %dma_start3A_169 : memref<1x4xi32, #tpu.memory_space<vmem>> -> memref<4xi32, #tpu.memory_space<vmem>>
    %dma_start3A_171 = arith.constant 0 : i32
    %dma_start3A_172 = arith.constant 0 : i32
    %dma_start3A_173 = arith.constant 0 : i32
    %dma_start3A_174 = tpu.memref_slice %arg2[%dma_start3A_171, %dma_start3A_172, %dma_start3A_173] : memref<2049x64x128xf32, #tpu.memory_space<hbm>> -> memref<2049x64x128xf32, #tpu.memory_space<hbm>>
    tpu.enqueue_indirect_dma source(%dma_start3A_174 : memref<2049x64x128xf32, #tpu.memory_space<hbm>>) target(%arg6 : memref<4x64x128xf32, #tpu.memory_space<vmem>>) offsets(%dma_start3A_170 : memref<4xi32, #tpu.memory_space<vmem>>) semaphore(%arg8 : memref<!tpu.dma_semaphore, #tpu.memory_space<semaphore_mem>>)
    %dma_wait3A_175 = arith.constant 5 : i32
    %dma_wait3A_176 = arith.constant 0 : i32
    %dma_wait3A_177 = tpu.memref_slice %arg5[%dma_wait3A_175, %dma_wait3A_176] : memref<32x4xi32, #tpu.memory_space<vmem>> -> memref<1x4xi32, #tpu.memory_space<vmem>>
    %dma_wait3A_178 = tpu.memref_squeeze %dma_wait3A_177 : memref<1x4xi32, #tpu.memory_space<vmem>> -> memref<4xi32, #tpu.memory_space<vmem>>
    %dma_wait3A_179 = arith.constant 0 : i32
    %dma_wait3A_180 = arith.constant 0 : i32
    %dma_wait3A_181 = arith.constant 0 : i32
    %dma_wait3A_182 = tpu.memref_slice %arg2[%dma_wait3A_179, %dma_wait3A_180, %dma_wait3A_181] : memref<2049x64x128xf32, #tpu.memory_space<hbm>> -> memref<2049x64x128xf32, #tpu.memory_space<hbm>>
    tpu.wait_indirect_dma semaphore(%arg9 : memref<!tpu.dma_semaphore, #tpu.memory_space<semaphore_mem>>) src(%dma_wait3A_182 : memref<2049x64x128xf32, #tpu.memory_space<hbm>>) dst(%arg7 : memref<4x64x128xf32, #tpu.memory_space<vmem>>)
    %mul3A_183 = arith.constant 128 : i32
    %mul3A_184 = arith.muli %add3A, %mul3A_183 : i32
    %add3A_185 = arith.constant 20 : i32
    %add3A_186 = arith.addi %mul3A_184, %add3A_185 : i32
    %dma_start3A_187 = arith.constant 0 : i32
    %dma_start3A_188 = arith.constant 0 : i32
    %dma_start3A_189 = tpu.memref_slice %arg4[%add3A_186, %dma_start3A_187, %dma_start3A_188] : memref<4096x64x128xf32, #tpu.memory_space<hbm>> -> memref<4x64x128xf32, #tpu.memory_space<hbm>>
    %dma_start3A_190 = arith.constant 0 : i32
    %dma_start3A_191 = arith.constant 0 : i32
    %dma_start3A_192 = tpu.memref_slice %arg4[%add3A_186, %dma_start3A_190, %dma_start3A_191] : memref<4096x64x128xf32, #tpu.memory_space<hbm>> -> memref<4x64x128xf32, #tpu.memory_space<hbm>>
    tpu.enqueue_dma source(%arg7 : memref<4x64x128xf32, #tpu.memory_space<vmem>>) target(%dma_start3A_192 : memref<4x64x128xf32, #tpu.memory_space<hbm>>) target_semaphore(%arg11 : memref<!tpu.dma_semaphore, #tpu.memory_space<semaphore_mem>>)
    %dma_wait3A_193 = arith.constant 0 : i32
    %dma_wait3A_194 = arith.constant 0 : i32
    %dma_wait3A_195 = tpu.memref_slice %arg4[%add3A_186, %dma_wait3A_193, %dma_wait3A_194] : memref<4096x64x128xf32, #tpu.memory_space<hbm>> -> memref<4x64x128xf32, #tpu.memory_space<hbm>>
    %dma_wait3A_196 = arith.constant 0 : i32
    %dma_wait3A_197 = arith.constant 0 : i32
    %dma_wait3A_198 = tpu.memref_slice %arg4[%add3A_186, %dma_wait3A_196, %dma_wait3A_197] : memref<4096x64x128xf32, #tpu.memory_space<hbm>> -> memref<4x64x128xf32, #tpu.memory_space<hbm>>
    tpu.wait_dma2 semaphore(%arg11 : memref<!tpu.dma_semaphore, #tpu.memory_space<semaphore_mem>>) src(%arg7 : memref<4x64x128xf32, #tpu.memory_space<vmem>>) dst(%dma_wait3A_198 : memref<4x64x128xf32, #tpu.memory_space<hbm>>)
    %dma_start3A_199 = arith.constant 7 : i32
    %dma_start3A_200 = arith.constant 0 : i32
    %dma_start3A_201 = tpu.memref_slice %arg5[%dma_start3A_199, %dma_start3A_200] : memref<32x4xi32, #tpu.memory_space<vmem>> -> memref<1x4xi32, #tpu.memory_space<vmem>>
    %dma_start3A_202 = tpu.memref_squeeze %dma_start3A_201 : memref<1x4xi32, #tpu.memory_space<vmem>> -> memref<4xi32, #tpu.memory_space<vmem>>
    %dma_start3A_203 = arith.constant 0 : i32
    %dma_start3A_204 = arith.constant 0 : i32
    %dma_start3A_205 = arith.constant 0 : i32
    %dma_start3A_206 = tpu.memref_slice %arg2[%dma_start3A_203, %dma_start3A_204, %dma_start3A_205] : memref<2049x64x128xf32, #tpu.memory_space<hbm>> -> memref<2049x64x128xf32, #tpu.memory_space<hbm>>
    tpu.enqueue_indirect_dma source(%dma_start3A_206 : memref<2049x64x128xf32, #tpu.memory_space<hbm>>) target(%arg7 : memref<4x64x128xf32, #tpu.memory_space<vmem>>) offsets(%dma_start3A_202 : memref<4xi32, #tpu.memory_space<vmem>>) semaphore(%arg9 : memref<!tpu.dma_semaphore, #tpu.memory_space<semaphore_mem>>)
    %dma_wait3A_207 = arith.constant 6 : i32
    %dma_wait3A_208 = arith.constant 0 : i32
    %dma_wait3A_209 = tpu.memref_slice %arg5[%dma_wait3A_207, %dma_wait3A_208] : memref<32x4xi32, #tpu.memory_space<vmem>> -> memref<1x4xi32, #tpu.memory_space<vmem>>
    %dma_wait3A_210 = tpu.memref_squeeze %dma_wait3A_209 : memref<1x4xi32, #tpu.memory_space<vmem>> -> memref<4xi32, #tpu.memory_space<vmem>>
    %dma_wait3A_211 = arith.constant 0 : i32
    %dma_wait3A_212 = arith.constant 0 : i32
    %dma_wait3A_213 = arith.constant 0 : i32
    %dma_wait3A_214 = tpu.memref_slice %arg2[%dma_wait3A_211, %dma_wait3A_212, %dma_wait3A_213] : memref<2049x64x128xf32, #tpu.memory_space<hbm>> -> memref<2049x64x128xf32, #tpu.memory_space<hbm>>
    tpu.wait_indirect_dma semaphore(%arg8 : memref<!tpu.dma_semaphore, #tpu.memory_space<semaphore_mem>>) src(%dma_wait3A_214 : memref<2049x64x128xf32, #tpu.memory_space<hbm>>) dst(%arg6 : memref<4x64x128xf32, #tpu.memory_space<vmem>>)
    %mul3A_215 = arith.constant 128 : i32
    %mul3A_216 = arith.muli %add3A, %mul3A_215 : i32
    %add3A_217 = arith.constant 24 : i32
    %add3A_218 = arith.addi %mul3A_216, %add3A_217 : i32
    %dma_start3A_219 = arith.constant 0 : i32
    %dma_start3A_220 = arith.constant 0 : i32
    %dma_start3A_221 = tpu.memref_slice %arg4[%add3A_218, %dma_start3A_219, %dma_start3A_220] : memref<4096x64x128xf32, #tpu.memory_space<hbm>> -> memref<4x64x128xf32, #tpu.memory_space<hbm>>
    %dma_start3A_222 = arith.constant 0 : i32
    %dma_start3A_223 = arith.constant 0 : i32
    %dma_start3A_224 = tpu.memref_slice %arg4[%add3A_218, %dma_start3A_222, %dma_start3A_223] : memref<4096x64x128xf32, #tpu.memory_space<hbm>> -> memref<4x64x128xf32, #tpu.memory_space<hbm>>
    tpu.enqueue_dma source(%arg6 : memref<4x64x128xf32, #tpu.memory_space<vmem>>) target(%dma_start3A_224 : memref<4x64x128xf32, #tpu.memory_space<hbm>>) target_semaphore(%arg10 : memref<!tpu.dma_semaphore, #tpu.memory_space<semaphore_mem>>)
    %dma_wait3A_225 = arith.constant 0 : i32
    %dma_wait3A_226 = arith.constant 0 : i32
    %dma_wait3A_227 = tpu.memref_slice %arg4[%add3A_218, %dma_wait3A_225, %dma_wait3A_226] : memref<4096x64x128xf32, #tpu.memory_space<hbm>> -> memref<4x64x128xf32, #tpu.memory_space<hbm>>
    %dma_wait3A_228 = arith.constant 0 : i32
    %dma_wait3A_229 = arith.constant 0 : i32
    %dma_wait3A_230 = tpu.memref_slice %arg4[%add3A_218, %dma_wait3A_228, %dma_wait3A_229] : memref<4096x64x128xf32, #tpu.memory_space<hbm>> -> memref<4x64x128xf32, #tpu.memory_space<hbm>>
    tpu.wait_dma2 semaphore(%arg10 : memref<!tpu.dma_semaphore, #tpu.memory_space<semaphore_mem>>) src(%arg6 : memref<4x64x128xf32, #tpu.memory_space<vmem>>) dst(%dma_wait3A_230 : memref<4x64x128xf32, #tpu.memory_space<hbm>>)
    %dma_start3A_231 = arith.constant 8 : i32
    %dma_start3A_232 = arith.constant 0 : i32
    %dma_start3A_233 = tpu.memref_slice %arg5[%dma_start3A_231, %dma_start3A_232] : memref<32x4xi32, #tpu.memory_space<vmem>> -> memref<1x4xi32, #tpu.memory_space<vmem>>
    %dma_start3A_234 = tpu.memref_squeeze %dma_start3A_233 : memref<1x4xi32, #tpu.memory_space<vmem>> -> memref<4xi32, #tpu.memory_space<vmem>>
    %dma_start3A_235 = arith.constant 0 : i32
    %dma_start3A_236 = arith.constant 0 : i32
    %dma_start3A_237 = arith.constant 0 : i32
    %dma_start3A_238 = tpu.memref_slice %arg2[%dma_start3A_235, %dma_start3A_236, %dma_start3A_237] : memref<2049x64x128xf32, #tpu.memory_space<hbm>> -> memref<2049x64x128xf32, #tpu.memory_space<hbm>>
    tpu.enqueue_indirect_dma source(%dma_start3A_238 : memref<2049x64x128xf32, #tpu.memory_space<hbm>>) target(%arg6 : memref<4x64x128xf32, #tpu.memory_space<vmem>>) offsets(%dma_start3A_234 : memref<4xi32, #tpu.memory_space<vmem>>) semaphore(%arg8 : memref<!tpu.dma_semaphore, #tpu.memory_space<semaphore_mem>>)
    %dma_wait3A_239 = arith.constant 7 : i32
    %dma_wait3A_240 = arith.constant 0 : i32
    %dma_wait3A_241 = tpu.memref_slice %arg5[%dma_wait3A_239, %dma_wait3A_240] : memref<32x4xi32, #tpu.memory_space<vmem>> -> memref<1x4xi32, #tpu.memory_space<vmem>>
    %dma_wait3A_242 = tpu.memref_squeeze %dma_wait3A_241 : memref<1x4xi32, #tpu.memory_space<vmem>> -> memref<4xi32, #tpu.memory_space<vmem>>
    %dma_wait3A_243 = arith.constant 0 : i32
    %dma_wait3A_244 = arith.constant 0 : i32
    %dma_wait3A_245 = arith.constant 0 : i32
    %dma_wait3A_246 = tpu.memref_slice %arg2[%dma_wait3A_243, %dma_wait3A_244, %dma_wait3A_245] : memref<2049x64x128xf32, #tpu.memory_space<hbm>> -> memref<2049x64x128xf32, #tpu.memory_space<hbm>>
    tpu.wait_indirect_dma semaphore(%arg9 : memref<!tpu.dma_semaphore, #tpu.memory_space<semaphore_mem>>) src(%dma_wait3A_246 : memref<2049x64x128xf32, #tpu.memory_space<hbm>>) dst(%arg7 : memref<4x64x128xf32, #tpu.memory_space<vmem>>)
    %mul3A_247 = arith.constant 128 : i32
    %mul3A_248 = arith.muli %add3A, %mul3A_247 : i32
    %add3A_249 = arith.constant 28 : i32
    %add3A_250 = arith.addi %mul3A_248, %add3A_249 : i32
    %dma_start3A_251 = arith.constant 0 : i32
    %dma_start3A_252 = arith.constant 0 : i32
    %dma_start3A_253 = tpu.memref_slice %arg4[%add3A_250, %dma_start3A_251, %dma_start3A_252] : memref<4096x64x128xf32, #tpu.memory_space<hbm>> -> memref<4x64x128xf32, #tpu.memory_space<hbm>>
    %dma_start3A_254 = arith.constant 0 : i32
    %dma_start3A_255 = arith.constant 0 : i32
    %dma_start3A_256 = tpu.memref_slice %arg4[%add3A_250, %dma_start3A_254, %dma_start3A_255] : memref<4096x64x128xf32, #tpu.memory_space<hbm>> -> memref<4x64x128xf32, #tpu.memory_space<hbm>>
    tpu.enqueue_dma source(%arg7 : memref<4x64x128xf32, #tpu.memory_space<vmem>>) target(%dma_start3A_256 : memref<4x64x128xf32, #tpu.memory_space<hbm>>) target_semaphore(%arg11 : memref<!tpu.dma_semaphore, #tpu.memory_space<semaphore_mem>>)
    %dma_wait3A_257 = arith.constant 0 : i32
    %dma_wait3A_258 = arith.constant 0 : i32
    %dma_wait3A_259 = tpu.memref_slice %arg4[%add3A_250, %dma_wait3A_257, %dma_wait3A_258] : memref<4096x64x128xf32, #tpu.memory_space<hbm>> -> memref<4x64x128xf32, #tpu.memory_space<hbm>>
    %dma_wait3A_260 = arith.constant 0 : i32
    %dma_wait3A_261 = arith.constant 0 : i32
    %dma_wait3A_262 = tpu.memref_slice %arg4[%add3A_250, %dma_wait3A_260, %dma_wait3A_261] : memref<4096x64x128xf32, #tpu.memory_space<hbm>> -> memref<4x64x128xf32, #tpu.memory_space<hbm>>
    tpu.wait_dma2 semaphore(%arg11 : memref<!tpu.dma_semaphore, #tpu.memory_space<semaphore_mem>>) src(%arg7 : memref<4x64x128xf32, #tpu.memory_space<vmem>>) dst(%dma_wait3A_262 : memref<4x64x128xf32, #tpu.memory_space<hbm>>)
    %dma_start3A_263 = arith.constant 9 : i32
    %dma_start3A_264 = arith.constant 0 : i32
    %dma_start3A_265 = tpu.memref_slice %arg5[%dma_start3A_263, %dma_start3A_264] : memref<32x4xi32, #tpu.memory_space<vmem>> -> memref<1x4xi32, #tpu.memory_space<vmem>>
    %dma_start3A_266 = tpu.memref_squeeze %dma_start3A_265 : memref<1x4xi32, #tpu.memory_space<vmem>> -> memref<4xi32, #tpu.memory_space<vmem>>
    %dma_start3A_267 = arith.constant 0 : i32
    %dma_start3A_268 = arith.constant 0 : i32
    %dma_start3A_269 = arith.constant 0 : i32
    %dma_start3A_270 = tpu.memref_slice %arg2[%dma_start3A_267, %dma_start3A_268, %dma_start3A_269] : memref<2049x64x128xf32, #tpu.memory_space<hbm>> -> memref<2049x64x128xf32, #tpu.memory_space<hbm>>
    tpu.enqueue_indirect_dma source(%dma_start3A_270 : memref<2049x64x128xf32, #tpu.memory_space<hbm>>) target(%arg7 : memref<4x64x128xf32, #tpu.memory_space<vmem>>) offsets(%dma_start3A_266 : memref<4xi32, #tpu.memory_space<vmem>>) semaphore(%arg9 : memref<!tpu.dma_semaphore, #tpu.memory_space<semaphore_mem>>)
    %dma_wait3A_271 = arith.constant 8 : i32
    %dma_wait3A_272 = arith.constant 0 : i32
    %dma_wait3A_273 = tpu.memref_slice %arg5[%dma_wait3A_271, %dma_wait3A_272] : memref<32x4xi32, #tpu.memory_space<vmem>> -> memref<1x4xi32, #tpu.memory_space<vmem>>
    %dma_wait3A_274 = tpu.memref_squeeze %dma_wait3A_273 : memref<1x4xi32, #tpu.memory_space<vmem>> -> memref<4xi32, #tpu.memory_space<vmem>>
    %dma_wait3A_275 = arith.constant 0 : i32
    %dma_wait3A_276 = arith.constant 0 : i32
    %dma_wait3A_277 = arith.constant 0 : i32
    %dma_wait3A_278 = tpu.memref_slice %arg2[%dma_wait3A_275, %dma_wait3A_276, %dma_wait3A_277] : memref<2049x64x128xf32, #tpu.memory_space<hbm>> -> memref<2049x64x128xf32, #tpu.memory_space<hbm>>
    tpu.wait_indirect_dma semaphore(%arg8 : memref<!tpu.dma_semaphore, #tpu.memory_space<semaphore_mem>>) src(%dma_wait3A_278 : memref<2049x64x128xf32, #tpu.memory_space<hbm>>) dst(%arg6 : memref<4x64x128xf32, #tpu.memory_space<vmem>>)
    %mul3A_279 = arith.constant 128 : i32
    %mul3A_280 = arith.muli %add3A, %mul3A_279 : i32
    %add3A_281 = arith.constant 32 : i32
    %add3A_282 = arith.addi %mul3A_280, %add3A_281 : i32
    %dma_start3A_283 = arith.constant 0 : i32
    %dma_start3A_284 = arith.constant 0 : i32
    %dma_start3A_285 = tpu.memref_slice %arg4[%add3A_282, %dma_start3A_283, %dma_start3A_284] : memref<4096x64x128xf32, #tpu.memory_space<hbm>> -> memref<4x64x128xf32, #tpu.memory_space<hbm>>
    %dma_start3A_286 = arith.constant 0 : i32
    %dma_start3A_287 = arith.constant 0 : i32
    %dma_start3A_288 = tpu.memref_slice %arg4[%add3A_282, %dma_start3A_286, %dma_start3A_287] : memref<4096x64x128xf32, #tpu.memory_space<hbm>> -> memref<4x64x128xf32, #tpu.memory_space<hbm>>
    tpu.enqueue_dma source(%arg6 : memref<4x64x128xf32, #tpu.memory_space<vmem>>) target(%dma_start3A_288 : memref<4x64x128xf32, #tpu.memory_space<hbm>>) target_semaphore(%arg10 : memref<!tpu.dma_semaphore, #tpu.memory_space<semaphore_mem>>)
    %dma_wait3A_289 = arith.constant 0 : i32
    %dma_wait3A_290 = arith.constant 0 : i32
    %dma_wait3A_291 = tpu.memref_slice %arg4[%add3A_282, %dma_wait3A_289, %dma_wait3A_290] : memref<4096x64x128xf32, #tpu.memory_space<hbm>> -> memref<4x64x128xf32, #tpu.memory_space<hbm>>
    %dma_wait3A_292 = arith.constant 0 : i32
    %dma_wait3A_293 = arith.constant 0 : i32
    %dma_wait3A_294 = tpu.memref_slice %arg4[%add3A_282, %dma_wait3A_292, %dma_wait3A_293] : memref<4096x64x128xf32, #tpu.memory_space<hbm>> -> memref<4x64x128xf32, #tpu.memory_space<hbm>>
    tpu.wait_dma2 semaphore(%arg10 : memref<!tpu.dma_semaphore, #tpu.memory_space<semaphore_mem>>) src(%arg6 : memref<4x64x128xf32, #tpu.memory_space<vmem>>) dst(%dma_wait3A_294 : memref<4x64x128xf32, #tpu.memory_space<hbm>>)
    %dma_start3A_295 = arith.constant 10 : i32
    %dma_start3A_296 = arith.constant 0 : i32
    %dma_start3A_297 = tpu.memref_slice %arg5[%dma_start3A_295, %dma_start3A_296] : memref<32x4xi32, #tpu.memory_space<vmem>> -> memref<1x4xi32, #tpu.memory_space<vmem>>
    %dma_start3A_298 = tpu.memref_squeeze %dma_start3A_297 : memref<1x4xi32, #tpu.memory_space<vmem>> -> memref<4xi32, #tpu.memory_space<vmem>>
    %dma_start3A_299 = arith.constant 0 : i32
    %dma_start3A_300 = arith.constant 0 : i32
    %dma_start3A_301 = arith.constant 0 : i32
    %dma_start3A_302 = tpu.memref_slice %arg2[%dma_start3A_299, %dma_start3A_300, %dma_start3A_301] : memref<2049x64x128xf32, #tpu.memory_space<hbm>> -> memref<2049x64x128xf32, #tpu.memory_space<hbm>>
    tpu.enqueue_indirect_dma source(%dma_start3A_302 : memref<2049x64x128xf32, #tpu.memory_space<hbm>>) target(%arg6 : memref<4x64x128xf32, #tpu.memory_space<vmem>>) offsets(%dma_start3A_298 : memref<4xi32, #tpu.memory_space<vmem>>) semaphore(%arg8 : memref<!tpu.dma_semaphore, #tpu.memory_space<semaphore_mem>>)
    %dma_wait3A_303 = arith.constant 9 : i32
    %dma_wait3A_304 = arith.constant 0 : i32
    %dma_wait3A_305 = tpu.memref_slice %arg5[%dma_wait3A_303, %dma_wait3A_304] : memref<32x4xi32, #tpu.memory_space<vmem>> -> memref<1x4xi32, #tpu.memory_space<vmem>>
    %dma_wait3A_306 = tpu.memref_squeeze %dma_wait3A_305 : memref<1x4xi32, #tpu.memory_space<vmem>> -> memref<4xi32, #tpu.memory_space<vmem>>
    %dma_wait3A_307 = arith.constant 0 : i32
    %dma_wait3A_308 = arith.constant 0 : i32
    %dma_wait3A_309 = arith.constant 0 : i32
    %dma_wait3A_310 = tpu.memref_slice %arg2[%dma_wait3A_307, %dma_wait3A_308, %dma_wait3A_309] : memref<2049x64x128xf32, #tpu.memory_space<hbm>> -> memref<2049x64x128xf32, #tpu.memory_space<hbm>>
    tpu.wait_indirect_dma semaphore(%arg9 : memref<!tpu.dma_semaphore, #tpu.memory_space<semaphore_mem>>) src(%dma_wait3A_310 : memref<2049x64x128xf32, #tpu.memory_space<hbm>>) dst(%arg7 : memref<4x64x128xf32, #tpu.memory_space<vmem>>)
    %mul3A_311 = arith.constant 128 : i32
    %mul3A_312 = arith.muli %add3A, %mul3A_311 : i32
    %add3A_313 = arith.constant 36 : i32
    %add3A_314 = arith.addi %mul3A_312, %add3A_313 : i32
    %dma_start3A_315 = arith.constant 0 : i32
    %dma_start3A_316 = arith.constant 0 : i32
    %dma_start3A_317 = tpu.memref_slice %arg4[%add3A_314, %dma_start3A_315, %dma_start3A_316] : memref<4096x64x128xf32, #tpu.memory_space<hbm>> -> memref<4x64x128xf32, #tpu.memory_space<hbm>>
    %dma_start3A_318 = arith.constant 0 : i32
    %dma_start3A_319 = arith.constant 0 : i32
    %dma_start3A_320 = tpu.memref_slice %arg4[%add3A_314, %dma_start3A_318, %dma_start3A_319] : memref<4096x64x128xf32, #tpu.memory_space<hbm>> -> memref<4x64x128xf32, #tpu.memory_space<hbm>>
    tpu.enqueue_dma source(%arg7 : memref<4x64x128xf32, #tpu.memory_space<vmem>>) target(%dma_start3A_320 : memref<4x64x128xf32, #tpu.memory_space<hbm>>) target_semaphore(%arg11 : memref<!tpu.dma_semaphore, #tpu.memory_space<semaphore_mem>>)
    %dma_wait3A_321 = arith.constant 0 : i32
    %dma_wait3A_322 = arith.constant 0 : i32
    %dma_wait3A_323 = tpu.memref_slice %arg4[%add3A_314, %dma_wait3A_321, %dma_wait3A_322] : memref<4096x64x128xf32, #tpu.memory_space<hbm>> -> memref<4x64x128xf32, #tpu.memory_space<hbm>>
    %dma_wait3A_324 = arith.constant 0 : i32
    %dma_wait3A_325 = arith.constant 0 : i32
    %dma_wait3A_326 = tpu.memref_slice %arg4[%add3A_314, %dma_wait3A_324, %dma_wait3A_325] : memref<4096x64x128xf32, #tpu.memory_space<hbm>> -> memref<4x64x128xf32, #tpu.memory_space<hbm>>
    tpu.wait_dma2 semaphore(%arg11 : memref<!tpu.dma_semaphore, #tpu.memory_space<semaphore_mem>>) src(%arg7 : memref<4x64x128xf32, #tpu.memory_space<vmem>>) dst(%dma_wait3A_326 : memref<4x64x128xf32, #tpu.memory_space<hbm>>)
    %dma_start3A_327 = arith.constant 11 : i32
    %dma_start3A_328 = arith.constant 0 : i32
    %dma_start3A_329 = tpu.memref_slice %arg5[%dma_start3A_327, %dma_start3A_328] : memref<32x4xi32, #tpu.memory_space<vmem>> -> memref<1x4xi32, #tpu.memory_space<vmem>>
    %dma_start3A_330 = tpu.memref_squeeze %dma_start3A_329 : memref<1x4xi32, #tpu.memory_space<vmem>> -> memref<4xi32, #tpu.memory_space<vmem>>
    %dma_start3A_331 = arith.constant 0 : i32
    %dma_start3A_332 = arith.constant 0 : i32
    %dma_start3A_333 = arith.constant 0 : i32
    %dma_start3A_334 = tpu.memref_slice %arg2[%dma_start3A_331, %dma_start3A_332, %dma_start3A_333] : memref<2049x64x128xf32, #tpu.memory_space<hbm>> -> memref<2049x64x128xf32, #tpu.memory_space<hbm>>
    tpu.enqueue_indirect_dma source(%dma_start3A_334 : memref<2049x64x128xf32, #tpu.memory_space<hbm>>) target(%arg7 : memref<4x64x128xf32, #tpu.memory_space<vmem>>) offsets(%dma_start3A_330 : memref<4xi32, #tpu.memory_space<vmem>>) semaphore(%arg9 : memref<!tpu.dma_semaphore, #tpu.memory_space<semaphore_mem>>)
    %dma_wait3A_335 = arith.constant 10 : i32
    %dma_wait3A_336 = arith.constant 0 : i32
    %dma_wait3A_337 = tpu.memref_slice %arg5[%dma_wait3A_335, %dma_wait3A_336] : memref<32x4xi32, #tpu.memory_space<vmem>> -> memref<1x4xi32, #tpu.memory_space<vmem>>
    %dma_wait3A_338 = tpu.memref_squeeze %dma_wait3A_337 : memref<1x4xi32, #tpu.memory_space<vmem>> -> memref<4xi32, #tpu.memory_space<vmem>>
    %dma_wait3A_339 = arith.constant 0 : i32
    %dma_wait3A_340 = arith.constant 0 : i32
    %dma_wait3A_341 = arith.constant 0 : i32
    %dma_wait3A_342 = tpu.memref_slice %arg2[%dma_wait3A_339, %dma_wait3A_340, %dma_wait3A_341] : memref<2049x64x128xf32, #tpu.memory_space<hbm>> -> memref<2049x64x128xf32, #tpu.memory_space<hbm>>
    tpu.wait_indirect_dma semaphore(%arg8 : memref<!tpu.dma_semaphore, #tpu.memory_space<semaphore_mem>>) src(%dma_wait3A_342 : memref<2049x64x128xf32, #tpu.memory_space<hbm>>) dst(%arg6 : memref<4x64x128xf32, #tpu.memory_space<vmem>>)
    %mul3A_343 = arith.constant 128 : i32
    %mul3A_344 = arith.muli %add3A, %mul3A_343 : i32
    %add3A_345 = arith.constant 40 : i32
    %add3A_346 = arith.addi %mul3A_344, %add3A_345 : i32
    %dma_start3A_347 = arith.constant 0 : i32
    %dma_start3A_348 = arith.constant 0 : i32
    %dma_start3A_349 = tpu.memref_slice %arg4[%add3A_346, %dma_start3A_347, %dma_start3A_348] : memref<4096x64x128xf32, #tpu.memory_space<hbm>> -> memref<4x64x128xf32, #tpu.memory_space<hbm>>
    %dma_start3A_350 = arith.constant 0 : i32
    %dma_start3A_351 = arith.constant 0 : i32
    %dma_start3A_352 = tpu.memref_slice %arg4[%add3A_346, %dma_start3A_350, %dma_start3A_351] : memref<4096x64x128xf32, #tpu.memory_space<hbm>> -> memref<4x64x128xf32, #tpu.memory_space<hbm>>
    tpu.enqueue_dma source(%arg6 : memref<4x64x128xf32, #tpu.memory_space<vmem>>) target(%dma_start3A_352 : memref<4x64x128xf32, #tpu.memory_space<hbm>>) target_semaphore(%arg10 : memref<!tpu.dma_semaphore, #tpu.memory_space<semaphore_mem>>)
    %dma_wait3A_353 = arith.constant 0 : i32
    %dma_wait3A_354 = arith.constant 0 : i32
    %dma_wait3A_355 = tpu.memref_slice %arg4[%add3A_346, %dma_wait3A_353, %dma_wait3A_354] : memref<4096x64x128xf32, #tpu.memory_space<hbm>> -> memref<4x64x128xf32, #tpu.memory_space<hbm>>
    %dma_wait3A_356 = arith.constant 0 : i32
    %dma_wait3A_357 = arith.constant 0 : i32
    %dma_wait3A_358 = tpu.memref_slice %arg4[%add3A_346, %dma_wait3A_356, %dma_wait3A_357] : memref<4096x64x128xf32, #tpu.memory_space<hbm>> -> memref<4x64x128xf32, #tpu.memory_space<hbm>>
    tpu.wait_dma2 semaphore(%arg10 : memref<!tpu.dma_semaphore, #tpu.memory_space<semaphore_mem>>) src(%arg6 : memref<4x64x128xf32, #tpu.memory_space<vmem>>) dst(%dma_wait3A_358 : memref<4x64x128xf32, #tpu.memory_space<hbm>>)
    %dma_start3A_359 = arith.constant 12 : i32
    %dma_start3A_360 = arith.constant 0 : i32
    %dma_start3A_361 = tpu.memref_slice %arg5[%dma_start3A_359, %dma_start3A_360] : memref<32x4xi32, #tpu.memory_space<vmem>> -> memref<1x4xi32, #tpu.memory_space<vmem>>
    %dma_start3A_362 = tpu.memref_squeeze %dma_start3A_361 : memref<1x4xi32, #tpu.memory_space<vmem>> -> memref<4xi32, #tpu.memory_space<vmem>>
    %dma_start3A_363 = arith.constant 0 : i32
    %dma_start3A_364 = arith.constant 0 : i32
    %dma_start3A_365 = arith.constant 0 : i32
    %dma_start3A_366 = tpu.memref_slice %arg2[%dma_start3A_363, %dma_start3A_364, %dma_start3A_365] : memref<2049x64x128xf32, #tpu.memory_space<hbm>> -> memref<2049x64x128xf32, #tpu.memory_space<hbm>>
    tpu.enqueue_indirect_dma source(%dma_start3A_366 : memref<2049x64x128xf32, #tpu.memory_space<hbm>>) target(%arg6 : memref<4x64x128xf32, #tpu.memory_space<vmem>>) offsets(%dma_start3A_362 : memref<4xi32, #tpu.memory_space<vmem>>) semaphore(%arg8 : memref<!tpu.dma_semaphore, #tpu.memory_space<semaphore_mem>>)
    %dma_wait3A_367 = arith.constant 11 : i32
    %dma_wait3A_368 = arith.constant 0 : i32
    %dma_wait3A_369 = tpu.memref_slice %arg5[%dma_wait3A_367, %dma_wait3A_368] : memref<32x4xi32, #tpu.memory_space<vmem>> -> memref<1x4xi32, #tpu.memory_space<vmem>>
    %dma_wait3A_370 = tpu.memref_squeeze %dma_wait3A_369 : memref<1x4xi32, #tpu.memory_space<vmem>> -> memref<4xi32, #tpu.memory_space<vmem>>
    %dma_wait3A_371 = arith.constant 0 : i32
    %dma_wait3A_372 = arith.constant 0 : i32
    %dma_wait3A_373 = arith.constant 0 : i32
    %dma_wait3A_374 = tpu.memref_slice %arg2[%dma_wait3A_371, %dma_wait3A_372, %dma_wait3A_373] : memref<2049x64x128xf32, #tpu.memory_space<hbm>> -> memref<2049x64x128xf32, #tpu.memory_space<hbm>>
    tpu.wait_indirect_dma semaphore(%arg9 : memref<!tpu.dma_semaphore, #tpu.memory_space<semaphore_mem>>) src(%dma_wait3A_374 : memref<2049x64x128xf32, #tpu.memory_space<hbm>>) dst(%arg7 : memref<4x64x128xf32, #tpu.memory_space<vmem>>)
    %mul3A_375 = arith.constant 128 : i32
    %mul3A_376 = arith.muli %add3A, %mul3A_375 : i32
    %add3A_377 = arith.constant 44 : i32
    %add3A_378 = arith.addi %mul3A_376, %add3A_377 : i32
    %dma_start3A_379 = arith.constant 0 : i32
    %dma_start3A_380 = arith.constant 0 : i32
    %dma_start3A_381 = tpu.memref_slice %arg4[%add3A_378, %dma_start3A_379, %dma_start3A_380] : memref<4096x64x128xf32, #tpu.memory_space<hbm>> -> memref<4x64x128xf32, #tpu.memory_space<hbm>>
    %dma_start3A_382 = arith.constant 0 : i32
    %dma_start3A_383 = arith.constant 0 : i32
    %dma_start3A_384 = tpu.memref_slice %arg4[%add3A_378, %dma_start3A_382, %dma_start3A_383] : memref<4096x64x128xf32, #tpu.memory_space<hbm>> -> memref<4x64x128xf32, #tpu.memory_space<hbm>>
    tpu.enqueue_dma source(%arg7 : memref<4x64x128xf32, #tpu.memory_space<vmem>>) target(%dma_start3A_384 : memref<4x64x128xf32, #tpu.memory_space<hbm>>) target_semaphore(%arg11 : memref<!tpu.dma_semaphore, #tpu.memory_space<semaphore_mem>>)
    %dma_wait3A_385 = arith.constant 0 : i32
    %dma_wait3A_386 = arith.constant 0 : i32
    %dma_wait3A_387 = tpu.memref_slice %arg4[%add3A_378, %dma_wait3A_385, %dma_wait3A_386] : memref<4096x64x128xf32, #tpu.memory_space<hbm>> -> memref<4x64x128xf32, #tpu.memory_space<hbm>>
    %dma_wait3A_388 = arith.constant 0 : i32
    %dma_wait3A_389 = arith.constant 0 : i32
    %dma_wait3A_390 = tpu.memref_slice %arg4[%add3A_378, %dma_wait3A_388, %dma_wait3A_389] : memref<4096x64x128xf32, #tpu.memory_space<hbm>> -> memref<4x64x128xf32, #tpu.memory_space<hbm>>
    tpu.wait_dma2 semaphore(%arg11 : memref<!tpu.dma_semaphore, #tpu.memory_space<semaphore_mem>>) src(%arg7 : memref<4x64x128xf32, #tpu.memory_space<vmem>>) dst(%dma_wait3A_390 : memref<4x64x128xf32, #tpu.memory_space<hbm>>)
    %dma_start3A_391 = arith.constant 13 : i32
    %dma_start3A_392 = arith.constant 0 : i32
    %dma_start3A_393 = tpu.memref_slice %arg5[%dma_start3A_391, %dma_start3A_392] : memref<32x4xi32, #tpu.memory_space<vmem>> -> memref<1x4xi32, #tpu.memory_space<vmem>>
    %dma_start3A_394 = tpu.memref_squeeze %dma_start3A_393 : memref<1x4xi32, #tpu.memory_space<vmem>> -> memref<4xi32, #tpu.memory_space<vmem>>
    %dma_start3A_395 = arith.constant 0 : i32
    %dma_start3A_396 = arith.constant 0 : i32
    %dma_start3A_397 = arith.constant 0 : i32
    %dma_start3A_398 = tpu.memref_slice %arg2[%dma_start3A_395, %dma_start3A_396, %dma_start3A_397] : memref<2049x64x128xf32, #tpu.memory_space<hbm>> -> memref<2049x64x128xf32, #tpu.memory_space<hbm>>
    tpu.enqueue_indirect_dma source(%dma_start3A_398 : memref<2049x64x128xf32, #tpu.memory_space<hbm>>) target(%arg7 : memref<4x64x128xf32, #tpu.memory_space<vmem>>) offsets(%dma_start3A_394 : memref<4xi32, #tpu.memory_space<vmem>>) semaphore(%arg9 : memref<!tpu.dma_semaphore, #tpu.memory_space<semaphore_mem>>)
    %dma_wait3A_399 = arith.constant 12 : i32
    %dma_wait3A_400 = arith.constant 0 : i32
    %dma_wait3A_401 = tpu.memref_slice %arg5[%dma_wait3A_399, %dma_wait3A_400] : memref<32x4xi32, #tpu.memory_space<vmem>> -> memref<1x4xi32, #tpu.memory_space<vmem>>
    %dma_wait3A_402 = tpu.memref_squeeze %dma_wait3A_401 : memref<1x4xi32, #tpu.memory_space<vmem>> -> memref<4xi32, #tpu.memory_space<vmem>>
    %dma_wait3A_403 = arith.constant 0 : i32
    %dma_wait3A_404 = arith.constant 0 : i32
    %dma_wait3A_405 = arith.constant 0 : i32
    %dma_wait3A_406 = tpu.memref_slice %arg2[%dma_wait3A_403, %dma_wait3A_404, %dma_wait3A_405] : memref<2049x64x128xf32, #tpu.memory_space<hbm>> -> memref<2049x64x128xf32, #tpu.memory_space<hbm>>
    tpu.wait_indirect_dma semaphore(%arg8 : memref<!tpu.dma_semaphore, #tpu.memory_space<semaphore_mem>>) src(%dma_wait3A_406 : memref<2049x64x128xf32, #tpu.memory_space<hbm>>) dst(%arg6 : memref<4x64x128xf32, #tpu.memory_space<vmem>>)
    %mul3A_407 = arith.constant 128 : i32
    %mul3A_408 = arith.muli %add3A, %mul3A_407 : i32
    %add3A_409 = arith.constant 48 : i32
    %add3A_410 = arith.addi %mul3A_408, %add3A_409 : i32
    %dma_start3A_411 = arith.constant 0 : i32
    %dma_start3A_412 = arith.constant 0 : i32
    %dma_start3A_413 = tpu.memref_slice %arg4[%add3A_410, %dma_start3A_411, %dma_start3A_412] : memref<4096x64x128xf32, #tpu.memory_space<hbm>> -> memref<4x64x128xf32, #tpu.memory_space<hbm>>
    %dma_start3A_414 = arith.constant 0 : i32
    %dma_start3A_415 = arith.constant 0 : i32
    %dma_start3A_416 = tpu.memref_slice %arg4[%add3A_410, %dma_start3A_414, %dma_start3A_415] : memref<4096x64x128xf32, #tpu.memory_space<hbm>> -> memref<4x64x128xf32, #tpu.memory_space<hbm>>
    tpu.enqueue_dma source(%arg6 : memref<4x64x128xf32, #tpu.memory_space<vmem>>) target(%dma_start3A_416 : memref<4x64x128xf32, #tpu.memory_space<hbm>>) target_semaphore(%arg10 : memref<!tpu.dma_semaphore, #tpu.memory_space<semaphore_mem>>)
    %dma_wait3A_417 = arith.constant 0 : i32
    %dma_wait3A_418 = arith.constant 0 : i32
    %dma_wait3A_419 = tpu.memref_slice %arg4[%add3A_410, %dma_wait3A_417, %dma_wait3A_418] : memref<4096x64x128xf32, #tpu.memory_space<hbm>> -> memref<4x64x128xf32, #tpu.memory_space<hbm>>
    %dma_wait3A_420 = arith.constant 0 : i32
    %dma_wait3A_421 = arith.constant 0 : i32
    %dma_wait3A_422 = tpu.memref_slice %arg4[%add3A_410, %dma_wait3A_420, %dma_wait3A_421] : memref<4096x64x128xf32, #tpu.memory_space<hbm>> -> memref<4x64x128xf32, #tpu.memory_space<hbm>>
    tpu.wait_dma2 semaphore(%arg10 : memref<!tpu.dma_semaphore, #tpu.memory_space<semaphore_mem>>) src(%arg6 : memref<4x64x128xf32, #tpu.memory_space<vmem>>) dst(%dma_wait3A_422 : memref<4x64x128xf32, #tpu.memory_space<hbm>>)
    %dma_start3A_423 = arith.constant 14 : i32
    %dma_start3A_424 = arith.constant 0 : i32
    %dma_start3A_425 = tpu.memref_slice %arg5[%dma_start3A_423, %dma_start3A_424] : memref<32x4xi32, #tpu.memory_space<vmem>> -> memref<1x4xi32, #tpu.memory_space<vmem>>
    %dma_start3A_426 = tpu.memref_squeeze %dma_start3A_425 : memref<1x4xi32, #tpu.memory_space<vmem>> -> memref<4xi32, #tpu.memory_space<vmem>>
    %dma_start3A_427 = arith.constant 0 : i32
    %dma_start3A_428 = arith.constant 0 : i32
    %dma_start3A_429 = arith.constant 0 : i32
    %dma_start3A_430 = tpu.memref_slice %arg2[%dma_start3A_427, %dma_start3A_428, %dma_start3A_429] : memref<2049x64x128xf32, #tpu.memory_space<hbm>> -> memref<2049x64x128xf32, #tpu.memory_space<hbm>>
    tpu.enqueue_indirect_dma source(%dma_start3A_430 : memref<2049x64x128xf32, #tpu.memory_space<hbm>>) target(%arg6 : memref<4x64x128xf32, #tpu.memory_space<vmem>>) offsets(%dma_start3A_426 : memref<4xi32, #tpu.memory_space<vmem>>) semaphore(%arg8 : memref<!tpu.dma_semaphore, #tpu.memory_space<semaphore_mem>>)
    %dma_wait3A_431 = arith.constant 13 : i32
    %dma_wait3A_432 = arith.constant 0 : i32
    %dma_wait3A_433 = tpu.memref_slice %arg5[%dma_wait3A_431, %dma_wait3A_432] : memref<32x4xi32, #tpu.memory_space<vmem>> -> memref<1x4xi32, #tpu.memory_space<vmem>>
    %dma_wait3A_434 = tpu.memref_squeeze %dma_wait3A_433 : memref<1x4xi32, #tpu.memory_space<vmem>> -> memref<4xi32, #tpu.memory_space<vmem>>
    %dma_wait3A_435 = arith.constant 0 : i32
    %dma_wait3A_436 = arith.constant 0 : i32
    %dma_wait3A_437 = arith.constant 0 : i32
    %dma_wait3A_438 = tpu.memref_slice %arg2[%dma_wait3A_435, %dma_wait3A_436, %dma_wait3A_437] : memref<2049x64x128xf32, #tpu.memory_space<hbm>> -> memref<2049x64x128xf32, #tpu.memory_space<hbm>>
    tpu.wait_indirect_dma semaphore(%arg9 : memref<!tpu.dma_semaphore, #tpu.memory_space<semaphore_mem>>) src(%dma_wait3A_438 : memref<2049x64x128xf32, #tpu.memory_space<hbm>>) dst(%arg7 : memref<4x64x128xf32, #tpu.memory_space<vmem>>)
    %mul3A_439 = arith.constant 128 : i32
    %mul3A_440 = arith.muli %add3A, %mul3A_439 : i32
    %add3A_441 = arith.constant 52 : i32
    %add3A_442 = arith.addi %mul3A_440, %add3A_441 : i32
    %dma_start3A_443 = arith.constant 0 : i32
    %dma_start3A_444 = arith.constant 0 : i32
    %dma_start3A_445 = tpu.memref_slice %arg4[%add3A_442, %dma_start3A_443, %dma_start3A_444] : memref<4096x64x128xf32, #tpu.memory_space<hbm>> -> memref<4x64x128xf32, #tpu.memory_space<hbm>>
    %dma_start3A_446 = arith.constant 0 : i32
    %dma_start3A_447 = arith.constant 0 : i32
    %dma_start3A_448 = tpu.memref_slice %arg4[%add3A_442, %dma_start3A_446, %dma_start3A_447] : memref<4096x64x128xf32, #tpu.memory_space<hbm>> -> memref<4x64x128xf32, #tpu.memory_space<hbm>>
    tpu.enqueue_dma source(%arg7 : memref<4x64x128xf32, #tpu.memory_space<vmem>>) target(%dma_start3A_448 : memref<4x64x128xf32, #tpu.memory_space<hbm>>) target_semaphore(%arg11 : memref<!tpu.dma_semaphore, #tpu.memory_space<semaphore_mem>>)
    %dma_wait3A_449 = arith.constant 0 : i32
    %dma_wait3A_450 = arith.constant 0 : i32
    %dma_wait3A_451 = tpu.memref_slice %arg4[%add3A_442, %dma_wait3A_449, %dma_wait3A_450] : memref<4096x64x128xf32, #tpu.memory_space<hbm>> -> memref<4x64x128xf32, #tpu.memory_space<hbm>>
    %dma_wait3A_452 = arith.constant 0 : i32
    %dma_wait3A_453 = arith.constant 0 : i32
    %dma_wait3A_454 = tpu.memref_slice %arg4[%add3A_442, %dma_wait3A_452, %dma_wait3A_453] : memref<4096x64x128xf32, #tpu.memory_space<hbm>> -> memref<4x64x128xf32, #tpu.memory_space<hbm>>
    tpu.wait_dma2 semaphore(%arg11 : memref<!tpu.dma_semaphore, #tpu.memory_space<semaphore_mem>>) src(%arg7 : memref<4x64x128xf32, #tpu.memory_space<vmem>>) dst(%dma_wait3A_454 : memref<4x64x128xf32, #tpu.memory_space<hbm>>)
    %dma_start3A_455 = arith.constant 15 : i32
    %dma_start3A_456 = arith.constant 0 : i32
    %dma_start3A_457 = tpu.memref_slice %arg5[%dma_start3A_455, %dma_start3A_456] : memref<32x4xi32, #tpu.memory_space<vmem>> -> memref<1x4xi32, #tpu.memory_space<vmem>>
    %dma_start3A_458 = tpu.memref_squeeze %dma_start3A_457 : memref<1x4xi32, #tpu.memory_space<vmem>> -> memref<4xi32, #tpu.memory_space<vmem>>
    %dma_start3A_459 = arith.constant 0 : i32
    %dma_start3A_460 = arith.constant 0 : i32
    %dma_start3A_461 = arith.constant 0 : i32
    %dma_start3A_462 = tpu.memref_slice %arg2[%dma_start3A_459, %dma_start3A_460, %dma_start3A_461] : memref<2049x64x128xf32, #tpu.memory_space<hbm>> -> memref<2049x64x128xf32, #tpu.memory_space<hbm>>
    tpu.enqueue_indirect_dma source(%dma_start3A_462 : memref<2049x64x128xf32, #tpu.memory_space<hbm>>) target(%arg7 : memref<4x64x128xf32, #tpu.memory_space<vmem>>) offsets(%dma_start3A_458 : memref<4xi32, #tpu.memory_space<vmem>>) semaphore(%arg9 : memref<!tpu.dma_semaphore, #tpu.memory_space<semaphore_mem>>)
    %dma_wait3A_463 = arith.constant 14 : i32
    %dma_wait3A_464 = arith.constant 0 : i32
    %dma_wait3A_465 = tpu.memref_slice %arg5[%dma_wait3A_463, %dma_wait3A_464] : memref<32x4xi32, #tpu.memory_space<vmem>> -> memref<1x4xi32, #tpu.memory_space<vmem>>
    %dma_wait3A_466 = tpu.memref_squeeze %dma_wait3A_465 : memref<1x4xi32, #tpu.memory_space<vmem>> -> memref<4xi32, #tpu.memory_space<vmem>>
    %dma_wait3A_467 = arith.constant 0 : i32
    %dma_wait3A_468 = arith.constant 0 : i32
    %dma_wait3A_469 = arith.constant 0 : i32
    %dma_wait3A_470 = tpu.memref_slice %arg2[%dma_wait3A_467, %dma_wait3A_468, %dma_wait3A_469] : memref<2049x64x128xf32, #tpu.memory_space<hbm>> -> memref<2049x64x128xf32, #tpu.memory_space<hbm>>
    tpu.wait_indirect_dma semaphore(%arg8 : memref<!tpu.dma_semaphore, #tpu.memory_space<semaphore_mem>>) src(%dma_wait3A_470 : memref<2049x64x128xf32, #tpu.memory_space<hbm>>) dst(%arg6 : memref<4x64x128xf32, #tpu.memory_space<vmem>>)
    %mul3A_471 = arith.constant 128 : i32
    %mul3A_472 = arith.muli %add3A, %mul3A_471 : i32
    %add3A_473 = arith.constant 56 : i32
    %add3A_474 = arith.addi %mul3A_472, %add3A_473 : i32
    %dma_start3A_475 = arith.constant 0 : i32
    %dma_start3A_476 = arith.constant 0 : i32
    %dma_start3A_477 = tpu.memref_slice %arg4[%add3A_474, %dma_start3A_475, %dma_start3A_476] : memref<4096x64x128xf32, #tpu.memory_space<hbm>> -> memref<4x64x128xf32, #tpu.memory_space<hbm>>
    %dma_start3A_478 = arith.constant 0 : i32
    %dma_start3A_479 = arith.constant 0 : i32
    %dma_start3A_480 = tpu.memref_slice %arg4[%add3A_474, %dma_start3A_478, %dma_start3A_479] : memref<4096x64x128xf32, #tpu.memory_space<hbm>> -> memref<4x64x128xf32, #tpu.memory_space<hbm>>
    tpu.enqueue_dma source(%arg6 : memref<4x64x128xf32, #tpu.memory_space<vmem>>) target(%dma_start3A_480 : memref<4x64x128xf32, #tpu.memory_space<hbm>>) target_semaphore(%arg10 : memref<!tpu.dma_semaphore, #tpu.memory_space<semaphore_mem>>)
    %dma_wait3A_481 = arith.constant 0 : i32
    %dma_wait3A_482 = arith.constant 0 : i32
    %dma_wait3A_483 = tpu.memref_slice %arg4[%add3A_474, %dma_wait3A_481, %dma_wait3A_482] : memref<4096x64x128xf32, #tpu.memory_space<hbm>> -> memref<4x64x128xf32, #tpu.memory_space<hbm>>
    %dma_wait3A_484 = arith.constant 0 : i32
    %dma_wait3A_485 = arith.constant 0 : i32
    %dma_wait3A_486 = tpu.memref_slice %arg4[%add3A_474, %dma_wait3A_484, %dma_wait3A_485] : memref<4096x64x128xf32, #tpu.memory_space<hbm>> -> memref<4x64x128xf32, #tpu.memory_space<hbm>>
    tpu.wait_dma2 semaphore(%arg10 : memref<!tpu.dma_semaphore, #tpu.memory_space<semaphore_mem>>) src(%arg6 : memref<4x64x128xf32, #tpu.memory_space<vmem>>) dst(%dma_wait3A_486 : memref<4x64x128xf32, #tpu.memory_space<hbm>>)
    %dma_start3A_487 = arith.constant 16 : i32
    %dma_start3A_488 = arith.constant 0 : i32
    %dma_start3A_489 = tpu.memref_slice %arg5[%dma_start3A_487, %dma_start3A_488] : memref<32x4xi32, #tpu.memory_space<vmem>> -> memref<1x4xi32, #tpu.memory_space<vmem>>
    %dma_start3A_490 = tpu.memref_squeeze %dma_start3A_489 : memref<1x4xi32, #tpu.memory_space<vmem>> -> memref<4xi32, #tpu.memory_space<vmem>>
    %dma_start3A_491 = arith.constant 0 : i32
    %dma_start3A_492 = arith.constant 0 : i32
    %dma_start3A_493 = arith.constant 0 : i32
    %dma_start3A_494 = tpu.memref_slice %arg2[%dma_start3A_491, %dma_start3A_492, %dma_start3A_493] : memref<2049x64x128xf32, #tpu.memory_space<hbm>> -> memref<2049x64x128xf32, #tpu.memory_space<hbm>>
    tpu.enqueue_indirect_dma source(%dma_start3A_494 : memref<2049x64x128xf32, #tpu.memory_space<hbm>>) target(%arg6 : memref<4x64x128xf32, #tpu.memory_space<vmem>>) offsets(%dma_start3A_490 : memref<4xi32, #tpu.memory_space<vmem>>) semaphore(%arg8 : memref<!tpu.dma_semaphore, #tpu.memory_space<semaphore_mem>>)
    %dma_wait3A_495 = arith.constant 15 : i32
    %dma_wait3A_496 = arith.constant 0 : i32
    %dma_wait3A_497 = tpu.memref_slice %arg5[%dma_wait3A_495, %dma_wait3A_496] : memref<32x4xi32, #tpu.memory_space<vmem>> -> memref<1x4xi32, #tpu.memory_space<vmem>>
    %dma_wait3A_498 = tpu.memref_squeeze %dma_wait3A_497 : memref<1x4xi32, #tpu.memory_space<vmem>> -> memref<4xi32, #tpu.memory_space<vmem>>
    %dma_wait3A_499 = arith.constant 0 : i32
    %dma_wait3A_500 = arith.constant 0 : i32
    %dma_wait3A_501 = arith.constant 0 : i32
    %dma_wait3A_502 = tpu.memref_slice %arg2[%dma_wait3A_499, %dma_wait3A_500, %dma_wait3A_501] : memref<2049x64x128xf32, #tpu.memory_space<hbm>> -> memref<2049x64x128xf32, #tpu.memory_space<hbm>>
    tpu.wait_indirect_dma semaphore(%arg9 : memref<!tpu.dma_semaphore, #tpu.memory_space<semaphore_mem>>) src(%dma_wait3A_502 : memref<2049x64x128xf32, #tpu.memory_space<hbm>>) dst(%arg7 : memref<4x64x128xf32, #tpu.memory_space<vmem>>)
    %mul3A_503 = arith.constant 128 : i32
    %mul3A_504 = arith.muli %add3A, %mul3A_503 : i32
    %add3A_505 = arith.constant 60 : i32
    %add3A_506 = arith.addi %mul3A_504, %add3A_505 : i32
    %dma_start3A_507 = arith.constant 0 : i32
    %dma_start3A_508 = arith.constant 0 : i32
    %dma_start3A_509 = tpu.memref_slice %arg4[%add3A_506, %dma_start3A_507, %dma_start3A_508] : memref<4096x64x128xf32, #tpu.memory_space<hbm>> -> memref<4x64x128xf32, #tpu.memory_space<hbm>>
    %dma_start3A_510 = arith.constant 0 : i32
    %dma_start3A_511 = arith.constant 0 : i32
    %dma_start3A_512 = tpu.memref_slice %arg4[%add3A_506, %dma_start3A_510, %dma_start3A_511] : memref<4096x64x128xf32, #tpu.memory_space<hbm>> -> memref<4x64x128xf32, #tpu.memory_space<hbm>>
    tpu.enqueue_dma source(%arg7 : memref<4x64x128xf32, #tpu.memory_space<vmem>>) target(%dma_start3A_512 : memref<4x64x128xf32, #tpu.memory_space<hbm>>) target_semaphore(%arg11 : memref<!tpu.dma_semaphore, #tpu.memory_space<semaphore_mem>>)
    %dma_wait3A_513 = arith.constant 0 : i32
    %dma_wait3A_514 = arith.constant 0 : i32
    %dma_wait3A_515 = tpu.memref_slice %arg4[%add3A_506, %dma_wait3A_513, %dma_wait3A_514] : memref<4096x64x128xf32, #tpu.memory_space<hbm>> -> memref<4x64x128xf32, #tpu.memory_space<hbm>>
    %dma_wait3A_516 = arith.constant 0 : i32
    %dma_wait3A_517 = arith.constant 0 : i32
    %dma_wait3A_518 = tpu.memref_slice %arg4[%add3A_506, %dma_wait3A_516, %dma_wait3A_517] : memref<4096x64x128xf32, #tpu.memory_space<hbm>> -> memref<4x64x128xf32, #tpu.memory_space<hbm>>
    tpu.wait_dma2 semaphore(%arg11 : memref<!tpu.dma_semaphore, #tpu.memory_space<semaphore_mem>>) src(%arg7 : memref<4x64x128xf32, #tpu.memory_space<vmem>>) dst(%dma_wait3A_518 : memref<4x64x128xf32, #tpu.memory_space<hbm>>)
    %dma_start3A_519 = arith.constant 17 : i32
    %dma_start3A_520 = arith.constant 0 : i32
    %dma_start3A_521 = tpu.memref_slice %arg5[%dma_start3A_519, %dma_start3A_520] : memref<32x4xi32, #tpu.memory_space<vmem>> -> memref<1x4xi32, #tpu.memory_space<vmem>>
    %dma_start3A_522 = tpu.memref_squeeze %dma_start3A_521 : memref<1x4xi32, #tpu.memory_space<vmem>> -> memref<4xi32, #tpu.memory_space<vmem>>
    %dma_start3A_523 = arith.constant 0 : i32
    %dma_start3A_524 = arith.constant 0 : i32
    %dma_start3A_525 = arith.constant 0 : i32
    %dma_start3A_526 = tpu.memref_slice %arg2[%dma_start3A_523, %dma_start3A_524, %dma_start3A_525] : memref<2049x64x128xf32, #tpu.memory_space<hbm>> -> memref<2049x64x128xf32, #tpu.memory_space<hbm>>
    tpu.enqueue_indirect_dma source(%dma_start3A_526 : memref<2049x64x128xf32, #tpu.memory_space<hbm>>) target(%arg7 : memref<4x64x128xf32, #tpu.memory_space<vmem>>) offsets(%dma_start3A_522 : memref<4xi32, #tpu.memory_space<vmem>>) semaphore(%arg9 : memref<!tpu.dma_semaphore, #tpu.memory_space<semaphore_mem>>)
    %dma_wait3A_527 = arith.constant 16 : i32
    %dma_wait3A_528 = arith.constant 0 : i32
    %dma_wait3A_529 = tpu.memref_slice %arg5[%dma_wait3A_527, %dma_wait3A_528] : memref<32x4xi32, #tpu.memory_space<vmem>> -> memref<1x4xi32, #tpu.memory_space<vmem>>
    %dma_wait3A_530 = tpu.memref_squeeze %dma_wait3A_529 : memref<1x4xi32, #tpu.memory_space<vmem>> -> memref<4xi32, #tpu.memory_space<vmem>>
    %dma_wait3A_531 = arith.constant 0 : i32
    %dma_wait3A_532 = arith.constant 0 : i32
    %dma_wait3A_533 = arith.constant 0 : i32
    %dma_wait3A_534 = tpu.memref_slice %arg2[%dma_wait3A_531, %dma_wait3A_532, %dma_wait3A_533] : memref<2049x64x128xf32, #tpu.memory_space<hbm>> -> memref<2049x64x128xf32, #tpu.memory_space<hbm>>
    tpu.wait_indirect_dma semaphore(%arg8 : memref<!tpu.dma_semaphore, #tpu.memory_space<semaphore_mem>>) src(%dma_wait3A_534 : memref<2049x64x128xf32, #tpu.memory_space<hbm>>) dst(%arg6 : memref<4x64x128xf32, #tpu.memory_space<vmem>>)
    %mul3A_535 = arith.constant 128 : i32
    %mul3A_536 = arith.muli %add3A, %mul3A_535 : i32
    %add3A_537 = arith.constant 64 : i32
    %add3A_538 = arith.addi %mul3A_536, %add3A_537 : i32
    %dma_start3A_539 = arith.constant 0 : i32
    %dma_start3A_540 = arith.constant 0 : i32
    %dma_start3A_541 = tpu.memref_slice %arg4[%add3A_538, %dma_start3A_539, %dma_start3A_540] : memref<4096x64x128xf32, #tpu.memory_space<hbm>> -> memref<4x64x128xf32, #tpu.memory_space<hbm>>
    %dma_start3A_542 = arith.constant 0 : i32
    %dma_start3A_543 = arith.constant 0 : i32
    %dma_start3A_544 = tpu.memref_slice %arg4[%add3A_538, %dma_start3A_542, %dma_start3A_543] : memref<4096x64x128xf32, #tpu.memory_space<hbm>> -> memref<4x64x128xf32, #tpu.memory_space<hbm>>
    tpu.enqueue_dma source(%arg6 : memref<4x64x128xf32, #tpu.memory_space<vmem>>) target(%dma_start3A_544 : memref<4x64x128xf32, #tpu.memory_space<hbm>>) target_semaphore(%arg10 : memref<!tpu.dma_semaphore, #tpu.memory_space<semaphore_mem>>)
    %dma_wait3A_545 = arith.constant 0 : i32
    %dma_wait3A_546 = arith.constant 0 : i32
    %dma_wait3A_547 = tpu.memref_slice %arg4[%add3A_538, %dma_wait3A_545, %dma_wait3A_546] : memref<4096x64x128xf32, #tpu.memory_space<hbm>> -> memref<4x64x128xf32, #tpu.memory_space<hbm>>
    %dma_wait3A_548 = arith.constant 0 : i32
    %dma_wait3A_549 = arith.constant 0 : i32
    %dma_wait3A_550 = tpu.memref_slice %arg4[%add3A_538, %dma_wait3A_548, %dma_wait3A_549] : memref<4096x64x128xf32, #tpu.memory_space<hbm>> -> memref<4x64x128xf32, #tpu.memory_space<hbm>>
    tpu.wait_dma2 semaphore(%arg10 : memref<!tpu.dma_semaphore, #tpu.memory_space<semaphore_mem>>) src(%arg6 : memref<4x64x128xf32, #tpu.memory_space<vmem>>) dst(%dma_wait3A_550 : memref<4x64x128xf32, #tpu.memory_space<hbm>>)
    %dma_start3A_551 = arith.constant 18 : i32
    %dma_start3A_552 = arith.constant 0 : i32
    %dma_start3A_553 = tpu.memref_slice %arg5[%dma_start3A_551, %dma_start3A_552] : memref<32x4xi32, #tpu.memory_space<vmem>> -> memref<1x4xi32, #tpu.memory_space<vmem>>
    %dma_start3A_554 = tpu.memref_squeeze %dma_start3A_553 : memref<1x4xi32, #tpu.memory_space<vmem>> -> memref<4xi32, #tpu.memory_space<vmem>>
    %dma_start3A_555 = arith.constant 0 : i32
    %dma_start3A_556 = arith.constant 0 : i32
    %dma_start3A_557 = arith.constant 0 : i32
    %dma_start3A_558 = tpu.memref_slice %arg2[%dma_start3A_555, %dma_start3A_556, %dma_start3A_557] : memref<2049x64x128xf32, #tpu.memory_space<hbm>> -> memref<2049x64x128xf32, #tpu.memory_space<hbm>>
    tpu.enqueue_indirect_dma source(%dma_start3A_558 : memref<2049x64x128xf32, #tpu.memory_space<hbm>>) target(%arg6 : memref<4x64x128xf32, #tpu.memory_space<vmem>>) offsets(%dma_start3A_554 : memref<4xi32, #tpu.memory_space<vmem>>) semaphore(%arg8 : memref<!tpu.dma_semaphore, #tpu.memory_space<semaphore_mem>>)
    %dma_wait3A_559 = arith.constant 17 : i32
    %dma_wait3A_560 = arith.constant 0 : i32
    %dma_wait3A_561 = tpu.memref_slice %arg5[%dma_wait3A_559, %dma_wait3A_560] : memref<32x4xi32, #tpu.memory_space<vmem>> -> memref<1x4xi32, #tpu.memory_space<vmem>>
    %dma_wait3A_562 = tpu.memref_squeeze %dma_wait3A_561 : memref<1x4xi32, #tpu.memory_space<vmem>> -> memref<4xi32, #tpu.memory_space<vmem>>
    %dma_wait3A_563 = arith.constant 0 : i32
    %dma_wait3A_564 = arith.constant 0 : i32
    %dma_wait3A_565 = arith.constant 0 : i32
    %dma_wait3A_566 = tpu.memref_slice %arg2[%dma_wait3A_563, %dma_wait3A_564, %dma_wait3A_565] : memref<2049x64x128xf32, #tpu.memory_space<hbm>> -> memref<2049x64x128xf32, #tpu.memory_space<hbm>>
    tpu.wait_indirect_dma semaphore(%arg9 : memref<!tpu.dma_semaphore, #tpu.memory_space<semaphore_mem>>) src(%dma_wait3A_566 : memref<2049x64x128xf32, #tpu.memory_space<hbm>>) dst(%arg7 : memref<4x64x128xf32, #tpu.memory_space<vmem>>)
    %mul3A_567 = arith.constant 128 : i32
    %mul3A_568 = arith.muli %add3A, %mul3A_567 : i32
    %add3A_569 = arith.constant 68 : i32
    %add3A_570 = arith.addi %mul3A_568, %add3A_569 : i32
    %dma_start3A_571 = arith.constant 0 : i32
    %dma_start3A_572 = arith.constant 0 : i32
    %dma_start3A_573 = tpu.memref_slice %arg4[%add3A_570, %dma_start3A_571, %dma_start3A_572] : memref<4096x64x128xf32, #tpu.memory_space<hbm>> -> memref<4x64x128xf32, #tpu.memory_space<hbm>>
    %dma_start3A_574 = arith.constant 0 : i32
    %dma_start3A_575 = arith.constant 0 : i32
    %dma_start3A_576 = tpu.memref_slice %arg4[%add3A_570, %dma_start3A_574, %dma_start3A_575] : memref<4096x64x128xf32, #tpu.memory_space<hbm>> -> memref<4x64x128xf32, #tpu.memory_space<hbm>>
    tpu.enqueue_dma source(%arg7 : memref<4x64x128xf32, #tpu.memory_space<vmem>>) target(%dma_start3A_576 : memref<4x64x128xf32, #tpu.memory_space<hbm>>) target_semaphore(%arg11 : memref<!tpu.dma_semaphore, #tpu.memory_space<semaphore_mem>>)
    %dma_wait3A_577 = arith.constant 0 : i32
    %dma_wait3A_578 = arith.constant 0 : i32
    %dma_wait3A_579 = tpu.memref_slice %arg4[%add3A_570, %dma_wait3A_577, %dma_wait3A_578] : memref<4096x64x128xf32, #tpu.memory_space<hbm>> -> memref<4x64x128xf32, #tpu.memory_space<hbm>>
    %dma_wait3A_580 = arith.constant 0 : i32
    %dma_wait3A_581 = arith.constant 0 : i32
    %dma_wait3A_582 = tpu.memref_slice %arg4[%add3A_570, %dma_wait3A_580, %dma_wait3A_581] : memref<4096x64x128xf32, #tpu.memory_space<hbm>> -> memref<4x64x128xf32, #tpu.memory_space<hbm>>
    tpu.wait_dma2 semaphore(%arg11 : memref<!tpu.dma_semaphore, #tpu.memory_space<semaphore_mem>>) src(%arg7 : memref<4x64x128xf32, #tpu.memory_space<vmem>>) dst(%dma_wait3A_582 : memref<4x64x128xf32, #tpu.memory_space<hbm>>)
    %dma_start3A_583 = arith.constant 19 : i32
    %dma_start3A_584 = arith.constant 0 : i32
    %dma_start3A_585 = tpu.memref_slice %arg5[%dma_start3A_583, %dma_start3A_584] : memref<32x4xi32, #tpu.memory_space<vmem>> -> memref<1x4xi32, #tpu.memory_space<vmem>>
    %dma_start3A_586 = tpu.memref_squeeze %dma_start3A_585 : memref<1x4xi32, #tpu.memory_space<vmem>> -> memref<4xi32, #tpu.memory_space<vmem>>
    %dma_start3A_587 = arith.constant 0 : i32
    %dma_start3A_588 = arith.constant 0 : i32
    %dma_start3A_589 = arith.constant 0 : i32
    %dma_start3A_590 = tpu.memref_slice %arg2[%dma_start3A_587, %dma_start3A_588, %dma_start3A_589] : memref<2049x64x128xf32, #tpu.memory_space<hbm>> -> memref<2049x64x128xf32, #tpu.memory_space<hbm>>
    tpu.enqueue_indirect_dma source(%dma_start3A_590 : memref<2049x64x128xf32, #tpu.memory_space<hbm>>) target(%arg7 : memref<4x64x128xf32, #tpu.memory_space<vmem>>) offsets(%dma_start3A_586 : memref<4xi32, #tpu.memory_space<vmem>>) semaphore(%arg9 : memref<!tpu.dma_semaphore, #tpu.memory_space<semaphore_mem>>)
    %dma_wait3A_591 = arith.constant 18 : i32
    %dma_wait3A_592 = arith.constant 0 : i32
    %dma_wait3A_593 = tpu.memref_slice %arg5[%dma_wait3A_591, %dma_wait3A_592] : memref<32x4xi32, #tpu.memory_space<vmem>> -> memref<1x4xi32, #tpu.memory_space<vmem>>
    %dma_wait3A_594 = tpu.memref_squeeze %dma_wait3A_593 : memref<1x4xi32, #tpu.memory_space<vmem>> -> memref<4xi32, #tpu.memory_space<vmem>>
    %dma_wait3A_595 = arith.constant 0 : i32
    %dma_wait3A_596 = arith.constant 0 : i32
    %dma_wait3A_597 = arith.constant 0 : i32
    %dma_wait3A_598 = tpu.memref_slice %arg2[%dma_wait3A_595, %dma_wait3A_596, %dma_wait3A_597] : memref<2049x64x128xf32, #tpu.memory_space<hbm>> -> memref<2049x64x128xf32, #tpu.memory_space<hbm>>
    tpu.wait_indirect_dma semaphore(%arg8 : memref<!tpu.dma_semaphore, #tpu.memory_space<semaphore_mem>>) src(%dma_wait3A_598 : memref<2049x64x128xf32, #tpu.memory_space<hbm>>) dst(%arg6 : memref<4x64x128xf32, #tpu.memory_space<vmem>>)
    %mul3A_599 = arith.constant 128 : i32
    %mul3A_600 = arith.muli %add3A, %mul3A_599 : i32
    %add3A_601 = arith.constant 72 : i32
    %add3A_602 = arith.addi %mul3A_600, %add3A_601 : i32
    %dma_start3A_603 = arith.constant 0 : i32
    %dma_start3A_604 = arith.constant 0 : i32
    %dma_start3A_605 = tpu.memref_slice %arg4[%add3A_602, %dma_start3A_603, %dma_start3A_604] : memref<4096x64x128xf32, #tpu.memory_space<hbm>> -> memref<4x64x128xf32, #tpu.memory_space<hbm>>
    %dma_start3A_606 = arith.constant 0 : i32
    %dma_start3A_607 = arith.constant 0 : i32
    %dma_start3A_608 = tpu.memref_slice %arg4[%add3A_602, %dma_start3A_606, %dma_start3A_607] : memref<4096x64x128xf32, #tpu.memory_space<hbm>> -> memref<4x64x128xf32, #tpu.memory_space<hbm>>
    tpu.enqueue_dma source(%arg6 : memref<4x64x128xf32, #tpu.memory_space<vmem>>) target(%dma_start3A_608 : memref<4x64x128xf32, #tpu.memory_space<hbm>>) target_semaphore(%arg10 : memref<!tpu.dma_semaphore, #tpu.memory_space<semaphore_mem>>)
    %dma_wait3A_609 = arith.constant 0 : i32
    %dma_wait3A_610 = arith.constant 0 : i32
    %dma_wait3A_611 = tpu.memref_slice %arg4[%add3A_602, %dma_wait3A_609, %dma_wait3A_610] : memref<4096x64x128xf32, #tpu.memory_space<hbm>> -> memref<4x64x128xf32, #tpu.memory_space<hbm>>
    %dma_wait3A_612 = arith.constant 0 : i32
    %dma_wait3A_613 = arith.constant 0 : i32
    %dma_wait3A_614 = tpu.memref_slice %arg4[%add3A_602, %dma_wait3A_612, %dma_wait3A_613] : memref<4096x64x128xf32, #tpu.memory_space<hbm>> -> memref<4x64x128xf32, #tpu.memory_space<hbm>>
    tpu.wait_dma2 semaphore(%arg10 : memref<!tpu.dma_semaphore, #tpu.memory_space<semaphore_mem>>) src(%arg6 : memref<4x64x128xf32, #tpu.memory_space<vmem>>) dst(%dma_wait3A_614 : memref<4x64x128xf32, #tpu.memory_space<hbm>>)
    %dma_start3A_615 = arith.constant 20 : i32
    %dma_start3A_616 = arith.constant 0 : i32
    %dma_start3A_617 = tpu.memref_slice %arg5[%dma_start3A_615, %dma_start3A_616] : memref<32x4xi32, #tpu.memory_space<vmem>> -> memref<1x4xi32, #tpu.memory_space<vmem>>
    %dma_start3A_618 = tpu.memref_squeeze %dma_start3A_617 : memref<1x4xi32, #tpu.memory_space<vmem>> -> memref<4xi32, #tpu.memory_space<vmem>>
    %dma_start3A_619 = arith.constant 0 : i32
    %dma_start3A_620 = arith.constant 0 : i32
    %dma_start3A_621 = arith.constant 0 : i32
    %dma_start3A_622 = tpu.memref_slice %arg2[%dma_start3A_619, %dma_start3A_620, %dma_start3A_621] : memref<2049x64x128xf32, #tpu.memory_space<hbm>> -> memref<2049x64x128xf32, #tpu.memory_space<hbm>>
    tpu.enqueue_indirect_dma source(%dma_start3A_622 : memref<2049x64x128xf32, #tpu.memory_space<hbm>>) target(%arg6 : memref<4x64x128xf32, #tpu.memory_space<vmem>>) offsets(%dma_start3A_618 : memref<4xi32, #tpu.memory_space<vmem>>) semaphore(%arg8 : memref<!tpu.dma_semaphore, #tpu.memory_space<semaphore_mem>>)
    %dma_wait3A_623 = arith.constant 19 : i32
    %dma_wait3A_624 = arith.constant 0 : i32
    %dma_wait3A_625 = tpu.memref_slice %arg5[%dma_wait3A_623, %dma_wait3A_624] : memref<32x4xi32, #tpu.memory_space<vmem>> -> memref<1x4xi32, #tpu.memory_space<vmem>>
    %dma_wait3A_626 = tpu.memref_squeeze %dma_wait3A_625 : memref<1x4xi32, #tpu.memory_space<vmem>> -> memref<4xi32, #tpu.memory_space<vmem>>
    %dma_wait3A_627 = arith.constant 0 : i32
    %dma_wait3A_628 = arith.constant 0 : i32
    %dma_wait3A_629 = arith.constant 0 : i32
    %dma_wait3A_630 = tpu.memref_slice %arg2[%dma_wait3A_627, %dma_wait3A_628, %dma_wait3A_629] : memref<2049x64x128xf32, #tpu.memory_space<hbm>> -> memref<2049x64x128xf32, #tpu.memory_space<hbm>>
    tpu.wait_indirect_dma semaphore(%arg9 : memref<!tpu.dma_semaphore, #tpu.memory_space<semaphore_mem>>) src(%dma_wait3A_630 : memref<2049x64x128xf32, #tpu.memory_space<hbm>>) dst(%arg7 : memref<4x64x128xf32, #tpu.memory_space<vmem>>)
    %mul3A_631 = arith.constant 128 : i32
    %mul3A_632 = arith.muli %add3A, %mul3A_631 : i32
    %add3A_633 = arith.constant 76 : i32
    %add3A_634 = arith.addi %mul3A_632, %add3A_633 : i32
    %dma_start3A_635 = arith.constant 0 : i32
    %dma_start3A_636 = arith.constant 0 : i32
    %dma_start3A_637 = tpu.memref_slice %arg4[%add3A_634, %dma_start3A_635, %dma_start3A_636] : memref<4096x64x128xf32, #tpu.memory_space<hbm>> -> memref<4x64x128xf32, #tpu.memory_space<hbm>>
    %dma_start3A_638 = arith.constant 0 : i32
    %dma_start3A_639 = arith.constant 0 : i32
    %dma_start3A_640 = tpu.memref_slice %arg4[%add3A_634, %dma_start3A_638, %dma_start3A_639] : memref<4096x64x128xf32, #tpu.memory_space<hbm>> -> memref<4x64x128xf32, #tpu.memory_space<hbm>>
    tpu.enqueue_dma source(%arg7 : memref<4x64x128xf32, #tpu.memory_space<vmem>>) target(%dma_start3A_640 : memref<4x64x128xf32, #tpu.memory_space<hbm>>) target_semaphore(%arg11 : memref<!tpu.dma_semaphore, #tpu.memory_space<semaphore_mem>>)
    %dma_wait3A_641 = arith.constant 0 : i32
    %dma_wait3A_642 = arith.constant 0 : i32
    %dma_wait3A_643 = tpu.memref_slice %arg4[%add3A_634, %dma_wait3A_641, %dma_wait3A_642] : memref<4096x64x128xf32, #tpu.memory_space<hbm>> -> memref<4x64x128xf32, #tpu.memory_space<hbm>>
    %dma_wait3A_644 = arith.constant 0 : i32
    %dma_wait3A_645 = arith.constant 0 : i32
    %dma_wait3A_646 = tpu.memref_slice %arg4[%add3A_634, %dma_wait3A_644, %dma_wait3A_645] : memref<4096x64x128xf32, #tpu.memory_space<hbm>> -> memref<4x64x128xf32, #tpu.memory_space<hbm>>
    tpu.wait_dma2 semaphore(%arg11 : memref<!tpu.dma_semaphore, #tpu.memory_space<semaphore_mem>>) src(%arg7 : memref<4x64x128xf32, #tpu.memory_space<vmem>>) dst(%dma_wait3A_646 : memref<4x64x128xf32, #tpu.memory_space<hbm>>)
    %dma_start3A_647 = arith.constant 21 : i32
    %dma_start3A_648 = arith.constant 0 : i32
    %dma_start3A_649 = tpu.memref_slice %arg5[%dma_start3A_647, %dma_start3A_648] : memref<32x4xi32, #tpu.memory_space<vmem>> -> memref<1x4xi32, #tpu.memory_space<vmem>>
    %dma_start3A_650 = tpu.memref_squeeze %dma_start3A_649 : memref<1x4xi32, #tpu.memory_space<vmem>> -> memref<4xi32, #tpu.memory_space<vmem>>
    %dma_start3A_651 = arith.constant 0 : i32
    %dma_start3A_652 = arith.constant 0 : i32
    %dma_start3A_653 = arith.constant 0 : i32
    %dma_start3A_654 = tpu.memref_slice %arg2[%dma_start3A_651, %dma_start3A_652, %dma_start3A_653] : memref<2049x64x128xf32, #tpu.memory_space<hbm>> -> memref<2049x64x128xf32, #tpu.memory_space<hbm>>
    tpu.enqueue_indirect_dma source(%dma_start3A_654 : memref<2049x64x128xf32, #tpu.memory_space<hbm>>) target(%arg7 : memref<4x64x128xf32, #tpu.memory_space<vmem>>) offsets(%dma_start3A_650 : memref<4xi32, #tpu.memory_space<vmem>>) semaphore(%arg9 : memref<!tpu.dma_semaphore, #tpu.memory_space<semaphore_mem>>)
    %dma_wait3A_655 = arith.constant 20 : i32
    %dma_wait3A_656 = arith.constant 0 : i32
    %dma_wait3A_657 = tpu.memref_slice %arg5[%dma_wait3A_655, %dma_wait3A_656] : memref<32x4xi32, #tpu.memory_space<vmem>> -> memref<1x4xi32, #tpu.memory_space<vmem>>
    %dma_wait3A_658 = tpu.memref_squeeze %dma_wait3A_657 : memref<1x4xi32, #tpu.memory_space<vmem>> -> memref<4xi32, #tpu.memory_space<vmem>>
    %dma_wait3A_659 = arith.constant 0 : i32
    %dma_wait3A_660 = arith.constant 0 : i32
    %dma_wait3A_661 = arith.constant 0 : i32
    %dma_wait3A_662 = tpu.memref_slice %arg2[%dma_wait3A_659, %dma_wait3A_660, %dma_wait3A_661] : memref<2049x64x128xf32, #tpu.memory_space<hbm>> -> memref<2049x64x128xf32, #tpu.memory_space<hbm>>
    tpu.wait_indirect_dma semaphore(%arg8 : memref<!tpu.dma_semaphore, #tpu.memory_space<semaphore_mem>>) src(%dma_wait3A_662 : memref<2049x64x128xf32, #tpu.memory_space<hbm>>) dst(%arg6 : memref<4x64x128xf32, #tpu.memory_space<vmem>>)
    %mul3A_663 = arith.constant 128 : i32
    %mul3A_664 = arith.muli %add3A, %mul3A_663 : i32
    %add3A_665 = arith.constant 80 : i32
    %add3A_666 = arith.addi %mul3A_664, %add3A_665 : i32
    %dma_start3A_667 = arith.constant 0 : i32
    %dma_start3A_668 = arith.constant 0 : i32
    %dma_start3A_669 = tpu.memref_slice %arg4[%add3A_666, %dma_start3A_667, %dma_start3A_668] : memref<4096x64x128xf32, #tpu.memory_space<hbm>> -> memref<4x64x128xf32, #tpu.memory_space<hbm>>
    %dma_start3A_670 = arith.constant 0 : i32
    %dma_start3A_671 = arith.constant 0 : i32
    %dma_start3A_672 = tpu.memref_slice %arg4[%add3A_666, %dma_start3A_670, %dma_start3A_671] : memref<4096x64x128xf32, #tpu.memory_space<hbm>> -> memref<4x64x128xf32, #tpu.memory_space<hbm>>
    tpu.enqueue_dma source(%arg6 : memref<4x64x128xf32, #tpu.memory_space<vmem>>) target(%dma_start3A_672 : memref<4x64x128xf32, #tpu.memory_space<hbm>>) target_semaphore(%arg10 : memref<!tpu.dma_semaphore, #tpu.memory_space<semaphore_mem>>)
    %dma_wait3A_673 = arith.constant 0 : i32
    %dma_wait3A_674 = arith.constant 0 : i32
    %dma_wait3A_675 = tpu.memref_slice %arg4[%add3A_666, %dma_wait3A_673, %dma_wait3A_674] : memref<4096x64x128xf32, #tpu.memory_space<hbm>> -> memref<4x64x128xf32, #tpu.memory_space<hbm>>
    %dma_wait3A_676 = arith.constant 0 : i32
    %dma_wait3A_677 = arith.constant 0 : i32
    %dma_wait3A_678 = tpu.memref_slice %arg4[%add3A_666, %dma_wait3A_676, %dma_wait3A_677] : memref<4096x64x128xf32, #tpu.memory_space<hbm>> -> memref<4x64x128xf32, #tpu.memory_space<hbm>>
    tpu.wait_dma2 semaphore(%arg10 : memref<!tpu.dma_semaphore, #tpu.memory_space<semaphore_mem>>) src(%arg6 : memref<4x64x128xf32, #tpu.memory_space<vmem>>) dst(%dma_wait3A_678 : memref<4x64x128xf32, #tpu.memory_space<hbm>>)
    %dma_start3A_679 = arith.constant 22 : i32
    %dma_start3A_680 = arith.constant 0 : i32
    %dma_start3A_681 = tpu.memref_slice %arg5[%dma_start3A_679, %dma_start3A_680] : memref<32x4xi32, #tpu.memory_space<vmem>> -> memref<1x4xi32, #tpu.memory_space<vmem>>
    %dma_start3A_682 = tpu.memref_squeeze %dma_start3A_681 : memref<1x4xi32, #tpu.memory_space<vmem>> -> memref<4xi32, #tpu.memory_space<vmem>>
    %dma_start3A_683 = arith.constant 0 : i32
    %dma_start3A_684 = arith.constant 0 : i32
    %dma_start3A_685 = arith.constant 0 : i32
    %dma_start3A_686 = tpu.memref_slice %arg2[%dma_start3A_683, %dma_start3A_684, %dma_start3A_685] : memref<2049x64x128xf32, #tpu.memory_space<hbm>> -> memref<2049x64x128xf32, #tpu.memory_space<hbm>>
    tpu.enqueue_indirect_dma source(%dma_start3A_686 : memref<2049x64x128xf32, #tpu.memory_space<hbm>>) target(%arg6 : memref<4x64x128xf32, #tpu.memory_space<vmem>>) offsets(%dma_start3A_682 : memref<4xi32, #tpu.memory_space<vmem>>) semaphore(%arg8 : memref<!tpu.dma_semaphore, #tpu.memory_space<semaphore_mem>>)
    %dma_wait3A_687 = arith.constant 21 : i32
    %dma_wait3A_688 = arith.constant 0 : i32
    %dma_wait3A_689 = tpu.memref_slice %arg5[%dma_wait3A_687, %dma_wait3A_688] : memref<32x4xi32, #tpu.memory_space<vmem>> -> memref<1x4xi32, #tpu.memory_space<vmem>>
    %dma_wait3A_690 = tpu.memref_squeeze %dma_wait3A_689 : memref<1x4xi32, #tpu.memory_space<vmem>> -> memref<4xi32, #tpu.memory_space<vmem>>
    %dma_wait3A_691 = arith.constant 0 : i32
    %dma_wait3A_692 = arith.constant 0 : i32
    %dma_wait3A_693 = arith.constant 0 : i32
    %dma_wait3A_694 = tpu.memref_slice %arg2[%dma_wait3A_691, %dma_wait3A_692, %dma_wait3A_693] : memref<2049x64x128xf32, #tpu.memory_space<hbm>> -> memref<2049x64x128xf32, #tpu.memory_space<hbm>>
    tpu.wait_indirect_dma semaphore(%arg9 : memref<!tpu.dma_semaphore, #tpu.memory_space<semaphore_mem>>) src(%dma_wait3A_694 : memref<2049x64x128xf32, #tpu.memory_space<hbm>>) dst(%arg7 : memref<4x64x128xf32, #tpu.memory_space<vmem>>)
    %mul3A_695 = arith.constant 128 : i32
    %mul3A_696 = arith.muli %add3A, %mul3A_695 : i32
    %add3A_697 = arith.constant 84 : i32
    %add3A_698 = arith.addi %mul3A_696, %add3A_697 : i32
    %dma_start3A_699 = arith.constant 0 : i32
    %dma_start3A_700 = arith.constant 0 : i32
    %dma_start3A_701 = tpu.memref_slice %arg4[%add3A_698, %dma_start3A_699, %dma_start3A_700] : memref<4096x64x128xf32, #tpu.memory_space<hbm>> -> memref<4x64x128xf32, #tpu.memory_space<hbm>>
    %dma_start3A_702 = arith.constant 0 : i32
    %dma_start3A_703 = arith.constant 0 : i32
    %dma_start3A_704 = tpu.memref_slice %arg4[%add3A_698, %dma_start3A_702, %dma_start3A_703] : memref<4096x64x128xf32, #tpu.memory_space<hbm>> -> memref<4x64x128xf32, #tpu.memory_space<hbm>>
    tpu.enqueue_dma source(%arg7 : memref<4x64x128xf32, #tpu.memory_space<vmem>>) target(%dma_start3A_704 : memref<4x64x128xf32, #tpu.memory_space<hbm>>) target_semaphore(%arg11 : memref<!tpu.dma_semaphore, #tpu.memory_space<semaphore_mem>>)
    %dma_wait3A_705 = arith.constant 0 : i32
    %dma_wait3A_706 = arith.constant 0 : i32
    %dma_wait3A_707 = tpu.memref_slice %arg4[%add3A_698, %dma_wait3A_705, %dma_wait3A_706] : memref<4096x64x128xf32, #tpu.memory_space<hbm>> -> memref<4x64x128xf32, #tpu.memory_space<hbm>>
    %dma_wait3A_708 = arith.constant 0 : i32
    %dma_wait3A_709 = arith.constant 0 : i32
    %dma_wait3A_710 = tpu.memref_slice %arg4[%add3A_698, %dma_wait3A_708, %dma_wait3A_709] : memref<4096x64x128xf32, #tpu.memory_space<hbm>> -> memref<4x64x128xf32, #tpu.memory_space<hbm>>
    tpu.wait_dma2 semaphore(%arg11 : memref<!tpu.dma_semaphore, #tpu.memory_space<semaphore_mem>>) src(%arg7 : memref<4x64x128xf32, #tpu.memory_space<vmem>>) dst(%dma_wait3A_710 : memref<4x64x128xf32, #tpu.memory_space<hbm>>)
    %dma_start3A_711 = arith.constant 23 : i32
    %dma_start3A_712 = arith.constant 0 : i32
    %dma_start3A_713 = tpu.memref_slice %arg5[%dma_start3A_711, %dma_start3A_712] : memref<32x4xi32, #tpu.memory_space<vmem>> -> memref<1x4xi32, #tpu.memory_space<vmem>>
    %dma_start3A_714 = tpu.memref_squeeze %dma_start3A_713 : memref<1x4xi32, #tpu.memory_space<vmem>> -> memref<4xi32, #tpu.memory_space<vmem>>
    %dma_start3A_715 = arith.constant 0 : i32
    %dma_start3A_716 = arith.constant 0 : i32
    %dma_start3A_717 = arith.constant 0 : i32
    %dma_start3A_718 = tpu.memref_slice %arg2[%dma_start3A_715, %dma_start3A_716, %dma_start3A_717] : memref<2049x64x128xf32, #tpu.memory_space<hbm>> -> memref<2049x64x128xf32, #tpu.memory_space<hbm>>
    tpu.enqueue_indirect_dma source(%dma_start3A_718 : memref<2049x64x128xf32, #tpu.memory_space<hbm>>) target(%arg7 : memref<4x64x128xf32, #tpu.memory_space<vmem>>) offsets(%dma_start3A_714 : memref<4xi32, #tpu.memory_space<vmem>>) semaphore(%arg9 : memref<!tpu.dma_semaphore, #tpu.memory_space<semaphore_mem>>)
    %dma_wait3A_719 = arith.constant 22 : i32
    %dma_wait3A_720 = arith.constant 0 : i32
    %dma_wait3A_721 = tpu.memref_slice %arg5[%dma_wait3A_719, %dma_wait3A_720] : memref<32x4xi32, #tpu.memory_space<vmem>> -> memref<1x4xi32, #tpu.memory_space<vmem>>
    %dma_wait3A_722 = tpu.memref_squeeze %dma_wait3A_721 : memref<1x4xi32, #tpu.memory_space<vmem>> -> memref<4xi32, #tpu.memory_space<vmem>>
    %dma_wait3A_723 = arith.constant 0 : i32
    %dma_wait3A_724 = arith.constant 0 : i32
    %dma_wait3A_725 = arith.constant 0 : i32
    %dma_wait3A_726 = tpu.memref_slice %arg2[%dma_wait3A_723, %dma_wait3A_724, %dma_wait3A_725] : memref<2049x64x128xf32, #tpu.memory_space<hbm>> -> memref<2049x64x128xf32, #tpu.memory_space<hbm>>
    tpu.wait_indirect_dma semaphore(%arg8 : memref<!tpu.dma_semaphore, #tpu.memory_space<semaphore_mem>>) src(%dma_wait3A_726 : memref<2049x64x128xf32, #tpu.memory_space<hbm>>) dst(%arg6 : memref<4x64x128xf32, #tpu.memory_space<vmem>>)
    %mul3A_727 = arith.constant 128 : i32
    %mul3A_728 = arith.muli %add3A, %mul3A_727 : i32
    %add3A_729 = arith.constant 88 : i32
    %add3A_730 = arith.addi %mul3A_728, %add3A_729 : i32
    %dma_start3A_731 = arith.constant 0 : i32
    %dma_start3A_732 = arith.constant 0 : i32
    %dma_start3A_733 = tpu.memref_slice %arg4[%add3A_730, %dma_start3A_731, %dma_start3A_732] : memref<4096x64x128xf32, #tpu.memory_space<hbm>> -> memref<4x64x128xf32, #tpu.memory_space<hbm>>
    %dma_start3A_734 = arith.constant 0 : i32
    %dma_start3A_735 = arith.constant 0 : i32
    %dma_start3A_736 = tpu.memref_slice %arg4[%add3A_730, %dma_start3A_734, %dma_start3A_735] : memref<4096x64x128xf32, #tpu.memory_space<hbm>> -> memref<4x64x128xf32, #tpu.memory_space<hbm>>
    tpu.enqueue_dma source(%arg6 : memref<4x64x128xf32, #tpu.memory_space<vmem>>) target(%dma_start3A_736 : memref<4x64x128xf32, #tpu.memory_space<hbm>>) target_semaphore(%arg10 : memref<!tpu.dma_semaphore, #tpu.memory_space<semaphore_mem>>)
    %dma_wait3A_737 = arith.constant 0 : i32
    %dma_wait3A_738 = arith.constant 0 : i32
    %dma_wait3A_739 = tpu.memref_slice %arg4[%add3A_730, %dma_wait3A_737, %dma_wait3A_738] : memref<4096x64x128xf32, #tpu.memory_space<hbm>> -> memref<4x64x128xf32, #tpu.memory_space<hbm>>
    %dma_wait3A_740 = arith.constant 0 : i32
    %dma_wait3A_741 = arith.constant 0 : i32
    %dma_wait3A_742 = tpu.memref_slice %arg4[%add3A_730, %dma_wait3A_740, %dma_wait3A_741] : memref<4096x64x128xf32, #tpu.memory_space<hbm>> -> memref<4x64x128xf32, #tpu.memory_space<hbm>>
    tpu.wait_dma2 semaphore(%arg10 : memref<!tpu.dma_semaphore, #tpu.memory_space<semaphore_mem>>) src(%arg6 : memref<4x64x128xf32, #tpu.memory_space<vmem>>) dst(%dma_wait3A_742 : memref<4x64x128xf32, #tpu.memory_space<hbm>>)
    %dma_start3A_743 = arith.constant 24 : i32
    %dma_start3A_744 = arith.constant 0 : i32
    %dma_start3A_745 = tpu.memref_slice %arg5[%dma_start3A_743, %dma_start3A_744] : memref<32x4xi32, #tpu.memory_space<vmem>> -> memref<1x4xi32, #tpu.memory_space<vmem>>
    %dma_start3A_746 = tpu.memref_squeeze %dma_start3A_745 : memref<1x4xi32, #tpu.memory_space<vmem>> -> memref<4xi32, #tpu.memory_space<vmem>>
    %dma_start3A_747 = arith.constant 0 : i32
    %dma_start3A_748 = arith.constant 0 : i32
    %dma_start3A_749 = arith.constant 0 : i32
    %dma_start3A_750 = tpu.memref_slice %arg2[%dma_start3A_747, %dma_start3A_748, %dma_start3A_749] : memref<2049x64x128xf32, #tpu.memory_space<hbm>> -> memref<2049x64x128xf32, #tpu.memory_space<hbm>>
    tpu.enqueue_indirect_dma source(%dma_start3A_750 : memref<2049x64x128xf32, #tpu.memory_space<hbm>>) target(%arg6 : memref<4x64x128xf32, #tpu.memory_space<vmem>>) offsets(%dma_start3A_746 : memref<4xi32, #tpu.memory_space<vmem>>) semaphore(%arg8 : memref<!tpu.dma_semaphore, #tpu.memory_space<semaphore_mem>>)
    %dma_wait3A_751 = arith.constant 23 : i32
    %dma_wait3A_752 = arith.constant 0 : i32
    %dma_wait3A_753 = tpu.memref_slice %arg5[%dma_wait3A_751, %dma_wait3A_752] : memref<32x4xi32, #tpu.memory_space<vmem>> -> memref<1x4xi32, #tpu.memory_space<vmem>>
    %dma_wait3A_754 = tpu.memref_squeeze %dma_wait3A_753 : memref<1x4xi32, #tpu.memory_space<vmem>> -> memref<4xi32, #tpu.memory_space<vmem>>
    %dma_wait3A_755 = arith.constant 0 : i32
    %dma_wait3A_756 = arith.constant 0 : i32
    %dma_wait3A_757 = arith.constant 0 : i32
    %dma_wait3A_758 = tpu.memref_slice %arg2[%dma_wait3A_755, %dma_wait3A_756, %dma_wait3A_757] : memref<2049x64x128xf32, #tpu.memory_space<hbm>> -> memref<2049x64x128xf32, #tpu.memory_space<hbm>>
    tpu.wait_indirect_dma semaphore(%arg9 : memref<!tpu.dma_semaphore, #tpu.memory_space<semaphore_mem>>) src(%dma_wait3A_758 : memref<2049x64x128xf32, #tpu.memory_space<hbm>>) dst(%arg7 : memref<4x64x128xf32, #tpu.memory_space<vmem>>)
    %mul3A_759 = arith.constant 128 : i32
    %mul3A_760 = arith.muli %add3A, %mul3A_759 : i32
    %add3A_761 = arith.constant 92 : i32
    %add3A_762 = arith.addi %mul3A_760, %add3A_761 : i32
    %dma_start3A_763 = arith.constant 0 : i32
    %dma_start3A_764 = arith.constant 0 : i32
    %dma_start3A_765 = tpu.memref_slice %arg4[%add3A_762, %dma_start3A_763, %dma_start3A_764] : memref<4096x64x128xf32, #tpu.memory_space<hbm>> -> memref<4x64x128xf32, #tpu.memory_space<hbm>>
    %dma_start3A_766 = arith.constant 0 : i32
    %dma_start3A_767 = arith.constant 0 : i32
    %dma_start3A_768 = tpu.memref_slice %arg4[%add3A_762, %dma_start3A_766, %dma_start3A_767] : memref<4096x64x128xf32, #tpu.memory_space<hbm>> -> memref<4x64x128xf32, #tpu.memory_space<hbm>>
    tpu.enqueue_dma source(%arg7 : memref<4x64x128xf32, #tpu.memory_space<vmem>>) target(%dma_start3A_768 : memref<4x64x128xf32, #tpu.memory_space<hbm>>) target_semaphore(%arg11 : memref<!tpu.dma_semaphore, #tpu.memory_space<semaphore_mem>>)
    %dma_wait3A_769 = arith.constant 0 : i32
    %dma_wait3A_770 = arith.constant 0 : i32
    %dma_wait3A_771 = tpu.memref_slice %arg4[%add3A_762, %dma_wait3A_769, %dma_wait3A_770] : memref<4096x64x128xf32, #tpu.memory_space<hbm>> -> memref<4x64x128xf32, #tpu.memory_space<hbm>>
    %dma_wait3A_772 = arith.constant 0 : i32
    %dma_wait3A_773 = arith.constant 0 : i32
    %dma_wait3A_774 = tpu.memref_slice %arg4[%add3A_762, %dma_wait3A_772, %dma_wait3A_773] : memref<4096x64x128xf32, #tpu.memory_space<hbm>> -> memref<4x64x128xf32, #tpu.memory_space<hbm>>
    tpu.wait_dma2 semaphore(%arg11 : memref<!tpu.dma_semaphore, #tpu.memory_space<semaphore_mem>>) src(%arg7 : memref<4x64x128xf32, #tpu.memory_space<vmem>>) dst(%dma_wait3A_774 : memref<4x64x128xf32, #tpu.memory_space<hbm>>)
    %dma_start3A_775 = arith.constant 25 : i32
    %dma_start3A_776 = arith.constant 0 : i32
    %dma_start3A_777 = tpu.memref_slice %arg5[%dma_start3A_775, %dma_start3A_776] : memref<32x4xi32, #tpu.memory_space<vmem>> -> memref<1x4xi32, #tpu.memory_space<vmem>>
    %dma_start3A_778 = tpu.memref_squeeze %dma_start3A_777 : memref<1x4xi32, #tpu.memory_space<vmem>> -> memref<4xi32, #tpu.memory_space<vmem>>
    %dma_start3A_779 = arith.constant 0 : i32
    %dma_start3A_780 = arith.constant 0 : i32
    %dma_start3A_781 = arith.constant 0 : i32
    %dma_start3A_782 = tpu.memref_slice %arg2[%dma_start3A_779, %dma_start3A_780, %dma_start3A_781] : memref<2049x64x128xf32, #tpu.memory_space<hbm>> -> memref<2049x64x128xf32, #tpu.memory_space<hbm>>
    tpu.enqueue_indirect_dma source(%dma_start3A_782 : memref<2049x64x128xf32, #tpu.memory_space<hbm>>) target(%arg7 : memref<4x64x128xf32, #tpu.memory_space<vmem>>) offsets(%dma_start3A_778 : memref<4xi32, #tpu.memory_space<vmem>>) semaphore(%arg9 : memref<!tpu.dma_semaphore, #tpu.memory_space<semaphore_mem>>)
    %dma_wait3A_783 = arith.constant 24 : i32
    %dma_wait3A_784 = arith.constant 0 : i32
    %dma_wait3A_785 = tpu.memref_slice %arg5[%dma_wait3A_783, %dma_wait3A_784] : memref<32x4xi32, #tpu.memory_space<vmem>> -> memref<1x4xi32, #tpu.memory_space<vmem>>
    %dma_wait3A_786 = tpu.memref_squeeze %dma_wait3A_785 : memref<1x4xi32, #tpu.memory_space<vmem>> -> memref<4xi32, #tpu.memory_space<vmem>>
    %dma_wait3A_787 = arith.constant 0 : i32
    %dma_wait3A_788 = arith.constant 0 : i32
    %dma_wait3A_789 = arith.constant 0 : i32
    %dma_wait3A_790 = tpu.memref_slice %arg2[%dma_wait3A_787, %dma_wait3A_788, %dma_wait3A_789] : memref<2049x64x128xf32, #tpu.memory_space<hbm>> -> memref<2049x64x128xf32, #tpu.memory_space<hbm>>
    tpu.wait_indirect_dma semaphore(%arg8 : memref<!tpu.dma_semaphore, #tpu.memory_space<semaphore_mem>>) src(%dma_wait3A_790 : memref<2049x64x128xf32, #tpu.memory_space<hbm>>) dst(%arg6 : memref<4x64x128xf32, #tpu.memory_space<vmem>>)
    %mul3A_791 = arith.constant 128 : i32
    %mul3A_792 = arith.muli %add3A, %mul3A_791 : i32
    %add3A_793 = arith.constant 96 : i32
    %add3A_794 = arith.addi %mul3A_792, %add3A_793 : i32
    %dma_start3A_795 = arith.constant 0 : i32
    %dma_start3A_796 = arith.constant 0 : i32
    %dma_start3A_797 = tpu.memref_slice %arg4[%add3A_794, %dma_start3A_795, %dma_start3A_796] : memref<4096x64x128xf32, #tpu.memory_space<hbm>> -> memref<4x64x128xf32, #tpu.memory_space<hbm>>
    %dma_start3A_798 = arith.constant 0 : i32
    %dma_start3A_799 = arith.constant 0 : i32
    %dma_start3A_800 = tpu.memref_slice %arg4[%add3A_794, %dma_start3A_798, %dma_start3A_799] : memref<4096x64x128xf32, #tpu.memory_space<hbm>> -> memref<4x64x128xf32, #tpu.memory_space<hbm>>
    tpu.enqueue_dma source(%arg6 : memref<4x64x128xf32, #tpu.memory_space<vmem>>) target(%dma_start3A_800 : memref<4x64x128xf32, #tpu.memory_space<hbm>>) target_semaphore(%arg10 : memref<!tpu.dma_semaphore, #tpu.memory_space<semaphore_mem>>)
    %dma_wait3A_801 = arith.constant 0 : i32
    %dma_wait3A_802 = arith.constant 0 : i32
    %dma_wait3A_803 = tpu.memref_slice %arg4[%add3A_794, %dma_wait3A_801, %dma_wait3A_802] : memref<4096x64x128xf32, #tpu.memory_space<hbm>> -> memref<4x64x128xf32, #tpu.memory_space<hbm>>
    %dma_wait3A_804 = arith.constant 0 : i32
    %dma_wait3A_805 = arith.constant 0 : i32
    %dma_wait3A_806 = tpu.memref_slice %arg4[%add3A_794, %dma_wait3A_804, %dma_wait3A_805] : memref<4096x64x128xf32, #tpu.memory_space<hbm>> -> memref<4x64x128xf32, #tpu.memory_space<hbm>>
    tpu.wait_dma2 semaphore(%arg10 : memref<!tpu.dma_semaphore, #tpu.memory_space<semaphore_mem>>) src(%arg6 : memref<4x64x128xf32, #tpu.memory_space<vmem>>) dst(%dma_wait3A_806 : memref<4x64x128xf32, #tpu.memory_space<hbm>>)
    %dma_start3A_807 = arith.constant 26 : i32
    %dma_start3A_808 = arith.constant 0 : i32
    %dma_start3A_809 = tpu.memref_slice %arg5[%dma_start3A_807, %dma_start3A_808] : memref<32x4xi32, #tpu.memory_space<vmem>> -> memref<1x4xi32, #tpu.memory_space<vmem>>
    %dma_start3A_810 = tpu.memref_squeeze %dma_start3A_809 : memref<1x4xi32, #tpu.memory_space<vmem>> -> memref<4xi32, #tpu.memory_space<vmem>>
    %dma_start3A_811 = arith.constant 0 : i32
    %dma_start3A_812 = arith.constant 0 : i32
    %dma_start3A_813 = arith.constant 0 : i32
    %dma_start3A_814 = tpu.memref_slice %arg2[%dma_start3A_811, %dma_start3A_812, %dma_start3A_813] : memref<2049x64x128xf32, #tpu.memory_space<hbm>> -> memref<2049x64x128xf32, #tpu.memory_space<hbm>>
    tpu.enqueue_indirect_dma source(%dma_start3A_814 : memref<2049x64x128xf32, #tpu.memory_space<hbm>>) target(%arg6 : memref<4x64x128xf32, #tpu.memory_space<vmem>>) offsets(%dma_start3A_810 : memref<4xi32, #tpu.memory_space<vmem>>) semaphore(%arg8 : memref<!tpu.dma_semaphore, #tpu.memory_space<semaphore_mem>>)
    %dma_wait3A_815 = arith.constant 25 : i32
    %dma_wait3A_816 = arith.constant 0 : i32
    %dma_wait3A_817 = tpu.memref_slice %arg5[%dma_wait3A_815, %dma_wait3A_816] : memref<32x4xi32, #tpu.memory_space<vmem>> -> memref<1x4xi32, #tpu.memory_space<vmem>>
    %dma_wait3A_818 = tpu.memref_squeeze %dma_wait3A_817 : memref<1x4xi32, #tpu.memory_space<vmem>> -> memref<4xi32, #tpu.memory_space<vmem>>
    %dma_wait3A_819 = arith.constant 0 : i32
    %dma_wait3A_820 = arith.constant 0 : i32
    %dma_wait3A_821 = arith.constant 0 : i32
    %dma_wait3A_822 = tpu.memref_slice %arg2[%dma_wait3A_819, %dma_wait3A_820, %dma_wait3A_821] : memref<2049x64x128xf32, #tpu.memory_space<hbm>> -> memref<2049x64x128xf32, #tpu.memory_space<hbm>>
    tpu.wait_indirect_dma semaphore(%arg9 : memref<!tpu.dma_semaphore, #tpu.memory_space<semaphore_mem>>) src(%dma_wait3A_822 : memref<2049x64x128xf32, #tpu.memory_space<hbm>>) dst(%arg7 : memref<4x64x128xf32, #tpu.memory_space<vmem>>)
    %mul3A_823 = arith.constant 128 : i32
    %mul3A_824 = arith.muli %add3A, %mul3A_823 : i32
    %add3A_825 = arith.constant 100 : i32
    %add3A_826 = arith.addi %mul3A_824, %add3A_825 : i32
    %dma_start3A_827 = arith.constant 0 : i32
    %dma_start3A_828 = arith.constant 0 : i32
    %dma_start3A_829 = tpu.memref_slice %arg4[%add3A_826, %dma_start3A_827, %dma_start3A_828] : memref<4096x64x128xf32, #tpu.memory_space<hbm>> -> memref<4x64x128xf32, #tpu.memory_space<hbm>>
    %dma_start3A_830 = arith.constant 0 : i32
    %dma_start3A_831 = arith.constant 0 : i32
    %dma_start3A_832 = tpu.memref_slice %arg4[%add3A_826, %dma_start3A_830, %dma_start3A_831] : memref<4096x64x128xf32, #tpu.memory_space<hbm>> -> memref<4x64x128xf32, #tpu.memory_space<hbm>>
    tpu.enqueue_dma source(%arg7 : memref<4x64x128xf32, #tpu.memory_space<vmem>>) target(%dma_start3A_832 : memref<4x64x128xf32, #tpu.memory_space<hbm>>) target_semaphore(%arg11 : memref<!tpu.dma_semaphore, #tpu.memory_space<semaphore_mem>>)
    %dma_wait3A_833 = arith.constant 0 : i32
    %dma_wait3A_834 = arith.constant 0 : i32
    %dma_wait3A_835 = tpu.memref_slice %arg4[%add3A_826, %dma_wait3A_833, %dma_wait3A_834] : memref<4096x64x128xf32, #tpu.memory_space<hbm>> -> memref<4x64x128xf32, #tpu.memory_space<hbm>>
    %dma_wait3A_836 = arith.constant 0 : i32
    %dma_wait3A_837 = arith.constant 0 : i32
    %dma_wait3A_838 = tpu.memref_slice %arg4[%add3A_826, %dma_wait3A_836, %dma_wait3A_837] : memref<4096x64x128xf32, #tpu.memory_space<hbm>> -> memref<4x64x128xf32, #tpu.memory_space<hbm>>
    tpu.wait_dma2 semaphore(%arg11 : memref<!tpu.dma_semaphore, #tpu.memory_space<semaphore_mem>>) src(%arg7 : memref<4x64x128xf32, #tpu.memory_space<vmem>>) dst(%dma_wait3A_838 : memref<4x64x128xf32, #tpu.memory_space<hbm>>)
    %dma_start3A_839 = arith.constant 27 : i32
    %dma_start3A_840 = arith.constant 0 : i32
    %dma_start3A_841 = tpu.memref_slice %arg5[%dma_start3A_839, %dma_start3A_840] : memref<32x4xi32, #tpu.memory_space<vmem>> -> memref<1x4xi32, #tpu.memory_space<vmem>>
    %dma_start3A_842 = tpu.memref_squeeze %dma_start3A_841 : memref<1x4xi32, #tpu.memory_space<vmem>> -> memref<4xi32, #tpu.memory_space<vmem>>
    %dma_start3A_843 = arith.constant 0 : i32
    %dma_start3A_844 = arith.constant 0 : i32
    %dma_start3A_845 = arith.constant 0 : i32
    %dma_start3A_846 = tpu.memref_slice %arg2[%dma_start3A_843, %dma_start3A_844, %dma_start3A_845] : memref<2049x64x128xf32, #tpu.memory_space<hbm>> -> memref<2049x64x128xf32, #tpu.memory_space<hbm>>
    tpu.enqueue_indirect_dma source(%dma_start3A_846 : memref<2049x64x128xf32, #tpu.memory_space<hbm>>) target(%arg7 : memref<4x64x128xf32, #tpu.memory_space<vmem>>) offsets(%dma_start3A_842 : memref<4xi32, #tpu.memory_space<vmem>>) semaphore(%arg9 : memref<!tpu.dma_semaphore, #tpu.memory_space<semaphore_mem>>)
    %dma_wait3A_847 = arith.constant 26 : i32
    %dma_wait3A_848 = arith.constant 0 : i32
    %dma_wait3A_849 = tpu.memref_slice %arg5[%dma_wait3A_847, %dma_wait3A_848] : memref<32x4xi32, #tpu.memory_space<vmem>> -> memref<1x4xi32, #tpu.memory_space<vmem>>
    %dma_wait3A_850 = tpu.memref_squeeze %dma_wait3A_849 : memref<1x4xi32, #tpu.memory_space<vmem>> -> memref<4xi32, #tpu.memory_space<vmem>>
    %dma_wait3A_851 = arith.constant 0 : i32
    %dma_wait3A_852 = arith.constant 0 : i32
    %dma_wait3A_853 = arith.constant 0 : i32
    %dma_wait3A_854 = tpu.memref_slice %arg2[%dma_wait3A_851, %dma_wait3A_852, %dma_wait3A_853] : memref<2049x64x128xf32, #tpu.memory_space<hbm>> -> memref<2049x64x128xf32, #tpu.memory_space<hbm>>
    tpu.wait_indirect_dma semaphore(%arg8 : memref<!tpu.dma_semaphore, #tpu.memory_space<semaphore_mem>>) src(%dma_wait3A_854 : memref<2049x64x128xf32, #tpu.memory_space<hbm>>) dst(%arg6 : memref<4x64x128xf32, #tpu.memory_space<vmem>>)
    %mul3A_855 = arith.constant 128 : i32
    %mul3A_856 = arith.muli %add3A, %mul3A_855 : i32
    %add3A_857 = arith.constant 104 : i32
    %add3A_858 = arith.addi %mul3A_856, %add3A_857 : i32
    %dma_start3A_859 = arith.constant 0 : i32
    %dma_start3A_860 = arith.constant 0 : i32
    %dma_start3A_861 = tpu.memref_slice %arg4[%add3A_858, %dma_start3A_859, %dma_start3A_860] : memref<4096x64x128xf32, #tpu.memory_space<hbm>> -> memref<4x64x128xf32, #tpu.memory_space<hbm>>
    %dma_start3A_862 = arith.constant 0 : i32
    %dma_start3A_863 = arith.constant 0 : i32
    %dma_start3A_864 = tpu.memref_slice %arg4[%add3A_858, %dma_start3A_862, %dma_start3A_863] : memref<4096x64x128xf32, #tpu.memory_space<hbm>> -> memref<4x64x128xf32, #tpu.memory_space<hbm>>
    tpu.enqueue_dma source(%arg6 : memref<4x64x128xf32, #tpu.memory_space<vmem>>) target(%dma_start3A_864 : memref<4x64x128xf32, #tpu.memory_space<hbm>>) target_semaphore(%arg10 : memref<!tpu.dma_semaphore, #tpu.memory_space<semaphore_mem>>)
    %dma_wait3A_865 = arith.constant 0 : i32
    %dma_wait3A_866 = arith.constant 0 : i32
    %dma_wait3A_867 = tpu.memref_slice %arg4[%add3A_858, %dma_wait3A_865, %dma_wait3A_866] : memref<4096x64x128xf32, #tpu.memory_space<hbm>> -> memref<4x64x128xf32, #tpu.memory_space<hbm>>
    %dma_wait3A_868 = arith.constant 0 : i32
    %dma_wait3A_869 = arith.constant 0 : i32
    %dma_wait3A_870 = tpu.memref_slice %arg4[%add3A_858, %dma_wait3A_868, %dma_wait3A_869] : memref<4096x64x128xf32, #tpu.memory_space<hbm>> -> memref<4x64x128xf32, #tpu.memory_space<hbm>>
    tpu.wait_dma2 semaphore(%arg10 : memref<!tpu.dma_semaphore, #tpu.memory_space<semaphore_mem>>) src(%arg6 : memref<4x64x128xf32, #tpu.memory_space<vmem>>) dst(%dma_wait3A_870 : memref<4x64x128xf32, #tpu.memory_space<hbm>>)
    %dma_start3A_871 = arith.constant 28 : i32
    %dma_start3A_872 = arith.constant 0 : i32
    %dma_start3A_873 = tpu.memref_slice %arg5[%dma_start3A_871, %dma_start3A_872] : memref<32x4xi32, #tpu.memory_space<vmem>> -> memref<1x4xi32, #tpu.memory_space<vmem>>
    %dma_start3A_874 = tpu.memref_squeeze %dma_start3A_873 : memref<1x4xi32, #tpu.memory_space<vmem>> -> memref<4xi32, #tpu.memory_space<vmem>>
    %dma_start3A_875 = arith.constant 0 : i32
    %dma_start3A_876 = arith.constant 0 : i32
    %dma_start3A_877 = arith.constant 0 : i32
    %dma_start3A_878 = tpu.memref_slice %arg2[%dma_start3A_875, %dma_start3A_876, %dma_start3A_877] : memref<2049x64x128xf32, #tpu.memory_space<hbm>> -> memref<2049x64x128xf32, #tpu.memory_space<hbm>>
    tpu.enqueue_indirect_dma source(%dma_start3A_878 : memref<2049x64x128xf32, #tpu.memory_space<hbm>>) target(%arg6 : memref<4x64x128xf32, #tpu.memory_space<vmem>>) offsets(%dma_start3A_874 : memref<4xi32, #tpu.memory_space<vmem>>) semaphore(%arg8 : memref<!tpu.dma_semaphore, #tpu.memory_space<semaphore_mem>>)
    %dma_wait3A_879 = arith.constant 27 : i32
    %dma_wait3A_880 = arith.constant 0 : i32
    %dma_wait3A_881 = tpu.memref_slice %arg5[%dma_wait3A_879, %dma_wait3A_880] : memref<32x4xi32, #tpu.memory_space<vmem>> -> memref<1x4xi32, #tpu.memory_space<vmem>>
    %dma_wait3A_882 = tpu.memref_squeeze %dma_wait3A_881 : memref<1x4xi32, #tpu.memory_space<vmem>> -> memref<4xi32, #tpu.memory_space<vmem>>
    %dma_wait3A_883 = arith.constant 0 : i32
    %dma_wait3A_884 = arith.constant 0 : i32
    %dma_wait3A_885 = arith.constant 0 : i32
    %dma_wait3A_886 = tpu.memref_slice %arg2[%dma_wait3A_883, %dma_wait3A_884, %dma_wait3A_885] : memref<2049x64x128xf32, #tpu.memory_space<hbm>> -> memref<2049x64x128xf32, #tpu.memory_space<hbm>>
    tpu.wait_indirect_dma semaphore(%arg9 : memref<!tpu.dma_semaphore, #tpu.memory_space<semaphore_mem>>) src(%dma_wait3A_886 : memref<2049x64x128xf32, #tpu.memory_space<hbm>>) dst(%arg7 : memref<4x64x128xf32, #tpu.memory_space<vmem>>)
    %mul3A_887 = arith.constant 128 : i32
    %mul3A_888 = arith.muli %add3A, %mul3A_887 : i32
    %add3A_889 = arith.constant 108 : i32
    %add3A_890 = arith.addi %mul3A_888, %add3A_889 : i32
    %dma_start3A_891 = arith.constant 0 : i32
    %dma_start3A_892 = arith.constant 0 : i32
    %dma_start3A_893 = tpu.memref_slice %arg4[%add3A_890, %dma_start3A_891, %dma_start3A_892] : memref<4096x64x128xf32, #tpu.memory_space<hbm>> -> memref<4x64x128xf32, #tpu.memory_space<hbm>>
    %dma_start3A_894 = arith.constant 0 : i32
    %dma_start3A_895 = arith.constant 0 : i32
    %dma_start3A_896 = tpu.memref_slice %arg4[%add3A_890, %dma_start3A_894, %dma_start3A_895] : memref<4096x64x128xf32, #tpu.memory_space<hbm>> -> memref<4x64x128xf32, #tpu.memory_space<hbm>>
    tpu.enqueue_dma source(%arg7 : memref<4x64x128xf32, #tpu.memory_space<vmem>>) target(%dma_start3A_896 : memref<4x64x128xf32, #tpu.memory_space<hbm>>) target_semaphore(%arg11 : memref<!tpu.dma_semaphore, #tpu.memory_space<semaphore_mem>>)
    %dma_wait3A_897 = arith.constant 0 : i32
    %dma_wait3A_898 = arith.constant 0 : i32
    %dma_wait3A_899 = tpu.memref_slice %arg4[%add3A_890, %dma_wait3A_897, %dma_wait3A_898] : memref<4096x64x128xf32, #tpu.memory_space<hbm>> -> memref<4x64x128xf32, #tpu.memory_space<hbm>>
    %dma_wait3A_900 = arith.constant 0 : i32
    %dma_wait3A_901 = arith.constant 0 : i32
    %dma_wait3A_902 = tpu.memref_slice %arg4[%add3A_890, %dma_wait3A_900, %dma_wait3A_901] : memref<4096x64x128xf32, #tpu.memory_space<hbm>> -> memref<4x64x128xf32, #tpu.memory_space<hbm>>
    tpu.wait_dma2 semaphore(%arg11 : memref<!tpu.dma_semaphore, #tpu.memory_space<semaphore_mem>>) src(%arg7 : memref<4x64x128xf32, #tpu.memory_space<vmem>>) dst(%dma_wait3A_902 : memref<4x64x128xf32, #tpu.memory_space<hbm>>)
    %dma_start3A_903 = arith.constant 29 : i32
    %dma_start3A_904 = arith.constant 0 : i32
    %dma_start3A_905 = tpu.memref_slice %arg5[%dma_start3A_903, %dma_start3A_904] : memref<32x4xi32, #tpu.memory_space<vmem>> -> memref<1x4xi32, #tpu.memory_space<vmem>>
    %dma_start3A_906 = tpu.memref_squeeze %dma_start3A_905 : memref<1x4xi32, #tpu.memory_space<vmem>> -> memref<4xi32, #tpu.memory_space<vmem>>
    %dma_start3A_907 = arith.constant 0 : i32
    %dma_start3A_908 = arith.constant 0 : i32
    %dma_start3A_909 = arith.constant 0 : i32
    %dma_start3A_910 = tpu.memref_slice %arg2[%dma_start3A_907, %dma_start3A_908, %dma_start3A_909] : memref<2049x64x128xf32, #tpu.memory_space<hbm>> -> memref<2049x64x128xf32, #tpu.memory_space<hbm>>
    tpu.enqueue_indirect_dma source(%dma_start3A_910 : memref<2049x64x128xf32, #tpu.memory_space<hbm>>) target(%arg7 : memref<4x64x128xf32, #tpu.memory_space<vmem>>) offsets(%dma_start3A_906 : memref<4xi32, #tpu.memory_space<vmem>>) semaphore(%arg9 : memref<!tpu.dma_semaphore, #tpu.memory_space<semaphore_mem>>)
    %dma_wait3A_911 = arith.constant 28 : i32
    %dma_wait3A_912 = arith.constant 0 : i32
    %dma_wait3A_913 = tpu.memref_slice %arg5[%dma_wait3A_911, %dma_wait3A_912] : memref<32x4xi32, #tpu.memory_space<vmem>> -> memref<1x4xi32, #tpu.memory_space<vmem>>
    %dma_wait3A_914 = tpu.memref_squeeze %dma_wait3A_913 : memref<1x4xi32, #tpu.memory_space<vmem>> -> memref<4xi32, #tpu.memory_space<vmem>>
    %dma_wait3A_915 = arith.constant 0 : i32
    %dma_wait3A_916 = arith.constant 0 : i32
    %dma_wait3A_917 = arith.constant 0 : i32
    %dma_wait3A_918 = tpu.memref_slice %arg2[%dma_wait3A_915, %dma_wait3A_916, %dma_wait3A_917] : memref<2049x64x128xf32, #tpu.memory_space<hbm>> -> memref<2049x64x128xf32, #tpu.memory_space<hbm>>
    tpu.wait_indirect_dma semaphore(%arg8 : memref<!tpu.dma_semaphore, #tpu.memory_space<semaphore_mem>>) src(%dma_wait3A_918 : memref<2049x64x128xf32, #tpu.memory_space<hbm>>) dst(%arg6 : memref<4x64x128xf32, #tpu.memory_space<vmem>>)
    %mul3A_919 = arith.constant 128 : i32
    %mul3A_920 = arith.muli %add3A, %mul3A_919 : i32
    %add3A_921 = arith.constant 112 : i32
    %add3A_922 = arith.addi %mul3A_920, %add3A_921 : i32
    %dma_start3A_923 = arith.constant 0 : i32
    %dma_start3A_924 = arith.constant 0 : i32
    %dma_start3A_925 = tpu.memref_slice %arg4[%add3A_922, %dma_start3A_923, %dma_start3A_924] : memref<4096x64x128xf32, #tpu.memory_space<hbm>> -> memref<4x64x128xf32, #tpu.memory_space<hbm>>
    %dma_start3A_926 = arith.constant 0 : i32
    %dma_start3A_927 = arith.constant 0 : i32
    %dma_start3A_928 = tpu.memref_slice %arg4[%add3A_922, %dma_start3A_926, %dma_start3A_927] : memref<4096x64x128xf32, #tpu.memory_space<hbm>> -> memref<4x64x128xf32, #tpu.memory_space<hbm>>
    tpu.enqueue_dma source(%arg6 : memref<4x64x128xf32, #tpu.memory_space<vmem>>) target(%dma_start3A_928 : memref<4x64x128xf32, #tpu.memory_space<hbm>>) target_semaphore(%arg10 : memref<!tpu.dma_semaphore, #tpu.memory_space<semaphore_mem>>)
    %dma_wait3A_929 = arith.constant 0 : i32
    %dma_wait3A_930 = arith.constant 0 : i32
    %dma_wait3A_931 = tpu.memref_slice %arg4[%add3A_922, %dma_wait3A_929, %dma_wait3A_930] : memref<4096x64x128xf32, #tpu.memory_space<hbm>> -> memref<4x64x128xf32, #tpu.memory_space<hbm>>
    %dma_wait3A_932 = arith.constant 0 : i32
    %dma_wait3A_933 = arith.constant 0 : i32
    %dma_wait3A_934 = tpu.memref_slice %arg4[%add3A_922, %dma_wait3A_932, %dma_wait3A_933] : memref<4096x64x128xf32, #tpu.memory_space<hbm>> -> memref<4x64x128xf32, #tpu.memory_space<hbm>>
    tpu.wait_dma2 semaphore(%arg10 : memref<!tpu.dma_semaphore, #tpu.memory_space<semaphore_mem>>) src(%arg6 : memref<4x64x128xf32, #tpu.memory_space<vmem>>) dst(%dma_wait3A_934 : memref<4x64x128xf32, #tpu.memory_space<hbm>>)
    %dma_start3A_935 = arith.constant 30 : i32
    %dma_start3A_936 = arith.constant 0 : i32
    %dma_start3A_937 = tpu.memref_slice %arg5[%dma_start3A_935, %dma_start3A_936] : memref<32x4xi32, #tpu.memory_space<vmem>> -> memref<1x4xi32, #tpu.memory_space<vmem>>
    %dma_start3A_938 = tpu.memref_squeeze %dma_start3A_937 : memref<1x4xi32, #tpu.memory_space<vmem>> -> memref<4xi32, #tpu.memory_space<vmem>>
    %dma_start3A_939 = arith.constant 0 : i32
    %dma_start3A_940 = arith.constant 0 : i32
    %dma_start3A_941 = arith.constant 0 : i32
    %dma_start3A_942 = tpu.memref_slice %arg2[%dma_start3A_939, %dma_start3A_940, %dma_start3A_941] : memref<2049x64x128xf32, #tpu.memory_space<hbm>> -> memref<2049x64x128xf32, #tpu.memory_space<hbm>>
    tpu.enqueue_indirect_dma source(%dma_start3A_942 : memref<2049x64x128xf32, #tpu.memory_space<hbm>>) target(%arg6 : memref<4x64x128xf32, #tpu.memory_space<vmem>>) offsets(%dma_start3A_938 : memref<4xi32, #tpu.memory_space<vmem>>) semaphore(%arg8 : memref<!tpu.dma_semaphore, #tpu.memory_space<semaphore_mem>>)
    %dma_wait3A_943 = arith.constant 29 : i32
    %dma_wait3A_944 = arith.constant 0 : i32
    %dma_wait3A_945 = tpu.memref_slice %arg5[%dma_wait3A_943, %dma_wait3A_944] : memref<32x4xi32, #tpu.memory_space<vmem>> -> memref<1x4xi32, #tpu.memory_space<vmem>>
    %dma_wait3A_946 = tpu.memref_squeeze %dma_wait3A_945 : memref<1x4xi32, #tpu.memory_space<vmem>> -> memref<4xi32, #tpu.memory_space<vmem>>
    %dma_wait3A_947 = arith.constant 0 : i32
    %dma_wait3A_948 = arith.constant 0 : i32
    %dma_wait3A_949 = arith.constant 0 : i32
    %dma_wait3A_950 = tpu.memref_slice %arg2[%dma_wait3A_947, %dma_wait3A_948, %dma_wait3A_949] : memref<2049x64x128xf32, #tpu.memory_space<hbm>> -> memref<2049x64x128xf32, #tpu.memory_space<hbm>>
    tpu.wait_indirect_dma semaphore(%arg9 : memref<!tpu.dma_semaphore, #tpu.memory_space<semaphore_mem>>) src(%dma_wait3A_950 : memref<2049x64x128xf32, #tpu.memory_space<hbm>>) dst(%arg7 : memref<4x64x128xf32, #tpu.memory_space<vmem>>)
    %mul3A_951 = arith.constant 128 : i32
    %mul3A_952 = arith.muli %add3A, %mul3A_951 : i32
    %add3A_953 = arith.constant 116 : i32
    %add3A_954 = arith.addi %mul3A_952, %add3A_953 : i32
    %dma_start3A_955 = arith.constant 0 : i32
    %dma_start3A_956 = arith.constant 0 : i32
    %dma_start3A_957 = tpu.memref_slice %arg4[%add3A_954, %dma_start3A_955, %dma_start3A_956] : memref<4096x64x128xf32, #tpu.memory_space<hbm>> -> memref<4x64x128xf32, #tpu.memory_space<hbm>>
    %dma_start3A_958 = arith.constant 0 : i32
    %dma_start3A_959 = arith.constant 0 : i32
    %dma_start3A_960 = tpu.memref_slice %arg4[%add3A_954, %dma_start3A_958, %dma_start3A_959] : memref<4096x64x128xf32, #tpu.memory_space<hbm>> -> memref<4x64x128xf32, #tpu.memory_space<hbm>>
    tpu.enqueue_dma source(%arg7 : memref<4x64x128xf32, #tpu.memory_space<vmem>>) target(%dma_start3A_960 : memref<4x64x128xf32, #tpu.memory_space<hbm>>) target_semaphore(%arg11 : memref<!tpu.dma_semaphore, #tpu.memory_space<semaphore_mem>>)
    %dma_wait3A_961 = arith.constant 0 : i32
    %dma_wait3A_962 = arith.constant 0 : i32
    %dma_wait3A_963 = tpu.memref_slice %arg4[%add3A_954, %dma_wait3A_961, %dma_wait3A_962] : memref<4096x64x128xf32, #tpu.memory_space<hbm>> -> memref<4x64x128xf32, #tpu.memory_space<hbm>>
    %dma_wait3A_964 = arith.constant 0 : i32
    %dma_wait3A_965 = arith.constant 0 : i32
    %dma_wait3A_966 = tpu.memref_slice %arg4[%add3A_954, %dma_wait3A_964, %dma_wait3A_965] : memref<4096x64x128xf32, #tpu.memory_space<hbm>> -> memref<4x64x128xf32, #tpu.memory_space<hbm>>
    tpu.wait_dma2 semaphore(%arg11 : memref<!tpu.dma_semaphore, #tpu.memory_space<semaphore_mem>>) src(%arg7 : memref<4x64x128xf32, #tpu.memory_space<vmem>>) dst(%dma_wait3A_966 : memref<4x64x128xf32, #tpu.memory_space<hbm>>)
    %dma_start3A_967 = arith.constant 31 : i32
    %dma_start3A_968 = arith.constant 0 : i32
    %dma_start3A_969 = tpu.memref_slice %arg5[%dma_start3A_967, %dma_start3A_968] : memref<32x4xi32, #tpu.memory_space<vmem>> -> memref<1x4xi32, #tpu.memory_space<vmem>>
    %dma_start3A_970 = tpu.memref_squeeze %dma_start3A_969 : memref<1x4xi32, #tpu.memory_space<vmem>> -> memref<4xi32, #tpu.memory_space<vmem>>
    %dma_start3A_971 = arith.constant 0 : i32
    %dma_start3A_972 = arith.constant 0 : i32
    %dma_start3A_973 = arith.constant 0 : i32
    %dma_start3A_974 = tpu.memref_slice %arg2[%dma_start3A_971, %dma_start3A_972, %dma_start3A_973] : memref<2049x64x128xf32, #tpu.memory_space<hbm>> -> memref<2049x64x128xf32, #tpu.memory_space<hbm>>
    tpu.enqueue_indirect_dma source(%dma_start3A_974 : memref<2049x64x128xf32, #tpu.memory_space<hbm>>) target(%arg7 : memref<4x64x128xf32, #tpu.memory_space<vmem>>) offsets(%dma_start3A_970 : memref<4xi32, #tpu.memory_space<vmem>>) semaphore(%arg9 : memref<!tpu.dma_semaphore, #tpu.memory_space<semaphore_mem>>)
    %dma_wait3A_975 = arith.constant 30 : i32
    %dma_wait3A_976 = arith.constant 0 : i32
    %dma_wait3A_977 = tpu.memref_slice %arg5[%dma_wait3A_975, %dma_wait3A_976] : memref<32x4xi32, #tpu.memory_space<vmem>> -> memref<1x4xi32, #tpu.memory_space<vmem>>
    %dma_wait3A_978 = tpu.memref_squeeze %dma_wait3A_977 : memref<1x4xi32, #tpu.memory_space<vmem>> -> memref<4xi32, #tpu.memory_space<vmem>>
    %dma_wait3A_979 = arith.constant 0 : i32
    %dma_wait3A_980 = arith.constant 0 : i32
    %dma_wait3A_981 = arith.constant 0 : i32
    %dma_wait3A_982 = tpu.memref_slice %arg2[%dma_wait3A_979, %dma_wait3A_980, %dma_wait3A_981] : memref<2049x64x128xf32, #tpu.memory_space<hbm>> -> memref<2049x64x128xf32, #tpu.memory_space<hbm>>
    tpu.wait_indirect_dma semaphore(%arg8 : memref<!tpu.dma_semaphore, #tpu.memory_space<semaphore_mem>>) src(%dma_wait3A_982 : memref<2049x64x128xf32, #tpu.memory_space<hbm>>) dst(%arg6 : memref<4x64x128xf32, #tpu.memory_space<vmem>>)
    %mul3A_983 = arith.constant 128 : i32
    %mul3A_984 = arith.muli %add3A, %mul3A_983 : i32
    %add3A_985 = arith.constant 120 : i32
    %add3A_986 = arith.addi %mul3A_984, %add3A_985 : i32
    %dma_start3A_987 = arith.constant 0 : i32
    %dma_start3A_988 = arith.constant 0 : i32
    %dma_start3A_989 = tpu.memref_slice %arg4[%add3A_986, %dma_start3A_987, %dma_start3A_988] : memref<4096x64x128xf32, #tpu.memory_space<hbm>> -> memref<4x64x128xf32, #tpu.memory_space<hbm>>
    %dma_start3A_990 = arith.constant 0 : i32
    %dma_start3A_991 = arith.constant 0 : i32
    %dma_start3A_992 = tpu.memref_slice %arg4[%add3A_986, %dma_start3A_990, %dma_start3A_991] : memref<4096x64x128xf32, #tpu.memory_space<hbm>> -> memref<4x64x128xf32, #tpu.memory_space<hbm>>
    tpu.enqueue_dma source(%arg6 : memref<4x64x128xf32, #tpu.memory_space<vmem>>) target(%dma_start3A_992 : memref<4x64x128xf32, #tpu.memory_space<hbm>>) target_semaphore(%arg10 : memref<!tpu.dma_semaphore, #tpu.memory_space<semaphore_mem>>)
    %dma_wait3A_993 = arith.constant 31 : i32
    %dma_wait3A_994 = arith.constant 0 : i32
    %dma_wait3A_995 = tpu.memref_slice %arg5[%dma_wait3A_993, %dma_wait3A_994] : memref<32x4xi32, #tpu.memory_space<vmem>> -> memref<1x4xi32, #tpu.memory_space<vmem>>
    %dma_wait3A_996 = tpu.memref_squeeze %dma_wait3A_995 : memref<1x4xi32, #tpu.memory_space<vmem>> -> memref<4xi32, #tpu.memory_space<vmem>>
    %dma_wait3A_997 = arith.constant 0 : i32
    %dma_wait3A_998 = arith.constant 0 : i32
    %dma_wait3A_999 = arith.constant 0 : i32
    %dma_wait3A_1000 = tpu.memref_slice %arg2[%dma_wait3A_997, %dma_wait3A_998, %dma_wait3A_999] : memref<2049x64x128xf32, #tpu.memory_space<hbm>> -> memref<2049x64x128xf32, #tpu.memory_space<hbm>>
    tpu.wait_indirect_dma semaphore(%arg9 : memref<!tpu.dma_semaphore, #tpu.memory_space<semaphore_mem>>) src(%dma_wait3A_1000 : memref<2049x64x128xf32, #tpu.memory_space<hbm>>) dst(%arg7 : memref<4x64x128xf32, #tpu.memory_space<vmem>>)
    %mul3A_1001 = arith.constant 128 : i32
    %mul3A_1002 = arith.muli %add3A, %mul3A_1001 : i32
    %add3A_1003 = arith.constant 124 : i32
    %add3A_1004 = arith.addi %mul3A_1002, %add3A_1003 : i32
    %dma_start3A_1005 = arith.constant 0 : i32
    %dma_start3A_1006 = arith.constant 0 : i32
    %dma_start3A_1007 = tpu.memref_slice %arg4[%add3A_1004, %dma_start3A_1005, %dma_start3A_1006] : memref<4096x64x128xf32, #tpu.memory_space<hbm>> -> memref<4x64x128xf32, #tpu.memory_space<hbm>>
    %dma_start3A_1008 = arith.constant 0 : i32
    %dma_start3A_1009 = arith.constant 0 : i32
    %dma_start3A_1010 = tpu.memref_slice %arg4[%add3A_1004, %dma_start3A_1008, %dma_start3A_1009] : memref<4096x64x128xf32, #tpu.memory_space<hbm>> -> memref<4x64x128xf32, #tpu.memory_space<hbm>>
    tpu.enqueue_dma source(%arg7 : memref<4x64x128xf32, #tpu.memory_space<vmem>>) target(%dma_start3A_1010 : memref<4x64x128xf32, #tpu.memory_space<hbm>>) target_semaphore(%arg11 : memref<!tpu.dma_semaphore, #tpu.memory_space<semaphore_mem>>)
    %dma_wait3A_1011 = arith.constant 0 : i32
    %dma_wait3A_1012 = arith.constant 0 : i32
    %dma_wait3A_1013 = tpu.memref_slice %arg4[%add3A_986, %dma_wait3A_1011, %dma_wait3A_1012] : memref<4096x64x128xf32, #tpu.memory_space<hbm>> -> memref<4x64x128xf32, #tpu.memory_space<hbm>>
    %dma_wait3A_1014 = arith.constant 0 : i32
    %dma_wait3A_1015 = arith.constant 0 : i32
    %dma_wait3A_1016 = tpu.memref_slice %arg4[%add3A_986, %dma_wait3A_1014, %dma_wait3A_1015] : memref<4096x64x128xf32, #tpu.memory_space<hbm>> -> memref<4x64x128xf32, #tpu.memory_space<hbm>>
    tpu.wait_dma2 semaphore(%arg10 : memref<!tpu.dma_semaphore, #tpu.memory_space<semaphore_mem>>) src(%arg6 : memref<4x64x128xf32, #tpu.memory_space<vmem>>) dst(%dma_wait3A_1016 : memref<4x64x128xf32, #tpu.memory_space<hbm>>)
    %dma_wait3A_1017 = arith.constant 0 : i32
    %dma_wait3A_1018 = arith.constant 0 : i32
    %dma_wait3A_1019 = tpu.memref_slice %arg4[%add3A_1004, %dma_wait3A_1017, %dma_wait3A_1018] : memref<4096x64x128xf32, #tpu.memory_space<hbm>> -> memref<4x64x128xf32, #tpu.memory_space<hbm>>
    %dma_wait3A_1020 = arith.constant 0 : i32
    %dma_wait3A_1021 = arith.constant 0 : i32
    %dma_wait3A_1022 = tpu.memref_slice %arg4[%add3A_1004, %dma_wait3A_1020, %dma_wait3A_1021] : memref<4096x64x128xf32, #tpu.memory_space<hbm>> -> memref<4x64x128xf32, #tpu.memory_space<hbm>>
    tpu.wait_dma2 semaphore(%arg11 : memref<!tpu.dma_semaphore, #tpu.memory_space<semaphore_mem>>) src(%arg7 : memref<4x64x128xf32, #tpu.memory_space<vmem>>) dst(%dma_wait3A_1022 : memref<4x64x128xf32, #tpu.memory_space<hbm>>)
    return
  }
}

module attributes {stable_mosaic.version = 14 : i64} {
  func.func @_table_body(%arg0: i32, %arg1: i32, %arg2: memref<1x32x32xf32, #tpu.memory_space<vmem>>, %arg3: memref<256x8x128xf32, #tpu.memory_space<vmem>>, %arg4: memref<2048x128xf32, #tpu.memory_space<vmem>>, %arg5: memref<128x128xf32, #tpu.memory_space<vmem>>, %arg6: memref<128x128xf32, #tpu.memory_space<vmem>>) attributes {dimension_semantics = [#tpu.dimension_semantics<arbitrary>, #tpu.dimension_semantics<arbitrary>], iteration_bounds = array<i64: 8, 9>, scalar_prefetch = 0 : i64, scratch_operands = 3 : i64, tpu.core_type = #tpu.core_type<tc>, window_params = [{transform_indices = @transform_0, window_bounds = array<i64: 1, 32, 32>}, {transform_indices = @transform_1, window_bounds = array<i64: 256, 8, 128>}]} {
    %iota3A = tpu.iota {dimensions = array<i32: 0>} : vector<32x32xi32>
    %iota3A_0 = tpu.iota {dimensions = array<i32: 1>} : vector<32x32xi32>
    %add3A = arith.constant 0 : i32
    %add3A_1 = vector.broadcast %add3A : i32 to vector<32x32xi32>
    %add3A_2 = arith.addi %iota3A, %add3A_1 : vector<32x32xi32>
    %eq3A = arith.cmpi eq, %add3A_2, %iota3A_0 : vector<32x32xi32>
    %convert_element_type3A = arith.extui %eq3A : vector<32x32xi1> to vector<32x32xi32>
    %convert_element_type3A_3 = arith.sitofp %convert_element_type3A : vector<32x32xi32> to vector<32x32xf32>
    %eq3A_4 = arith.constant 0 : i32
    %eq3A_5 = arith.cmpi eq, %arg1, %eq3A_4 : i32
    %convert_element_type3A_6 = arith.extui %eq3A_5 : i1 to i32
    %cond3A = arith.constant 0 : i32
    %cond3A_7 = arith.cmpi ne, %convert_element_type3A_6, %cond3A : i32
    scf.if %cond3A_7 {
      %get3A_28 = arith.constant 0 : index
      %get3A_29 = arith.constant 0 : index
      %get3A_30 = arith.constant 0 : index
      %get3A_31 = vector.load %arg2[%get3A_28, %get3A_29, %get3A_30] : memref<1x32x32xf32, #tpu.memory_space<vmem>>, vector<1x32x32xf32>
      %get3A_32 = vector.shape_cast %get3A_31 : vector<1x32x32xf32> to vector<32x32xf32>
      %transpose3A = tpu.transpose %get3A_32, [1, 0] : vector<32x32xf32> -> vector<32x32xf32>
      %sub3A = arith.subf %get3A_32, %transpose3A : vector<32x32xf32>
      %mul3A = arith.constant 9.765625E-4 : f32
      %mul3A_33 = vector.broadcast %mul3A : f32 to vector<32x32xf32>
      %mul3A_34 = arith.mulf %sub3A, %mul3A_33 : vector<32x32xf32>
      %dot_general3A_35 = arith.constant dense<0.000000e+00> : vector<32x32xf32>
      %dot_general3A_36 = tpu.matmul %convert_element_type3A_3, %mul3A_34, %dot_general3A_35 {dimension_numbers = #tpu.dot_dimension_numbers<[1], [0], [0], [1], [0, 0, 1, 1], [], []>, transpose_lhs_hint = false} : vector<32x32xf32>, vector<32x32xf32>, vector<32x32xf32> -> vector<32x32xf32>
      %mul3A_37 = arith.constant 1.000000e+00 : f32
      %mul3A_38 = vector.broadcast %mul3A_37 : f32 to vector<32x32xf32>
      %mul3A_39 = arith.mulf %dot_general3A_36, %mul3A_38 : vector<32x32xf32>
      %add3A_40 = arith.addf %convert_element_type3A_3, %mul3A_39 : vector<32x32xf32>
      %dot_general3A_41 = arith.constant dense<0.000000e+00> : vector<32x32xf32>
      %dot_general3A_42 = tpu.matmul %mul3A_39, %mul3A_34, %dot_general3A_41 {dimension_numbers = #tpu.dot_dimension_numbers<[1], [0], [0], [1], [0, 0, 1, 1], [], []>, transpose_lhs_hint = false} : vector<32x32xf32>, vector<32x32xf32>, vector<32x32xf32> -> vector<32x32xf32>
      %mul3A_43 = arith.constant 5.000000e-01 : f32
      %mul3A_44 = vector.broadcast %mul3A_43 : f32 to vector<32x32xf32>
      %mul3A_45 = arith.mulf %dot_general3A_42, %mul3A_44 : vector<32x32xf32>
      %add3A_46 = arith.addf %add3A_40, %mul3A_45 : vector<32x32xf32>
      %dot_general3A_47 = arith.constant dense<0.000000e+00> : vector<32x32xf32>
      %dot_general3A_48 = tpu.matmul %mul3A_45, %mul3A_34, %dot_general3A_47 {dimension_numbers = #tpu.dot_dimension_numbers<[1], [0], [0], [1], [0, 0, 1, 1], [], []>, transpose_lhs_hint = false} : vector<32x32xf32>, vector<32x32xf32>, vector<32x32xf32> -> vector<32x32xf32>
      %mul3A_49 = arith.constant 0.333333343 : f32
      %mul3A_50 = vector.broadcast %mul3A_49 : f32 to vector<32x32xf32>
      %mul3A_51 = arith.mulf %dot_general3A_48, %mul3A_50 : vector<32x32xf32>
      %add3A_52 = arith.addf %add3A_46, %mul3A_51 : vector<32x32xf32>
      %dot_general3A_53 = arith.constant dense<0.000000e+00> : vector<32x32xf32>
      %dot_general3A_54 = tpu.matmul %mul3A_51, %mul3A_34, %dot_general3A_53 {dimension_numbers = #tpu.dot_dimension_numbers<[1], [0], [0], [1], [0, 0, 1, 1], [], []>, transpose_lhs_hint = false} : vector<32x32xf32>, vector<32x32xf32>, vector<32x32xf32> -> vector<32x32xf32>
      %mul3A_55 = arith.constant 2.500000e-01 : f32
      %mul3A_56 = vector.broadcast %mul3A_55 : f32 to vector<32x32xf32>
      %mul3A_57 = arith.mulf %dot_general3A_54, %mul3A_56 : vector<32x32xf32>
      %add3A_58 = arith.addf %add3A_52, %mul3A_57 : vector<32x32xf32>
      %dot_general3A_59 = arith.constant dense<0.000000e+00> : vector<32x32xf32>
      %dot_general3A_60 = tpu.matmul %mul3A_57, %mul3A_34, %dot_general3A_59 {dimension_numbers = #tpu.dot_dimension_numbers<[1], [0], [0], [1], [0, 0, 1, 1], [], []>, transpose_lhs_hint = false} : vector<32x32xf32>, vector<32x32xf32>, vector<32x32xf32> -> vector<32x32xf32>
      %mul3A_61 = arith.constant 2.000000e-01 : f32
      %mul3A_62 = vector.broadcast %mul3A_61 : f32 to vector<32x32xf32>
      %mul3A_63 = arith.mulf %dot_general3A_60, %mul3A_62 : vector<32x32xf32>
      %add3A_64 = arith.addf %add3A_58, %mul3A_63 : vector<32x32xf32>
      %dot_general3A_65 = arith.constant dense<0.000000e+00> : vector<32x32xf32>
      %dot_general3A_66 = tpu.matmul %mul3A_63, %mul3A_34, %dot_general3A_65 {dimension_numbers = #tpu.dot_dimension_numbers<[1], [0], [0], [1], [0, 0, 1, 1], [], []>, transpose_lhs_hint = false} : vector<32x32xf32>, vector<32x32xf32>, vector<32x32xf32> -> vector<32x32xf32>
      %mul3A_67 = arith.constant 0.166666672 : f32
      %mul3A_68 = vector.broadcast %mul3A_67 : f32 to vector<32x32xf32>
      %mul3A_69 = arith.mulf %dot_general3A_66, %mul3A_68 : vector<32x32xf32>
      %add3A_70 = arith.addf %add3A_64, %mul3A_69 : vector<32x32xf32>
      %dot_general3A_71 = arith.constant dense<0.000000e+00> : vector<32x32xf32>
      %dot_general3A_72 = tpu.matmul %mul3A_69, %mul3A_34, %dot_general3A_71 {dimension_numbers = #tpu.dot_dimension_numbers<[1], [0], [0], [1], [0, 0, 1, 1], [], []>, transpose_lhs_hint = false} : vector<32x32xf32>, vector<32x32xf32>, vector<32x32xf32> -> vector<32x32xf32>
      %mul3A_73 = arith.constant 0.142857149 : f32
      %mul3A_74 = vector.broadcast %mul3A_73 : f32 to vector<32x32xf32>
      %mul3A_75 = arith.mulf %dot_general3A_72, %mul3A_74 : vector<32x32xf32>
      %add3A_76 = arith.addf %add3A_70, %mul3A_75 : vector<32x32xf32>
      %dot_general3A_77 = arith.constant dense<0.000000e+00> : vector<32x32xf32>
      %dot_general3A_78 = tpu.matmul %mul3A_75, %mul3A_34, %dot_general3A_77 {dimension_numbers = #tpu.dot_dimension_numbers<[1], [0], [0], [1], [0, 0, 1, 1], [], []>, transpose_lhs_hint = false} : vector<32x32xf32>, vector<32x32xf32>, vector<32x32xf32> -> vector<32x32xf32>
      %mul3A_79 = arith.constant 1.250000e-01 : f32
      %mul3A_80 = vector.broadcast %mul3A_79 : f32 to vector<32x32xf32>
      %mul3A_81 = arith.mulf %dot_general3A_78, %mul3A_80 : vector<32x32xf32>
      %add3A_82 = arith.addf %add3A_76, %mul3A_81 : vector<32x32xf32>
      %dot_general3A_83 = arith.constant dense<0.000000e+00> : vector<32x32xf32>
      %dot_general3A_84 = tpu.matmul %mul3A_81, %mul3A_34, %dot_general3A_83 {dimension_numbers = #tpu.dot_dimension_numbers<[1], [0], [0], [1], [0, 0, 1, 1], [], []>, transpose_lhs_hint = false} : vector<32x32xf32>, vector<32x32xf32>, vector<32x32xf32> -> vector<32x32xf32>
      %mul3A_85 = arith.constant 0.111111112 : f32
      %mul3A_86 = vector.broadcast %mul3A_85 : f32 to vector<32x32xf32>
      %mul3A_87 = arith.mulf %dot_general3A_84, %mul3A_86 : vector<32x32xf32>
      %add3A_88 = arith.addf %add3A_82, %mul3A_87 : vector<32x32xf32>
      %dot_general3A_89 = arith.constant dense<0.000000e+00> : vector<32x32xf32>
      %dot_general3A_90 = tpu.matmul %mul3A_87, %mul3A_34, %dot_general3A_89 {dimension_numbers = #tpu.dot_dimension_numbers<[1], [0], [0], [1], [0, 0, 1, 1], [], []>, transpose_lhs_hint = false} : vector<32x32xf32>, vector<32x32xf32>, vector<32x32xf32> -> vector<32x32xf32>
      %mul3A_91 = arith.constant 1.000000e-01 : f32
      %mul3A_92 = vector.broadcast %mul3A_91 : f32 to vector<32x32xf32>
      %mul3A_93 = arith.mulf %dot_general3A_90, %mul3A_92 : vector<32x32xf32>
      %add3A_94 = arith.addf %add3A_88, %mul3A_93 : vector<32x32xf32>
      %dot_general3A_95 = arith.constant dense<0.000000e+00> : vector<32x32xf32>
      %dot_general3A_96 = tpu.matmul %mul3A_93, %mul3A_34, %dot_general3A_95 {dimension_numbers = #tpu.dot_dimension_numbers<[1], [0], [0], [1], [0, 0, 1, 1], [], []>, transpose_lhs_hint = false} : vector<32x32xf32>, vector<32x32xf32>, vector<32x32xf32> -> vector<32x32xf32>
      %mul3A_97 = arith.constant 0.0909090936 : f32
      %mul3A_98 = vector.broadcast %mul3A_97 : f32 to vector<32x32xf32>
      %mul3A_99 = arith.mulf %dot_general3A_96, %mul3A_98 : vector<32x32xf32>
      %add3A_100 = arith.addf %add3A_94, %mul3A_99 : vector<32x32xf32>
      %dot_general3A_101 = arith.constant dense<0.000000e+00> : vector<32x32xf32>
      %dot_general3A_102 = tpu.matmul %mul3A_99, %mul3A_34, %dot_general3A_101 {dimension_numbers = #tpu.dot_dimension_numbers<[1], [0], [0], [1], [0, 0, 1, 1], [], []>, transpose_lhs_hint = false} : vector<32x32xf32>, vector<32x32xf32>, vector<32x32xf32> -> vector<32x32xf32>
      %mul3A_103 = arith.constant 0.0833333358 : f32
      %mul3A_104 = vector.broadcast %mul3A_103 : f32 to vector<32x32xf32>
      %mul3A_105 = arith.mulf %dot_general3A_102, %mul3A_104 : vector<32x32xf32>
      %add3A_106 = arith.addf %add3A_100, %mul3A_105 : vector<32x32xf32>
      %dot_general3A_107 = arith.constant dense<0.000000e+00> : vector<32x32xf32>
      %dot_general3A_108 = tpu.matmul %mul3A_105, %mul3A_34, %dot_general3A_107 {dimension_numbers = #tpu.dot_dimension_numbers<[1], [0], [0], [1], [0, 0, 1, 1], [], []>, transpose_lhs_hint = false} : vector<32x32xf32>, vector<32x32xf32>, vector<32x32xf32> -> vector<32x32xf32>
      %mul3A_109 = arith.constant 0.0769230798 : f32
      %mul3A_110 = vector.broadcast %mul3A_109 : f32 to vector<32x32xf32>
      %mul3A_111 = arith.mulf %dot_general3A_108, %mul3A_110 : vector<32x32xf32>
      %add3A_112 = arith.addf %add3A_106, %mul3A_111 : vector<32x32xf32>
      %dot_general3A_113 = arith.constant dense<0.000000e+00> : vector<32x32xf32>
      %dot_general3A_114 = tpu.matmul %mul3A_111, %mul3A_34, %dot_general3A_113 {dimension_numbers = #tpu.dot_dimension_numbers<[1], [0], [0], [1], [0, 0, 1, 1], [], []>, transpose_lhs_hint = false} : vector<32x32xf32>, vector<32x32xf32>, vector<32x32xf32> -> vector<32x32xf32>
      %mul3A_115 = arith.constant 0.0714285746 : f32
      %mul3A_116 = vector.broadcast %mul3A_115 : f32 to vector<32x32xf32>
      %mul3A_117 = arith.mulf %dot_general3A_114, %mul3A_116 : vector<32x32xf32>
      %add3A_118 = arith.addf %add3A_112, %mul3A_117 : vector<32x32xf32>
      %dot_general3A_119 = arith.constant dense<0.000000e+00> : vector<32x32xf32>
      %dot_general3A_120 = tpu.matmul %mul3A_117, %mul3A_34, %dot_general3A_119 {dimension_numbers = #tpu.dot_dimension_numbers<[1], [0], [0], [1], [0, 0, 1, 1], [], []>, transpose_lhs_hint = false} : vector<32x32xf32>, vector<32x32xf32>, vector<32x32xf32> -> vector<32x32xf32>
      %mul3A_121 = arith.constant 0.0666666701 : f32
      %mul3A_122 = vector.broadcast %mul3A_121 : f32 to vector<32x32xf32>
      %mul3A_123 = arith.mulf %dot_general3A_120, %mul3A_122 : vector<32x32xf32>
      %add3A_124 = arith.addf %add3A_118, %mul3A_123 : vector<32x32xf32>
      %dot_general3A_125 = arith.constant dense<0.000000e+00> : vector<32x32xf32>
      %dot_general3A_126 = tpu.matmul %mul3A_123, %mul3A_34, %dot_general3A_125 {dimension_numbers = #tpu.dot_dimension_numbers<[1], [0], [0], [1], [0, 0, 1, 1], [], []>, transpose_lhs_hint = false} : vector<32x32xf32>, vector<32x32xf32>, vector<32x32xf32> -> vector<32x32xf32>
      %mul3A_127 = arith.constant 6.250000e-02 : f32
      %mul3A_128 = vector.broadcast %mul3A_127 : f32 to vector<32x32xf32>
      %mul3A_129 = arith.mulf %dot_general3A_126, %mul3A_128 : vector<32x32xf32>
      %add3A_130 = arith.addf %add3A_124, %mul3A_129 : vector<32x32xf32>
      %dot_general3A_131 = arith.constant dense<0.000000e+00> : vector<32x32xf32>
      %dot_general3A_132 = tpu.matmul %add3A_130, %add3A_130, %dot_general3A_131 {dimension_numbers = #tpu.dot_dimension_numbers<[1], [0], [0], [1], [0, 0, 1, 1], [], []>, transpose_lhs_hint = false} : vector<32x32xf32>, vector<32x32xf32>, vector<32x32xf32> -> vector<32x32xf32>
      %dot_general3A_133 = arith.constant dense<0.000000e+00> : vector<32x32xf32>
      %dot_general3A_134 = tpu.matmul %dot_general3A_132, %dot_general3A_132, %dot_general3A_133 {dimension_numbers = #tpu.dot_dimension_numbers<[1], [0], [0], [1], [0, 0, 1, 1], [], []>, transpose_lhs_hint = false} : vector<32x32xf32>, vector<32x32xf32>, vector<32x32xf32> -> vector<32x32xf32>
      %dot_general3A_135 = arith.constant dense<0.000000e+00> : vector<32x32xf32>
      %dot_general3A_136 = tpu.matmul %dot_general3A_134, %dot_general3A_134, %dot_general3A_135 {dimension_numbers = #tpu.dot_dimension_numbers<[1], [0], [0], [1], [0, 0, 1, 1], [], []>, transpose_lhs_hint = false} : vector<32x32xf32>, vector<32x32xf32>, vector<32x32xf32> -> vector<32x32xf32>
      %dot_general3A_137 = arith.constant dense<0.000000e+00> : vector<32x32xf32>
      %dot_general3A_138 = tpu.matmul %dot_general3A_136, %dot_general3A_136, %dot_general3A_137 {dimension_numbers = #tpu.dot_dimension_numbers<[1], [0], [0], [1], [0, 0, 1, 1], [], []>, transpose_lhs_hint = false} : vector<32x32xf32>, vector<32x32xf32>, vector<32x32xf32> -> vector<32x32xf32>
      %dot_general3A_139 = arith.constant dense<0.000000e+00> : vector<32x32xf32>
      %dot_general3A_140 = tpu.matmul %dot_general3A_138, %dot_general3A_138, %dot_general3A_139 {dimension_numbers = #tpu.dot_dimension_numbers<[1], [0], [0], [1], [0, 0, 1, 1], [], []>, transpose_lhs_hint = false} : vector<32x32xf32>, vector<32x32xf32>, vector<32x32xf32> -> vector<32x32xf32>
      %dot_general3A_141 = arith.constant dense<0.000000e+00> : vector<32x32xf32>
      %dot_general3A_142 = tpu.matmul %dot_general3A_140, %dot_general3A_140, %dot_general3A_141 {dimension_numbers = #tpu.dot_dimension_numbers<[1], [0], [0], [1], [0, 0, 1, 1], [], []>, transpose_lhs_hint = false} : vector<32x32xf32>, vector<32x32xf32>, vector<32x32xf32> -> vector<32x32xf32>
      %dot_general3A_143 = arith.constant dense<0.000000e+00> : vector<32x32xf32>
      %dot_general3A_144 = tpu.matmul %dot_general3A_142, %dot_general3A_142, %dot_general3A_143 {dimension_numbers = #tpu.dot_dimension_numbers<[1], [0], [0], [1], [0, 0, 1, 1], [], []>, transpose_lhs_hint = false} : vector<32x32xf32>, vector<32x32xf32>, vector<32x32xf32> -> vector<32x32xf32>
      %dot_general3A_145 = arith.constant dense<0.000000e+00> : vector<32x32xf32>
      %dot_general3A_146 = tpu.matmul %dot_general3A_144, %dot_general3A_144, %dot_general3A_145 {dimension_numbers = #tpu.dot_dimension_numbers<[1], [0], [0], [1], [0, 0, 1, 1], [], []>, transpose_lhs_hint = false} : vector<32x32xf32>, vector<32x32xf32>, vector<32x32xf32> -> vector<32x32xf32>
      %dot_general3A_147 = arith.constant dense<0.000000e+00> : vector<32x32xf32>
      %dot_general3A_148 = tpu.matmul %dot_general3A_146, %dot_general3A_146, %dot_general3A_147 {dimension_numbers = #tpu.dot_dimension_numbers<[1], [0], [0], [1], [0, 0, 1, 1], [], []>, transpose_lhs_hint = false} : vector<32x32xf32>, vector<32x32xf32>, vector<32x32xf32> -> vector<32x32xf32>
      %dot_general3A_149 = arith.constant dense<0.000000e+00> : vector<32x32xf32>
      %dot_general3A_150 = tpu.matmul %dot_general3A_148, %dot_general3A_148, %dot_general3A_149 {dimension_numbers = #tpu.dot_dimension_numbers<[1], [0], [0], [1], [0, 0, 1, 1], [], []>, transpose_lhs_hint = false} : vector<32x32xf32>, vector<32x32xf32>, vector<32x32xf32> -> vector<32x32xf32>
      %iota3A_151 = tpu.iota {dimensions = array<i32: 0>} : vector<128x32xi32>
      %iota3A_152 = tpu.iota {dimensions = array<i32: 1>} : vector<128x32xi32>
      %jit3A = arith.constant 32 : i32
      %eq3A_153 = arith.constant 0 : i32
      %eq3A_154 = arith.cmpi eq, %jit3A, %eq3A_153 : i32
      %jit3A_155 = arith.constant 1 : i32
      %select_n3A = arith.select %eq3A_154, %jit3A_155, %jit3A : i32
      %rem3A = vector.broadcast %select_n3A : i32 to vector<128x32xi32>
      %rem3A_156 = arith.remsi %iota3A_151, %rem3A : vector<128x32xi32>
      %ne3A = arith.constant 0 : i32
      %ne3A_157 = vector.broadcast %ne3A : i32 to vector<128x32xi32>
      %ne3A_158 = arith.cmpi ne, %rem3A_156, %ne3A_157 : vector<128x32xi32>
      %lt3A = arith.constant 0 : i32
      %lt3A_159 = vector.broadcast %lt3A : i32 to vector<128x32xi32>
      %lt3A_160 = arith.cmpi slt, %rem3A_156, %lt3A_159 : vector<128x32xi32>
      %lt3A_161 = arith.constant 0 : i32
      %lt3A_162 = arith.cmpi slt, %select_n3A, %lt3A_161 : i32
      %ne3A_163 = vector.broadcast %lt3A_162 : i1 to vector<128x32xi1>
      %ne3A_164 = vector.broadcast %ne3A_163 : vector<128x32xi1> to vector<128x32xi1>
      %ne3A_165 = arith.xori %lt3A_160, %ne3A_164 : vector<128x32xi1>
      %and3A = arith.andi %ne3A_165, %ne3A_158 : vector<128x32xi1>
      %add3A_166 = vector.broadcast %select_n3A : i32 to vector<128x32xi32>
      %add3A_167 = arith.addi %rem3A_156, %add3A_166 : vector<128x32xi32>
      %select_n3A_168 = arith.select %and3A, %add3A_167, %rem3A_156 : vector<128x32xi1>, vector<128x32xi32>
      %eq3A_169 = arith.cmpi eq, %select_n3A_168, %iota3A_152 : vector<128x32xi32>
      %jit3A_170 = arith.constant 1.000000e+00 : f32
      %jit3A_171 = arith.constant 0.000000e+00 : f32
      %broadcast_in_dim3A = vector.broadcast %jit3A_170 : f32 to vector<128x32xf32>
      %broadcast_in_dim3A_172 = vector.broadcast %jit3A_171 : f32 to vector<128x32xf32>
      %select_n3A_173 = arith.select %eq3A_169, %broadcast_in_dim3A, %broadcast_in_dim3A_172 : vector<128x32xi1>, vector<128x32xf32>
      %iota3A_174 = tpu.iota {dimensions = array<i32: 0>} : vector<128x128xi32>
      %iota3A_175 = tpu.iota {dimensions = array<i32: 1>} : vector<128x128xi32>
      %jit3A_176 = arith.constant 32 : i32
      %div3A = vector.broadcast %jit3A_176 : i32 to vector<128x128xi32>
      %div3A_177 = arith.divsi %iota3A_174, %div3A : vector<128x128xi32>
      %sign3A = arith.constant 0 : i32
      %sign3A_178 = vector.broadcast %sign3A : i32 to vector<128x128xi32>
      %sign3A_179 = arith.cmpi sgt, %iota3A_174, %sign3A_178 : vector<128x128xi32>
      %sign3A_180 = arith.extui %sign3A_179 : vector<128x128xi1> to vector<128x128xi32>
      %sign3A_181 = arith.constant 0 : i32
      %sign3A_182 = vector.broadcast %sign3A_181 : i32 to vector<128x128xi32>
      %sign3A_183 = arith.cmpi slt, %iota3A_174, %sign3A_182 : vector<128x128xi32>
      %sign3A_184 = arith.extui %sign3A_183 : vector<128x128xi1> to vector<128x128xi32>
      %sign3A_185 = arith.subi %sign3A_180, %sign3A_184 : vector<128x128xi32>
      %sign3A_186 = arith.constant 0 : i32
      %sign3A_187 = arith.cmpi sgt, %jit3A_176, %sign3A_186 : i32
      %sign3A_188 = arith.extui %sign3A_187 : i1 to i32
      %sign3A_189 = arith.constant 0 : i32
      %sign3A_190 = arith.cmpi slt, %jit3A_176, %sign3A_189 : i32
      %sign3A_191 = arith.extui %sign3A_190 : i1 to i32
      %sign3A_192 = arith.subi %sign3A_188, %sign3A_191 : i32
      %ne3A_193 = vector.broadcast %sign3A_192 : i32 to vector<128x128xi32>
      %ne3A_194 = arith.cmpi ne, %sign3A_185, %ne3A_193 : vector<128x128xi32>
      %rem3A_195 = vector.broadcast %jit3A_176 : i32 to vector<128x128xi32>
      %rem3A_196 = arith.remsi %iota3A_174, %rem3A_195 : vector<128x128xi32>
      %ne3A_197 = arith.constant 0 : i32
      %ne3A_198 = vector.broadcast %ne3A_197 : i32 to vector<128x128xi32>
      %ne3A_199 = arith.cmpi ne, %rem3A_196, %ne3A_198 : vector<128x128xi32>
      %and3A_200 = arith.andi %ne3A_194, %ne3A_199 : vector<128x128xi1>
      %sub3A_201 = arith.constant 1 : i32
      %sub3A_202 = vector.broadcast %sub3A_201 : i32 to vector<128x128xi32>
      %sub3A_203 = arith.subi %div3A_177, %sub3A_202 : vector<128x128xi32>
      %select_n3A_204 = arith.select %and3A_200, %sub3A_203, %div3A_177 : vector<128x128xi1>, vector<128x128xi32>
      %jit3A_205 = arith.constant 32 : i32
      %div3A_206 = vector.broadcast %jit3A_205 : i32 to vector<128x128xi32>
      %div3A_207 = arith.divsi %iota3A_175, %div3A_206 : vector<128x128xi32>
      %sign3A_208 = arith.constant 0 : i32
      %sign3A_209 = vector.broadcast %sign3A_208 : i32 to vector<128x128xi32>
      %sign3A_210 = arith.cmpi sgt, %iota3A_175, %sign3A_209 : vector<128x128xi32>
      %sign3A_211 = arith.extui %sign3A_210 : vector<128x128xi1> to vector<128x128xi32>
      %sign3A_212 = arith.constant 0 : i32
      %sign3A_213 = vector.broadcast %sign3A_212 : i32 to vector<128x128xi32>
      %sign3A_214 = arith.cmpi slt, %iota3A_175, %sign3A_213 : vector<128x128xi32>
      %sign3A_215 = arith.extui %sign3A_214 : vector<128x128xi1> to vector<128x128xi32>
      %sign3A_216 = arith.subi %sign3A_211, %sign3A_215 : vector<128x128xi32>
      %sign3A_217 = arith.constant 0 : i32
      %sign3A_218 = arith.cmpi sgt, %jit3A_205, %sign3A_217 : i32
      %sign3A_219 = arith.extui %sign3A_218 : i1 to i32
      %sign3A_220 = arith.constant 0 : i32
      %sign3A_221 = arith.cmpi slt, %jit3A_205, %sign3A_220 : i32
      %sign3A_222 = arith.extui %sign3A_221 : i1 to i32
      %sign3A_223 = arith.subi %sign3A_219, %sign3A_222 : i32
      %ne3A_224 = vector.broadcast %sign3A_223 : i32 to vector<128x128xi32>
      %ne3A_225 = arith.cmpi ne, %sign3A_216, %ne3A_224 : vector<128x128xi32>
      %rem3A_226 = vector.broadcast %jit3A_205 : i32 to vector<128x128xi32>
      %rem3A_227 = arith.remsi %iota3A_175, %rem3A_226 : vector<128x128xi32>
      %ne3A_228 = arith.constant 0 : i32
      %ne3A_229 = vector.broadcast %ne3A_228 : i32 to vector<128x128xi32>
      %ne3A_230 = arith.cmpi ne, %rem3A_227, %ne3A_229 : vector<128x128xi32>
      %and3A_231 = arith.andi %ne3A_225, %ne3A_230 : vector<128x128xi1>
      %sub3A_232 = arith.constant 1 : i32
      %sub3A_233 = vector.broadcast %sub3A_232 : i32 to vector<128x128xi32>
      %sub3A_234 = arith.subi %div3A_207, %sub3A_233 : vector<128x128xi32>
      %select_n3A_235 = arith.select %and3A_231, %sub3A_234, %div3A_207 : vector<128x128xi1>, vector<128x128xi32>
      %eq3A_236 = arith.cmpi eq, %select_n3A_204, %select_n3A_235 : vector<128x128xi32>
      %jit3A_237 = arith.constant 1.000000e+00 : f32
      %jit3A_238 = arith.constant 0.000000e+00 : f32
      %broadcast_in_dim3A_239 = vector.broadcast %jit3A_237 : f32 to vector<128x128xf32>
      %broadcast_in_dim3A_240 = vector.broadcast %jit3A_238 : f32 to vector<128x128xf32>
      %select_n3A_241 = arith.select %eq3A_236, %broadcast_in_dim3A_239, %broadcast_in_dim3A_240 : vector<128x128xi1>, vector<128x128xf32>
      %dot_general3A_242 = arith.constant dense<0.000000e+00> : vector<128x32xf32>
      %dot_general3A_243 = tpu.matmul %select_n3A_173, %dot_general3A_150, %dot_general3A_242 {dimension_numbers = #tpu.dot_dimension_numbers<[1], [0], [0], [1], [0, 0, 1, 1], [], []>, transpose_lhs_hint = false} : vector<128x32xf32>, vector<32x32xf32>, vector<128x32xf32> -> vector<128x32xf32>
      %transpose3A_244 = tpu.transpose %select_n3A_173, [1, 0] : vector<128x32xf32> -> vector<32x128xf32>
      %dot_general3A_245 = arith.constant dense<0.000000e+00> : vector<128x128xf32>
      %dot_general3A_246 = tpu.matmul %dot_general3A_243, %transpose3A_244, %dot_general3A_245 {dimension_numbers = #tpu.dot_dimension_numbers<[1], [0], [0], [1], [0, 0, 1, 1], [], []>, transpose_lhs_hint = false} : vector<128x32xf32>, vector<32x128xf32>, vector<128x128xf32> -> vector<128x128xf32>
      %mul3A_247 = arith.mulf %dot_general3A_246, %select_n3A_241 : vector<128x128xf32>
      %swap3A_248 = arith.constant 0 : index
      %swap3A_249 = arith.constant 0 : index
      %swap3A_250 = vector.load %arg6[%swap3A_248, %swap3A_249] : memref<128x128xf32, #tpu.memory_space<vmem>>, vector<128x128xf32>
      tpu.vector_store %arg6[%swap3A_248, %swap3A_249], %mul3A_247 {strides = array<i32>} : memref<128x128xf32, #tpu.memory_space<vmem>>, vector<128x128xf32>,
      %iota3A_251 = tpu.iota {dimensions = array<i32: 0>} : vector<8x128xi32>
      %iota3A_252 = tpu.iota {dimensions = array<i32: 1>} : vector<8x128xi32>
      %jit3A_253 = arith.constant 32 : i32
      %eq3A_254 = arith.constant 0 : i32
      %eq3A_255 = arith.cmpi eq, %jit3A_253, %eq3A_254 : i32
      %jit3A_256 = arith.constant 1 : i32
      %select_n3A_257 = arith.select %eq3A_255, %jit3A_256, %jit3A_253 : i32
      %rem3A_258 = vector.broadcast %select_n3A_257 : i32 to vector<8x128xi32>
      %rem3A_259 = arith.remsi %iota3A_252, %rem3A_258 : vector<8x128xi32>
      %ne3A_260 = arith.constant 0 : i32
      %ne3A_261 = vector.broadcast %ne3A_260 : i32 to vector<8x128xi32>
      %ne3A_262 = arith.cmpi ne, %rem3A_259, %ne3A_261 : vector<8x128xi32>
      %lt3A_263 = arith.constant 0 : i32
      %lt3A_264 = vector.broadcast %lt3A_263 : i32 to vector<8x128xi32>
      %lt3A_265 = arith.cmpi slt, %rem3A_259, %lt3A_264 : vector<8x128xi32>
      %lt3A_266 = arith.constant 0 : i32
      %lt3A_267 = arith.cmpi slt, %select_n3A_257, %lt3A_266 : i32
      %ne3A_268 = vector.broadcast %lt3A_267 : i1 to vector<8x128xi1>
      %ne3A_269 = vector.broadcast %ne3A_268 : vector<8x128xi1> to vector<8x128xi1>
      %ne3A_270 = arith.xori %lt3A_265, %ne3A_269 : vector<8x128xi1>
      %and3A_271 = arith.andi %ne3A_270, %ne3A_262 : vector<8x128xi1>
      %add3A_272 = vector.broadcast %select_n3A_257 : i32 to vector<8x128xi32>
      %add3A_273 = arith.addi %rem3A_259, %add3A_272 : vector<8x128xi32>
      %select_n3A_274 = arith.select %and3A_271, %add3A_273, %rem3A_259 : vector<8x128xi1>, vector<8x128xi32>
      %mul3A_275 = arith.constant 4 : i32
      %mul3A_276 = vector.broadcast %mul3A_275 : i32 to vector<8x128xi32>
      %mul3A_277 = arith.muli %mul3A_276, %iota3A_251 : vector<8x128xi32>
      %jit3A_278 = arith.constant 32 : i32
      %div3A_279 = vector.broadcast %jit3A_278 : i32 to vector<8x128xi32>
      %div3A_280 = arith.divsi %iota3A_252, %div3A_279 : vector<8x128xi32>
      %sign3A_281 = arith.constant 0 : i32
      %sign3A_282 = vector.broadcast %sign3A_281 : i32 to vector<8x128xi32>
      %sign3A_283 = arith.cmpi sgt, %iota3A_252, %sign3A_282 : vector<8x128xi32>
      %sign3A_284 = arith.extui %sign3A_283 : vector<8x128xi1> to vector<8x128xi32>
      %sign3A_285 = arith.constant 0 : i32
      %sign3A_286 = vector.broadcast %sign3A_285 : i32 to vector<8x128xi32>
      %sign3A_287 = arith.cmpi slt, %iota3A_252, %sign3A_286 : vector<8x128xi32>
      %sign3A_288 = arith.extui %sign3A_287 : vector<8x128xi1> to vector<8x128xi32>
      %sign3A_289 = arith.subi %sign3A_284, %sign3A_288 : vector<8x128xi32>
      %sign3A_290 = arith.constant 0 : i32
      %sign3A_291 = arith.cmpi sgt, %jit3A_278, %sign3A_290 : i32
      %sign3A_292 = arith.extui %sign3A_291 : i1 to i32
      %sign3A_293 = arith.constant 0 : i32
      %sign3A_294 = arith.cmpi slt, %jit3A_278, %sign3A_293 : i32
      %sign3A_295 = arith.extui %sign3A_294 : i1 to i32
      %sign3A_296 = arith.subi %sign3A_292, %sign3A_295 : i32
      %ne3A_297 = vector.broadcast %sign3A_296 : i32 to vector<8x128xi32>
      %ne3A_298 = arith.cmpi ne, %sign3A_289, %ne3A_297 : vector<8x128xi32>
      %rem3A_299 = vector.broadcast %jit3A_278 : i32 to vector<8x128xi32>
      %rem3A_300 = arith.remsi %iota3A_252, %rem3A_299 : vector<8x128xi32>
      %ne3A_301 = arith.constant 0 : i32
      %ne3A_302 = vector.broadcast %ne3A_301 : i32 to vector<8x128xi32>
      %ne3A_303 = arith.cmpi ne, %rem3A_300, %ne3A_302 : vector<8x128xi32>
      %and3A_304 = arith.andi %ne3A_298, %ne3A_303 : vector<8x128xi1>
      %sub3A_305 = arith.constant 1 : i32
      %sub3A_306 = vector.broadcast %sub3A_305 : i32 to vector<8x128xi32>
      %sub3A_307 = arith.subi %div3A_280, %sub3A_306 : vector<8x128xi32>
      %select_n3A_308 = arith.select %and3A_304, %sub3A_307, %div3A_280 : vector<8x128xi1>, vector<8x128xi32>
      %add3A_309 = arith.addi %mul3A_277, %select_n3A_308 : vector<8x128xi32>
      %eq3A_310 = arith.cmpi eq, %select_n3A_274, %add3A_309 : vector<8x128xi32>
      %jit3A_311 = arith.constant 1.000000e+00 : f32
      %jit3A_312 = arith.constant 0.000000e+00 : f32
      %broadcast_in_dim3A_313 = vector.broadcast %jit3A_311 : f32 to vector<8x128xf32>
      %broadcast_in_dim3A_314 = vector.broadcast %jit3A_312 : f32 to vector<8x128xf32>
      %select_n3A_315 = arith.select %eq3A_310, %broadcast_in_dim3A_313, %broadcast_in_dim3A_314 : vector<8x128xi1>, vector<8x128xf32>
      %swap3A_316 = arith.constant 0 : index
      %swap3A_317 = arith.constant 0 : index
      %swap3A_318 = vector.load %arg4[%swap3A_316, %swap3A_317] : memref<2048x128xf32, #tpu.memory_space<vmem>>, vector<8x128xf32>
      tpu.vector_store %arg4[%swap3A_316, %swap3A_317], %select_n3A_315 {strides = array<i32>} : memref<2048x128xf32, #tpu.memory_space<vmem>>, vector<8x128xf32>,
      %get3A_319 = arith.constant 0 : index
      %get3A_320 = arith.constant 0 : index
      %get3A_321 = vector.load %arg4[%get3A_319, %get3A_320] : memref<2048x128xf32, #tpu.memory_space<vmem>>, vector<8x128xf32>
      %get3A_322 = arith.constant 0 : index
      %get3A_323 = arith.constant 0 : index
      %get3A_324 = vector.load %arg6[%get3A_322, %get3A_323] : memref<128x128xf32, #tpu.memory_space<vmem>>, vector<128x128xf32>
      %dot_general3A_325 = arith.constant dense<0.000000e+00> : vector<8x128xf32>
      %dot_general3A_326 = tpu.matmul %get3A_321, %get3A_324, %dot_general3A_325 {dimension_numbers = #tpu.dot_dimension_numbers<[1], [0], [0], [1], [0, 0, 1, 1], [], []>, transpose_lhs_hint = false} : vector<8x128xf32>, vector<128x128xf32>, vector<8x128xf32> -> vector<8x128xf32>
      %swap3A_327 = arith.constant 8 : index
      %swap3A_328 = arith.constant 0 : index
      %swap3A_329 = vector.load %arg4[%swap3A_327, %swap3A_328] : memref<2048x128xf32, #tpu.memory_space<vmem>>, vector<8x128xf32>
      tpu.vector_store %arg4[%swap3A_327, %swap3A_328], %dot_general3A_326 {strides = array<i32>} : memref<2048x128xf32, #tpu.memory_space<vmem>>, vector<8x128xf32>,
      %get3A_330 = arith.constant 0 : index
      %get3A_331 = arith.constant 0 : index
      %get3A_332 = vector.load %arg6[%get3A_330, %get3A_331] : memref<128x128xf32, #tpu.memory_space<vmem>>, vector<128x128xf32>
      %get3A_333 = arith.constant 0 : index
      %get3A_334 = arith.constant 0 : index
      %get3A_335 = vector.load %arg6[%get3A_333, %get3A_334] : memref<128x128xf32, #tpu.memory_space<vmem>>, vector<128x128xf32>
      %dot_general3A_336 = arith.constant dense<0.000000e+00> : vector<128x128xf32>
      %dot_general3A_337 = tpu.matmul %get3A_332, %get3A_335, %dot_general3A_336 {dimension_numbers = #tpu.dot_dimension_numbers<[1], [0], [0], [1], [0, 0, 1, 1], [], []>, transpose_lhs_hint = false} : vector<128x128xf32>, vector<128x128xf32>, vector<128x128xf32> -> vector<128x128xf32>
      %swap3A_338 = arith.constant 0 : index
      %swap3A_339 = arith.constant 0 : index
      %swap3A_340 = vector.load %arg6[%swap3A_338, %swap3A_339] : memref<128x128xf32, #tpu.memory_space<vmem>>, vector<128x128xf32>
      tpu.vector_store %arg6[%swap3A_338, %swap3A_339], %dot_general3A_337 {strides = array<i32>} : memref<128x128xf32, #tpu.memory_space<vmem>>, vector<128x128xf32>,
      %get3A_341 = arith.constant 0 : index
      %get3A_342 = arith.constant 0 : index
      %get3A_343 = vector.load %arg4[%get3A_341, %get3A_342] : memref<2048x128xf32, #tpu.memory_space<vmem>>, vector<16x128xf32>
      %get3A_344 = arith.constant 0 : index
      %get3A_345 = arith.constant 0 : index
      %get3A_346 = vector.load %arg6[%get3A_344, %get3A_345] : memref<128x128xf32, #tpu.memory_space<vmem>>, vector<128x128xf32>
      %dot_general3A_347 = arith.constant dense<0.000000e+00> : vector<16x128xf32>
      %dot_general3A_348 = tpu.matmul %get3A_343, %get3A_346, %dot_general3A_347 {dimension_numbers = #tpu.dot_dimension_numbers<[1], [0], [0], [1], [0, 0, 1, 1], [], []>, transpose_lhs_hint = false} : vector<16x128xf32>, vector<128x128xf32>, vector<16x128xf32> -> vector<16x128xf32>
      %swap3A_349 = arith.constant 16 : index
      %swap3A_350 = arith.constant 0 : index
      %swap3A_351 = vector.load %arg4[%swap3A_349, %swap3A_350] : memref<2048x128xf32, #tpu.memory_space<vmem>>, vector<16x128xf32>
      tpu.vector_store %arg4[%swap3A_349, %swap3A_350], %dot_general3A_348 {strides = array<i32>} : memref<2048x128xf32, #tpu.memory_space<vmem>>, vector<16x128xf32>,
      %get3A_352 = arith.constant 0 : index
      %get3A_353 = arith.constant 0 : index
      %get3A_354 = vector.load %arg6[%get3A_352, %get3A_353] : memref<128x128xf32, #tpu.memory_space<vmem>>, vector<128x128xf32>
      %get3A_355 = arith.constant 0 : index
      %get3A_356 = arith.constant 0 : index
      %get3A_357 = vector.load %arg6[%get3A_355, %get3A_356] : memref<128x128xf32, #tpu.memory_space<vmem>>, vector<128x128xf32>
      %dot_general3A_358 = arith.constant dense<0.000000e+00> : vector<128x128xf32>
      %dot_general3A_359 = tpu.matmul %get3A_354, %get3A_357, %dot_general3A_358 {dimension_numbers = #tpu.dot_dimension_numbers<[1], [0], [0], [1], [0, 0, 1, 1], [], []>, transpose_lhs_hint = false} : vector<128x128xf32>, vector<128x128xf32>, vector<128x128xf32> -> vector<128x128xf32>
      %swap3A_360 = arith.constant 0 : index
      %swap3A_361 = arith.constant 0 : index
      %swap3A_362 = vector.load %arg6[%swap3A_360, %swap3A_361] : memref<128x128xf32, #tpu.memory_space<vmem>>, vector<128x128xf32>
      tpu.vector_store %arg6[%swap3A_360, %swap3A_361], %dot_general3A_359 {strides = array<i32>} : memref<128x128xf32, #tpu.memory_space<vmem>>, vector<128x128xf32>,
      %get3A_363 = arith.constant 0 : index
      %get3A_364 = arith.constant 0 : index
      %get3A_365 = vector.load %arg4[%get3A_363, %get3A_364] : memref<2048x128xf32, #tpu.memory_space<vmem>>, vector<32x128xf32>
      %get3A_366 = arith.constant 0 : index
      %get3A_367 = arith.constant 0 : index
      %get3A_368 = vector.load %arg6[%get3A_366, %get3A_367] : memref<128x128xf32, #tpu.memory_space<vmem>>, vector<128x128xf32>
      %dot_general3A_369 = arith.constant dense<0.000000e+00> : vector<32x128xf32>
      %dot_general3A_370 = tpu.matmul %get3A_365, %get3A_368, %dot_general3A_369 {dimension_numbers = #tpu.dot_dimension_numbers<[1], [0], [0], [1], [0, 0, 1, 1], [], []>, transpose_lhs_hint = false} : vector<32x128xf32>, vector<128x128xf32>, vector<32x128xf32> -> vector<32x128xf32>
      %swap3A_371 = arith.constant 32 : index
      %swap3A_372 = arith.constant 0 : index
      %swap3A_373 = vector.load %arg4[%swap3A_371, %swap3A_372] : memref<2048x128xf32, #tpu.memory_space<vmem>>, vector<32x128xf32>
      tpu.vector_store %arg4[%swap3A_371, %swap3A_372], %dot_general3A_370 {strides = array<i32>} : memref<2048x128xf32, #tpu.memory_space<vmem>>, vector<32x128xf32>,
      %get3A_374 = arith.constant 0 : index
      %get3A_375 = arith.constant 0 : index
      %get3A_376 = vector.load %arg6[%get3A_374, %get3A_375] : memref<128x128xf32, #tpu.memory_space<vmem>>, vector<128x128xf32>
      %get3A_377 = arith.constant 0 : index
      %get3A_378 = arith.constant 0 : index
      %get3A_379 = vector.load %arg6[%get3A_377, %get3A_378] : memref<128x128xf32, #tpu.memory_space<vmem>>, vector<128x128xf32>
      %dot_general3A_380 = arith.constant dense<0.000000e+00> : vector<128x128xf32>
      %dot_general3A_381 = tpu.matmul %get3A_376, %get3A_379, %dot_general3A_380 {dimension_numbers = #tpu.dot_dimension_numbers<[1], [0], [0], [1], [0, 0, 1, 1], [], []>, transpose_lhs_hint = false} : vector<128x128xf32>, vector<128x128xf32>, vector<128x128xf32> -> vector<128x128xf32>
      %swap3A_382 = arith.constant 0 : index
      %swap3A_383 = arith.constant 0 : index
      %swap3A_384 = vector.load %arg6[%swap3A_382, %swap3A_383] : memref<128x128xf32, #tpu.memory_space<vmem>>, vector<128x128xf32>
      tpu.vector_store %arg6[%swap3A_382, %swap3A_383], %dot_general3A_381 {strides = array<i32>} : memref<128x128xf32, #tpu.memory_space<vmem>>, vector<128x128xf32>,
      %get3A_385 = arith.constant 0 : index
      %get3A_386 = arith.constant 0 : index
      %get3A_387 = vector.load %arg4[%get3A_385, %get3A_386] : memref<2048x128xf32, #tpu.memory_space<vmem>>, vector<64x128xf32>
      %get3A_388 = arith.constant 0 : index
      %get3A_389 = arith.constant 0 : index
      %get3A_390 = vector.load %arg6[%get3A_388, %get3A_389] : memref<128x128xf32, #tpu.memory_space<vmem>>, vector<128x128xf32>
      %dot_general3A_391 = arith.constant dense<0.000000e+00> : vector<64x128xf32>
      %dot_general3A_392 = tpu.matmul %get3A_387, %get3A_390, %dot_general3A_391 {dimension_numbers = #tpu.dot_dimension_numbers<[1], [0], [0], [1], [0, 0, 1, 1], [], []>, transpose_lhs_hint = false} : vector<64x128xf32>, vector<128x128xf32>, vector<64x128xf32> -> vector<64x128xf32>
      %swap3A_393 = arith.constant 64 : index
      %swap3A_394 = arith.constant 0 : index
      %swap3A_395 = vector.load %arg4[%swap3A_393, %swap3A_394] : memref<2048x128xf32, #tpu.memory_space<vmem>>, vector<64x128xf32>
      tpu.vector_store %arg4[%swap3A_393, %swap3A_394], %dot_general3A_392 {strides = array<i32>} : memref<2048x128xf32, #tpu.memory_space<vmem>>, vector<64x128xf32>,
      %get3A_396 = arith.constant 0 : index
      %get3A_397 = arith.constant 0 : index
      %get3A_398 = vector.load %arg6[%get3A_396, %get3A_397] : memref<128x128xf32, #tpu.memory_space<vmem>>, vector<128x128xf32>
      %get3A_399 = arith.constant 0 : index
      %get3A_400 = arith.constant 0 : index
      %get3A_401 = vector.load %arg6[%get3A_399, %get3A_400] : memref<128x128xf32, #tpu.memory_space<vmem>>, vector<128x128xf32>
      %dot_general3A_402 = arith.constant dense<0.000000e+00> : vector<128x128xf32>
      %dot_general3A_403 = tpu.matmul %get3A_398, %get3A_401, %dot_general3A_402 {dimension_numbers = #tpu.dot_dimension_numbers<[1], [0], [0], [1], [0, 0, 1, 1], [], []>, transpose_lhs_hint = false} : vector<128x128xf32>, vector<128x128xf32>, vector<128x128xf32> -> vector<128x128xf32>
      %swap3A_404 = arith.constant 0 : index
      %swap3A_405 = arith.constant 0 : index
      %swap3A_406 = vector.load %arg6[%swap3A_404, %swap3A_405] : memref<128x128xf32, #tpu.memory_space<vmem>>, vector<128x128xf32>
      tpu.vector_store %arg6[%swap3A_404, %swap3A_405], %dot_general3A_403 {strides = array<i32>} : memref<128x128xf32, #tpu.memory_space<vmem>>, vector<128x128xf32>,
      %get3A_407 = arith.constant 0 : index
      %get3A_408 = arith.constant 0 : index
      %get3A_409 = vector.load %arg4[%get3A_407, %get3A_408] : memref<2048x128xf32, #tpu.memory_space<vmem>>, vector<128x128xf32>
      %get3A_410 = arith.constant 0 : index
      %get3A_411 = arith.constant 0 : index
      %get3A_412 = vector.load %arg6[%get3A_410, %get3A_411] : memref<128x128xf32, #tpu.memory_space<vmem>>, vector<128x128xf32>
      %dot_general3A_413 = arith.constant dense<0.000000e+00> : vector<128x128xf32>
      %dot_general3A_414 = tpu.matmul %get3A_409, %get3A_412, %dot_general3A_413 {dimension_numbers = #tpu.dot_dimension_numbers<[1], [0], [0], [1], [0, 0, 1, 1], [], []>, transpose_lhs_hint = false} : vector<128x128xf32>, vector<128x128xf32>, vector<128x128xf32> -> vector<128x128xf32>
      %swap3A_415 = arith.constant 128 : index
      %swap3A_416 = arith.constant 0 : index
      %swap3A_417 = vector.load %arg4[%swap3A_415, %swap3A_416] : memref<2048x128xf32, #tpu.memory_space<vmem>>, vector<128x128xf32>
      tpu.vector_store %arg4[%swap3A_415, %swap3A_416], %dot_general3A_414 {strides = array<i32>} : memref<2048x128xf32, #tpu.memory_space<vmem>>, vector<128x128xf32>,
      %get3A_418 = arith.constant 0 : index
      %get3A_419 = arith.constant 0 : index
      %get3A_420 = vector.load %arg6[%get3A_418, %get3A_419] : memref<128x128xf32, #tpu.memory_space<vmem>>, vector<128x128xf32>
      %get3A_421 = arith.constant 0 : index
      %get3A_422 = arith.constant 0 : index
      %get3A_423 = vector.load %arg6[%get3A_421, %get3A_422] : memref<128x128xf32, #tpu.memory_space<vmem>>, vector<128x128xf32>
      %dot_general3A_424 = arith.constant dense<0.000000e+00> : vector<128x128xf32>
      %dot_general3A_425 = tpu.matmul %get3A_420, %get3A_423, %dot_general3A_424 {dimension_numbers = #tpu.dot_dimension_numbers<[1], [0], [0], [1], [0, 0, 1, 1], [], []>, transpose_lhs_hint = false} : vector<128x128xf32>, vector<128x128xf32>, vector<128x128xf32> -> vector<128x128xf32>
      %swap3A_426 = arith.constant 0 : index
      %swap3A_427 = arith.constant 0 : index
      %swap3A_428 = vector.load %arg6[%swap3A_426, %swap3A_427] : memref<128x128xf32, #tpu.memory_space<vmem>>, vector<128x128xf32>
      tpu.vector_store %arg6[%swap3A_426, %swap3A_427], %dot_general3A_425 {strides = array<i32>} : memref<128x128xf32, #tpu.memory_space<vmem>>, vector<128x128xf32>,
      %get3A_429 = arith.constant 0 : index
      %get3A_430 = arith.constant 0 : index
      %get3A_431 = vector.load %arg4[%get3A_429, %get3A_430] : memref<2048x128xf32, #tpu.memory_space<vmem>>, vector<256x128xf32>
      %get3A_432 = arith.constant 0 : index
      %get3A_433 = arith.constant 0 : index
      %get3A_434 = vector.load %arg6[%get3A_432, %get3A_433] : memref<128x128xf32, #tpu.memory_space<vmem>>, vector<128x128xf32>
      %dot_general3A_435 = arith.constant dense<0.000000e+00> : vector<256x128xf32>
      %dot_general3A_436 = tpu.matmul %get3A_431, %get3A_434, %dot_general3A_435 {dimension_numbers = #tpu.dot_dimension_numbers<[1], [0], [0], [1], [0, 0, 1, 1], [], []>, transpose_lhs_hint = false} : vector<256x128xf32>, vector<128x128xf32>, vector<256x128xf32> -> vector<256x128xf32>
      %swap3A_437 = arith.constant 256 : index
      %swap3A_438 = arith.constant 0 : index
      %swap3A_439 = vector.load %arg4[%swap3A_437, %swap3A_438] : memref<2048x128xf32, #tpu.memory_space<vmem>>, vector<256x128xf32>
      tpu.vector_store %arg4[%swap3A_437, %swap3A_438], %dot_general3A_436 {strides = array<i32>} : memref<2048x128xf32, #tpu.memory_space<vmem>>, vector<256x128xf32>,
      %get3A_440 = arith.constant 0 : index
      %get3A_441 = arith.constant 0 : index
      %get3A_442 = vector.load %arg6[%get3A_440, %get3A_441] : memref<128x128xf32, #tpu.memory_space<vmem>>, vector<128x128xf32>
      %get3A_443 = arith.constant 0 : index
      %get3A_444 = arith.constant 0 : index
      %get3A_445 = vector.load %arg6[%get3A_443, %get3A_444] : memref<128x128xf32, #tpu.memory_space<vmem>>, vector<128x128xf32>
      %dot_general3A_446 = arith.constant dense<0.000000e+00> : vector<128x128xf32>
      %dot_general3A_447 = tpu.matmul %get3A_442, %get3A_445, %dot_general3A_446 {dimension_numbers = #tpu.dot_dimension_numbers<[1], [0], [0], [1], [0, 0, 1, 1], [], []>, transpose_lhs_hint = false} : vector<128x128xf32>, vector<128x128xf32>, vector<128x128xf32> -> vector<128x128xf32>
      %swap3A_448 = arith.constant 0 : index
      %swap3A_449 = arith.constant 0 : index
      %swap3A_450 = vector.load %arg6[%swap3A_448, %swap3A_449] : memref<128x128xf32, #tpu.memory_space<vmem>>, vector<128x128xf32>
      tpu.vector_store %arg6[%swap3A_448, %swap3A_449], %dot_general3A_447 {strides = array<i32>} : memref<128x128xf32, #tpu.memory_space<vmem>>, vector<128x128xf32>,
      %get3A_451 = arith.constant 0 : index
      %get3A_452 = arith.constant 0 : index
      %get3A_453 = vector.load %arg4[%get3A_451, %get3A_452] : memref<2048x128xf32, #tpu.memory_space<vmem>>, vector<512x128xf32>
      %get3A_454 = arith.constant 0 : index
      %get3A_455 = arith.constant 0 : index
      %get3A_456 = vector.load %arg6[%get3A_454, %get3A_455] : memref<128x128xf32, #tpu.memory_space<vmem>>, vector<128x128xf32>
      %dot_general3A_457 = arith.constant dense<0.000000e+00> : vector<512x128xf32>
      %dot_general3A_458 = tpu.matmul %get3A_453, %get3A_456, %dot_general3A_457 {dimension_numbers = #tpu.dot_dimension_numbers<[1], [0], [0], [1], [0, 0, 1, 1], [], []>, transpose_lhs_hint = false} : vector<512x128xf32>, vector<128x128xf32>, vector<512x128xf32> -> vector<512x128xf32>
      %swap3A_459 = arith.constant 512 : index
      %swap3A_460 = arith.constant 0 : index
      %swap3A_461 = vector.load %arg4[%swap3A_459, %swap3A_460] : memref<2048x128xf32, #tpu.memory_space<vmem>>, vector<512x128xf32>
      tpu.vector_store %arg4[%swap3A_459, %swap3A_460], %dot_general3A_458 {strides = array<i32>} : memref<2048x128xf32, #tpu.memory_space<vmem>>, vector<512x128xf32>,
      %get3A_462 = arith.constant 0 : index
      %get3A_463 = arith.constant 0 : index
      %get3A_464 = vector.load %arg6[%get3A_462, %get3A_463] : memref<128x128xf32, #tpu.memory_space<vmem>>, vector<128x128xf32>
      %get3A_465 = arith.constant 0 : index
      %get3A_466 = arith.constant 0 : index
      %get3A_467 = vector.load %arg6[%get3A_465, %get3A_466] : memref<128x128xf32, #tpu.memory_space<vmem>>, vector<128x128xf32>
      %dot_general3A_468 = arith.constant dense<0.000000e+00> : vector<128x128xf32>
      %dot_general3A_469 = tpu.matmul %get3A_464, %get3A_467, %dot_general3A_468 {dimension_numbers = #tpu.dot_dimension_numbers<[1], [0], [0], [1], [0, 0, 1, 1], [], []>, transpose_lhs_hint = false} : vector<128x128xf32>, vector<128x128xf32>, vector<128x128xf32> -> vector<128x128xf32>
      %swap3A_470 = arith.constant 0 : index
      %swap3A_471 = arith.constant 0 : index
      %swap3A_472 = vector.load %arg6[%swap3A_470, %swap3A_471] : memref<128x128xf32, #tpu.memory_space<vmem>>, vector<128x128xf32>
      tpu.vector_store %arg6[%swap3A_470, %swap3A_471], %dot_general3A_469 {strides = array<i32>} : memref<128x128xf32, #tpu.memory_space<vmem>>, vector<128x128xf32>,
      %get3A_473 = arith.constant 0 : index
      %get3A_474 = arith.constant 0 : index
      %get3A_475 = vector.load %arg4[%get3A_473, %get3A_474] : memref<2048x128xf32, #tpu.memory_space<vmem>>, vector<1024x128xf32>
      %get3A_476 = arith.constant 0 : index
      %get3A_477 = arith.constant 0 : index
      %get3A_478 = vector.load %arg6[%get3A_476, %get3A_477] : memref<128x128xf32, #tpu.memory_space<vmem>>, vector<128x128xf32>
      %dot_general3A_479 = arith.constant dense<0.000000e+00> : vector<1024x128xf32>
      %dot_general3A_480 = tpu.matmul %get3A_475, %get3A_478, %dot_general3A_479 {dimension_numbers = #tpu.dot_dimension_numbers<[1], [0], [0], [1], [0, 0, 1, 1], [], []>, transpose_lhs_hint = false} : vector<1024x128xf32>, vector<128x128xf32>, vector<1024x128xf32> -> vector<1024x128xf32>
      %swap3A_481 = arith.constant 1024 : index
      %swap3A_482 = arith.constant 0 : index
      %swap3A_483 = vector.load %arg4[%swap3A_481, %swap3A_482] : memref<2048x128xf32, #tpu.memory_space<vmem>>, vector<1024x128xf32>
      tpu.vector_store %arg4[%swap3A_481, %swap3A_482], %dot_general3A_480 {strides = array<i32>} : memref<2048x128xf32, #tpu.memory_space<vmem>>, vector<1024x128xf32>,
      %get3A_484 = arith.constant 0 : index
      %get3A_485 = arith.constant 0 : index
      %get3A_486 = vector.load %arg6[%get3A_484, %get3A_485] : memref<128x128xf32, #tpu.memory_space<vmem>>, vector<128x128xf32>
      %get3A_487 = arith.constant 0 : index
      %get3A_488 = arith.constant 0 : index
      %get3A_489 = vector.load %arg6[%get3A_487, %get3A_488] : memref<128x128xf32, #tpu.memory_space<vmem>>, vector<128x128xf32>
      %dot_general3A_490 = arith.constant dense<0.000000e+00> : vector<128x128xf32>
      %dot_general3A_491 = tpu.matmul %get3A_486, %get3A_489, %dot_general3A_490 {dimension_numbers = #tpu.dot_dimension_numbers<[1], [0], [0], [1], [0, 0, 1, 1], [], []>, transpose_lhs_hint = false} : vector<128x128xf32>, vector<128x128xf32>, vector<128x128xf32> -> vector<128x128xf32>
      %swap3A_492 = arith.constant 0 : index
      %swap3A_493 = arith.constant 0 : index
      %swap3A_494 = vector.load %arg6[%swap3A_492, %swap3A_493] : memref<128x128xf32, #tpu.memory_space<vmem>>, vector<128x128xf32>
      tpu.vector_store %arg6[%swap3A_492, %swap3A_493], %dot_general3A_491 {strides = array<i32>} : memref<128x128xf32, #tpu.memory_space<vmem>>, vector<128x128xf32>,
      %iota3A_495 = tpu.iota {dimensions = array<i32: 0>} : vector<128x128xi32>
      %iota3A_496 = tpu.iota {dimensions = array<i32: 1>} : vector<128x128xi32>
      %add3A_497 = arith.constant 0 : i32
      %add3A_498 = vector.broadcast %add3A_497 : i32 to vector<128x128xi32>
      %add3A_499 = arith.addi %iota3A_495, %add3A_498 : vector<128x128xi32>
      %eq3A_500 = arith.cmpi eq, %add3A_499, %iota3A_496 : vector<128x128xi32>
      %convert_element_type3A_501 = arith.extui %eq3A_500 : vector<128x128xi1> to vector<128x128xi32>
      %convert_element_type3A_502 = arith.sitofp %convert_element_type3A_501 : vector<128x128xi32> to vector<128x128xf32>
      %swap3A_503 = arith.constant 0 : index
      %swap3A_504 = arith.constant 0 : index
      %swap3A_505 = vector.load %arg5[%swap3A_503, %swap3A_504] : memref<128x128xf32, #tpu.memory_space<vmem>>, vector<128x128xf32>
      tpu.vector_store %arg5[%swap3A_503, %swap3A_504], %convert_element_type3A_502 {strides = array<i32>} : memref<128x128xf32, #tpu.memory_space<vmem>>, vector<128x128xf32>,
    } else {
    }
    %get3A = arith.constant 0 : index
    %get3A_8 = arith.constant 0 : index
    %get3A_9 = vector.load %arg4[%get3A, %get3A_8] : memref<2048x128xf32, #tpu.memory_space<vmem>>, vector<2048x128xf32>
    %get3A_10 = arith.constant 0 : index
    %get3A_11 = arith.constant 0 : index
    %get3A_12 = vector.load %arg5[%get3A_10, %get3A_11] : memref<128x128xf32, #tpu.memory_space<vmem>>, vector<128x128xf32>
    %dot_general3A = arith.constant dense<0.000000e+00> : vector<2048x128xf32>
    %dot_general3A_13 = tpu.matmul %get3A_9, %get3A_12, %dot_general3A {dimension_numbers = #tpu.dot_dimension_numbers<[1], [0], [0], [1], [0, 0, 1, 1], [], []>, transpose_lhs_hint = false} : vector<2048x128xf32>, vector<128x128xf32>, vector<2048x128xf32> -> vector<2048x128xf32>
    %reshape3A = vector.shape_cast %dot_general3A_13 : vector<2048x128xf32> to vector<256x8x128xf32>
    %swap3A = arith.constant 0 : index
    %swap3A_14 = arith.constant 0 : index
    %swap3A_15 = arith.constant 0 : index
    %swap3A_16 = vector.load %arg3[%swap3A, %swap3A_14, %swap3A_15] : memref<256x8x128xf32, #tpu.memory_space<vmem>>, vector<256x8x128xf32>
    tpu.vector_store %arg3[%swap3A, %swap3A_14, %swap3A_15], %reshape3A {strides = array<i32>} : memref<256x8x128xf32, #tpu.memory_space<vmem>>, vector<256x8x128xf32>,
    %get3A_17 = arith.constant 0 : index
    %get3A_18 = arith.constant 0 : index
    %get3A_19 = vector.load %arg5[%get3A_17, %get3A_18] : memref<128x128xf32, #tpu.memory_space<vmem>>, vector<128x128xf32>
    %get3A_20 = arith.constant 0 : index
    %get3A_21 = arith.constant 0 : index
    %get3A_22 = vector.load %arg6[%get3A_20, %get3A_21] : memref<128x128xf32, #tpu.memory_space<vmem>>, vector<128x128xf32>
    %dot_general3A_23 = arith.constant dense<0.000000e+00> : vector<128x128xf32>
    %dot_general3A_24 = tpu.matmul %get3A_19, %get3A_22, %dot_general3A_23 {dimension_numbers = #tpu.dot_dimension_numbers<[1], [0], [0], [1], [0, 0, 1, 1], [], []>, transpose_lhs_hint = false} : vector<128x128xf32>, vector<128x128xf32>, vector<128x128xf32> -> vector<128x128xf32>
    %swap3A_25 = arith.constant 0 : index
    %swap3A_26 = arith.constant 0 : index
    %swap3A_27 = vector.load %arg5[%swap3A_25, %swap3A_26] : memref<128x128xf32, #tpu.memory_space<vmem>>, vector<128x128xf32>
    tpu.vector_store %arg5[%swap3A_25, %swap3A_26], %dot_general3A_24 {strides = array<i32>} : memref<128x128xf32, #tpu.memory_space<vmem>>, vector<128x128xf32>,
    return
  }
  func.func @transform_0(%arg0: i32, %arg1: i32) -> (i32, i32, i32) {
    %c0_i32 = arith.constant 0 : i32
    %c0_i32_0 = arith.constant 0 : i32
    %c0_i32_1 = arith.constant 0 : i32
    return %arg0, %c0_i32, %c0_i32_0 : i32, i32, i32
  }
  func.func @transform_1(%arg0: i32, %arg1: i32) -> (i32, i32, i32) {
    %c0_i32 = arith.constant 0 : i32
    %c0_i32_0 = arith.constant 0 : i32
    return %arg1, %arg0, %c0_i32 : i32, i32, i32
  }
}

module attributes {stable_mosaic.version = 14 : i64} {
  func.func @_transpose_body(%arg0: i32, %arg1: i32, %arg2: memref<2048x8x128xf32, #tpu.memory_space<vmem>>, %arg3: memref<1x1024x2048xf32, #tpu.memory_space<vmem>>) attributes {dimension_semantics = [#tpu.dimension_semantics<arbitrary>, #tpu.dimension_semantics<arbitrary>], iteration_bounds = array<i64: 2, 8>, scalar_prefetch = 0 : i64, scratch_operands = 0 : i64, tpu.core_type = #tpu.core_type<tc>, window_params = [{transform_indices = @transform_0, window_bounds = array<i64: 2048, 8, 128>}, {transform_indices = @transform_1, window_bounds = array<i64: 1, 1024, 2048>}]} {
    %get3A = arith.constant 0 : index
    %get3A_0 = arith.constant 0 : index
    %get3A_1 = arith.constant 0 : index
    %get3A_2 = vector.load %arg2[%get3A, %get3A_0, %get3A_1] : memref<2048x8x128xf32, #tpu.memory_space<vmem>>, vector<2048x8x128xf32>
    %reshape3A = vector.shape_cast %get3A_2 : vector<2048x8x128xf32> to vector<2048x1024xf32>
    %transpose3A = tpu.transpose %reshape3A, [1, 0] : vector<2048x1024xf32> -> vector<1024x2048xf32>
    %reshape3A_3 = vector.shape_cast %transpose3A : vector<1024x2048xf32> to vector<1x1024x2048xf32>
    %swap3A = arith.constant 0 : index
    %swap3A_4 = arith.constant 0 : index
    %swap3A_5 = arith.constant 0 : index
    %swap3A_6 = vector.load %arg3[%swap3A, %swap3A_4, %swap3A_5] : memref<1x1024x2048xf32, #tpu.memory_space<vmem>>, vector<1x1024x2048xf32>
    tpu.vector_store %arg3[%swap3A, %swap3A_4, %swap3A_5], %reshape3A_3 {strides = array<i32>} : memref<1x1024x2048xf32, #tpu.memory_space<vmem>>, vector<1x1024x2048xf32>,
    return
  }
  func.func @transform_0(%arg0: i32, %arg1: i32) -> (i32, i32, i32) {
    %c0_i32 = arith.constant 0 : i32
    %c0_i32_0 = arith.constant 0 : i32
    return %arg0, %arg1, %c0_i32 : i32, i32, i32
  }
  func.func @transform_1(%arg0: i32, %arg1: i32) -> (i32, i32, i32) {
    %c0_i32 = arith.constant 0 : i32
    %c0_i32_0 = arith.constant 0 : i32
    return %arg0, %arg1, %c0_i32 : i32, i32, i32
  }
}

</mosaic_0001>

<sc_bundles>
// kernel: kernel.11.cloned.1.call-start
scs
__scs_entry_jumppad:
0x0: {  	(pc) =	sbr.rel $0x88, $3  }
0x1: {  	(tag) =	ssettag $0x0;
	lr =	simm.s32 $0x1  }
0x2: {  	[smem:$0x3F9E] =	sst lr;
	_ =	strace $0xD0000000  }
0x3: {  	_ = 	snop  }
0x4: {  	_ = 	snop  }
0x5: {  	_ = 	snop  }
0x6: {  	_ = 	snop  }
0x7: {  	_ = 	snop  }
__scs_overlays_trampoline_lowered:
0x8: {  	[smem:$0x3FAD] =	sst s0  }
0x9: {  	[smem:$0x3FAE] =	sst s1  }
0xa: {  	[smem:$0x3FAF] =	sst s2  }
0xb: {  	[smem:$0x3FB0] =	sst s3  }
0xc: {  	[smem:$0x3FB1] =	sst s4  }
0xd: {  	[smem:$0x3FB2] =	sst s5  }
0xe: {  	[smem:$0x3FB3] =	sst s6  }
0xf: {  	[smem:$0x3FB4] =	sst s7  }
0x10: {  	[smem:$0x3FB5] =	sst s8  }
0x11: {  	[smem:$0x3FB6] =	sst s9;
	s0 =	simm.s32 @!p0 $0x0  }
0x12: {  	s1 =	sld [smem:$0x3F9C];
	s0 =	simm.s32 @p0 $0x1  }
0x13: {  	[smem:$0x3FB7] =	sst s0;
	s0 =	simm.s32 @!p1 $0x0  }
0x14: {  	s2 =	sld [smem:$0x3F9B];
	s0 =	simm.s32 @p1 $0x1  }
0x15: {  	[smem:$0x3FB8] =	sst s0;
	s0 =	simm.s32 @!p2 $0x0  }
0x16: {  	s3 =	sld [smem:$0x3FDB];
	s0 =	simm.s32 @p2 $0x1  }
0x17: {  	s4 =	simm.s32 $0x1BF5;
	[smem:$0x3FBA] =	sst s0  }
0x18: {  	s0 =	sld [smem:$0x3F9D];
	_ =	swait.ge [sflag:s4], $0x0  }
0x19: {  	s7 =	sld [smem:$0x3F9E]  }
0x1a: {  	s8 =	sadd.s32 $0xFFFFE003, lr  }
0x1b: {  	s9 =	sadd.s32 $0xFFFFFEF7, lr;
	s5 =	simm.s32 $0xFFFFFFFF;
	p2 =	slt.u32 s8, $0xFFFFF086  }
0x1c: {  	p1 =	slt.u32 s9, $0xF7A;
	s5 =	simm.s32 @!p2 $0x0  }
0x1d: {  	s5 =	simm.s32 @p1 $0x1;
	p0 =	seq.s32 s7, s2  }
0x1e: {  	s7 =	smul.u32 @!p0 $0xF7A, s2;
	p2 =	seq.s32 @!p0 s5, $0x0  }
0x1f: {  	s9 =	smul.u32 $0xF7A, s1;
	s8 =	simm.s32 @!p0 $0x1BF5;
	p2 =	por !p2, p0  }
0x20: {  	[sflag:s8] =	ssyncset.s32 @!p0 $0xFFFFF086;
	s6 =	sadd.s32 @!p0 s3, s7;
	s7 =	simm.s32 @!p0 $0x108  }
0x21: {  	s3 =	sadd.s32 s3, s9;
	s6 =	sadd.s32 @!p0 $0x88, s6;
	s7 =	simm.s32 @p2 $0x1082  }
0x22: {  	[simem:s7], [sflag:s8] =	dma.local @!p0 [hbm:s6], $0xF7A  }
0x23: {  	s9 =	sor.u32 $0xD0000000, s2;
	s6 =	simm.s32 $0x108;
	_ =	swait.ge @!p0 [sflag:s8], $0x0  }
0x24: {  	s3 =	sadd.s32 $0x88, s3;
	s6 =	simm.s32 @!p1 $0x1082;
	[sflag:s4] =	ssyncset.s32 $0xFFFFF086  }
0x25: {  	[simem:s6], [sflag:s4] =	dma.local [hbm:s3], $0xF7A  }
0x26: {  	[smem:$0x3F9E] =	sst s1;
	(tag) =	ssettag s2;
	_ =	strace s9  }
0x27: {  	s1 =	sld [smem:$0x3FAE]  }
0x28: {  	s2 =	sld [smem:$0x3FAF]  }
0x29: {  	s4 =	sld [smem:$0x3FB1]  }
0x2a: {  	p0 =	seq.s32 s5, $0x0;
	s5 =	sld [smem:$0x3FB2]  }
0x2b: {  	s6 =	sld [smem:$0x3FB3]  }
0x2c: {  	s7 =	sld [smem:$0x3FB4]  }
0x2d: {  	s3 =	simm.s32 $0x108;
	s8 =	sld [smem:$0x3FB5]  }
0x2e: {  	s3 =	simm.s32 @!p0 $0x1082;
	s9 =	sld [smem:$0x3FB6]  }
0x2f: {  	lr =	sadd.s32 s0, s3;
	s0 =	sld [smem:$0x3FAD]  }
0x30: {  	s3 =	sld [smem:$0x3FB0]  }
0x31: {  	[smem:$0x3FB9] =	sst s10  }
0x32: {  	s10 =	sld [smem:$0x3FB7];
	_ =	sdelay $0x3  }
0x33: {  	p0 =	seq.s32 s10, $0x1;
	s10 =	sld [smem:$0x3FB9];
	_ =	sdelay $0x3  }
0x34: {  	[smem:$0x3FB9] =	sst s10  }
0x35: {  	s10 =	sld [smem:$0x3FB8];
	_ =	sdelay $0x3  }
0x36: {  	p1 =	seq.s32 s10, $0x1;
	s10 =	sld [smem:$0x3FB9];
	_ =	sdelay $0x3  }
0x37: {  	[smem:$0x3FB9] =	sst s10  }
0x38: {  	s10 =	sld [smem:$0x3FBA]  }
0x39: {  	_ = 	snop;
	(pc) =	sbr.ind lr, $3  }
0x3a: {  	_ = 	snop  }
0x3b: {  	_ = 	snop  }
0x3c: {  	p2 =	seq.s32 s10, $0x1;
	s10 =	sld [smem:$0x3FB9]  }
0x3d: {  	_ =	shalt  }
0x3e: {  	_ =	shalt  }
0x3f: {  	_ =	shalt  }
0x40: {  	_ =	shalt  }
0x41: {  	_ =	shalt  }
0x42: {  	_ =	shalt  }
0x43: {  	_ =	shalt  }
0x44: {  	_ =	shalt  }
0x45: {  	_ =	shalt  }
0x46: {  	_ =	shalt  }
0x47: {  	_ =	shalt  }
0x48: {  	_ =	shalt  }
0x49: {  	_ =	shalt  }
0x4a: {  	_ =	shalt  }
0x4b: {  	_ =	shalt  }
0x4c: {  	_ =	shalt  }
0x4d: {  	_ =	shalt  }
0x4e: {  	_ =	shalt  }
0x4f: {  	_ =	shalt  }
0x50: {  	_ =	shalt  }
0x51: {  	_ =	shalt  }
0x52: {  	_ =	shalt  }
0x53: {  	_ =	shalt  }
0x54: {  	_ =	shalt  }
0x55: {  	_ =	shalt  }
0x56: {  	_ =	shalt  }
0x57: {  	_ =	shalt  }
0x58: {  	_ =	shalt  }
0x59: {  	_ =	shalt  }
0x5a: {  	_ =	shalt  }
0x5b: {  	_ =	shalt  }
0x5c: {  	_ =	shalt  }
0x5d: {  	_ =	shalt  }
0x5e: {  	_ =	shalt  }
0x5f: {  	_ =	shalt  }
0x60: {  	_ =	shalt  }
0x61: {  	_ =	shalt  }
0x62: {  	_ =	shalt  }
0x63: {  	_ =	shalt  }
0x64: {  	_ =	shalt  }
0x65: {  	_ =	shalt  }
0x66: {  	_ =	shalt  }
0x67: {  	_ =	shalt  }
0x68: {  	_ =	shalt  }
0x69: {  	_ =	shalt  }
0x6a: {  	_ =	shalt  }
0x6b: {  	_ =	shalt  }
0x6c: {  	_ =	shalt  }
0x6d: {  	_ =	shalt  }
0x6e: {  	_ =	shalt  }
0x6f: {  	_ =	shalt  }
0x70: {  	_ =	shalt  }
0x71: {  	_ =	shalt  }
0x72: {  	_ =	shalt  }
0x73: {  	_ =	shalt  }
0x74: {  	_ =	shalt  }
0x75: {  	_ =	shalt  }
0x76: {  	_ =	shalt  }
0x77: {  	_ =	shalt  }
0x78: {  	_ =	shalt  }
0x79: {  	_ =	shalt  }
0x7a: {  	_ =	shalt  }
0x7b: {  	_ =	shalt  }
0x7c: {  	_ =	shalt  }
0x7d: {  	_ =	shalt  }
0x7e: {  	_ =	shalt  }
0x7f: {  	_ =	shalt  }
0x80: {  	_ =	shalt  }
0x81: {  	_ =	shalt  }
0x82: {  	_ =	shalt  }
0x83: {  	_ =	shalt  }
0x84: {  	_ =	shalt  }
0x85: {  	_ =	shalt  }
0x86: {  	_ =	shalt  }
0x87: {  	_ =	shalt  }
.Lfunc_end0:
.L_simem_size_0:
called_computation.1_lowered:
.L_overlay_start_0:
0x88: {  	s2 =	sld [smem:$0x3FD9]  }
0x89: {  	s3 =	sld [smem:$0x3FFE];
	_ =	sdelay $0x1  }
0x8a: {  	s1 =	srdreg.scid  }
0x8b: {  	s0 =	sand.u32 $0x1, s1  }
0x8c: {  	s14 =	sshll.u32 s0, $0xA;
	s2 =	sadd.s32 s3, s2  }
0x8d: {  	s2 =	sadd.s32 s2, s14  }
0x8e: {  	[smem:$0x3FC5] =	sst s2  }
0x8f: {  	_ = 	snop  }
0x90: {  	s2 =	sld [smem:$0x3FD0];
	_ =	sdelay $0x2  }
0x91: {  	s15 =	simm.s32 $0xB;
	s4 =	simm.s32 $0x10  }
0x92: {  	[smem:s4], [sflag:s15] =	dma.local [hbm:s2], $0x1  }
0x93: {  	_ =	swait.eq [sflag:s15], $0x1  }
0x94: {  	[sflag:s15] =	ssyncset.done $0x0  }
0x95: {  	s16 =	sld [smem:$0x10];
	[sflag:s15] =	ssyncadd.s32 $0xFFFFFFFF  }
0x96: {  	s17 =	sld [smem:$0x11];
	(tm) =	ssettm $0x1  }
0x97: {  	s18 =	sld [smem:$0x3FFB];
	_ =	sdelay $0x3  }
0x98: {  	_ =	strace s18  }
0x99: {  	s4 =	sld [smem:$0x3FFC];
	_ =	sdelay $0x3  }
0x9a: {  	_ =	strace s4  }
0x9b: {  	s4 =	sld [smem:$0x3FFD];
	_ =	sdelay $0x3  }
0x9c: {  	_ =	strace s4  }
0x9d: {  	_ =	strace $0x8FFFFFFF  }
0x9e: {  	s19 =	sld [smem:$0x3FDB];
	_ =	sdelay $0x1  }
0x9f: {  	s5 =	simm.s32 $_scs_section_size  }
0xa0: {  	s6 =	simm.s32 $_size__tile_overlayer_lowered;
	s7 =	simm.s32 $_tile_overlayer_lowered  }
0xa1: {  	s22 =	simm.s32 $0x1BFF;
	s21 =	sshll.u32 s7, $0x1;
	s4 =	sadd.s32 s5, s19  }
0xa2: {  	s8 =	simm.s32 $0x0;
	s20 =	sshll.u32 s6, $0x1;
	s6 =	sadd.s32 s21, s4  }
0xa3: {  	[timem:s8], [sflag:s22] =	dma.local [hbm:s6], s20  }
0xa4: {  	_ =	swait.ge [sflag:s22], s20  }
0xa5: {  	s5 =	ssub.s32 $0x0, s20;
	[sflag:s22] =	ssyncset.done $0x0  }
0xa6: {  	[sflag:s22] =	ssyncadd.s32 s5;
	_ =	sdelay $0x1  }
0xa7: {  	s23 =	simm.s32 $0x1B8B  }
0xa8: {  	_ =	swait.ge [sflag:s23], $0x1  }
0xa9: {  	[sflag:s23] =	ssyncset.done $0x0  }
0xaa: {  	s25 =	simm.s32 $0x1B8E;
	s24 =	sld [smem:$0x3FFE];
	[sflag:s23] =	ssyncadd.s32 $0xFFFFFFFF  }
0xab: {  	s26 =	simm.s32 $execute0_lowered;
	[smem:$0x3FD2] =	sst s25  }
0xac: {  	s6 =	sshll.u32 s26, $0x1;
	_ =	strace $0x80000046;
	[dreg:$0x1] =	wrdreg $0xFFFFFFFF  }
0xad: {  	s28 =	simm.s32 $_size_execute0_lowered;
	s4 =	sadd.s32 s4, s6;
	[dreg:$0x0] =	wrdreg $0x0  }
0xae: {  	s6 =	sshll.u32 s28, $0x1;
	[dreg:$0x2] =	wrdreg s4  }
0xaf: {  	[dreg:$0x3] =	wrdreg s6  }
0xb0: {  	[dreg:$0x4] =	wrdreg $0xC0  }
0xb1: {  	_ =	task [dreg:s8], $0x5FFFF  }
0xb2: {  	[dreg:$0x1] =	wrdreg $0xFFFFFFFF  }
0xb3: {  	[dreg:$0x0] =	wrdreg $0x60  }
0xb4: {  	[dreg:$0x2] =	wrdreg s17  }
0xb5: {  	[dreg:$0x3] =	wrdreg s24  }
0xb6: {  	[dreg:$0x4] =	wrdreg s16  }
0xb7: {  	[dreg:$0x5] =	wrdreg $0xA  }
0xb8: {  	_ =	task.clear_ibuf [dreg:s8], $0x6FFFF;
	_ =	strace $0x90000046  }
0xb9: {  	s29 =	simm.s32 $0xA;
	_ =	strace $0x80000048  }
0xba: {  	_ =	swait.ge [sflag:s29], $0x1  }
0xbb: {  	[sflag:s29] =	ssyncadd.s32 $0xFFFFFFFF  }
0xbc: {  	_ =	strace $0x90000048  }
0xbd: {  	_ =	sfence  }
0xbe: {  	s30 =	sld [smem:$0x0];
	_ =	sdelay $0x2  }
0xbf: {  	s31 =	sshll.u32 s1, $0xD;
	s1 =	sshrl.u32 s1, $0x2  }
0xc0: {  	s3 =	sand.u32 $0x4000, s31;
	s1 =	sadd.s32 s1, s30  }
0xc1: {  	s0 =	sor.u32 s3, s0;
	s1 =	sshll.u32 s1, $0x11  }
0xc2: {  	s0 =	sor.u32 s1, s0  }
0xc3: {  	s0 =	sadd.s32 $0x8F2B, s0  }
0xc4: {  	[sflag:s0] =	ssyncadd.remote.s32 $0x1  }
0xc5: {  	_ =	sfence.sel $0xFFFF  }
0xc6: {  	[dreg:$0x0] =	wrdreg $0xFFFFFFFF;
	(pc) =	sbr.abs _section_cstart, $3  }
0xc7: {  	[dreg:$0x1] =	wrdreg $0xFFFFFFFF  }
0xc8: {  	_ =	task.clear_ibuf [dreg:s8], $0x2FFFF;
	_ =	strace $0x9FFFFFFF  }
0xc9: {  	(tm) =	ssettm $0x7FFFFFFF  }
tec
execute0_lowered:
.L_overlay_start_1:
0x0: {  	(tag) =	ssettag $0x1  }
0x1: {  	s0 =	srdreg.scid;
	s2 =	stileid.u32  }
0x2: {  	s3 =	rddreg [dreg:$0x0];
	s1 =	sand.u32 $0x1, s0;
	s6 =	sshll.u32 s2, $0x1  }
0x3: {  	s4 =	rddreg [dreg:$0x1];
	s0 =	sor.u32 s1, s6  }
0x4: {  	s5 =	rddreg [dreg:$0x2];
	s6 =	sshll.u32 s0, $0x9  }
0x5: {  	s2 =	simm.s32 $0x0;
	s0 =	sshll.u32 s0, $0x11;
	s4 =	sadd.s32 s6, s4  }
0x6: {  	[smem:$0x7FF] =	sst s2;
	s30 =	sadd.s32 s5, s0;
	s4 =	sadd.s32 $0xC00, s4  }
0x7: {  	_ =	strace $0x80000047;
	s0 =	sadd.s32 $0x1000, s30;
	[dreg:$0x4] =	wrdreg s4  }
0x8: {  	s7 =	sadd.s32 $0x2000, s30;
	[dreg:$0x5] =	wrdreg s0  }
0x9: {  	s8 =	sadd.s32 $0x3000, s30;
	[dreg:$0x6] =	wrdreg s7  }
0xa: {  	s9 =	sadd.s32 $0x4000, s30;
	[dreg:$0x7] =	wrdreg s8  }
0xb: {  	s10 =	sadd.s32 $0x5000, s30;
	[dreg:$0x8] =	wrdreg s9  }
0xc: {  	s11 =	sadd.s32 $0x6000, s30;
	[dreg:$0x9] =	wrdreg s10  }
0xd: {  	s12 =	sadd.s32 $0x7000, s30;
	[dreg:$0xa] =	wrdreg s11  }
0xe: {  	s13 =	sadd.s32 $0x8000, s30;
	[dreg:$0xb] =	wrdreg s12  }
0xf: {  	s14 =	sadd.s32 $0x9000, s30;
	[dreg:$0xc] =	wrdreg s13  }
0x10: {  	s15 =	sadd.s32 $0xA000, s30;
	[dreg:$0xd] =	wrdreg s14  }
0x11: {  	s16 =	sadd.s32 $0xB000, s30;
	[dreg:$0xe] =	wrdreg s15  }
0x12: {  	s17 =	sadd.s32 $0xC000, s30;
	[dreg:$0xf] =	wrdreg s16  }
0x13: {  	s18 =	sadd.s32 $0xD000, s30;
	[dreg:$0x10] =	wrdreg s17  }
0x14: {  	s19 =	sadd.s32 $0xE000, s30;
	[dreg:$0x11] =	wrdreg s18  }
0x15: {  	s20 =	sadd.s32 $0xF000, s30;
	[dreg:$0x12] =	wrdreg s19  }
0x16: {  	s21 =	sadd.s32 $0x10000, s30;
	[dreg:$0x13] =	wrdreg s20  }
0x17: {  	s22 =	sadd.s32 $0x11000, s30;
	[dreg:$0x14] =	wrdreg s21  }
0x18: {  	s23 =	sadd.s32 $0x12000, s30;
	[dreg:$0x15] =	wrdreg s22  }
0x19: {  	s24 =	sadd.s32 $0x13000, s30;
	[dreg:$0x16] =	wrdreg s23  }
0x1a: {  	s25 =	sadd.s32 $0x14000, s30;
	[dreg:$0x17] =	wrdreg s24  }
0x1b: {  	s26 =	sadd.s32 $0x15000, s30;
	[dreg:$0x18] =	wrdreg s25  }
0x1c: {  	s5 =	sadd.s32 $0x17000, s30;
	[dreg:$0x19] =	wrdreg s26  }
0x1d: {  	s6 =	sadd.s32 $0x18000, s30;
	[dreg:$0x1b] =	wrdreg s5  }
0x1e: {  	s4 =	sadd.s32 $0x16000, s30;
	[dreg:$0x1c] =	wrdreg s6  }
0x1f: {  	s7 =	sadd.s32 $0x19000, s30;
	[dreg:$0x1a] =	wrdreg s4  }
0x20: {  	s8 =	sadd.s32 $0x1A000, s30;
	[dreg:$0x1d] =	wrdreg s7  }
0x21: {  	s9 =	sadd.s32 $0x1B000, s30;
	[dreg:$0x1e] =	wrdreg s8  }
0x22: {  	s10 =	sadd.s32 $0x1C000, s30;
	[dreg:$0x1f] =	wrdreg s9  }
0x23: {  	s11 =	sadd.s32 $0x1D000, s30;
	[smem:$0x7EE] =	sst s10  }
0x24: {  	s12 =	sadd.s32 $0x1E000, s30;
	[smem:$0x7EF] =	sst s11  }
0x25: {  	s13 =	sadd.s32 $0x1F000, s30;
	[smem:$0x7F0] =	sst s12  }
0x26: {  	s31 =	simm.s32 $0x5;
	s14 =	simm.s32 $0x80;
	[smem:$0x7F1] =	sst s13  }
0x27: {  	s29 =	simm.s32 $0x680;
	s15 =	simm.s32 $0x100;
	[smem:$0x7F2] =	sst s14  }
0x28: {  	s28 =	simm.s32 $0x700;
	s17 =	simm.s32 $0x180;
	[smem:$0x7F3] =	sst s15  }
0x29: {  	p0 =	por $0x0, $0x0;
	s18 =	simm.s32 $0x200;
	[smem:$0x7F4] =	sst s17  }
0x2a: {  	s1 =	ssub.s32 $0x2, s1;
	s19 =	simm.s32 $0x280;
	[smem:$0x7F5] =	sst s18  }
0x2b: {  	s16 =	sshrl.u32 s1, $0x1;
	s20 =	simm.s32 $0x300;
	[smem:$0x7F6] =	sst s19  }
0x2c: {  	s21 =	simm.s32 $0x380;
	s6 =	simm.s32 $0x1000;
	[smem:$0x7F7] =	sst s20  }
0x2d: {  	s22 =	simm.s32 $0x400;
	s5 =	simm.s32 $0x9000;
	[smem:$0x7F8] =	sst s21  }
0x2e: {  	s23 =	simm.s32 $0x480;
	s24 =	simm.s32 $0x500;
	[smem:$0x7F9] =	sst s22  }
0x2f: {  	s25 =	simm.s32 $0x580;
	s26 =	simm.s32 $0x600;
	[smem:$0x7FA] =	sst s23  }
0x30: {  	s1 =	ssub.s32 s1, s16;
	s4 =	simm.s32 $0x4;
	[smem:$0x7FB] =	sst s24  }
0x31: {  	s8 =	simm.s32 $0x1;
	s7 =	simm.s32 $0x3;
	[smem:$0x7FC] =	sst s25  }
0x32: {  	s9 =	simm.s32 $0x2;
	[smem:$0x7FD] =	sst s26;
	s26 =	simm.s32 $0x780  }
0x33: {  	s25 =	simm.s32 $0x800;
	s24 =	simm.s32 $0x880;
	s1 =	smax.u32 s1, $0x1  }
0x34: {  	s23 =	simm.s32 $0x900;
	s22 =	simm.s32 $0x980;
	p1 =	sne.s32 s1, $0x1  }
.Ltmp0:
0x35: {  	s21 =	simm.s32 $0xA00;
	s20 =	simm.s32 $0xA80;
	(pc) =	sbr.rel @!p1 .LBB2_3-.Ltmp0, $4  }
0x36: {  	s19 =	simm.s32 $0xB00;
	s18 =	simm.s32 $0xB80;
	s17 =	simm.s32 $0xC00  }
0x37: {  	s16 =	simm.s32 $0xC80;
	s15 =	simm.s32 $0xD00;
	s14 =	simm.s32 $0xD80  }
0x38: {  	s13 =	simm.s32 $0xE00;
	s12 =	simm.s32 $0xE80;
	s11 =	simm.s32 $0xF00  }
0x39: {  	s10 =	simm.s32 $0xF80;
	s0 =	rddreg [dreg:$0x4];
	s1 =	sadd.s32 $0xFFFFFFFF, s1  }
0x3a: {  	[tilespmem:s2], [sflag:$0x5] =	stream.linear.gather [hbm4b:s0+s2], $0x1000, $0x38;
	[tilespmem:$0x11000] =	vst v63  }
0x3b: {  	_ =	swait.ge [sflag:s31], $0x1000  }
0x3c: {  	[sflag:s31] =	ssyncset.done $0x0  }
0x3d: {  	s0 =	sld [smem:$0x7F2];
	[sflag:s31] =	ssyncadd.s32 $0xFFFFF000  }
0x3e: {  	[tilespmem:s6], [sflag:$0x1] =	stream.indirect.gather [hbm4b:s3+s4], $0x2000, s2, s4, $0xb8;
	[tilespmem:$0x11000] =	vst v63  }
0x3f: {  	_ = 	snop  }
0x40: {  	[tilespmem:s5], [sflag:$0x2] =	stream.indirect.gather [hbm4b:s3+s4], $0x2000, s0, s4, $0xb8;
	[tilespmem:$0x11000] =	vst v63  }
0x41: {  	_ =	swait.ge [sflag:s8], $0x8000  }
0x42: {  	[sflag:s8] =	ssyncset.done $0x0  }
0x43: {  	[sflag:s8] =	ssyncadd.s32 $0xFFFF8000  }
0x44: {  	[hbm4b:s30+s2] =	stream.linear.scatter [tilespmem:s6], [sflag:$0x3], $0x8000, $0x38;
	[tilespmem:$0x11000] =	vst v63  }
0x45: {  	_ =	swait.ge [sflag:s7], $0x8000  }
0x46: {  	s0 =	sld [smem:$0x7F3]  }
0x47: {  	[sflag:s7] =	ssyncset.done $0x0  }
0x48: {  	[sflag:s7] =	ssyncadd.s32 $0xFFFF8000  }
0x49: {  	[tilespmem:s6], [sflag:$0x1] =	stream.indirect.gather [hbm4b:s3+s4], $0x2000, s0, s4, $0xb8;
	[tilespmem:$0x11000] =	vst v63  }
0x4a: {  	_ =	swait.ge [sflag:s9], $0x8000  }
0x4b: {  	[sflag:s9] =	ssyncset.done $0x0  }
0x4c: {  	s0 =	rddreg [dreg:$0x5];
	[sflag:s9] =	ssyncadd.s32 $0xFFFF8000  }
0x4d: {  	[hbm4b:s0+s2] =	stream.linear.scatter [tilespmem:s5], [sflag:$0x4], $0x8000, $0x38;
	[tilespmem:$0x11000] =	vst v63  }
0x4e: {  	_ =	swait.ge [sflag:s4], $0x8000  }
0x4f: {  	s0 =	sld [smem:$0x7F4]  }
0x50: {  	[sflag:s4] =	ssyncset.done $0x0  }
0x51: {  	[sflag:s4] =	ssyncadd.s32 $0xFFFF8000  }
0x52: {  	[tilespmem:s5], [sflag:$0x2] =	stream.indirect.gather [hbm4b:s3+s4], $0x2000, s0, s4, $0xb8;
	[tilespmem:$0x11000] =	vst v63  }
0x53: {  	_ =	swait.ge [sflag:s8], $0x8000  }
0x54: {  	[sflag:s8] =	ssyncset.done $0x0  }
0x55: {  	s0 =	rddreg [dreg:$0x6];
	[sflag:s8] =	ssyncadd.s32 $0xFFFF8000  }
0x56: {  	[hbm4b:s0+s2] =	stream.linear.scatter [tilespmem:s6], [sflag:$0x3], $0x8000, $0x38;
	[tilespmem:$0x11000] =	vst v63  }
0x57: {  	_ =	swait.ge [sflag:s7], $0x8000  }
0x58: {  	s0 =	sld [smem:$0x7F5]  }
0x59: {  	[sflag:s7] =	ssyncset.done $0x0  }
0x5a: {  	[sflag:s7] =	ssyncadd.s32 $0xFFFF8000  }
0x5b: {  	[tilespmem:s6], [sflag:$0x1] =	stream.indirect.gather [hbm4b:s3+s4], $0x2000, s0, s4, $0xb8;
	[tilespmem:$0x11000] =	vst v63  }
0x5c: {  	_ =	swait.ge [sflag:s9], $0x8000  }
0x5d: {  	[sflag:s9] =	ssyncset.done $0x0  }
0x5e: {  	s0 =	rddreg [dreg:$0x7];
	[sflag:s9] =	ssyncadd.s32 $0xFFFF8000  }
0x5f: {  	[hbm4b:s0+s2] =	stream.linear.scatter [tilespmem:s5], [sflag:$0x4], $0x8000, $0x38;
	[tilespmem:$0x11000] =	vst v63  }
0x60: {  	_ =	swait.ge [sflag:s4], $0x8000  }
0x61: {  	s0 =	sld [smem:$0x7F6]  }
0x62: {  	[sflag:s4] =	ssyncset.done $0x0  }
0x63: {  	[sflag:s4] =	ssyncadd.s32 $0xFFFF8000  }
0x64: {  	[tilespmem:s5], [sflag:$0x2] =	stream.indirect.gather [hbm4b:s3+s4], $0x2000, s0, s4, $0xb8;
	[tilespmem:$0x11000] =	vst v63  }
0x65: {  	_ =	swait.ge [sflag:s8], $0x8000  }
0x66: {  	[sflag:s8] =	ssyncset.done $0x0  }
0x67: {  	s0 =	rddreg [dreg:$0x8];
	[sflag:s8] =	ssyncadd.s32 $0xFFFF8000  }
0x68: {  	[hbm4b:s0+s2] =	stream.linear.scatter [tilespmem:s6], [sflag:$0x3], $0x8000, $0x38;
	[tilespmem:$0x11000] =	vst v63  }
0x69: {  	_ =	swait.ge [sflag:s7], $0x8000  }
0x6a: {  	s0 =	sld [smem:$0x7F7]  }
0x6b: {  	[sflag:s7] =	ssyncset.done $0x0  }
0x6c: {  	[sflag:s7] =	ssyncadd.s32 $0xFFFF8000  }
0x6d: {  	[tilespmem:s6], [sflag:$0x1] =	stream.indirect.gather [hbm4b:s3+s4], $0x2000, s0, s4, $0xb8;
	[tilespmem:$0x11000] =	vst v63  }
0x6e: {  	_ =	swait.ge [sflag:s9], $0x8000  }
0x6f: {  	[sflag:s9] =	ssyncset.done $0x0  }
0x70: {  	s0 =	rddreg [dreg:$0x9];
	[sflag:s9] =	ssyncadd.s32 $0xFFFF8000  }
0x71: {  	[hbm4b:s0+s2] =	stream.linear.scatter [tilespmem:s5], [sflag:$0x4], $0x8000, $0x38;
	[tilespmem:$0x11000] =	vst v63  }
0x72: {  	_ =	swait.ge [sflag:s4], $0x8000  }
0x73: {  	s0 =	sld [smem:$0x7F8]  }
0x74: {  	[sflag:s4] =	ssyncset.done $0x0  }
0x75: {  	[sflag:s4] =	ssyncadd.s32 $0xFFFF8000  }
0x76: {  	[tilespmem:s5], [sflag:$0x2] =	stream.indirect.gather [hbm4b:s3+s4], $0x2000, s0, s4, $0xb8;
	[tilespmem:$0x11000] =	vst v63  }
0x77: {  	_ =	swait.ge [sflag:s8], $0x8000  }
0x78: {  	[sflag:s8] =	ssyncset.done $0x0  }
0x79: {  	s0 =	rddreg [dreg:$0xa];
	[sflag:s8] =	ssyncadd.s32 $0xFFFF8000  }
0x7a: {  	[hbm4b:s0+s2] =	stream.linear.scatter [tilespmem:s6], [sflag:$0x3], $0x8000, $0x38;
	[tilespmem:$0x11000] =	vst v63  }
0x7b: {  	_ =	swait.ge [sflag:s7], $0x8000  }
0x7c: {  	s0 =	sld [smem:$0x7F9]  }
0x7d: {  	[sflag:s7] =	ssyncset.done $0x0  }
0x7e: {  	[sflag:s7] =	ssyncadd.s32 $0xFFFF8000  }
0x7f: {  	[tilespmem:s6], [sflag:$0x1] =	stream.indirect.gather [hbm4b:s3+s4], $0x2000, s0, s4, $0xb8;
	[tilespmem:$0x11000] =	vst v63  }
0x80: {  	_ =	swait.ge [sflag:s9], $0x8000  }
0x81: {  	[sflag:s9] =	ssyncset.done $0x0  }
0x82: {  	s0 =	rddreg [dreg:$0xb];
	[sflag:s9] =	ssyncadd.s32 $0xFFFF8000  }
0x83: {  	[hbm4b:s0+s2] =	stream.linear.scatter [tilespmem:s5], [sflag:$0x4], $0x8000, $0x38;
	[tilespmem:$0x11000] =	vst v63  }
0x84: {  	_ =	swait.ge [sflag:s4], $0x8000  }
0x85: {  	s0 =	sld [smem:$0x7FA]  }
0x86: {  	[sflag:s4] =	ssyncset.done $0x0  }
0x87: {  	[sflag:s4] =	ssyncadd.s32 $0xFFFF8000  }
0x88: {  	[tilespmem:s5], [sflag:$0x2] =	stream.indirect.gather [hbm4b:s3+s4], $0x2000, s0, s4, $0xb8;
	[tilespmem:$0x11000] =	vst v63  }
0x89: {  	_ =	swait.ge [sflag:s8], $0x8000  }
0x8a: {  	[sflag:s8] =	ssyncset.done $0x0  }
0x8b: {  	s0 =	rddreg [dreg:$0xc];
	[sflag:s8] =	ssyncadd.s32 $0xFFFF8000  }
0x8c: {  	[hbm4b:s0+s2] =	stream.linear.scatter [tilespmem:s6], [sflag:$0x3], $0x8000, $0x38;
	[tilespmem:$0x11000] =	vst v63  }
0x8d: {  	_ =	swait.ge [sflag:s7], $0x8000  }
0x8e: {  	s0 =	sld [smem:$0x7FB]  }
0x8f: {  	[sflag:s7] =	ssyncset.done $0x0  }
0x90: {  	[sflag:s7] =	ssyncadd.s32 $0xFFFF8000  }
0x91: {  	[tilespmem:s6], [sflag:$0x1] =	stream.indirect.gather [hbm4b:s3+s4], $0x2000, s0, s4, $0xb8;
	[tilespmem:$0x11000] =	vst v63  }
0x92: {  	_ =	swait.ge [sflag:s9], $0x8000  }
0x93: {  	[sflag:s9] =	ssyncset.done $0x0  }
0x94: {  	s0 =	rddreg [dreg:$0xd];
	[sflag:s9] =	ssyncadd.s32 $0xFFFF8000  }
0x95: {  	[hbm4b:s0+s2] =	stream.linear.scatter [tilespmem:s5], [sflag:$0x4], $0x8000, $0x38;
	[tilespmem:$0x11000] =	vst v63  }
0x96: {  	_ =	swait.ge [sflag:s4], $0x8000  }
0x97: {  	s0 =	sld [smem:$0x7FC]  }
0x98: {  	[sflag:s4] =	ssyncset.done $0x0  }
0x99: {  	[sflag:s4] =	ssyncadd.s32 $0xFFFF8000  }
0x9a: {  	[tilespmem:s5], [sflag:$0x2] =	stream.indirect.gather [hbm4b:s3+s4], $0x2000, s0, s4, $0xb8;
	[tilespmem:$0x11000] =	vst v63  }
0x9b: {  	_ =	swait.ge [sflag:s8], $0x8000  }
0x9c: {  	[sflag:s8] =	ssyncset.done $0x0  }
0x9d: {  	s0 =	rddreg [dreg:$0xe];
	[sflag:s8] =	ssyncadd.s32 $0xFFFF8000  }
0x9e: {  	[hbm4b:s0+s2] =	stream.linear.scatter [tilespmem:s6], [sflag:$0x3], $0x8000, $0x38;
	[tilespmem:$0x11000] =	vst v63  }
0x9f: {  	_ =	swait.ge [sflag:s7], $0x8000  }
0xa0: {  	s0 =	sld [smem:$0x7FD]  }
0xa1: {  	[sflag:s7] =	ssyncset.done $0x0  }
0xa2: {  	[sflag:s7] =	ssyncadd.s32 $0xFFFF8000  }
0xa3: {  	[tilespmem:s6], [sflag:$0x1] =	stream.indirect.gather [hbm4b:s3+s4], $0x2000, s0, s4, $0xb8;
	[tilespmem:$0x11000] =	vst v63  }
0xa4: {  	_ =	swait.ge [sflag:s9], $0x8000  }
0xa5: {  	[sflag:s9] =	ssyncset.done $0x0  }
0xa6: {  	s0 =	rddreg [dreg:$0xf];
	[sflag:s9] =	ssyncadd.s32 $0xFFFF8000  }
0xa7: {  	[hbm4b:s0+s2] =	stream.linear.scatter [tilespmem:s5], [sflag:$0x4], $0x8000, $0x38;
	[tilespmem:$0x11000] =	vst v63  }
0xa8: {  	_ =	swait.ge [sflag:s4], $0x8000  }
0xa9: {  	[sflag:s4] =	ssyncset.done $0x0  }
0xaa: {  	[sflag:s4] =	ssyncadd.s32 $0xFFFF8000  }
0xab: {  	[tilespmem:s5], [sflag:$0x2] =	stream.indirect.gather [hbm4b:s3+s4], $0x2000, s29, s4, $0xb8;
	[tilespmem:$0x11000] =	vst v63  }
0xac: {  	_ =	swait.ge [sflag:s8], $0x8000  }
0xad: {  	[sflag:s8] =	ssyncset.done $0x0  }
0xae: {  	s0 =	rddreg [dreg:$0x10];
	[sflag:s8] =	ssyncadd.s32 $0xFFFF8000  }
0xaf: {  	[hbm4b:s0+s2] =	stream.linear.scatter [tilespmem:s6], [sflag:$0x3], $0x8000, $0x38;
	[tilespmem:$0x11000] =	vst v63  }
0xb0: {  	_ =	swait.ge [sflag:s7], $0x8000  }
0xb1: {  	[sflag:s7] =	ssyncset.done $0x0  }
0xb2: {  	[sflag:s7] =	ssyncadd.s32 $0xFFFF8000  }
0xb3: {  	[tilespmem:s6], [sflag:$0x1] =	stream.indirect.gather [hbm4b:s3+s4], $0x2000, s28, s4, $0xb8;
	[tilespmem:$0x11000] =	vst v63  }
0xb4: {  	_ =	swait.ge [sflag:s9], $0x8000  }
0xb5: {  	[sflag:s9] =	ssyncset.done $0x0  }
0xb6: {  	s0 =	rddreg [dreg:$0x11];
	[sflag:s9] =	ssyncadd.s32 $0xFFFF8000  }
0xb7: {  	[hbm4b:s0+s2] =	stream.linear.scatter [tilespmem:s5], [sflag:$0x4], $0x8000, $0x38;
	[tilespmem:$0x11000] =	vst v63  }
0xb8: {  	_ =	swait.ge [sflag:s4], $0x8000  }
0xb9: {  	[sflag:s4] =	ssyncset.done $0x0  }
0xba: {  	[sflag:s4] =	ssyncadd.s32 $0xFFFF8000  }
0xbb: {  	[tilespmem:s5], [sflag:$0x2] =	stream.indirect.gather [hbm4b:s3+s4], $0x2000, s26, s4, $0xb8;
	[tilespmem:$0x11000] =	vst v63  }
0xbc: {  	_ =	swait.ge [sflag:s8], $0x8000  }
0xbd: {  	[sflag:s8] =	ssyncset.done $0x0  }
0xbe: {  	s0 =	rddreg [dreg:$0x12];
	[sflag:s8] =	ssyncadd.s32 $0xFFFF8000  }
0xbf: {  	[hbm4b:s0+s2] =	stream.linear.scatter [tilespmem:s6], [sflag:$0x3], $0x8000, $0x38;
	[tilespmem:$0x11000] =	vst v63  }
0xc0: {  	_ =	swait.ge [sflag:s7], $0x8000  }
0xc1: {  	[sflag:s7] =	ssyncset.done $0x0  }
0xc2: {  	[sflag:s7] =	ssyncadd.s32 $0xFFFF8000  }
0xc3: {  	[tilespmem:s6], [sflag:$0x1] =	stream.indirect.gather [hbm4b:s3+s4], $0x2000, s25, s4, $0xb8;
	[tilespmem:$0x11000] =	vst v63  }
0xc4: {  	_ =	swait.ge [sflag:s9], $0x8000  }
0xc5: {  	[sflag:s9] =	ssyncset.done $0x0  }
0xc6: {  	s0 =	rddreg [dreg:$0x13];
	[sflag:s9] =	ssyncadd.s32 $0xFFFF8000  }
0xc7: {  	[hbm4b:s0+s2] =	stream.linear.scatter [tilespmem:s5], [sflag:$0x4], $0x8000, $0x38;
	[tilespmem:$0x11000] =	vst v63  }
0xc8: {  	_ =	swait.ge [sflag:s4], $0x8000  }
0xc9: {  	[sflag:s4] =	ssyncset.done $0x0  }
0xca: {  	[sflag:s4] =	ssyncadd.s32 $0xFFFF8000  }
0xcb: {  	[tilespmem:s5], [sflag:$0x2] =	stream.indirect.gather [hbm4b:s3+s4], $0x2000, s24, s4, $0xb8;
	[tilespmem:$0x11000] =	vst v63  }
0xcc: {  	_ =	swait.ge [sflag:s8], $0x8000  }
0xcd: {  	[sflag:s8] =	ssyncset.done $0x0  }
0xce: {  	s0 =	rddreg [dreg:$0x14];
	[sflag:s8] =	ssyncadd.s32 $0xFFFF8000  }
0xcf: {  	[hbm4b:s0+s2] =	stream.linear.scatter [tilespmem:s6], [sflag:$0x3], $0x8000, $0x38;
	[tilespmem:$0x11000] =	vst v63  }
0xd0: {  	_ =	swait.ge [sflag:s7], $0x8000  }
0xd1: {  	[sflag:s7] =	ssyncset.done $0x0  }
0xd2: {  	[sflag:s7] =	ssyncadd.s32 $0xFFFF8000  }
0xd3: {  	[tilespmem:s6], [sflag:$0x1] =	stream.indirect.gather [hbm4b:s3+s4], $0x2000, s23, s4, $0xb8;
	[tilespmem:$0x11000] =	vst v63  }
0xd4: {  	_ =	swait.ge [sflag:s9], $0x8000  }
0xd5: {  	[sflag:s9] =	ssyncset.done $0x0  }
0xd6: {  	s0 =	rddreg [dreg:$0x15];
	[sflag:s9] =	ssyncadd.s32 $0xFFFF8000  }
0xd7: {  	[hbm4b:s0+s2] =	stream.linear.scatter [tilespmem:s5], [sflag:$0x4], $0x8000, $0x38;
	[tilespmem:$0x11000] =	vst v63  }
0xd8: {  	_ =	swait.ge [sflag:s4], $0x8000  }
0xd9: {  	[sflag:s4] =	ssyncset.done $0x0  }
0xda: {  	[sflag:s4] =	ssyncadd.s32 $0xFFFF8000  }
0xdb: {  	[tilespmem:s5], [sflag:$0x2] =	stream.indirect.gather [hbm4b:s3+s4], $0x2000, s22, s4, $0xb8;
	[tilespmem:$0x11000] =	vst v63  }
0xdc: {  	_ =	swait.ge [sflag:s8], $0x8000  }
0xdd: {  	[sflag:s8] =	ssyncset.done $0x0  }
0xde: {  	s0 =	rddreg [dreg:$0x16];
	[sflag:s8] =	ssyncadd.s32 $0xFFFF8000  }
0xdf: {  	[hbm4b:s0+s2] =	stream.linear.scatter [tilespmem:s6], [sflag:$0x3], $0x8000, $0x38;
	[tilespmem:$0x11000] =	vst v63  }
0xe0: {  	_ =	swait.ge [sflag:s7], $0x8000  }
0xe1: {  	[sflag:s7] =	ssyncset.done $0x0  }
0xe2: {  	[sflag:s7] =	ssyncadd.s32 $0xFFFF8000  }
0xe3: {  	[tilespmem:s6], [sflag:$0x1] =	stream.indirect.gather [hbm4b:s3+s4], $0x2000, s21, s4, $0xb8;
	[tilespmem:$0x11000] =	vst v63  }
0xe4: {  	_ =	swait.ge [sflag:s9], $0x8000  }
0xe5: {  	[sflag:s9] =	ssyncset.done $0x0  }
0xe6: {  	s0 =	rddreg [dreg:$0x17];
	[sflag:s9] =	ssyncadd.s32 $0xFFFF8000  }
0xe7: {  	[hbm4b:s0+s2] =	stream.linear.scatter [tilespmem:s5], [sflag:$0x4], $0x8000, $0x38;
	[tilespmem:$0x11000] =	vst v63  }
0xe8: {  	_ =	swait.ge [sflag:s4], $0x8000  }
0xe9: {  	[sflag:s4] =	ssyncset.done $0x0  }
0xea: {  	[sflag:s4] =	ssyncadd.s32 $0xFFFF8000  }
0xeb: {  	[tilespmem:s5], [sflag:$0x2] =	stream.indirect.gather [hbm4b:s3+s4], $0x2000, s20, s4, $0xb8;
	[tilespmem:$0x11000] =	vst v63  }
0xec: {  	_ =	swait.ge [sflag:s8], $0x8000  }
0xed: {  	[sflag:s8] =	ssyncset.done $0x0  }
0xee: {  	s0 =	rddreg [dreg:$0x18];
	[sflag:s8] =	ssyncadd.s32 $0xFFFF8000  }
0xef: {  	[hbm4b:s0+s2] =	stream.linear.scatter [tilespmem:s6], [sflag:$0x3], $0x8000, $0x38;
	[tilespmem:$0x11000] =	vst v63  }
0xf0: {  	_ =	swait.ge [sflag:s7], $0x8000  }
0xf1: {  	[sflag:s7] =	ssyncset.done $0x0  }
0xf2: {  	[sflag:s7] =	ssyncadd.s32 $0xFFFF8000  }
0xf3: {  	[tilespmem:s6], [sflag:$0x1] =	stream.indirect.gather [hbm4b:s3+s4], $0x2000, s19, s4, $0xb8;
	[tilespmem:$0x11000] =	vst v63  }
0xf4: {  	_ =	swait.ge [sflag:s9], $0x8000  }
0xf5: {  	[sflag:s9] =	ssyncset.done $0x0  }
0xf6: {  	s0 =	rddreg [dreg:$0x19];
	[sflag:s9] =	ssyncadd.s32 $0xFFFF8000  }
0xf7: {  	[hbm4b:s0+s2] =	stream.linear.scatter [tilespmem:s5], [sflag:$0x4], $0x8000, $0x38;
	[tilespmem:$0x11000] =	vst v63  }
0xf8: {  	_ =	swait.ge [sflag:s4], $0x8000  }
0xf9: {  	[sflag:s4] =	ssyncset.done $0x0  }
0xfa: {  	[sflag:s4] =	ssyncadd.s32 $0xFFFF8000  }
0xfb: {  	[tilespmem:s5], [sflag:$0x2] =	stream.indirect.gather [hbm4b:s3+s4], $0x2000, s18, s4, $0xb8;
	[tilespmem:$0x11000] =	vst v63  }
0xfc: {  	_ =	swait.ge [sflag:s8], $0x8000  }
0xfd: {  	[sflag:s8] =	ssyncset.done $0x0  }
0xfe: {  	s0 =	rddreg [dreg:$0x1a];
	[sflag:s8] =	ssyncadd.s32 $0xFFFF8000  }
0xff: {  	[hbm4b:s0+s2] =	stream.linear.scatter [tilespmem:s6], [sflag:$0x3], $0x8000, $0x38;
	[tilespmem:$0x11000] =	vst v63  }
0x100: {  	_ =	swait.ge [sflag:s7], $0x8000  }
0x101: {  	[sflag:s7] =	ssyncset.done $0x0  }
0x102: {  	[sflag:s7] =	ssyncadd.s32 $0xFFFF8000  }
0x103: {  	[tilespmem:s6], [sflag:$0x1] =	stream.indirect.gather [hbm4b:s3+s4], $0x2000, s17, s4, $0xb8;
	[tilespmem:$0x11000] =	vst v63  }
0x104: {  	_ =	swait.ge [sflag:s9], $0x8000  }
0x105: {  	[sflag:s9] =	ssyncset.done $0x0  }
0x106: {  	s0 =	rddreg [dreg:$0x1b];
	[sflag:s9] =	ssyncadd.s32 $0xFFFF8000  }
0x107: {  	[hbm4b:s0+s2] =	stream.linear.scatter [tilespmem:s5], [sflag:$0x4], $0x8000, $0x38;
	[tilespmem:$0x11000] =	vst v63  }
0x108: {  	_ =	swait.ge [sflag:s4], $0x8000  }
0x109: {  	[sflag:s4] =	ssyncset.done $0x0  }
0x10a: {  	[sflag:s4] =	ssyncadd.s32 $0xFFFF8000  }
0x10b: {  	[tilespmem:s5], [sflag:$0x2] =	stream.indirect.gather [hbm4b:s3+s4], $0x2000, s16, s4, $0xb8;
	[tilespmem:$0x11000] =	vst v63  }
0x10c: {  	_ =	swait.ge [sflag:s8], $0x8000  }
0x10d: {  	[sflag:s8] =	ssyncset.done $0x0  }
0x10e: {  	s0 =	rddreg [dreg:$0x1c];
	[sflag:s8] =	ssyncadd.s32 $0xFFFF8000  }
0x10f: {  	[hbm4b:s0+s2] =	stream.linear.scatter [tilespmem:s6], [sflag:$0x3], $0x8000, $0x38;
	[tilespmem:$0x11000] =	vst v63  }
0x110: {  	_ =	swait.ge [sflag:s7], $0x8000  }
0x111: {  	[sflag:s7] =	ssyncset.done $0x0  }
0x112: {  	[sflag:s7] =	ssyncadd.s32 $0xFFFF8000  }
0x113: {  	[tilespmem:s6], [sflag:$0x1] =	stream.indirect.gather [hbm4b:s3+s4], $0x2000, s15, s4, $0xb8;
	[tilespmem:$0x11000] =	vst v63  }
0x114: {  	_ =	swait.ge [sflag:s9], $0x8000  }
0x115: {  	[sflag:s9] =	ssyncset.done $0x0  }
0x116: {  	s0 =	rddreg [dreg:$0x1d];
	[sflag:s9] =	ssyncadd.s32 $0xFFFF8000  }
0x117: {  	[hbm4b:s0+s2] =	stream.linear.scatter [tilespmem:s5], [sflag:$0x4], $0x8000, $0x38;
	[tilespmem:$0x11000] =	vst v63  }
0x118: {  	_ =	swait.ge [sflag:s4], $0x8000  }
0x119: {  	[sflag:s4] =	ssyncset.done $0x0  }
0x11a: {  	[sflag:s4] =	ssyncadd.s32 $0xFFFF8000  }
0x11b: {  	[tilespmem:s5], [sflag:$0x2] =	stream.indirect.gather [hbm4b:s3+s4], $0x2000, s14, s4, $0xb8;
	[tilespmem:$0x11000] =	vst v63  }
0x11c: {  	_ =	swait.ge [sflag:s8], $0x8000  }
0x11d: {  	[sflag:s8] =	ssyncset.done $0x0  }
0x11e: {  	s0 =	rddreg [dreg:$0x1e];
	[sflag:s8] =	ssyncadd.s32 $0xFFFF8000  }
0x11f: {  	[hbm4b:s0+s2] =	stream.linear.scatter [tilespmem:s6], [sflag:$0x3], $0x8000, $0x38;
	[tilespmem:$0x11000] =	vst v63  }
0x120: {  	_ =	swait.ge [sflag:s7], $0x8000  }
0x121: {  	[sflag:s7] =	ssyncset.done $0x0  }
0x122: {  	[sflag:s7] =	ssyncadd.s32 $0xFFFF8000  }
0x123: {  	[tilespmem:s6], [sflag:$0x1] =	stream.indirect.gather [hbm4b:s3+s4], $0x2000, s13, s4, $0xb8;
	[tilespmem:$0x11000] =	vst v63  }
0x124: {  	_ =	swait.ge [sflag:s9], $0x8000  }
0x125: {  	[sflag:s9] =	ssyncset.done $0x0  }
0x126: {  	s0 =	rddreg [dreg:$0x1f];
	[sflag:s9] =	ssyncadd.s32 $0xFFFF8000  }
0x127: {  	[hbm4b:s0+s2] =	stream.linear.scatter [tilespmem:s5], [sflag:$0x4], $0x8000, $0x38;
	[tilespmem:$0x11000] =	vst v63  }
0x128: {  	_ =	swait.ge [sflag:s4], $0x8000  }
0x129: {  	[sflag:s4] =	ssyncset.done $0x0  }
0x12a: {  	[sflag:s4] =	ssyncadd.s32 $0xFFFF8000  }
0x12b: {  	[tilespmem:s5], [sflag:$0x2] =	stream.indirect.gather [hbm4b:s3+s4], $0x2000, s12, s4, $0xb8;
	[tilespmem:$0x11000] =	vst v63  }
0x12c: {  	_ =	swait.ge [sflag:s8], $0x8000  }
0x12d: {  	s0 =	sld [smem:$0x7EE]  }
0x12e: {  	[sflag:s8] =	ssyncset.done $0x0  }
0x12f: {  	[sflag:s8] =	ssyncadd.s32 $0xFFFF8000  }
0x130: {  	[hbm4b:s0+s2] =	stream.linear.scatter [tilespmem:s6], [sflag:$0x3], $0x8000, $0x38;
	[tilespmem:$0x11000] =	vst v63  }
0x131: {  	_ =	swait.ge [sflag:s7], $0x8000  }
0x132: {  	[sflag:s7] =	ssyncset.done $0x0  }
0x133: {  	[sflag:s7] =	ssyncadd.s32 $0xFFFF8000  }
0x134: {  	[tilespmem:s6], [sflag:$0x1] =	stream.indirect.gather [hbm4b:s3+s4], $0x2000, s11, s4, $0xb8;
	[tilespmem:$0x11000] =	vst v63  }
0x135: {  	_ =	swait.ge [sflag:s9], $0x8000  }
0x136: {  	s0 =	sld [smem:$0x7EF]  }
0x137: {  	[sflag:s9] =	ssyncset.done $0x0  }
0x138: {  	[sflag:s9] =	ssyncadd.s32 $0xFFFF8000  }
0x139: {  	[hbm4b:s0+s2] =	stream.linear.scatter [tilespmem:s5], [sflag:$0x4], $0x8000, $0x38;
	[tilespmem:$0x11000] =	vst v63  }
0x13a: {  	_ =	swait.ge [sflag:s4], $0x8000  }
0x13b: {  	[sflag:s4] =	ssyncset.done $0x0  }
0x13c: {  	[sflag:s4] =	ssyncadd.s32 $0xFFFF8000  }
0x13d: {  	[tilespmem:s5], [sflag:$0x2] =	stream.indirect.gather [hbm4b:s3+s4], $0x2000, s10, s4, $0xb8;
	[tilespmem:$0x11000] =	vst v63  }
0x13e: {  	_ =	swait.ge [sflag:s8], $0x8000  }
0x13f: {  	s0 =	sld [smem:$0x7F0]  }
0x140: {  	[sflag:s8] =	ssyncset.done $0x0  }
0x141: {  	[sflag:s8] =	ssyncadd.s32 $0xFFFF8000  }
0x142: {  	[hbm4b:s0+s2] =	stream.linear.scatter [tilespmem:s6], [sflag:$0x3], $0x8000, $0x38;
	[tilespmem:$0x11000] =	vst v63  }
0x143: {  	_ =	swait.ge [sflag:s9], $0x8000  }
0x144: {  	s0 =	sld [smem:$0x7F1]  }
0x145: {  	[sflag:s9] =	ssyncset.done $0x0  }
0x146: {  	p1 =	sne.s32 s1, $0x1;
	[sflag:s9] =	ssyncadd.s32 $0xFFFF8000  }
0x147: {  	[hbm4b:s0+s2] =	stream.linear.scatter [tilespmem:s5], [sflag:$0x4], $0x8000, $0x38;
	[tilespmem:$0x11000] =	vst v63  }
.Ltmp1:
0x148: {  	_ =	swait.ge [sflag:s7], $0x8000;
	(pc) =	sbr.rel @!p1 .LBB2_3-.Ltmp1, $4  }
0x149: {  	[sflag:s7] =	ssyncset.done $0x0  }
0x14a: {  	[sflag:s7] =	ssyncadd.s32 $0xFFFF8000  }
0x14b: {  	s1 =	sadd.s32 $0xFFFFFFFF, s1;
	_ =	swait.ge [sflag:s4], $0x8000  }
0x14c: {  	p0 =	por $0x1, $0x1;
	s0 =	rddreg [dreg:$0x4];
	[sflag:s4] =	ssyncset.done $0x0  }
.LBB2_2:
0x14d: {  	[sflag:s4] =	ssyncadd.s32 $0xFFFF8000  }
0x14e: {  	[tilespmem:s2], [sflag:$0x5] =	stream.linear.gather [hbm4b:s0+s2], $0x1000, $0x38;
	[tilespmem:$0x11000] =	vst v63  }
0x14f: {  	_ =	swait.ge [sflag:s31], $0x1000  }
0x150: {  	[sflag:s31] =	ssyncset.done $0x0  }
0x151: {  	s0 =	sld [smem:$0x7F2];
	[sflag:s31] =	ssyncadd.s32 $0xFFFFF000  }
0x152: {  	[tilespmem:s6], [sflag:$0x1] =	stream.indirect.gather [hbm4b:s3+s4], $0x2000, s2, s4, $0xb8;
	[tilespmem:$0x11000] =	vst v63  }
0x153: {  	_ = 	snop  }
0x154: {  	[tilespmem:s5], [sflag:$0x2] =	stream.indirect.gather [hbm4b:s3+s4], $0x2000, s0, s4, $0xb8;
	[tilespmem:$0x11000] =	vst v63  }
0x155: {  	_ =	swait.ge [sflag:s8], $0x8000  }
0x156: {  	[sflag:s8] =	ssyncset.done $0x0  }
0x157: {  	[sflag:s8] =	ssyncadd.s32 $0xFFFF8000  }
0x158: {  	[hbm4b:s30+s2] =	stream.linear.scatter [tilespmem:s6], [sflag:$0x3], $0x8000, $0x38;
	[tilespmem:$0x11000] =	vst v63  }
0x159: {  	_ =	swait.ge [sflag:s7], $0x8000  }
0x15a: {  	s0 =	sld [smem:$0x7F3]  }
0x15b: {  	[sflag:s7] =	ssyncset.done $0x0  }
0x15c: {  	[sflag:s7] =	ssyncadd.s32 $0xFFFF8000  }
0x15d: {  	[tilespmem:s6], [sflag:$0x1] =	stream.indirect.gather [hbm4b:s3+s4], $0x2000, s0, s4, $0xb8;
	[tilespmem:$0x11000] =	vst v63  }
0x15e: {  	_ =	swait.ge [sflag:s9], $0x8000  }
0x15f: {  	[sflag:s9] =	ssyncset.done $0x0  }
0x160: {  	s0 =	rddreg [dreg:$0x5];
	[sflag:s9] =	ssyncadd.s32 $0xFFFF8000  }
0x161: {  	[hbm4b:s0+s2] =	stream.linear.scatter [tilespmem:s5], [sflag:$0x4], $0x8000, $0x38;
	[tilespmem:$0x11000] =	vst v63  }
0x162: {  	_ =	swait.ge [sflag:s4], $0x8000  }
0x163: {  	s0 =	sld [smem:$0x7F4]  }
0x164: {  	[sflag:s4] =	ssyncset.done $0x0  }
0x165: {  	[sflag:s4] =	ssyncadd.s32 $0xFFFF8000  }
0x166: {  	[tilespmem:s5], [sflag:$0x2] =	stream.indirect.gather [hbm4b:s3+s4], $0x2000, s0, s4, $0xb8;
	[tilespmem:$0x11000] =	vst v63  }
0x167: {  	_ =	swait.ge [sflag:s8], $0x8000  }
0x168: {  	[sflag:s8] =	ssyncset.done $0x0  }
0x169: {  	s0 =	rddreg [dreg:$0x6];
	[sflag:s8] =	ssyncadd.s32 $0xFFFF8000  }
0x16a: {  	[hbm4b:s0+s2] =	stream.linear.scatter [tilespmem:s6], [sflag:$0x3], $0x8000, $0x38;
	[tilespmem:$0x11000] =	vst v63  }
0x16b: {  	_ =	swait.ge [sflag:s7], $0x8000  }
0x16c: {  	s0 =	sld [smem:$0x7F5]  }
0x16d: {  	[sflag:s7] =	ssyncset.done $0x0  }
0x16e: {  	[sflag:s7] =	ssyncadd.s32 $0xFFFF8000  }
0x16f: {  	[tilespmem:s6], [sflag:$0x1] =	stream.indirect.gather [hbm4b:s3+s4], $0x2000, s0, s4, $0xb8;
	[tilespmem:$0x11000] =	vst v63  }
0x170: {  	_ =	swait.ge [sflag:s9], $0x8000  }
0x171: {  	[sflag:s9] =	ssyncset.done $0x0  }
0x172: {  	s0 =	rddreg [dreg:$0x7];
	[sflag:s9] =	ssyncadd.s32 $0xFFFF8000  }
0x173: {  	[hbm4b:s0+s2] =	stream.linear.scatter [tilespmem:s5], [sflag:$0x4], $0x8000, $0x38;
	[tilespmem:$0x11000] =	vst v63  }
0x174: {  	_ =	swait.ge [sflag:s4], $0x8000  }
0x175: {  	s0 =	sld [smem:$0x7F6]  }
0x176: {  	[sflag:s4] =	ssyncset.done $0x0  }
0x177: {  	[sflag:s4] =	ssyncadd.s32 $0xFFFF8000  }
0x178: {  	[tilespmem:s5], [sflag:$0x2] =	stream.indirect.gather [hbm4b:s3+s4], $0x2000, s0, s4, $0xb8;
	[tilespmem:$0x11000] =	vst v63  }
0x179: {  	_ =	swait.ge [sflag:s8], $0x8000  }
0x17a: {  	[sflag:s8] =	ssyncset.done $0x0  }
0x17b: {  	s0 =	rddreg [dreg:$0x8];
	[sflag:s8] =	ssyncadd.s32 $0xFFFF8000  }
0x17c: {  	[hbm4b:s0+s2] =	stream.linear.scatter [tilespmem:s6], [sflag:$0x3], $0x8000, $0x38;
	[tilespmem:$0x11000] =	vst v63  }
0x17d: {  	_ =	swait.ge [sflag:s7], $0x8000  }
0x17e: {  	s0 =	sld [smem:$0x7F7]  }
0x17f: {  	[sflag:s7] =	ssyncset.done $0x0  }
0x180: {  	[sflag:s7] =	ssyncadd.s32 $0xFFFF8000  }
0x181: {  	[tilespmem:s6], [sflag:$0x1] =	stream.indirect.gather [hbm4b:s3+s4], $0x2000, s0, s4, $0xb8;
	[tilespmem:$0x11000] =	vst v63  }
0x182: {  	_ =	swait.ge [sflag:s9], $0x8000  }
0x183: {  	[sflag:s9] =	ssyncset.done $0x0  }
0x184: {  	s0 =	rddreg [dreg:$0x9];
	[sflag:s9] =	ssyncadd.s32 $0xFFFF8000  }
0x185: {  	[hbm4b:s0+s2] =	stream.linear.scatter [tilespmem:s5], [sflag:$0x4], $0x8000, $0x38;
	[tilespmem:$0x11000] =	vst v63  }
0x186: {  	_ =	swait.ge [sflag:s4], $0x8000  }
0x187: {  	s0 =	sld [smem:$0x7F8]  }
0x188: {  	[sflag:s4] =	ssyncset.done $0x0  }
0x189: {  	[sflag:s4] =	ssyncadd.s32 $0xFFFF8000  }
0x18a: {  	[tilespmem:s5], [sflag:$0x2] =	stream.indirect.gather [hbm4b:s3+s4], $0x2000, s0, s4, $0xb8;
	[tilespmem:$0x11000] =	vst v63  }
0x18b: {  	_ =	swait.ge [sflag:s8], $0x8000  }
0x18c: {  	[sflag:s8] =	ssyncset.done $0x0  }
0x18d: {  	s0 =	rddreg [dreg:$0xa];
	[sflag:s8] =	ssyncadd.s32 $0xFFFF8000  }
0x18e: {  	[hbm4b:s0+s2] =	stream.linear.scatter [tilespmem:s6], [sflag:$0x3], $0x8000, $0x38;
	[tilespmem:$0x11000] =	vst v63  }
0x18f: {  	_ =	swait.ge [sflag:s7], $0x8000  }
0x190: {  	s0 =	sld [smem:$0x7F9]  }
0x191: {  	[sflag:s7] =	ssyncset.done $0x0  }
0x192: {  	[sflag:s7] =	ssyncadd.s32 $0xFFFF8000  }
0x193: {  	[tilespmem:s6], [sflag:$0x1] =	stream.indirect.gather [hbm4b:s3+s4], $0x2000, s0, s4, $0xb8;
	[tilespmem:$0x11000] =	vst v63  }
0x194: {  	_ =	swait.ge [sflag:s9], $0x8000  }
0x195: {  	[sflag:s9] =	ssyncset.done $0x0  }
0x196: {  	s0 =	rddreg [dreg:$0xb];
	[sflag:s9] =	ssyncadd.s32 $0xFFFF8000  }
0x197: {  	[hbm4b:s0+s2] =	stream.linear.scatter [tilespmem:s5], [sflag:$0x4], $0x8000, $0x38;
	[tilespmem:$0x11000] =	vst v63  }
0x198: {  	_ =	swait.ge [sflag:s4], $0x8000  }
0x199: {  	s0 =	sld [smem:$0x7FA]  }
0x19a: {  	[sflag:s4] =	ssyncset.done $0x0  }
0x19b: {  	[sflag:s4] =	ssyncadd.s32 $0xFFFF8000  }
0x19c: {  	[tilespmem:s5], [sflag:$0x2] =	stream.indirect.gather [hbm4b:s3+s4], $0x2000, s0, s4, $0xb8;
	[tilespmem:$0x11000] =	vst v63  }
0x19d: {  	_ =	swait.ge [sflag:s8], $0x8000  }
0x19e: {  	[sflag:s8] =	ssyncset.done $0x0  }
0x19f: {  	s0 =	rddreg [dreg:$0xc];
	[sflag:s8] =	ssyncadd.s32 $0xFFFF8000  }
0x1a0: {  	[hbm4b:s0+s2] =	stream.linear.scatter [tilespmem:s6], [sflag:$0x3], $0x8000, $0x38;
	[tilespmem:$0x11000] =	vst v63  }
0x1a1: {  	_ =	swait.ge [sflag:s7], $0x8000  }
0x1a2: {  	s0 =	sld [smem:$0x7FB]  }
0x1a3: {  	[sflag:s7] =	ssyncset.done $0x0  }
0x1a4: {  	[sflag:s7] =	ssyncadd.s32 $0xFFFF8000  }
0x1a5: {  	[tilespmem:s6], [sflag:$0x1] =	stream.indirect.gather [hbm4b:s3+s4], $0x2000, s0, s4, $0xb8;
	[tilespmem:$0x11000] =	vst v63  }
0x1a6: {  	_ =	swait.ge [sflag:s9], $0x8000  }
0x1a7: {  	[sflag:s9] =	ssyncset.done $0x0  }
0x1a8: {  	s0 =	rddreg [dreg:$0xd];
	[sflag:s9] =	ssyncadd.s32 $0xFFFF8000  }
0x1a9: {  	[hbm4b:s0+s2] =	stream.linear.scatter [tilespmem:s5], [sflag:$0x4], $0x8000, $0x38;
	[tilespmem:$0x11000] =	vst v63  }
0x1aa: {  	_ =	swait.ge [sflag:s4], $0x8000  }
0x1ab: {  	s0 =	sld [smem:$0x7FC]  }
0x1ac: {  	[sflag:s4] =	ssyncset.done $0x0  }
0x1ad: {  	[sflag:s4] =	ssyncadd.s32 $0xFFFF8000  }
0x1ae: {  	[tilespmem:s5], [sflag:$0x2] =	stream.indirect.gather [hbm4b:s3+s4], $0x2000, s0, s4, $0xb8;
	[tilespmem:$0x11000] =	vst v63  }
0x1af: {  	_ =	swait.ge [sflag:s8], $0x8000  }
0x1b0: {  	[sflag:s8] =	ssyncset.done $0x0  }
0x1b1: {  	s0 =	rddreg [dreg:$0xe];
	[sflag:s8] =	ssyncadd.s32 $0xFFFF8000  }
0x1b2: {  	[hbm4b:s0+s2] =	stream.linear.scatter [tilespmem:s6], [sflag:$0x3], $0x8000, $0x38;
	[tilespmem:$0x11000] =	vst v63  }
0x1b3: {  	_ =	swait.ge [sflag:s7], $0x8000  }
0x1b4: {  	s0 =	sld [smem:$0x7FD]  }
0x1b5: {  	[sflag:s7] =	ssyncset.done $0x0  }
0x1b6: {  	[sflag:s7] =	ssyncadd.s32 $0xFFFF8000  }
0x1b7: {  	[tilespmem:s6], [sflag:$0x1] =	stream.indirect.gather [hbm4b:s3+s4], $0x2000, s0, s4, $0xb8;
	[tilespmem:$0x11000] =	vst v63  }
0x1b8: {  	_ =	swait.ge [sflag:s9], $0x8000  }
0x1b9: {  	[sflag:s9] =	ssyncset.done $0x0  }
0x1ba: {  	s0 =	rddreg [dreg:$0xf];
	[sflag:s9] =	ssyncadd.s32 $0xFFFF8000  }
0x1bb: {  	[hbm4b:s0+s2] =	stream.linear.scatter [tilespmem:s5], [sflag:$0x4], $0x8000, $0x38;
	[tilespmem:$0x11000] =	vst v63  }
0x1bc: {  	_ =	swait.ge [sflag:s4], $0x8000  }
0x1bd: {  	[sflag:s4] =	ssyncset.done $0x0  }
0x1be: {  	[sflag:s4] =	ssyncadd.s32 $0xFFFF8000  }
0x1bf: {  	[tilespmem:s5], [sflag:$0x2] =	stream.indirect.gather [hbm4b:s3+s4], $0x2000, s29, s4, $0xb8;
	[tilespmem:$0x11000] =	vst v63  }
0x1c0: {  	_ =	swait.ge [sflag:s8], $0x8000  }
0x1c1: {  	[sflag:s8] =	ssyncset.done $0x0  }
0x1c2: {  	s0 =	rddreg [dreg:$0x10];
	[sflag:s8] =	ssyncadd.s32 $0xFFFF8000  }
0x1c3: {  	[hbm4b:s0+s2] =	stream.linear.scatter [tilespmem:s6], [sflag:$0x3], $0x8000, $0x38;
	[tilespmem:$0x11000] =	vst v63  }
0x1c4: {  	_ =	swait.ge [sflag:s7], $0x8000  }
0x1c5: {  	[sflag:s7] =	ssyncset.done $0x0  }
0x1c6: {  	[sflag:s7] =	ssyncadd.s32 $0xFFFF8000  }
0x1c7: {  	[tilespmem:s6], [sflag:$0x1] =	stream.indirect.gather [hbm4b:s3+s4], $0x2000, s28, s4, $0xb8;
	[tilespmem:$0x11000] =	vst v63  }
0x1c8: {  	_ =	swait.ge [sflag:s9], $0x8000  }
0x1c9: {  	[sflag:s9] =	ssyncset.done $0x0  }
0x1ca: {  	s0 =	rddreg [dreg:$0x11];
	[sflag:s9] =	ssyncadd.s32 $0xFFFF8000  }
0x1cb: {  	[hbm4b:s0+s2] =	stream.linear.scatter [tilespmem:s5], [sflag:$0x4], $0x8000, $0x38;
	[tilespmem:$0x11000] =	vst v63  }
0x1cc: {  	_ =	swait.ge [sflag:s4], $0x8000  }
0x1cd: {  	[sflag:s4] =	ssyncset.done $0x0  }
0x1ce: {  	[sflag:s4] =	ssyncadd.s32 $0xFFFF8000  }
0x1cf: {  	[tilespmem:s5], [sflag:$0x2] =	stream.indirect.gather [hbm4b:s3+s4], $0x2000, s26, s4, $0xb8;
	[tilespmem:$0x11000] =	vst v63  }
0x1d0: {  	_ =	swait.ge [sflag:s8], $0x8000  }
0x1d1: {  	[sflag:s8] =	ssyncset.done $0x0  }
0x1d2: {  	s0 =	rddreg [dreg:$0x12];
	[sflag:s8] =	ssyncadd.s32 $0xFFFF8000  }
0x1d3: {  	[hbm4b:s0+s2] =	stream.linear.scatter [tilespmem:s6], [sflag:$0x3], $0x8000, $0x38;
	[tilespmem:$0x11000] =	vst v63  }
0x1d4: {  	_ =	swait.ge [sflag:s7], $0x8000  }
0x1d5: {  	[sflag:s7] =	ssyncset.done $0x0  }
0x1d6: {  	[sflag:s7] =	ssyncadd.s32 $0xFFFF8000  }
0x1d7: {  	[tilespmem:s6], [sflag:$0x1] =	stream.indirect.gather [hbm4b:s3+s4], $0x2000, s25, s4, $0xb8;
	[tilespmem:$0x11000] =	vst v63  }
0x1d8: {  	_ =	swait.ge [sflag:s9], $0x8000  }
0x1d9: {  	[sflag:s9] =	ssyncset.done $0x0  }
0x1da: {  	s0 =	rddreg [dreg:$0x13];
	[sflag:s9] =	ssyncadd.s32 $0xFFFF8000  }
0x1db: {  	[hbm4b:s0+s2] =	stream.linear.scatter [tilespmem:s5], [sflag:$0x4], $0x8000, $0x38;
	[tilespmem:$0x11000] =	vst v63  }
0x1dc: {  	_ =	swait.ge [sflag:s4], $0x8000  }
0x1dd: {  	[sflag:s4] =	ssyncset.done $0x0  }
0x1de: {  	[sflag:s4] =	ssyncadd.s32 $0xFFFF8000  }
0x1df: {  	[tilespmem:s5], [sflag:$0x2] =	stream.indirect.gather [hbm4b:s3+s4], $0x2000, s24, s4, $0xb8;
	[tilespmem:$0x11000] =	vst v63  }
0x1e0: {  	_ =	swait.ge [sflag:s8], $0x8000  }
0x1e1: {  	[sflag:s8] =	ssyncset.done $0x0  }
0x1e2: {  	s0 =	rddreg [dreg:$0x14];
	[sflag:s8] =	ssyncadd.s32 $0xFFFF8000  }
0x1e3: {  	[hbm4b:s0+s2] =	stream.linear.scatter [tilespmem:s6], [sflag:$0x3], $0x8000, $0x38;
	[tilespmem:$0x11000] =	vst v63  }
0x1e4: {  	_ =	swait.ge [sflag:s7], $0x8000  }
0x1e5: {  	[sflag:s7] =	ssyncset.done $0x0  }
0x1e6: {  	[sflag:s7] =	ssyncadd.s32 $0xFFFF8000  }
0x1e7: {  	[tilespmem:s6], [sflag:$0x1] =	stream.indirect.gather [hbm4b:s3+s4], $0x2000, s23, s4, $0xb8;
	[tilespmem:$0x11000] =	vst v63  }
0x1e8: {  	_ =	swait.ge [sflag:s9], $0x8000  }
0x1e9: {  	[sflag:s9] =	ssyncset.done $0x0  }
0x1ea: {  	s0 =	rddreg [dreg:$0x15];
	[sflag:s9] =	ssyncadd.s32 $0xFFFF8000  }
0x1eb: {  	[hbm4b:s0+s2] =	stream.linear.scatter [tilespmem:s5], [sflag:$0x4], $0x8000, $0x38;
	[tilespmem:$0x11000] =	vst v63  }
0x1ec: {  	_ =	swait.ge [sflag:s4], $0x8000  }
0x1ed: {  	[sflag:s4] =	ssyncset.done $0x0  }
0x1ee: {  	[sflag:s4] =	ssyncadd.s32 $0xFFFF8000  }
0x1ef: {  	[tilespmem:s5], [sflag:$0x2] =	stream.indirect.gather [hbm4b:s3+s4], $0x2000, s22, s4, $0xb8;
	[tilespmem:$0x11000] =	vst v63  }
0x1f0: {  	_ =	swait.ge [sflag:s8], $0x8000  }
0x1f1: {  	[sflag:s8] =	ssyncset.done $0x0  }
0x1f2: {  	s0 =	rddreg [dreg:$0x16];
	[sflag:s8] =	ssyncadd.s32 $0xFFFF8000  }
0x1f3: {  	[hbm4b:s0+s2] =	stream.linear.scatter [tilespmem:s6], [sflag:$0x3], $0x8000, $0x38;
	[tilespmem:$0x11000] =	vst v63  }
0x1f4: {  	_ =	swait.ge [sflag:s7], $0x8000  }
0x1f5: {  	[sflag:s7] =	ssyncset.done $0x0  }
0x1f6: {  	[sflag:s7] =	ssyncadd.s32 $0xFFFF8000  }
0x1f7: {  	[tilespmem:s6], [sflag:$0x1] =	stream.indirect.gather [hbm4b:s3+s4], $0x2000, s21, s4, $0xb8;
	[tilespmem:$0x11000] =	vst v63  }
0x1f8: {  	_ =	swait.ge [sflag:s9], $0x8000  }
0x1f9: {  	[sflag:s9] =	ssyncset.done $0x0  }
0x1fa: {  	s0 =	rddreg [dreg:$0x17];
	[sflag:s9] =	ssyncadd.s32 $0xFFFF8000  }
0x1fb: {  	[hbm4b:s0+s2] =	stream.linear.scatter [tilespmem:s5], [sflag:$0x4], $0x8000, $0x38;
	[tilespmem:$0x11000] =	vst v63  }
0x1fc: {  	_ =	swait.ge [sflag:s4], $0x8000  }
0x1fd: {  	[sflag:s4] =	ssyncset.done $0x0  }
0x1fe: {  	[sflag:s4] =	ssyncadd.s32 $0xFFFF8000  }
0x1ff: {  	[tilespmem:s5], [sflag:$0x2] =	stream.indirect.gather [hbm4b:s3+s4], $0x2000, s20, s4, $0xb8;
	[tilespmem:$0x11000] =	vst v63  }
0x200: {  	_ =	swait.ge [sflag:s8], $0x8000  }
0x201: {  	[sflag:s8] =	ssyncset.done $0x0  }
0x202: {  	s0 =	rddreg [dreg:$0x18];
	[sflag:s8] =	ssyncadd.s32 $0xFFFF8000  }
0x203: {  	[hbm4b:s0+s2] =	stream.linear.scatter [tilespmem:s6], [sflag:$0x3], $0x8000, $0x38;
	[tilespmem:$0x11000] =	vst v63  }
0x204: {  	_ =	swait.ge [sflag:s7], $0x8000  }
0x205: {  	[sflag:s7] =	ssyncset.done $0x0  }
0x206: {  	[sflag:s7] =	ssyncadd.s32 $0xFFFF8000  }
0x207: {  	[tilespmem:s6], [sflag:$0x1] =	stream.indirect.gather [hbm4b:s3+s4], $0x2000, s19, s4, $0xb8;
	[tilespmem:$0x11000] =	vst v63  }
0x208: {  	_ =	swait.ge [sflag:s9], $0x8000  }
0x209: {  	[sflag:s9] =	ssyncset.done $0x0  }
0x20a: {  	s0 =	rddreg [dreg:$0x19];
	[sflag:s9] =	ssyncadd.s32 $0xFFFF8000  }
0x20b: {  	[hbm4b:s0+s2] =	stream.linear.scatter [tilespmem:s5], [sflag:$0x4], $0x8000, $0x38;
	[tilespmem:$0x11000] =	vst v63  }
0x20c: {  	_ =	swait.ge [sflag:s4], $0x8000  }
0x20d: {  	[sflag:s4] =	ssyncset.done $0x0  }
0x20e: {  	[sflag:s4] =	ssyncadd.s32 $0xFFFF8000  }
0x20f: {  	[tilespmem:s5], [sflag:$0x2] =	stream.indirect.gather [hbm4b:s3+s4], $0x2000, s18, s4, $0xb8;
	[tilespmem:$0x11000] =	vst v63  }
0x210: {  	_ =	swait.ge [sflag:s8], $0x8000  }
0x211: {  	[sflag:s8] =	ssyncset.done $0x0  }
0x212: {  	s0 =	rddreg [dreg:$0x1a];
	[sflag:s8] =	ssyncadd.s32 $0xFFFF8000  }
0x213: {  	[hbm4b:s0+s2] =	stream.linear.scatter [tilespmem:s6], [sflag:$0x3], $0x8000, $0x38;
	[tilespmem:$0x11000] =	vst v63  }
0x214: {  	_ =	swait.ge [sflag:s7], $0x8000  }
0x215: {  	[sflag:s7] =	ssyncset.done $0x0  }
0x216: {  	[sflag:s7] =	ssyncadd.s32 $0xFFFF8000  }
0x217: {  	[tilespmem:s6], [sflag:$0x1] =	stream.indirect.gather [hbm4b:s3+s4], $0x2000, s17, s4, $0xb8;
	[tilespmem:$0x11000] =	vst v63  }
0x218: {  	_ =	swait.ge [sflag:s9], $0x8000  }
0x219: {  	[sflag:s9] =	ssyncset.done $0x0  }
0x21a: {  	s0 =	rddreg [dreg:$0x1b];
	[sflag:s9] =	ssyncadd.s32 $0xFFFF8000  }
0x21b: {  	[hbm4b:s0+s2] =	stream.linear.scatter [tilespmem:s5], [sflag:$0x4], $0x8000, $0x38;
	[tilespmem:$0x11000] =	vst v63  }
0x21c: {  	_ =	swait.ge [sflag:s4], $0x8000  }
0x21d: {  	[sflag:s4] =	ssyncset.done $0x0  }
0x21e: {  	[sflag:s4] =	ssyncadd.s32 $0xFFFF8000  }
0x21f: {  	[tilespmem:s5], [sflag:$0x2] =	stream.indirect.gather [hbm4b:s3+s4], $0x2000, s16, s4, $0xb8;
	[tilespmem:$0x11000] =	vst v63  }
0x220: {  	_ =	swait.ge [sflag:s8], $0x8000  }
0x221: {  	[sflag:s8] =	ssyncset.done $0x0  }
0x222: {  	s0 =	rddreg [dreg:$0x1c];
	[sflag:s8] =	ssyncadd.s32 $0xFFFF8000  }
0x223: {  	[hbm4b:s0+s2] =	stream.linear.scatter [tilespmem:s6], [sflag:$0x3], $0x8000, $0x38;
	[tilespmem:$0x11000] =	vst v63  }
0x224: {  	_ =	swait.ge [sflag:s7], $0x8000  }
0x225: {  	[sflag:s7] =	ssyncset.done $0x0  }
0x226: {  	[sflag:s7] =	ssyncadd.s32 $0xFFFF8000  }
0x227: {  	[tilespmem:s6], [sflag:$0x1] =	stream.indirect.gather [hbm4b:s3+s4], $0x2000, s15, s4, $0xb8;
	[tilespmem:$0x11000] =	vst v63  }
0x228: {  	_ =	swait.ge [sflag:s9], $0x8000  }
0x229: {  	[sflag:s9] =	ssyncset.done $0x0  }
0x22a: {  	s0 =	rddreg [dreg:$0x1d];
	[sflag:s9] =	ssyncadd.s32 $0xFFFF8000  }
0x22b: {  	[hbm4b:s0+s2] =	stream.linear.scatter [tilespmem:s5], [sflag:$0x4], $0x8000, $0x38;
	[tilespmem:$0x11000] =	vst v63  }
0x22c: {  	_ =	swait.ge [sflag:s4], $0x8000  }
0x22d: {  	[sflag:s4] =	ssyncset.done $0x0  }
0x22e: {  	[sflag:s4] =	ssyncadd.s32 $0xFFFF8000  }
0x22f: {  	[tilespmem:s5], [sflag:$0x2] =	stream.indirect.gather [hbm4b:s3+s4], $0x2000, s14, s4, $0xb8;
	[tilespmem:$0x11000] =	vst v63  }
0x230: {  	_ =	swait.ge [sflag:s8], $0x8000  }
0x231: {  	[sflag:s8] =	ssyncset.done $0x0  }
0x232: {  	s0 =	rddreg [dreg:$0x1e];
	[sflag:s8] =	ssyncadd.s32 $0xFFFF8000  }
0x233: {  	[hbm4b:s0+s2] =	stream.linear.scatter [tilespmem:s6], [sflag:$0x3], $0x8000, $0x38;
	[tilespmem:$0x11000] =	vst v63  }
0x234: {  	_ =	swait.ge [sflag:s7], $0x8000  }
0x235: {  	[sflag:s7] =	ssyncset.done $0x0  }
0x236: {  	[sflag:s7] =	ssyncadd.s32 $0xFFFF8000  }
0x237: {  	[tilespmem:s6], [sflag:$0x1] =	stream.indirect.gather [hbm4b:s3+s4], $0x2000, s13, s4, $0xb8;
	[tilespmem:$0x11000] =	vst v63  }
0x238: {  	_ =	swait.ge [sflag:s9], $0x8000  }
0x239: {  	[sflag:s9] =	ssyncset.done $0x0  }
0x23a: {  	s0 =	rddreg [dreg:$0x1f];
	[sflag:s9] =	ssyncadd.s32 $0xFFFF8000  }
0x23b: {  	[hbm4b:s0+s2] =	stream.linear.scatter [tilespmem:s5], [sflag:$0x4], $0x8000, $0x38;
	[tilespmem:$0x11000] =	vst v63  }
0x23c: {  	_ =	swait.ge [sflag:s4], $0x8000  }
0x23d: {  	[sflag:s4] =	ssyncset.done $0x0  }
0x23e: {  	[sflag:s4] =	ssyncadd.s32 $0xFFFF8000  }
0x23f: {  	[tilespmem:s5], [sflag:$0x2] =	stream.indirect.gather [hbm4b:s3+s4], $0x2000, s12, s4, $0xb8;
	[tilespmem:$0x11000] =	vst v63  }
0x240: {  	_ =	swait.ge [sflag:s8], $0x8000  }
0x241: {  	s0 =	sld [smem:$0x7EE]  }
0x242: {  	[sflag:s8] =	ssyncset.done $0x0  }
0x243: {  	[sflag:s8] =	ssyncadd.s32 $0xFFFF8000  }
0x244: {  	[hbm4b:s0+s2] =	stream.linear.scatter [tilespmem:s6], [sflag:$0x3], $0x8000, $0x38;
	[tilespmem:$0x11000] =	vst v63  }
0x245: {  	_ =	swait.ge [sflag:s7], $0x8000  }
0x246: {  	[sflag:s7] =	ssyncset.done $0x0  }
0x247: {  	[sflag:s7] =	ssyncadd.s32 $0xFFFF8000  }
0x248: {  	[tilespmem:s6], [sflag:$0x1] =	stream.indirect.gather [hbm4b:s3+s4], $0x2000, s11, s4, $0xb8;
	[tilespmem:$0x11000] =	vst v63  }
0x249: {  	_ =	swait.ge [sflag:s9], $0x8000  }
0x24a: {  	s0 =	sld [smem:$0x7EF]  }
0x24b: {  	[sflag:s9] =	ssyncset.done $0x0  }
0x24c: {  	[sflag:s9] =	ssyncadd.s32 $0xFFFF8000  }
0x24d: {  	[hbm4b:s0+s2] =	stream.linear.scatter [tilespmem:s5], [sflag:$0x4], $0x8000, $0x38;
	[tilespmem:$0x11000] =	vst v63  }
0x24e: {  	_ =	swait.ge [sflag:s4], $0x8000  }
0x24f: {  	[sflag:s4] =	ssyncset.done $0x0  }
0x250: {  	[sflag:s4] =	ssyncadd.s32 $0xFFFF8000  }
0x251: {  	[tilespmem:s5], [sflag:$0x2] =	stream.indirect.gather [hbm4b:s3+s4], $0x2000, s10, s4, $0xb8;
	[tilespmem:$0x11000] =	vst v63  }
0x252: {  	_ =	swait.ge [sflag:s8], $0x8000  }
0x253: {  	s0 =	sld [smem:$0x7F0]  }
0x254: {  	[sflag:s8] =	ssyncset.done $0x0  }
0x255: {  	[sflag:s8] =	ssyncadd.s32 $0xFFFF8000  }
0x256: {  	[hbm4b:s0+s2] =	stream.linear.scatter [tilespmem:s6], [sflag:$0x3], $0x8000, $0x38;
	[tilespmem:$0x11000] =	vst v63  }
0x257: {  	_ =	swait.ge [sflag:s9], $0x8000  }
0x258: {  	s0 =	sld [smem:$0x7F1]  }
0x259: {  	[sflag:s9] =	ssyncset.done $0x0  }
0x25a: {  	p1 =	sne.s32 s1, $0x1;
	[sflag:s9] =	ssyncadd.s32 $0xFFFF8000  }
0x25b: {  	[hbm4b:s0+s2] =	stream.linear.scatter [tilespmem:s5], [sflag:$0x4], $0x8000, $0x38;
	[tilespmem:$0x11000] =	vst v63  }
.Ltmp2:
0x25c: {  	_ =	swait.ge [sflag:s7], $0x8000;
	(pc) =	sbr.rel @p1 .LBB2_2-.Ltmp2, $4  }
0x25d: {  	[sflag:s7] =	ssyncset.done $0x0  }
0x25e: {  	[sflag:s7] =	ssyncadd.s32 $0xFFFF8000  }
0x25f: {  	_ =	swait.ge [sflag:s4], $0x8000  }
0x260: {  	s1 =	sadd.s32 $0xFFFFFFFF, s1;
	s0 =	rddreg [dreg:$0x4];
	[sflag:s4] =	ssyncset.done $0x0  }
.LBB2_3:
0x261: {  	[sflag:s4] =	ssyncadd.s32 @p0 $0xFFFF8000  }
0x262: {  	[tilespmem:s2], [sflag:$0x5] =	stream.linear.gather [hbm4b:s0+s2], $0x1000, $0x38;
	[tilespmem:$0x11000] =	vst v63  }
0x263: {  	_ =	swait.ge [sflag:s31], $0x1000  }
0x264: {  	[sflag:s31] =	ssyncset.done $0x0  }
0x265: {  	[sflag:s31] =	ssyncadd.s32 $0xFFFFF000;
	s31 =	sld [smem:$0x7F2]  }
0x266: {  	[tilespmem:s6], [sflag:$0x1] =	stream.indirect.gather [hbm4b:s3+s4], $0x2000, s2, s4, $0xb8;
	[tilespmem:$0x11000] =	vst v63  }
0x267: {  	_ = 	snop  }
0x268: {  	[tilespmem:s5], [sflag:$0x2] =	stream.indirect.gather [hbm4b:s3+s4], $0x2000, s31, s4, $0xb8;
	[tilespmem:$0x11000] =	vst v63  }
0x269: {  	_ =	swait.ge [sflag:s8], $0x8000  }
0x26a: {  	[sflag:s8] =	ssyncset.done $0x0  }
0x26b: {  	[sflag:s8] =	ssyncadd.s32 $0xFFFF8000  }
0x26c: {  	[hbm4b:s30+s2] =	stream.linear.scatter [tilespmem:s6], [sflag:$0x3], $0x8000, $0x38;
	[tilespmem:$0x11000] =	vst v63  }
0x26d: {  	_ =	swait.ge [sflag:s7], $0x8000  }
0x26e: {  	s1 =	sld [smem:$0x7F3]  }
0x26f: {  	[sflag:s7] =	ssyncset.done $0x0  }
0x270: {  	[sflag:s7] =	ssyncadd.s32 $0xFFFF8000  }
0x271: {  	[tilespmem:s6], [sflag:$0x1] =	stream.indirect.gather [hbm4b:s3+s4], $0x2000, s1, s4, $0xb8;
	[tilespmem:$0x11000] =	vst v63  }
0x272: {  	_ =	swait.ge [sflag:s9], $0x8000  }
0x273: {  	[sflag:s9] =	ssyncset.done $0x0  }
0x274: {  	s30 =	rddreg [dreg:$0x5];
	[sflag:s9] =	ssyncadd.s32 $0xFFFF8000  }
0x275: {  	[hbm4b:s30+s2] =	stream.linear.scatter [tilespmem:s5], [sflag:$0x4], $0x8000, $0x38;
	[tilespmem:$0x11000] =	vst v63  }
0x276: {  	_ =	swait.ge [sflag:s4], $0x8000  }
0x277: {  	s31 =	sld [smem:$0x7F4]  }
0x278: {  	[sflag:s4] =	ssyncset.done $0x0  }
0x279: {  	[sflag:s4] =	ssyncadd.s32 $0xFFFF8000  }
0x27a: {  	[tilespmem:s5], [sflag:$0x2] =	stream.indirect.gather [hbm4b:s3+s4], $0x2000, s31, s4, $0xb8;
	[tilespmem:$0x11000] =	vst v63  }
0x27b: {  	_ =	swait.ge [sflag:s8], $0x8000  }
0x27c: {  	[sflag:s8] =	ssyncset.done $0x0  }
0x27d: {  	s1 =	rddreg [dreg:$0x6];
	[sflag:s8] =	ssyncadd.s32 $0xFFFF8000  }
0x27e: {  	[hbm4b:s1+s2] =	stream.linear.scatter [tilespmem:s6], [sflag:$0x3], $0x8000, $0x38;
	[tilespmem:$0x11000] =	vst v63  }
0x27f: {  	_ =	swait.ge [sflag:s7], $0x8000  }
0x280: {  	s30 =	sld [smem:$0x7F5]  }
0x281: {  	[sflag:s7] =	ssyncset.done $0x0  }
0x282: {  	[sflag:s7] =	ssyncadd.s32 $0xFFFF8000  }
0x283: {  	[tilespmem:s6], [sflag:$0x1] =	stream.indirect.gather [hbm4b:s3+s4], $0x2000, s30, s4, $0xb8;
	[tilespmem:$0x11000] =	vst v63  }
0x284: {  	_ =	swait.ge [sflag:s9], $0x8000  }
0x285: {  	[sflag:s9] =	ssyncset.done $0x0  }
0x286: {  	s31 =	rddreg [dreg:$0x7];
	[sflag:s9] =	ssyncadd.s32 $0xFFFF8000  }
0x287: {  	[hbm4b:s31+s2] =	stream.linear.scatter [tilespmem:s5], [sflag:$0x4], $0x8000, $0x38;
	[tilespmem:$0x11000] =	vst v63  }
0x288: {  	_ =	swait.ge [sflag:s4], $0x8000  }
0x289: {  	s1 =	sld [smem:$0x7F6]  }
0x28a: {  	[sflag:s4] =	ssyncset.done $0x0  }
0x28b: {  	[sflag:s4] =	ssyncadd.s32 $0xFFFF8000  }
0x28c: {  	[tilespmem:s5], [sflag:$0x2] =	stream.indirect.gather [hbm4b:s3+s4], $0x2000, s1, s4, $0xb8;
	[tilespmem:$0x11000] =	vst v63  }
0x28d: {  	_ =	swait.ge [sflag:s8], $0x8000  }
0x28e: {  	[sflag:s8] =	ssyncset.done $0x0  }
0x28f: {  	s30 =	rddreg [dreg:$0x8];
	[sflag:s8] =	ssyncadd.s32 $0xFFFF8000  }
0x290: {  	[hbm4b:s30+s2] =	stream.linear.scatter [tilespmem:s6], [sflag:$0x3], $0x8000, $0x38;
	[tilespmem:$0x11000] =	vst v63  }
0x291: {  	_ =	swait.ge [sflag:s7], $0x8000  }
0x292: {  	s31 =	sld [smem:$0x7F7]  }
0x293: {  	[sflag:s7] =	ssyncset.done $0x0  }
0x294: {  	[sflag:s7] =	ssyncadd.s32 $0xFFFF8000  }
0x295: {  	[tilespmem:s6], [sflag:$0x1] =	stream.indirect.gather [hbm4b:s3+s4], $0x2000, s31, s4, $0xb8;
	[tilespmem:$0x11000] =	vst v63  }
0x296: {  	_ =	swait.ge [sflag:s9], $0x8000  }
0x297: {  	[sflag:s9] =	ssyncset.done $0x0  }
0x298: {  	s1 =	rddreg [dreg:$0x9];
	[sflag:s9] =	ssyncadd.s32 $0xFFFF8000  }
0x299: {  	[hbm4b:s1+s2] =	stream.linear.scatter [tilespmem:s5], [sflag:$0x4], $0x8000, $0x38;
	[tilespmem:$0x11000] =	vst v63  }
0x29a: {  	_ =	swait.ge [sflag:s4], $0x8000  }
0x29b: {  	s30 =	sld [smem:$0x7F8]  }
0x29c: {  	[sflag:s4] =	ssyncset.done $0x0  }
0x29d: {  	[sflag:s4] =	ssyncadd.s32 $0xFFFF8000  }
0x29e: {  	[tilespmem:s5], [sflag:$0x2] =	stream.indirect.gather [hbm4b:s3+s4], $0x2000, s30, s4, $0xb8;
	[tilespmem:$0x11000] =	vst v63  }
0x29f: {  	_ =	swait.ge [sflag:s8], $0x8000  }
0x2a0: {  	[sflag:s8] =	ssyncset.done $0x0  }
0x2a1: {  	s31 =	rddreg [dreg:$0xa];
	[sflag:s8] =	ssyncadd.s32 $0xFFFF8000  }
0x2a2: {  	[hbm4b:s31+s2] =	stream.linear.scatter [tilespmem:s6], [sflag:$0x3], $0x8000, $0x38;
	[tilespmem:$0x11000] =	vst v63  }
0x2a3: {  	_ =	swait.ge [sflag:s7], $0x8000  }
0x2a4: {  	s1 =	sld [smem:$0x7F9]  }
0x2a5: {  	[sflag:s7] =	ssyncset.done $0x0  }
0x2a6: {  	[sflag:s7] =	ssyncadd.s32 $0xFFFF8000  }
0x2a7: {  	[tilespmem:s6], [sflag:$0x1] =	stream.indirect.gather [hbm4b:s3+s4], $0x2000, s1, s4, $0xb8;
	[tilespmem:$0x11000] =	vst v63  }
0x2a8: {  	_ =	swait.ge [sflag:s9], $0x8000  }
0x2a9: {  	[sflag:s9] =	ssyncset.done $0x0  }
0x2aa: {  	s30 =	rddreg [dreg:$0xb];
	[sflag:s9] =	ssyncadd.s32 $0xFFFF8000  }
0x2ab: {  	[hbm4b:s30+s2] =	stream.linear.scatter [tilespmem:s5], [sflag:$0x4], $0x8000, $0x38;
	[tilespmem:$0x11000] =	vst v63  }
0x2ac: {  	_ =	swait.ge [sflag:s4], $0x8000  }
0x2ad: {  	s31 =	sld [smem:$0x7FA]  }
0x2ae: {  	[sflag:s4] =	ssyncset.done $0x0  }
0x2af: {  	[sflag:s4] =	ssyncadd.s32 $0xFFFF8000  }
0x2b0: {  	[tilespmem:s5], [sflag:$0x2] =	stream.indirect.gather [hbm4b:s3+s4], $0x2000, s31, s4, $0xb8;
	[tilespmem:$0x11000] =	vst v63  }
0x2b1: {  	_ =	swait.ge [sflag:s8], $0x8000  }
0x2b2: {  	[sflag:s8] =	ssyncset.done $0x0  }
0x2b3: {  	s1 =	rddreg [dreg:$0xc];
	[sflag:s8] =	ssyncadd.s32 $0xFFFF8000  }
0x2b4: {  	[hbm4b:s1+s2] =	stream.linear.scatter [tilespmem:s6], [sflag:$0x3], $0x8000, $0x38;
	[tilespmem:$0x11000] =	vst v63  }
0x2b5: {  	_ =	swait.ge [sflag:s7], $0x8000  }
0x2b6: {  	s30 =	sld [smem:$0x7FB]  }
0x2b7: {  	[sflag:s7] =	ssyncset.done $0x0  }
0x2b8: {  	[sflag:s7] =	ssyncadd.s32 $0xFFFF8000  }
0x2b9: {  	[tilespmem:s6], [sflag:$0x1] =	stream.indirect.gather [hbm4b:s3+s4], $0x2000, s30, s4, $0xb8;
	[tilespmem:$0x11000] =	vst v63  }
0x2ba: {  	_ =	swait.ge [sflag:s9], $0x8000  }
0x2bb: {  	[sflag:s9] =	ssyncset.done $0x0  }
0x2bc: {  	s31 =	rddreg [dreg:$0xd];
	[sflag:s9] =	ssyncadd.s32 $0xFFFF8000  }
0x2bd: {  	[hbm4b:s31+s2] =	stream.linear.scatter [tilespmem:s5], [sflag:$0x4], $0x8000, $0x38;
	[tilespmem:$0x11000] =	vst v63  }
0x2be: {  	_ =	swait.ge [sflag:s4], $0x8000  }
0x2bf: {  	s1 =	sld [smem:$0x7FC]  }
0x2c0: {  	[sflag:s4] =	ssyncset.done $0x0  }
0x2c1: {  	[sflag:s4] =	ssyncadd.s32 $0xFFFF8000  }
0x2c2: {  	[tilespmem:s5], [sflag:$0x2] =	stream.indirect.gather [hbm4b:s3+s4], $0x2000, s1, s4, $0xb8;
	[tilespmem:$0x11000] =	vst v63  }
0x2c3: {  	_ =	swait.ge [sflag:s8], $0x8000  }
0x2c4: {  	[sflag:s8] =	ssyncset.done $0x0  }
0x2c5: {  	s30 =	rddreg [dreg:$0xe];
	[sflag:s8] =	ssyncadd.s32 $0xFFFF8000  }
0x2c6: {  	[hbm4b:s30+s2] =	stream.linear.scatter [tilespmem:s6], [sflag:$0x3], $0x8000, $0x38;
	[tilespmem:$0x11000] =	vst v63  }
0x2c7: {  	_ =	swait.ge [sflag:s7], $0x8000  }
0x2c8: {  	s31 =	sld [smem:$0x7FD]  }
0x2c9: {  	[sflag:s7] =	ssyncset.done $0x0  }
0x2ca: {  	[sflag:s7] =	ssyncadd.s32 $0xFFFF8000  }
0x2cb: {  	[tilespmem:s6], [sflag:$0x1] =	stream.indirect.gather [hbm4b:s3+s4], $0x2000, s31, s4, $0xb8;
	[tilespmem:$0x11000] =	vst v63  }
0x2cc: {  	_ =	swait.ge [sflag:s9], $0x8000  }
0x2cd: {  	[sflag:s9] =	ssyncset.done $0x0  }
0x2ce: {  	s1 =	rddreg [dreg:$0xf];
	[sflag:s9] =	ssyncadd.s32 $0xFFFF8000  }
0x2cf: {  	[hbm4b:s1+s2] =	stream.linear.scatter [tilespmem:s5], [sflag:$0x4], $0x8000, $0x38;
	[tilespmem:$0x11000] =	vst v63  }
0x2d0: {  	_ =	swait.ge [sflag:s4], $0x8000  }
0x2d1: {  	[sflag:s4] =	ssyncset.done $0x0  }
0x2d2: {  	[sflag:s4] =	ssyncadd.s32 $0xFFFF8000  }
0x2d3: {  	[tilespmem:s5], [sflag:$0x2] =	stream.indirect.gather [hbm4b:s3+s4], $0x2000, s29, s4, $0xb8;
	[tilespmem:$0x11000] =	vst v63  }
0x2d4: {  	_ =	swait.ge [sflag:s8], $0x8000  }
0x2d5: {  	[sflag:s8] =	ssyncset.done $0x0  }
0x2d6: {  	s30 =	rddreg [dreg:$0x10];
	[sflag:s8] =	ssyncadd.s32 $0xFFFF8000  }
0x2d7: {  	[hbm4b:s30+s2] =	stream.linear.scatter [tilespmem:s6], [sflag:$0x3], $0x8000, $0x38;
	[tilespmem:$0x11000] =	vst v63  }
0x2d8: {  	_ =	swait.ge [sflag:s7], $0x8000  }
0x2d9: {  	[sflag:s7] =	ssyncset.done $0x0  }
0x2da: {  	[sflag:s7] =	ssyncadd.s32 $0xFFFF8000  }
0x2db: {  	[tilespmem:s6], [sflag:$0x1] =	stream.indirect.gather [hbm4b:s3+s4], $0x2000, s28, s4, $0xb8;
	[tilespmem:$0x11000] =	vst v63  }
0x2dc: {  	_ =	swait.ge [sflag:s9], $0x8000  }
0x2dd: {  	[sflag:s9] =	ssyncset.done $0x0  }
0x2de: {  	s31 =	rddreg [dreg:$0x11];
	[sflag:s9] =	ssyncadd.s32 $0xFFFF8000  }
0x2df: {  	[hbm4b:s31+s2] =	stream.linear.scatter [tilespmem:s5], [sflag:$0x4], $0x8000, $0x38;
	[tilespmem:$0x11000] =	vst v63  }
0x2e0: {  	_ =	swait.ge [sflag:s4], $0x8000  }
0x2e1: {  	[sflag:s4] =	ssyncset.done $0x0  }
0x2e2: {  	[sflag:s4] =	ssyncadd.s32 $0xFFFF8000  }
0x2e3: {  	[tilespmem:s5], [sflag:$0x2] =	stream.indirect.gather [hbm4b:s3+s4], $0x2000, s26, s4, $0xb8;
	[tilespmem:$0x11000] =	vst v63  }
0x2e4: {  	_ =	swait.ge [sflag:s8], $0x8000  }
0x2e5: {  	[sflag:s8] =	ssyncset.done $0x0  }
0x2e6: {  	s1 =	rddreg [dreg:$0x12];
	[sflag:s8] =	ssyncadd.s32 $0xFFFF8000  }
0x2e7: {  	[hbm4b:s1+s2] =	stream.linear.scatter [tilespmem:s6], [sflag:$0x3], $0x8000, $0x38;
	[tilespmem:$0x11000] =	vst v63  }
0x2e8: {  	_ =	swait.ge [sflag:s7], $0x8000  }
0x2e9: {  	[sflag:s7] =	ssyncset.done $0x0  }
0x2ea: {  	[sflag:s7] =	ssyncadd.s32 $0xFFFF8000  }
0x2eb: {  	[tilespmem:s6], [sflag:$0x1] =	stream.indirect.gather [hbm4b:s3+s4], $0x2000, s25, s4, $0xb8;
	[tilespmem:$0x11000] =	vst v63  }
0x2ec: {  	_ =	swait.ge [sflag:s9], $0x8000  }
0x2ed: {  	[sflag:s9] =	ssyncset.done $0x0  }
0x2ee: {  	s26 =	rddreg [dreg:$0x13];
	[sflag:s9] =	ssyncadd.s32 $0xFFFF8000  }
0x2ef: {  	[hbm4b:s26+s2] =	stream.linear.scatter [tilespmem:s5], [sflag:$0x4], $0x8000, $0x38;
	[tilespmem:$0x11000] =	vst v63  }
0x2f0: {  	_ =	swait.ge [sflag:s4], $0x8000  }
0x2f1: {  	[sflag:s4] =	ssyncset.done $0x0  }
0x2f2: {  	[sflag:s4] =	ssyncadd.s32 $0xFFFF8000  }
0x2f3: {  	[tilespmem:s5], [sflag:$0x2] =	stream.indirect.gather [hbm4b:s3+s4], $0x2000, s24, s4, $0xb8;
	[tilespmem:$0x11000] =	vst v63  }
0x2f4: {  	_ =	swait.ge [sflag:s8], $0x8000  }
0x2f5: {  	[sflag:s8] =	ssyncset.done $0x0  }
0x2f6: {  	s28 =	rddreg [dreg:$0x14];
	[sflag:s8] =	ssyncadd.s32 $0xFFFF8000  }
0x2f7: {  	[hbm4b:s28+s2] =	stream.linear.scatter [tilespmem:s6], [sflag:$0x3], $0x8000, $0x38;
	[tilespmem:$0x11000] =	vst v63  }
0x2f8: {  	_ =	swait.ge [sflag:s7], $0x8000  }
0x2f9: {  	[sflag:s7] =	ssyncset.done $0x0  }
0x2fa: {  	[sflag:s7] =	ssyncadd.s32 $0xFFFF8000  }
0x2fb: {  	[tilespmem:s6], [sflag:$0x1] =	stream.indirect.gather [hbm4b:s3+s4], $0x2000, s23, s4, $0xb8;
	[tilespmem:$0x11000] =	vst v63  }
0x2fc: {  	_ =	swait.ge [sflag:s9], $0x8000  }
0x2fd: {  	[sflag:s9] =	ssyncset.done $0x0  }
0x2fe: {  	s29 =	rddreg [dreg:$0x15];
	[sflag:s9] =	ssyncadd.s32 $0xFFFF8000  }
0x2ff: {  	[hbm4b:s29+s2] =	stream.linear.scatter [tilespmem:s5], [sflag:$0x4], $0x8000, $0x38;
	[tilespmem:$0x11000] =	vst v63  }
0x300: {  	_ =	swait.ge [sflag:s4], $0x8000  }
0x301: {  	[sflag:s4] =	ssyncset.done $0x0  }
0x302: {  	[sflag:s4] =	ssyncadd.s32 $0xFFFF8000  }
0x303: {  	[tilespmem:s5], [sflag:$0x2] =	stream.indirect.gather [hbm4b:s3+s4], $0x2000, s22, s4, $0xb8;
	[tilespmem:$0x11000] =	vst v63  }
0x304: {  	_ =	swait.ge [sflag:s8], $0x8000  }
0x305: {  	[sflag:s8] =	ssyncset.done $0x0  }
0x306: {  	s30 =	rddreg [dreg:$0x16];
	[sflag:s8] =	ssyncadd.s32 $0xFFFF8000  }
0x307: {  	[hbm4b:s30+s2] =	stream.linear.scatter [tilespmem:s6], [sflag:$0x3], $0x8000, $0x38;
	[tilespmem:$0x11000] =	vst v63  }
0x308: {  	_ =	swait.ge [sflag:s7], $0x8000  }
0x309: {  	[sflag:s7] =	ssyncset.done $0x0  }
0x30a: {  	[sflag:s7] =	ssyncadd.s32 $0xFFFF8000  }
0x30b: {  	[tilespmem:s6], [sflag:$0x1] =	stream.indirect.gather [hbm4b:s3+s4], $0x2000, s21, s4, $0xb8;
	[tilespmem:$0x11000] =	vst v63  }
0x30c: {  	_ =	swait.ge [sflag:s9], $0x8000  }
0x30d: {  	[sflag:s9] =	ssyncset.done $0x0  }
0x30e: {  	s31 =	rddreg [dreg:$0x17];
	[sflag:s9] =	ssyncadd.s32 $0xFFFF8000  }
0x30f: {  	[hbm4b:s31+s2] =	stream.linear.scatter [tilespmem:s5], [sflag:$0x4], $0x8000, $0x38;
	[tilespmem:$0x11000] =	vst v63  }
0x310: {  	_ =	swait.ge [sflag:s4], $0x8000  }
0x311: {  	[sflag:s4] =	ssyncset.done $0x0  }
0x312: {  	[sflag:s4] =	ssyncadd.s32 $0xFFFF8000  }
0x313: {  	[tilespmem:s5], [sflag:$0x2] =	stream.indirect.gather [hbm4b:s3+s4], $0x2000, s20, s4, $0xb8;
	[tilespmem:$0x11000] =	vst v63  }
0x314: {  	_ =	swait.ge [sflag:s8], $0x8000  }
0x315: {  	[sflag:s8] =	ssyncset.done $0x0  }
0x316: {  	s1 =	rddreg [dreg:$0x18];
	[sflag:s8] =	ssyncadd.s32 $0xFFFF8000  }
0x317: {  	[hbm4b:s1+s2] =	stream.linear.scatter [tilespmem:s6], [sflag:$0x3], $0x8000, $0x38;
	[tilespmem:$0x11000] =	vst v63  }
0x318: {  	_ =	swait.ge [sflag:s7], $0x8000  }
0x319: {  	[sflag:s7] =	ssyncset.done $0x0  }
0x31a: {  	[sflag:s7] =	ssyncadd.s32 $0xFFFF8000  }
0x31b: {  	[tilespmem:s6], [sflag:$0x1] =	stream.indirect.gather [hbm4b:s3+s4], $0x2000, s19, s4, $0xb8;
	[tilespmem:$0x11000] =	vst v63  }
0x31c: {  	_ =	swait.ge [sflag:s9], $0x8000  }
0x31d: {  	[sflag:s9] =	ssyncset.done $0x0  }
0x31e: {  	s19 =	rddreg [dreg:$0x19];
	[sflag:s9] =	ssyncadd.s32 $0xFFFF8000  }
0x31f: {  	[hbm4b:s19+s2] =	stream.linear.scatter [tilespmem:s5], [sflag:$0x4], $0x8000, $0x38;
	[tilespmem:$0x11000] =	vst v63  }
0x320: {  	_ =	swait.ge [sflag:s4], $0x8000  }
0x321: {  	[sflag:s4] =	ssyncset.done $0x0  }
0x322: {  	[sflag:s4] =	ssyncadd.s32 $0xFFFF8000  }
0x323: {  	[tilespmem:s5], [sflag:$0x2] =	stream.indirect.gather [hbm4b:s3+s4], $0x2000, s18, s4, $0xb8;
	[tilespmem:$0x11000] =	vst v63  }
0x324: {  	_ =	swait.ge [sflag:s8], $0x8000  }
0x325: {  	[sflag:s8] =	ssyncset.done $0x0  }
0x326: {  	s20 =	rddreg [dreg:$0x1a];
	[sflag:s8] =	ssyncadd.s32 $0xFFFF8000  }
0x327: {  	[hbm4b:s20+s2] =	stream.linear.scatter [tilespmem:s6], [sflag:$0x3], $0x8000, $0x38;
	[tilespmem:$0x11000] =	vst v63  }
0x328: {  	_ =	swait.ge [sflag:s7], $0x8000  }
0x329: {  	[sflag:s7] =	ssyncset.done $0x0  }
0x32a: {  	[sflag:s7] =	ssyncadd.s32 $0xFFFF8000  }
0x32b: {  	[tilespmem:s6], [sflag:$0x1] =	stream.indirect.gather [hbm4b:s3+s4], $0x2000, s17, s4, $0xb8;
	[tilespmem:$0x11000] =	vst v63  }
0x32c: {  	_ =	swait.ge [sflag:s9], $0x8000  }
0x32d: {  	[sflag:s9] =	ssyncset.done $0x0  }
0x32e: {  	s21 =	rddreg [dreg:$0x1b];
	[sflag:s9] =	ssyncadd.s32 $0xFFFF8000  }
0x32f: {  	[hbm4b:s21+s2] =	stream.linear.scatter [tilespmem:s5], [sflag:$0x4], $0x8000, $0x38;
	[tilespmem:$0x11000] =	vst v63  }
0x330: {  	_ =	swait.ge [sflag:s4], $0x8000  }
0x331: {  	[sflag:s4] =	ssyncset.done $0x0  }
0x332: {  	[sflag:s4] =	ssyncadd.s32 $0xFFFF8000  }
0x333: {  	[tilespmem:s5], [sflag:$0x2] =	stream.indirect.gather [hbm4b:s3+s4], $0x2000, s16, s4, $0xb8;
	[tilespmem:$0x11000] =	vst v63  }
0x334: {  	_ =	swait.ge [sflag:s8], $0x8000  }
0x335: {  	[sflag:s8] =	ssyncset.done $0x0  }
0x336: {  	s22 =	rddreg [dreg:$0x1c];
	[sflag:s8] =	ssyncadd.s32 $0xFFFF8000  }
0x337: {  	[hbm4b:s22+s2] =	stream.linear.scatter [tilespmem:s6], [sflag:$0x3], $0x8000, $0x38;
	[tilespmem:$0x11000] =	vst v63  }
0x338: {  	_ =	swait.ge [sflag:s7], $0x8000  }
0x339: {  	[sflag:s7] =	ssyncset.done $0x0  }
0x33a: {  	[sflag:s7] =	ssyncadd.s32 $0xFFFF8000  }
0x33b: {  	[tilespmem:s6], [sflag:$0x1] =	stream.indirect.gather [hbm4b:s3+s4], $0x2000, s15, s4, $0xb8;
	[tilespmem:$0x11000] =	vst v63  }
0x33c: {  	_ =	swait.ge [sflag:s9], $0x8000  }
0x33d: {  	[sflag:s9] =	ssyncset.done $0x0  }
0x33e: {  	s23 =	rddreg [dreg:$0x1d];
	[sflag:s9] =	ssyncadd.s32 $0xFFFF8000  }
0x33f: {  	[hbm4b:s23+s2] =	stream.linear.scatter [tilespmem:s5], [sflag:$0x4], $0x8000, $0x38;
	[tilespmem:$0x11000] =	vst v63  }
0x340: {  	_ =	swait.ge [sflag:s4], $0x8000  }
0x341: {  	[sflag:s4] =	ssyncset.done $0x0  }
0x342: {  	[sflag:s4] =	ssyncadd.s32 $0xFFFF8000  }
0x343: {  	[tilespmem:s5], [sflag:$0x2] =	stream.indirect.gather [hbm4b:s3+s4], $0x2000, s14, s4, $0xb8;
	[tilespmem:$0x11000] =	vst v63  }
0x344: {  	_ =	swait.ge [sflag:s8], $0x8000  }
0x345: {  	[sflag:s8] =	ssyncset.done $0x0  }
0x346: {  	s24 =	rddreg [dreg:$0x1e];
	[sflag:s8] =	ssyncadd.s32 $0xFFFF8000  }
0x347: {  	[hbm4b:s24+s2] =	stream.linear.scatter [tilespmem:s6], [sflag:$0x3], $0x8000, $0x38;
	[tilespmem:$0x11000] =	vst v63  }
0x348: {  	_ =	swait.ge [sflag:s7], $0x8000  }
0x349: {  	[sflag:s7] =	ssyncset.done $0x0  }
0x34a: {  	[sflag:s7] =	ssyncadd.s32 $0xFFFF8000  }
0x34b: {  	[tilespmem:s6], [sflag:$0x1] =	stream.indirect.gather [hbm4b:s3+s4], $0x2000, s13, s4, $0xb8;
	[tilespmem:$0x11000] =	vst v63  }
0x34c: {  	_ =	swait.ge [sflag:s9], $0x8000  }
0x34d: {  	[sflag:s9] =	ssyncset.done $0x0  }
0x34e: {  	s25 =	rddreg [dreg:$0x1f];
	[sflag:s9] =	ssyncadd.s32 $0xFFFF8000  }
0x34f: {  	[hbm4b:s25+s2] =	stream.linear.scatter [tilespmem:s5], [sflag:$0x4], $0x8000, $0x38;
	[tilespmem:$0x11000] =	vst v63  }
0x350: {  	_ =	swait.ge [sflag:s4], $0x8000  }
0x351: {  	[sflag:s4] =	ssyncset.done $0x0  }
0x352: {  	[sflag:s4] =	ssyncadd.s32 $0xFFFF8000  }
0x353: {  	[tilespmem:s5], [sflag:$0x2] =	stream.indirect.gather [hbm4b:s3+s4], $0x2000, s12, s4, $0xb8;
	[tilespmem:$0x11000] =	vst v63  }
0x354: {  	_ =	swait.ge [sflag:s8], $0x8000  }
0x355: {  	s26 =	sld [smem:$0x7EE]  }
0x356: {  	[sflag:s8] =	ssyncset.done $0x0  }
0x357: {  	[sflag:s8] =	ssyncadd.s32 $0xFFFF8000  }
0x358: {  	[hbm4b:s26+s2] =	stream.linear.scatter [tilespmem:s6], [sflag:$0x3], $0x8000, $0x38;
	[tilespmem:$0x11000] =	vst v63  }
0x359: {  	_ =	swait.ge [sflag:s7], $0x8000  }
0x35a: {  	[sflag:s7] =	ssyncset.done $0x0  }
0x35b: {  	[sflag:s7] =	ssyncadd.s32 $0xFFFF8000  }
0x35c: {  	[tilespmem:s6], [sflag:$0x1] =	stream.indirect.gather [hbm4b:s3+s4], $0x2000, s11, s4, $0xb8;
	[tilespmem:$0x11000] =	vst v63  }
0x35d: {  	_ =	swait.ge [sflag:s9], $0x8000  }
0x35e: {  	s28 =	sld [smem:$0x7EF]  }
0x35f: {  	[sflag:s9] =	ssyncset.done $0x0  }
0x360: {  	[sflag:s9] =	ssyncadd.s32 $0xFFFF8000  }
0x361: {  	[hbm4b:s28+s2] =	stream.linear.scatter [tilespmem:s5], [sflag:$0x4], $0x8000, $0x38;
	[tilespmem:$0x11000] =	vst v63  }
0x362: {  	_ =	swait.ge [sflag:s4], $0x8000  }
0x363: {  	[sflag:s4] =	ssyncset.done $0x0  }
0x364: {  	[sflag:s4] =	ssyncadd.s32 $0xFFFF8000  }
0x365: {  	[tilespmem:s5], [sflag:$0x2] =	stream.indirect.gather [hbm4b:s3+s4], $0x2000, s10, s4, $0xb8;
	[tilespmem:$0x11000] =	vst v63  }
0x366: {  	_ =	swait.ge [sflag:s8], $0x8000  }
0x367: {  	s29 =	sld [smem:$0x7F0]  }
0x368: {  	[sflag:s8] =	ssyncset.done $0x0  }
0x369: {  	[sflag:s8] =	ssyncadd.s32 $0xFFFF8000  }
0x36a: {  	[hbm4b:s29+s2] =	stream.linear.scatter [tilespmem:s6], [sflag:$0x3], $0x8000, $0x38;
	[tilespmem:$0x11000] =	vst v63  }
0x36b: {  	_ =	swait.ge [sflag:s9], $0x8000  }
0x36c: {  	s30 =	sld [smem:$0x7F1]  }
0x36d: {  	[sflag:s9] =	ssyncset.done $0x0  }
0x36e: {  	[sflag:s9] =	ssyncadd.s32 $0xFFFF8000  }
0x36f: {  	[hbm4b:s30+s2] =	stream.linear.scatter [tilespmem:s5], [sflag:$0x4], $0x8000, $0x38;
	[tilespmem:$0x11000] =	vst v63  }
0x370: {  	_ =	swait.ge [sflag:s7], $0x8000  }
0x371: {  	[sflag:s7] =	ssyncset.done $0x0  }
0x372: {  	[sflag:s7] =	ssyncadd.s32 $0xFFFF8000  }
0x373: {  	_ =	swait.ge [sflag:s4], $0x8000  }
0x374: {  	[sflag:s4] =	ssyncset.done $0x0  }
0x375: {  	[sflag:s4] =	ssyncadd.s32 $0xFFFF8000  }
0x376: {  	_ =	sfence.sel $0x180000  }
0x377: {  	[bflag:$0x0] =	sbarrier.arrive $0xFFFF  }
0x378: {  	_ =	strace $0x90000047  }
0x379: {  	s31 =	stileid.u32;
	[bflag:$0x2] =	sbarrier.arrive $0xFFFF  }
0x37a: {  	p0 =	sne.s32 s31, $0x0;
	s0 =	rddreg [dreg:$0x3]  }
0x37b: {  	s0 =	sadd.s32 @!p0 $0x100000, s0  }
0x37c: {  	[sflag:s0] =	ssyncadd.tile.s32 @!p0 $0x1;
	_ =	shalt  }
.Lfunc_end2:
_tile_overlayer_lowered:
.L_overlay_start_2:
0x37d: {  	(tag) =	ssettag $0x2  }
0x37e: {  	s0 =	rddreg [dreg:$0x0];
	s2 =	stileid.u32  }
0x37f: {  	s1 =	rddreg [dreg:$0x1];
	p0 =	sne.s32 s2, $0x0  }
0x380: {  	s3 =	rddreg [dreg:$0x2];
	[bflag:$0x3] =	sbarrier.arrive $0xFFFF;
	s2 =	simm.s32 @!p0 $0x1C05  }
0x381: {  	[timem:s3], [sflag:s2] =	dma.local @!p0 [hbm:s0], s1  }
0x382: {  	s0 =	simm.s32 @!p0 $0x5  }
0x383: {  	_ =	swait.ge @!p0 [sflag:s0], s1  }
0x384: {  	s1 =	ssub.s32 @!p0 $0x0, s1;
	[sflag:s0] =	ssyncset.done @!p0 $0x0  }
0x385: {  	[sflag:s0] =	ssyncadd.s32 @!p0 s1  }
0x386: {  	[bflag:$0x3] =	sbarrier.arrive $0xFFFF  }
0x387: {  	_ =	shalt  }

// kernel: kernel.8.cloned.1.call-start
scs
__scs_entry_jumppad:
0x0: {  	(pc) =	sbr.rel $0x88, $3  }
0x1: {  	(tag) =	ssettag $0x0;
	lr =	simm.s32 $0x1  }
0x2: {  	[smem:$0x3F9E] =	sst lr;
	_ =	strace $0xD0000000  }
0x3: {  	_ = 	snop  }
0x4: {  	_ = 	snop  }
0x5: {  	_ = 	snop  }
0x6: {  	_ = 	snop  }
0x7: {  	_ = 	snop  }
__scs_overlays_trampoline_lowered:
0x8: {  	[smem:$0x3FAD] =	sst s0  }
0x9: {  	[smem:$0x3FAE] =	sst s1  }
0xa: {  	[smem:$0x3FAF] =	sst s2  }
0xb: {  	[smem:$0x3FB0] =	sst s3  }
0xc: {  	[smem:$0x3FB1] =	sst s4  }
0xd: {  	[smem:$0x3FB2] =	sst s5  }
0xe: {  	[smem:$0x3FB3] =	sst s6  }
0xf: {  	[smem:$0x3FB4] =	sst s7  }
0x10: {  	[smem:$0x3FB5] =	sst s8  }
0x11: {  	[smem:$0x3FB6] =	sst s9;
	s0 =	simm.s32 @!p0 $0x0  }
0x12: {  	s1 =	sld [smem:$0x3F9C];
	s0 =	simm.s32 @p0 $0x1  }
0x13: {  	[smem:$0x3FB7] =	sst s0;
	s0 =	simm.s32 @!p1 $0x0  }
0x14: {  	s2 =	sld [smem:$0x3F9B];
	s0 =	simm.s32 @p1 $0x1  }
0x15: {  	[smem:$0x3FB8] =	sst s0;
	s0 =	simm.s32 @!p2 $0x0  }
0x16: {  	s3 =	sld [smem:$0x3FDB];
	s0 =	simm.s32 @p2 $0x1  }
0x17: {  	s4 =	simm.s32 $0x1BF5;
	[smem:$0x3FBA] =	sst s0  }
0x18: {  	s0 =	sld [smem:$0x3F9D];
	_ =	swait.ge [sflag:s4], $0x0  }
0x19: {  	s7 =	sld [smem:$0x3F9E]  }
0x1a: {  	s8 =	sadd.s32 $0xFFFFE003, lr  }
0x1b: {  	s9 =	sadd.s32 $0xFFFFFEF7, lr;
	s5 =	simm.s32 $0xFFFFFFFF;
	p2 =	slt.u32 s8, $0xFFFFF086  }
0x1c: {  	p1 =	slt.u32 s9, $0xF7A;
	s5 =	simm.s32 @!p2 $0x0  }
0x1d: {  	s5 =	simm.s32 @p1 $0x1;
	p0 =	seq.s32 s7, s2  }
0x1e: {  	s7 =	smul.u32 @!p0 $0xF7A, s2;
	p2 =	seq.s32 @!p0 s5, $0x0  }
0x1f: {  	s9 =	smul.u32 $0xF7A, s1;
	s8 =	simm.s32 @!p0 $0x1BF5;
	p2 =	por !p2, p0  }
0x20: {  	[sflag:s8] =	ssyncset.s32 @!p0 $0xFFFFF086;
	s6 =	sadd.s32 @!p0 s3, s7;
	s7 =	simm.s32 @!p0 $0x108  }
0x21: {  	s3 =	sadd.s32 s3, s9;
	s6 =	sadd.s32 @!p0 $0x88, s6;
	s7 =	simm.s32 @p2 $0x1082  }
0x22: {  	[simem:s7], [sflag:s8] =	dma.local @!p0 [hbm:s6], $0xF7A  }
0x23: {  	s9 =	sor.u32 $0xD0000000, s2;
	s6 =	simm.s32 $0x108;
	_ =	swait.ge @!p0 [sflag:s8], $0x0  }
0x24: {  	s3 =	sadd.s32 $0x88, s3;
	s6 =	simm.s32 @!p1 $0x1082;
	[sflag:s4] =	ssyncset.s32 $0xFFFFF086  }
0x25: {  	[simem:s6], [sflag:s4] =	dma.local [hbm:s3], $0xF7A  }
0x26: {  	[smem:$0x3F9E] =	sst s1;
	(tag) =	ssettag s2;
	_ =	strace s9  }
0x27: {  	s1 =	sld [smem:$0x3FAE]  }
0x28: {  	s2 =	sld [smem:$0x3FAF]  }
0x29: {  	s4 =	sld [smem:$0x3FB1]  }
0x2a: {  	p0 =	seq.s32 s5, $0x0;
	s5 =	sld [smem:$0x3FB2]  }
0x2b: {  	s6 =	sld [smem:$0x3FB3]  }
0x2c: {  	s7 =	sld [smem:$0x3FB4]  }
0x2d: {  	s3 =	simm.s32 $0x108;
	s8 =	sld [smem:$0x3FB5]  }
0x2e: {  	s3 =	simm.s32 @!p0 $0x1082;
	s9 =	sld [smem:$0x3FB6]  }
0x2f: {  	lr =	sadd.s32 s0, s3;
	s0 =	sld [smem:$0x3FAD]  }
0x30: {  	s3 =	sld [smem:$0x3FB0]  }
0x31: {  	[smem:$0x3FB9] =	sst s10  }
0x32: {  	s10 =	sld [smem:$0x3FB7];
	_ =	sdelay $0x3  }
0x33: {  	p0 =	seq.s32 s10, $0x1;
	s10 =	sld [smem:$0x3FB9];
	_ =	sdelay $0x3  }
0x34: {  	[smem:$0x3FB9] =	sst s10  }
0x35: {  	s10 =	sld [smem:$0x3FB8];
	_ =	sdelay $0x3  }
0x36: {  	p1 =	seq.s32 s10, $0x1;
	s10 =	sld [smem:$0x3FB9];
	_ =	sdelay $0x3  }
0x37: {  	[smem:$0x3FB9] =	sst s10  }
0x38: {  	s10 =	sld [smem:$0x3FBA]  }
0x39: {  	_ = 	snop;
	(pc) =	sbr.ind lr, $3  }
0x3a: {  	_ = 	snop  }
0x3b: {  	_ = 	snop  }
0x3c: {  	p2 =	seq.s32 s10, $0x1;
	s10 =	sld [smem:$0x3FB9]  }
0x3d: {  	_ =	shalt  }
0x3e: {  	_ =	shalt  }
0x3f: {  	_ =	shalt  }
0x40: {  	_ =	shalt  }
0x41: {  	_ =	shalt  }
0x42: {  	_ =	shalt  }
0x43: {  	_ =	shalt  }
0x44: {  	_ =	shalt  }
0x45: {  	_ =	shalt  }
0x46: {  	_ =	shalt  }
0x47: {  	_ =	shalt  }
0x48: {  	_ =	shalt  }
0x49: {  	_ =	shalt  }
0x4a: {  	_ =	shalt  }
0x4b: {  	_ =	shalt  }
0x4c: {  	_ =	shalt  }
0x4d: {  	_ =	shalt  }
0x4e: {  	_ =	shalt  }
0x4f: {  	_ =	shalt  }
0x50: {  	_ =	shalt  }
0x51: {  	_ =	shalt  }
0x52: {  	_ =	shalt  }
0x53: {  	_ =	shalt  }
0x54: {  	_ =	shalt  }
0x55: {  	_ =	shalt  }
0x56: {  	_ =	shalt  }
0x57: {  	_ =	shalt  }
0x58: {  	_ =	shalt  }
0x59: {  	_ =	shalt  }
0x5a: {  	_ =	shalt  }
0x5b: {  	_ =	shalt  }
0x5c: {  	_ =	shalt  }
0x5d: {  	_ =	shalt  }
0x5e: {  	_ =	shalt  }
0x5f: {  	_ =	shalt  }
0x60: {  	_ =	shalt  }
0x61: {  	_ =	shalt  }
0x62: {  	_ =	shalt  }
0x63: {  	_ =	shalt  }
0x64: {  	_ =	shalt  }
0x65: {  	_ =	shalt  }
0x66: {  	_ =	shalt  }
0x67: {  	_ =	shalt  }
0x68: {  	_ =	shalt  }
0x69: {  	_ =	shalt  }
0x6a: {  	_ =	shalt  }
0x6b: {  	_ =	shalt  }
0x6c: {  	_ =	shalt  }
0x6d: {  	_ =	shalt  }
0x6e: {  	_ =	shalt  }
0x6f: {  	_ =	shalt  }
0x70: {  	_ =	shalt  }
0x71: {  	_ =	shalt  }
0x72: {  	_ =	shalt  }
0x73: {  	_ =	shalt  }
0x74: {  	_ =	shalt  }
0x75: {  	_ =	shalt  }
0x76: {  	_ =	shalt  }
0x77: {  	_ =	shalt  }
0x78: {  	_ =	shalt  }
0x79: {  	_ =	shalt  }
0x7a: {  	_ =	shalt  }
0x7b: {  	_ =	shalt  }
0x7c: {  	_ =	shalt  }
0x7d: {  	_ =	shalt  }
0x7e: {  	_ =	shalt  }
0x7f: {  	_ =	shalt  }
0x80: {  	_ =	shalt  }
0x81: {  	_ =	shalt  }
0x82: {  	_ =	shalt  }
0x83: {  	_ =	shalt  }
0x84: {  	_ =	shalt  }
0x85: {  	_ =	shalt  }
0x86: {  	_ =	shalt  }
0x87: {  	_ =	shalt  }
.Lfunc_end0:
.L_simem_size_0:
called_computation_lowered:
.L_overlay_start_0:
0x88: {  	s2 =	sld [smem:$0x3FD9]  }
0x89: {  	s3 =	sld [smem:$0x3FFE];
	_ =	sdelay $0x1  }
0x8a: {  	s1 =	srdreg.scid  }
0x8b: {  	s0 =	sand.u32 $0x1, s1  }
0x8c: {  	s17 =	sshll.u32 s0, $0xA;
	s2 =	sadd.s32 s3, s2  }
0x8d: {  	s2 =	sadd.s32 s2, s17  }
0x8e: {  	[smem:$0x3FC5] =	sst s2  }
0x8f: {  	_ = 	snop  }
0x90: {  	(tm) =	ssettm $0x1  }
0x91: {  	s18 =	sld [smem:$0x3FFB];
	_ =	sdelay $0x3  }
0x92: {  	_ =	strace s18  }
0x93: {  	s2 =	sld [smem:$0x3FFC];
	_ =	sdelay $0x3  }
0x94: {  	_ =	strace s2  }
0x95: {  	s2 =	sld [smem:$0x3FFD];
	_ =	sdelay $0x3  }
0x96: {  	_ =	strace s2  }
0x97: {  	_ =	strace $0x8FFFFFFF  }
0x98: {  	s19 =	sld [smem:$0x3FDB];
	_ =	sdelay $0x1  }
0x99: {  	s20 =	simm.s32 $_scs_section_size  }
0x9a: {  	s4 =	simm.s32 $_size__tile_overlayer_lowered;
	s5 =	simm.s32 $_tile_overlayer_lowered  }
0x9b: {  	s6 =	simm.s32 $0x1BFF;
	s21 =	sshll.u32 s5, $0x1;
	s3 =	sadd.s32 s20, s19  }
0x9c: {  	s22 =	simm.s32 $0x0;
	s4 =	sshll.u32 s4, $0x1;
	s5 =	sadd.s32 s21, s3  }
0x9d: {  	[timem:s22], [sflag:s6] =	dma.local [hbm:s5], s4  }
0x9e: {  	_ =	swait.ge [sflag:s6], s4  }
0x9f: {  	s4 =	ssub.s32 $0x0, s4;
	[sflag:s6] =	ssyncset.done $0x0  }
0xa0: {  	[sflag:s6] =	ssyncadd.s32 s4;
	_ =	sdelay $0x1  }
0xa1: {  	s23 =	simm.s32 $0x1B8B  }
0xa2: {  	_ =	swait.ge [sflag:s23], $0x1  }
0xa3: {  	[sflag:s23] =	ssyncset.done $0x0  }
0xa4: {  	[sflag:s23] =	ssyncadd.s32 $0xFFFFFFFF  }
0xa5: {  	s4 =	sld [smem:$0x0]  }
0xa6: {  	s5 =	sand.u32 $0xFFFFFFFE, s1  }
0xa7: {  	p0 =	sne.s32 s1, s5  }
0xa8: {  	s5 =	sshll.u32 @p0 s5, $0xE  }
0xa9: {  	s5 =	sadd.s32 @p0 $0x11B8D, s5;
	s6 =	sshll.u32 @p0 s4, $0x11  }
0xaa: {  	s5 =	sor.u32 @p0 s6, s5  }
0xab: {  	[sflag:s5] =	ssyncadd.remote.s32 @p0 $0x1;
	_ =	sdelay $0x1  }
0xac: {  	s5 =	simm.s32 @p0 $0x1B8D  }
0xad: {  	_ =	swait.eq @p0 [sflag:s5], $0x1  }
0xae: {  	[sflag:s5] =	ssyncadd.s32 @p0 $0xFFFFFFFF  }
0xaf: {  	s6 =	sshll.u32 @!p0 s1, $0xE  }
0xb0: {  	s6 =	sor.u32 @!p0 $0x4000, s6;
	s5 =	simm.s32 @!p0 $0x1B8D  }
0xb1: {  	s4 =	sshll.u32 @!p0 s4, $0x11;
	s6 =	sadd.s32 @!p0 $0x11B8D, s6;
	_ =	swait.eq @!p0 [sflag:s5], $0x1  }
0xb2: {  	s4 =	sor.u32 @!p0 s4, s6;
	[sflag:s5] =	ssyncadd.s32 @!p0 $0xFFFFFFFF  }
0xb3: {  	s25 =	simm.s32 $0x1B8E;
	s24 =	sld [smem:$0x3FFE];
	[sflag:s4] =	ssyncadd.remote.s32 @!p0 $0x1  }
0xb4: {  	s26 =	simm.s32 $execute0_lowered;
	[smem:$0x3FD2] =	sst s25  }
0xb5: {  	s5 =	sshll.u32 s26, $0x1;
	_ =	strace $0x80000049;
	[dreg:$0x1] =	wrdreg $0xFFFFFFFF  }
0xb6: {  	s28 =	simm.s32 $_size_execute0_lowered;
	s3 =	sadd.s32 s3, s5;
	[dreg:$0x0] =	wrdreg $0x0  }
0xb7: {  	s5 =	sshll.u32 s28, $0x1;
	[dreg:$0x2] =	wrdreg s3  }
0xb8: {  	[dreg:$0x3] =	wrdreg s5  }
0xb9: {  	[dreg:$0x4] =	wrdreg $0xC0  }
0xba: {  	_ =	task [dreg:s22], $0x5FFFF  }
0xbb: {  	[dreg:$0x1] =	wrdreg $0xFFFFFFFF  }
0xbc: {  	[dreg:$0x0] =	wrdreg $0x60  }
0xbd: {  	[dreg:$0x2] =	wrdreg s24  }
0xbe: {  	[dreg:$0x3] =	wrdreg $0x9  }
0xbf: {  	_ =	task.clear_ibuf [dreg:s22], $0x4FFFF;
	_ =	strace $0x90000049  }
0xc0: {  	s29 =	simm.s32 $0x9;
	_ =	strace $0x8000004B  }
0xc1: {  	_ =	swait.ge [sflag:s29], $0x1  }
0xc2: {  	[sflag:s29] =	ssyncadd.s32 $0xFFFFFFFF  }
0xc3: {  	_ =	strace $0x9000004B  }
0xc4: {  	_ =	sfence  }
0xc5: {  	s30 =	sld [smem:$0x0];
	_ =	sdelay $0x2  }
0xc6: {  	s31 =	sshll.u32 s1, $0xD;
	s1 =	sshrl.u32 s1, $0x2  }
0xc7: {  	s4 =	sand.u32 $0x4000, s31;
	s1 =	sadd.s32 s1, s30  }
0xc8: {  	s0 =	sor.u32 s4, s0;
	s1 =	sshll.u32 s1, $0x11  }
0xc9: {  	s0 =	sor.u32 s1, s0  }
0xca: {  	s0 =	sadd.s32 $0x8F2B, s0  }
0xcb: {  	[sflag:s0] =	ssyncadd.remote.s32 $0x1  }
0xcc: {  	_ =	sfence.sel $0xFFFF  }
0xcd: {  	[dreg:$0x0] =	wrdreg $0xFFFFFFFF;
	(pc) =	sbr.abs _section_cstart, $3  }
0xce: {  	[dreg:$0x1] =	wrdreg $0xFFFFFFFF  }
0xcf: {  	_ =	task.clear_ibuf [dreg:s22], $0x2FFFF;
	_ =	strace $0x9FFFFFFF  }
0xd0: {  	(tm) =	ssettm $0x7FFFFFFF  }
0xd1: {  	_ =	shalt  }
tec
execute0_lowered:
.L_overlay_start_1:
0x0: {  	(tag) =	ssettag $0x1  }
0x1: {  	s0 =	srdreg.scid;
	s2 =	stileid.u32  }
0x2: {  	s1 =	sand.u32 $0x1, s0;
	s25 =	sshll.u32 s2, $0x1  }
0x3: {  	s0 =	sor.u32 s1, s25  }
0x4: {  	s3 =	rddreg [dreg:$0x0];
	s4 =	sshll.u32 s0, $0x9  }
0x5: {  	s2 =	simm.s32 $0x0;
	s0 =	sshll.u32 s0, $0x11;
	s5 =	sadd.s32 s4, s3  }
0x6: {  	[smem:$0x7FF] =	sst s2;
	s4 =	sadd.s32 s0, s3;
	s26 =	sadd.s32 $0x4C00, s5  }
0x7: {  	_ =	strace $0x8000004A;
	s5 =	sadd.s32 $0x209000, s4;
	[dreg:$0x2] =	wrdreg s26  }
0x8: {  	s6 =	sadd.s32 $0x20A000, s4;
	[dreg:$0x3] =	wrdreg s5  }
0x9: {  	s7 =	sadd.s32 $0x20B000, s4;
	[dreg:$0x4] =	wrdreg s6  }
0xa: {  	s8 =	sadd.s32 $0x20C000, s4;
	[dreg:$0x5] =	wrdreg s7  }
0xb: {  	s9 =	sadd.s32 $0x20D000, s4;
	[dreg:$0x6] =	wrdreg s8  }
0xc: {  	s10 =	sadd.s32 $0x20E000, s4;
	[dreg:$0x7] =	wrdreg s9  }
0xd: {  	s11 =	sadd.s32 $0x20F000, s4;
	[dreg:$0x8] =	wrdreg s10  }
0xe: {  	s12 =	sadd.s32 $0x210000, s4;
	[dreg:$0x9] =	wrdreg s11  }
0xf: {  	s13 =	sadd.s32 $0x211000, s4;
	[dreg:$0xa] =	wrdreg s12  }
0x10: {  	s14 =	sadd.s32 $0x212000, s4;
	[dreg:$0xb] =	wrdreg s13  }
0x11: {  	s15 =	sadd.s32 $0x213000, s4;
	[dreg:$0xc] =	wrdreg s14  }
0x12: {  	s16 =	sadd.s32 $0x214000, s4;
	[dreg:$0xd] =	wrdreg s15  }
0x13: {  	s17 =	sadd.s32 $0x215000, s4;
	[dreg:$0xe] =	wrdreg s16  }
0x14: {  	s18 =	sadd.s32 $0x216000, s4;
	[dreg:$0xf] =	wrdreg s17  }
0x15: {  	s19 =	sadd.s32 $0x217000, s4;
	[dreg:$0x10] =	wrdreg s18  }
0x16: {  	s20 =	sadd.s32 $0x218000, s4;
	[dreg:$0x11] =	wrdreg s19  }
0x17: {  	s21 =	sadd.s32 $0x219000, s4;
	[dreg:$0x12] =	wrdreg s20  }
0x18: {  	s22 =	sadd.s32 $0x21A000, s4;
	[dreg:$0x13] =	wrdreg s21  }
0x19: {  	s23 =	sadd.s32 $0x21B000, s4;
	[dreg:$0x14] =	wrdreg s22  }
0x1a: {  	s24 =	sadd.s32 $0x21C000, s4;
	[dreg:$0x15] =	wrdreg s23  }
0x1b: {  	s25 =	sadd.s32 $0x21D000, s4;
	[dreg:$0x16] =	wrdreg s24  }
0x1c: {  	[dreg:$0x17] =	wrdreg s25;
	s26 =	sadd.s32 $0x21E000, s4  }
0x1d: {  	s5 =	sadd.s32 $0x21F000, s4;
	[dreg:$0x18] =	wrdreg s26  }
0x1e: {  	s6 =	sadd.s32 $0x220000, s4;
	[dreg:$0x19] =	wrdreg s5  }
0x1f: {  	s7 =	sadd.s32 $0x221000, s4;
	[dreg:$0x1a] =	wrdreg s6  }
0x20: {  	s8 =	sadd.s32 $0x222000, s4;
	[dreg:$0x1b] =	wrdreg s7  }
0x21: {  	s9 =	sadd.s32 $0x223000, s4;
	[dreg:$0x1c] =	wrdreg s8  }
0x22: {  	s10 =	sadd.s32 $0x224000, s4;
	[dreg:$0x1d] =	wrdreg s9  }
0x23: {  	s11 =	sadd.s32 $0x225000, s4;
	[dreg:$0x1e] =	wrdreg s10  }
0x24: {  	s31 =	simm.s32 $0x5;
	s12 =	sadd.s32 $0x226000, s4;
	[dreg:$0x1f] =	wrdreg s11  }
0x25: {  	s30 =	simm.s32 $0x600;
	s13 =	sadd.s32 $0x227000, s4;
	[smem:$0x7F0] =	sst s12  }
0x26: {  	s29 =	simm.s32 $0x680;
	s14 =	sadd.s32 $0x228000, s4;
	[smem:$0x7F1] =	sst s13  }
0x27: {  	s28 =	simm.s32 $0x700;
	s15 =	simm.s32 $0x80;
	[smem:$0x7F2] =	sst s14  }
0x28: {  	p0 =	por $0x0, $0x0;
	s16 =	simm.s32 $0x100;
	[smem:$0x7F3] =	sst s15  }
0x29: {  	s1 =	ssub.s32 $0x2, s1;
	s17 =	simm.s32 $0x180;
	[smem:$0x7F4] =	sst s16  }
0x2a: {  	s3 =	sadd.s32 $0x8C00, s3;
	s19 =	simm.s32 $0x200;
	[smem:$0x7F5] =	sst s17  }
0x2b: {  	s18 =	sshrl.u32 s1, $0x1;
	s20 =	simm.s32 $0x280;
	[smem:$0x7F6] =	sst s19  }
0x2c: {  	s21 =	simm.s32 $0x300;
	s22 =	simm.s32 $0x380;
	[smem:$0x7F7] =	sst s20  }
0x2d: {  	s4 =	simm.s32 $0x4;
	s23 =	simm.s32 $0x400;
	[smem:$0x7F8] =	sst s21  }
0x2e: {  	s24 =	simm.s32 $0x480;
	s25 =	simm.s32 $0x500;
	[smem:$0x7F9] =	sst s22  }
0x2f: {  	s1 =	ssub.s32 s1, s18;
	s6 =	simm.s32 $0x1000;
	[smem:$0x7FA] =	sst s23  }
0x30: {  	s5 =	simm.s32 $0x9000;
	[smem:$0x7FB] =	sst s24;
	s9 =	simm.s32 $0x1  }
0x31: {  	[smem:$0x7FC] =	sst s25;
	s26 =	simm.s32 $0x580;
	s7 =	simm.s32 $0x3  }
0x32: {  	s8 =	simm.s32 $0x2;
	s25 =	simm.s32 $0x800;
	s24 =	simm.s32 $0x880  }
0x33: {  	s23 =	simm.s32 $0x900;
	s22 =	simm.s32 $0x980;
	s1 =	smax.u32 s1, $0x1  }
0x34: {  	s21 =	simm.s32 $0xA00;
	s20 =	simm.s32 $0xA80;
	p1 =	sne.s32 s1, $0x1  }
.Ltmp0:
0x35: {  	s19 =	simm.s32 $0xB00;
	s18 =	simm.s32 $0xB80;
	(pc) =	sbr.rel @!p1 .LBB2_3-.Ltmp0, $4  }
0x36: {  	s17 =	simm.s32 $0xC00;
	s16 =	simm.s32 $0xC80;
	s15 =	simm.s32 $0xD00  }
0x37: {  	s14 =	simm.s32 $0xD80;
	s13 =	simm.s32 $0xE00;
	s12 =	simm.s32 $0xE80  }
0x38: {  	s11 =	simm.s32 $0xF00;
	s10 =	simm.s32 $0xF80;
	s0 =	rddreg [dreg:$0x2]  }
0x39: {  	[smem:$0x7FD] =	sst s26;
	s26 =	simm.s32 $0x780;
	s1 =	sadd.s32 $0xFFFFFFFF, s1  }
0x3a: {  	[tilespmem:s2], [sflag:$0x5] =	stream.linear.gather [hbm4b:s0+s2], $0x1000, $0x38;
	[tilespmem:$0x11000] =	vst v63  }
0x3b: {  	_ =	swait.ge [sflag:s31], $0x1000  }
0x3c: {  	[sflag:s31] =	ssyncset.done $0x0  }
0x3d: {  	s0 =	sld [smem:$0x7F3];
	[sflag:s31] =	ssyncadd.s32 $0xFFFFF000  }
0x3e: {  	[tilespmem:s6], [sflag:$0x1] =	stream.indirect.gather [hbm4b:s3+s4], $0x2000, s2, s4, $0xb8;
	[tilespmem:$0x11000] =	vst v63  }
0x3f: {  	_ = 	snop  }
0x40: {  	[tilespmem:s5], [sflag:$0x2] =	stream.indirect.gather [hbm4b:s3+s4], $0x2000, s0, s4, $0xb8;
	[tilespmem:$0x11000] =	vst v63  }
0x41: {  	_ =	swait.ge [sflag:s9], $0x8000  }
0x42: {  	[sflag:s9] =	ssyncset.done $0x0  }
0x43: {  	s0 =	rddreg [dreg:$0x3];
	[sflag:s9] =	ssyncadd.s32 $0xFFFF8000  }
0x44: {  	[hbm4b:s0+s2] =	stream.linear.scatter [tilespmem:s6], [sflag:$0x3], $0x8000, $0x38;
	[tilespmem:$0x11000] =	vst v63  }
0x45: {  	_ =	swait.ge [sflag:s7], $0x8000  }
0x46: {  	s0 =	sld [smem:$0x7F4]  }
0x47: {  	[sflag:s7] =	ssyncset.done $0x0  }
0x48: {  	[sflag:s7] =	ssyncadd.s32 $0xFFFF8000  }
0x49: {  	[tilespmem:s6], [sflag:$0x1] =	stream.indirect.gather [hbm4b:s3+s4], $0x2000, s0, s4, $0xb8;
	[tilespmem:$0x11000] =	vst v63  }
0x4a: {  	_ =	swait.ge [sflag:s8], $0x8000  }
0x4b: {  	[sflag:s8] =	ssyncset.done $0x0  }
0x4c: {  	s0 =	rddreg [dreg:$0x4];
	[sflag:s8] =	ssyncadd.s32 $0xFFFF8000  }
0x4d: {  	[hbm4b:s0+s2] =	stream.linear.scatter [tilespmem:s5], [sflag:$0x4], $0x8000, $0x38;
	[tilespmem:$0x11000] =	vst v63  }
0x4e: {  	_ =	swait.ge [sflag:s4], $0x8000  }
0x4f: {  	s0 =	sld [smem:$0x7F5]  }
0x50: {  	[sflag:s4] =	ssyncset.done $0x0  }
0x51: {  	[sflag:s4] =	ssyncadd.s32 $0xFFFF8000  }
0x52: {  	[tilespmem:s5], [sflag:$0x2] =	stream.indirect.gather [hbm4b:s3+s4], $0x2000, s0, s4, $0xb8;
	[tilespmem:$0x11000] =	vst v63  }
0x53: {  	_ =	swait.ge [sflag:s9], $0x8000  }
0x54: {  	[sflag:s9] =	ssyncset.done $0x0  }
0x55: {  	s0 =	rddreg [dreg:$0x5];
	[sflag:s9] =	ssyncadd.s32 $0xFFFF8000  }
0x56: {  	[hbm4b:s0+s2] =	stream.linear.scatter [tilespmem:s6], [sflag:$0x3], $0x8000, $0x38;
	[tilespmem:$0x11000] =	vst v63  }
0x57: {  	_ =	swait.ge [sflag:s7], $0x8000  }
0x58: {  	s0 =	sld [smem:$0x7F6]  }
0x59: {  	[sflag:s7] =	ssyncset.done $0x0  }
0x5a: {  	[sflag:s7] =	ssyncadd.s32 $0xFFFF8000  }
0x5b: {  	[tilespmem:s6], [sflag:$0x1] =	stream.indirect.gather [hbm4b:s3+s4], $0x2000, s0, s4, $0xb8;
	[tilespmem:$0x11000] =	vst v63  }
0x5c: {  	_ =	swait.ge [sflag:s8], $0x8000  }
0x5d: {  	[sflag:s8] =	ssyncset.done $0x0  }
0x5e: {  	s0 =	rddreg [dreg:$0x6];
	[sflag:s8] =	ssyncadd.s32 $0xFFFF8000  }
0x5f: {  	[hbm4b:s0+s2] =	stream.linear.scatter [tilespmem:s5], [sflag:$0x4], $0x8000, $0x38;
	[tilespmem:$0x11000] =	vst v63  }
0x60: {  	_ =	swait.ge [sflag:s4], $0x8000  }
0x61: {  	s0 =	sld [smem:$0x7F7]  }
0x62: {  	[sflag:s4] =	ssyncset.done $0x0  }
0x63: {  	[sflag:s4] =	ssyncadd.s32 $0xFFFF8000  }
0x64: {  	[tilespmem:s5], [sflag:$0x2] =	stream.indirect.gather [hbm4b:s3+s4], $0x2000, s0, s4, $0xb8;
	[tilespmem:$0x11000] =	vst v63  }
0x65: {  	_ =	swait.ge [sflag:s9], $0x8000  }
0x66: {  	[sflag:s9] =	ssyncset.done $0x0  }
0x67: {  	s0 =	rddreg [dreg:$0x7];
	[sflag:s9] =	ssyncadd.s32 $0xFFFF8000  }
0x68: {  	[hbm4b:s0+s2] =	stream.linear.scatter [tilespmem:s6], [sflag:$0x3], $0x8000, $0x38;
	[tilespmem:$0x11000] =	vst v63  }
0x69: {  	_ =	swait.ge [sflag:s7], $0x8000  }
0x6a: {  	s0 =	sld [smem:$0x7F8]  }
0x6b: {  	[sflag:s7] =	ssyncset.done $0x0  }
0x6c: {  	[sflag:s7] =	ssyncadd.s32 $0xFFFF8000  }
0x6d: {  	[tilespmem:s6], [sflag:$0x1] =	stream.indirect.gather [hbm4b:s3+s4], $0x2000, s0, s4, $0xb8;
	[tilespmem:$0x11000] =	vst v63  }
0x6e: {  	_ =	swait.ge [sflag:s8], $0x8000  }
0x6f: {  	[sflag:s8] =	ssyncset.done $0x0  }
0x70: {  	s0 =	rddreg [dreg:$0x8];
	[sflag:s8] =	ssyncadd.s32 $0xFFFF8000  }
0x71: {  	[hbm4b:s0+s2] =	stream.linear.scatter [tilespmem:s5], [sflag:$0x4], $0x8000, $0x38;
	[tilespmem:$0x11000] =	vst v63  }
0x72: {  	_ =	swait.ge [sflag:s4], $0x8000  }
0x73: {  	s0 =	sld [smem:$0x7F9]  }
0x74: {  	[sflag:s4] =	ssyncset.done $0x0  }
0x75: {  	[sflag:s4] =	ssyncadd.s32 $0xFFFF8000  }
0x76: {  	[tilespmem:s5], [sflag:$0x2] =	stream.indirect.gather [hbm4b:s3+s4], $0x2000, s0, s4, $0xb8;
	[tilespmem:$0x11000] =	vst v63  }
0x77: {  	_ =	swait.ge [sflag:s9], $0x8000  }
0x78: {  	[sflag:s9] =	ssyncset.done $0x0  }
0x79: {  	s0 =	rddreg [dreg:$0x9];
	[sflag:s9] =	ssyncadd.s32 $0xFFFF8000  }
0x7a: {  	[hbm4b:s0+s2] =	stream.linear.scatter [tilespmem:s6], [sflag:$0x3], $0x8000, $0x38;
	[tilespmem:$0x11000] =	vst v63  }
0x7b: {  	_ =	swait.ge [sflag:s7], $0x8000  }
0x7c: {  	s0 =	sld [smem:$0x7FA]  }
0x7d: {  	[sflag:s7] =	ssyncset.done $0x0  }
0x7e: {  	[sflag:s7] =	ssyncadd.s32 $0xFFFF8000  }
0x7f: {  	[tilespmem:s6], [sflag:$0x1] =	stream.indirect.gather [hbm4b:s3+s4], $0x2000, s0, s4, $0xb8;
	[tilespmem:$0x11000] =	vst v63  }
0x80: {  	_ =	swait.ge [sflag:s8], $0x8000  }
0x81: {  	[sflag:s8] =	ssyncset.done $0x0  }
0x82: {  	s0 =	rddreg [dreg:$0xa];
	[sflag:s8] =	ssyncadd.s32 $0xFFFF8000  }
0x83: {  	[hbm4b:s0+s2] =	stream.linear.scatter [tilespmem:s5], [sflag:$0x4], $0x8000, $0x38;
	[tilespmem:$0x11000] =	vst v63  }
0x84: {  	_ =	swait.ge [sflag:s4], $0x8000  }
0x85: {  	s0 =	sld [smem:$0x7FB]  }
0x86: {  	[sflag:s4] =	ssyncset.done $0x0  }
0x87: {  	[sflag:s4] =	ssyncadd.s32 $0xFFFF8000  }
0x88: {  	[tilespmem:s5], [sflag:$0x2] =	stream.indirect.gather [hbm4b:s3+s4], $0x2000, s0, s4, $0xb8;
	[tilespmem:$0x11000] =	vst v63  }
0x89: {  	_ =	swait.ge [sflag:s9], $0x8000  }
0x8a: {  	[sflag:s9] =	ssyncset.done $0x0  }
0x8b: {  	s0 =	rddreg [dreg:$0xb];
	[sflag:s9] =	ssyncadd.s32 $0xFFFF8000  }
0x8c: {  	[hbm4b:s0+s2] =	stream.linear.scatter [tilespmem:s6], [sflag:$0x3], $0x8000, $0x38;
	[tilespmem:$0x11000] =	vst v63  }
0x8d: {  	_ =	swait.ge [sflag:s7], $0x8000  }
0x8e: {  	s0 =	sld [smem:$0x7FC]  }
0x8f: {  	[sflag:s7] =	ssyncset.done $0x0  }
0x90: {  	[sflag:s7] =	ssyncadd.s32 $0xFFFF8000  }
0x91: {  	[tilespmem:s6], [sflag:$0x1] =	stream.indirect.gather [hbm4b:s3+s4], $0x2000, s0, s4, $0xb8;
	[tilespmem:$0x11000] =	vst v63  }
0x92: {  	_ =	swait.ge [sflag:s8], $0x8000  }
0x93: {  	[sflag:s8] =	ssyncset.done $0x0  }
0x94: {  	s0 =	rddreg [dreg:$0xc];
	[sflag:s8] =	ssyncadd.s32 $0xFFFF8000  }
0x95: {  	[hbm4b:s0+s2] =	stream.linear.scatter [tilespmem:s5], [sflag:$0x4], $0x8000, $0x38;
	[tilespmem:$0x11000] =	vst v63  }
0x96: {  	_ =	swait.ge [sflag:s4], $0x8000  }
0x97: {  	s0 =	sld [smem:$0x7FD]  }
0x98: {  	[sflag:s4] =	ssyncset.done $0x0  }
0x99: {  	[sflag:s4] =	ssyncadd.s32 $0xFFFF8000  }
0x9a: {  	[tilespmem:s5], [sflag:$0x2] =	stream.indirect.gather [hbm4b:s3+s4], $0x2000, s0, s4, $0xb8;
	[tilespmem:$0x11000] =	vst v63  }
0x9b: {  	_ =	swait.ge [sflag:s9], $0x8000  }
0x9c: {  	[sflag:s9] =	ssyncset.done $0x0  }
0x9d: {  	s0 =	rddreg [dreg:$0xd];
	[sflag:s9] =	ssyncadd.s32 $0xFFFF8000  }
0x9e: {  	[hbm4b:s0+s2] =	stream.linear.scatter [tilespmem:s6], [sflag:$0x3], $0x8000, $0x38;
	[tilespmem:$0x11000] =	vst v63  }
0x9f: {  	_ =	swait.ge [sflag:s7], $0x8000  }
0xa0: {  	[sflag:s7] =	ssyncset.done $0x0  }
0xa1: {  	[sflag:s7] =	ssyncadd.s32 $0xFFFF8000  }
0xa2: {  	[tilespmem:s6], [sflag:$0x1] =	stream.indirect.gather [hbm4b:s3+s4], $0x2000, s30, s4, $0xb8;
	[tilespmem:$0x11000] =	vst v63  }
0xa3: {  	_ =	swait.ge [sflag:s8], $0x8000  }
0xa4: {  	[sflag:s8] =	ssyncset.done $0x0  }
0xa5: {  	s0 =	rddreg [dreg:$0xe];
	[sflag:s8] =	ssyncadd.s32 $0xFFFF8000  }
0xa6: {  	[hbm4b:s0+s2] =	stream.linear.scatter [tilespmem:s5], [sflag:$0x4], $0x8000, $0x38;
	[tilespmem:$0x11000] =	vst v63  }
0xa7: {  	_ =	swait.ge [sflag:s4], $0x8000  }
0xa8: {  	[sflag:s4] =	ssyncset.done $0x0  }
0xa9: {  	[sflag:s4] =	ssyncadd.s32 $0xFFFF8000  }
0xaa: {  	[tilespmem:s5], [sflag:$0x2] =	stream.indirect.gather [hbm4b:s3+s4], $0x2000, s29, s4, $0xb8;
	[tilespmem:$0x11000] =	vst v63  }
0xab: {  	_ =	swait.ge [sflag:s9], $0x8000  }
0xac: {  	[sflag:s9] =	ssyncset.done $0x0  }
0xad: {  	s0 =	rddreg [dreg:$0xf];
	[sflag:s9] =	ssyncadd.s32 $0xFFFF8000  }
0xae: {  	[hbm4b:s0+s2] =	stream.linear.scatter [tilespmem:s6], [sflag:$0x3], $0x8000, $0x38;
	[tilespmem:$0x11000] =	vst v63  }
0xaf: {  	_ =	swait.ge [sflag:s7], $0x8000  }
0xb0: {  	[sflag:s7] =	ssyncset.done $0x0  }
0xb1: {  	[sflag:s7] =	ssyncadd.s32 $0xFFFF8000  }
0xb2: {  	[tilespmem:s6], [sflag:$0x1] =	stream.indirect.gather [hbm4b:s3+s4], $0x2000, s28, s4, $0xb8;
	[tilespmem:$0x11000] =	vst v63  }
0xb3: {  	_ =	swait.ge [sflag:s8], $0x8000  }
0xb4: {  	[sflag:s8] =	ssyncset.done $0x0  }
0xb5: {  	s0 =	rddreg [dreg:$0x10];
	[sflag:s8] =	ssyncadd.s32 $0xFFFF8000  }
0xb6: {  	[hbm4b:s0+s2] =	stream.linear.scatter [tilespmem:s5], [sflag:$0x4], $0x8000, $0x38;
	[tilespmem:$0x11000] =	vst v63  }
0xb7: {  	_ =	swait.ge [sflag:s4], $0x8000  }
0xb8: {  	[sflag:s4] =	ssyncset.done $0x0  }
0xb9: {  	[sflag:s4] =	ssyncadd.s32 $0xFFFF8000  }
0xba: {  	[tilespmem:s5], [sflag:$0x2] =	stream.indirect.gather [hbm4b:s3+s4], $0x2000, s26, s4, $0xb8;
	[tilespmem:$0x11000] =	vst v63  }
0xbb: {  	_ =	swait.ge [sflag:s9], $0x8000  }
0xbc: {  	[sflag:s9] =	ssyncset.done $0x0  }
0xbd: {  	s0 =	rddreg [dreg:$0x11];
	[sflag:s9] =	ssyncadd.s32 $0xFFFF8000  }
0xbe: {  	[hbm4b:s0+s2] =	stream.linear.scatter [tilespmem:s6], [sflag:$0x3], $0x8000, $0x38;
	[tilespmem:$0x11000] =	vst v63  }
0xbf: {  	_ =	swait.ge [sflag:s7], $0x8000  }
0xc0: {  	[sflag:s7] =	ssyncset.done $0x0  }
0xc1: {  	[sflag:s7] =	ssyncadd.s32 $0xFFFF8000  }
0xc2: {  	[tilespmem:s6], [sflag:$0x1] =	stream.indirect.gather [hbm4b:s3+s4], $0x2000, s25, s4, $0xb8;
	[tilespmem:$0x11000] =	vst v63  }
0xc3: {  	_ =	swait.ge [sflag:s8], $0x8000  }
0xc4: {  	[sflag:s8] =	ssyncset.done $0x0  }
0xc5: {  	s0 =	rddreg [dreg:$0x12];
	[sflag:s8] =	ssyncadd.s32 $0xFFFF8000  }
0xc6: {  	[hbm4b:s0+s2] =	stream.linear.scatter [tilespmem:s5], [sflag:$0x4], $0x8000, $0x38;
	[tilespmem:$0x11000] =	vst v63  }
0xc7: {  	_ =	swait.ge [sflag:s4], $0x8000  }
0xc8: {  	[sflag:s4] =	ssyncset.done $0x0  }
0xc9: {  	[sflag:s4] =	ssyncadd.s32 $0xFFFF8000  }
0xca: {  	[tilespmem:s5], [sflag:$0x2] =	stream.indirect.gather [hbm4b:s3+s4], $0x2000, s24, s4, $0xb8;
	[tilespmem:$0x11000] =	vst v63  }
0xcb: {  	_ =	swait.ge [sflag:s9], $0x8000  }
0xcc: {  	[sflag:s9] =	ssyncset.done $0x0  }
0xcd: {  	s0 =	rddreg [dreg:$0x13];
	[sflag:s9] =	ssyncadd.s32 $0xFFFF8000  }
0xce: {  	[hbm4b:s0+s2] =	stream.linear.scatter [tilespmem:s6], [sflag:$0x3], $0x8000, $0x38;
	[tilespmem:$0x11000] =	vst v63  }
0xcf: {  	_ =	swait.ge [sflag:s7], $0x8000  }
0xd0: {  	[sflag:s7] =	ssyncset.done $0x0  }
0xd1: {  	[sflag:s7] =	ssyncadd.s32 $0xFFFF8000  }
0xd2: {  	[tilespmem:s6], [sflag:$0x1] =	stream.indirect.gather [hbm4b:s3+s4], $0x2000, s23, s4, $0xb8;
	[tilespmem:$0x11000] =	vst v63  }
0xd3: {  	_ =	swait.ge [sflag:s8], $0x8000  }
0xd4: {  	[sflag:s8] =	ssyncset.done $0x0  }
0xd5: {  	s0 =	rddreg [dreg:$0x14];
	[sflag:s8] =	ssyncadd.s32 $0xFFFF8000  }
0xd6: {  	[hbm4b:s0+s2] =	stream.linear.scatter [tilespmem:s5], [sflag:$0x4], $0x8000, $0x38;
	[tilespmem:$0x11000] =	vst v63  }
0xd7: {  	_ =	swait.ge [sflag:s4], $0x8000  }
0xd8: {  	[sflag:s4] =	ssyncset.done $0x0  }
0xd9: {  	[sflag:s4] =	ssyncadd.s32 $0xFFFF8000  }
0xda: {  	[tilespmem:s5], [sflag:$0x2] =	stream.indirect.gather [hbm4b:s3+s4], $0x2000, s22, s4, $0xb8;
	[tilespmem:$0x11000] =	vst v63  }
0xdb: {  	_ =	swait.ge [sflag:s9], $0x8000  }
0xdc: {  	[sflag:s9] =	ssyncset.done $0x0  }
0xdd: {  	s0 =	rddreg [dreg:$0x15];
	[sflag:s9] =	ssyncadd.s32 $0xFFFF8000  }
0xde: {  	[hbm4b:s0+s2] =	stream.linear.scatter [tilespmem:s6], [sflag:$0x3], $0x8000, $0x38;
	[tilespmem:$0x11000] =	vst v63  }
0xdf: {  	_ =	swait.ge [sflag:s7], $0x8000  }
0xe0: {  	[sflag:s7] =	ssyncset.done $0x0  }
0xe1: {  	[sflag:s7] =	ssyncadd.s32 $0xFFFF8000  }
0xe2: {  	[tilespmem:s6], [sflag:$0x1] =	stream.indirect.gather [hbm4b:s3+s4], $0x2000, s21, s4, $0xb8;
	[tilespmem:$0x11000] =	vst v63  }
0xe3: {  	_ =	swait.ge [sflag:s8], $0x8000  }
0xe4: {  	[sflag:s8] =	ssyncset.done $0x0  }
0xe5: {  	s0 =	rddreg [dreg:$0x16];
	[sflag:s8] =	ssyncadd.s32 $0xFFFF8000  }
0xe6: {  	[hbm4b:s0+s2] =	stream.linear.scatter [tilespmem:s5], [sflag:$0x4], $0x8000, $0x38;
	[tilespmem:$0x11000] =	vst v63  }
0xe7: {  	_ =	swait.ge [sflag:s4], $0x8000  }
0xe8: {  	[sflag:s4] =	ssyncset.done $0x0  }
0xe9: {  	[sflag:s4] =	ssyncadd.s32 $0xFFFF8000  }
0xea: {  	[tilespmem:s5], [sflag:$0x2] =	stream.indirect.gather [hbm4b:s3+s4], $0x2000, s20, s4, $0xb8;
	[tilespmem:$0x11000] =	vst v63  }
0xeb: {  	_ =	swait.ge [sflag:s9], $0x8000  }
0xec: {  	[sflag:s9] =	ssyncset.done $0x0  }
0xed: {  	s0 =	rddreg [dreg:$0x17];
	[sflag:s9] =	ssyncadd.s32 $0xFFFF8000  }
0xee: {  	[hbm4b:s0+s2] =	stream.linear.scatter [tilespmem:s6], [sflag:$0x3], $0x8000, $0x38;
	[tilespmem:$0x11000] =	vst v63  }
0xef: {  	_ =	swait.ge [sflag:s7], $0x8000  }
0xf0: {  	[sflag:s7] =	ssyncset.done $0x0  }
0xf1: {  	[sflag:s7] =	ssyncadd.s32 $0xFFFF8000  }
0xf2: {  	[tilespmem:s6], [sflag:$0x1] =	stream.indirect.gather [hbm4b:s3+s4], $0x2000, s19, s4, $0xb8;
	[tilespmem:$0x11000] =	vst v63  }
0xf3: {  	_ =	swait.ge [sflag:s8], $0x8000  }
0xf4: {  	[sflag:s8] =	ssyncset.done $0x0  }
0xf5: {  	s0 =	rddreg [dreg:$0x18];
	[sflag:s8] =	ssyncadd.s32 $0xFFFF8000  }
0xf6: {  	[hbm4b:s0+s2] =	stream.linear.scatter [tilespmem:s5], [sflag:$0x4], $0x8000, $0x38;
	[tilespmem:$0x11000] =	vst v63  }
0xf7: {  	_ =	swait.ge [sflag:s4], $0x8000  }
0xf8: {  	[sflag:s4] =	ssyncset.done $0x0  }
0xf9: {  	[sflag:s4] =	ssyncadd.s32 $0xFFFF8000  }
0xfa: {  	[tilespmem:s5], [sflag:$0x2] =	stream.indirect.gather [hbm4b:s3+s4], $0x2000, s18, s4, $0xb8;
	[tilespmem:$0x11000] =	vst v63  }
0xfb: {  	_ =	swait.ge [sflag:s9], $0x8000  }
0xfc: {  	[sflag:s9] =	ssyncset.done $0x0  }
0xfd: {  	s0 =	rddreg [dreg:$0x19];
	[sflag:s9] =	ssyncadd.s32 $0xFFFF8000  }
0xfe: {  	[hbm4b:s0+s2] =	stream.linear.scatter [tilespmem:s6], [sflag:$0x3], $0x8000, $0x38;
	[tilespmem:$0x11000] =	vst v63  }
0xff: {  	_ =	swait.ge [sflag:s7], $0x8000  }
0x100: {  	[sflag:s7] =	ssyncset.done $0x0  }
0x101: {  	[sflag:s7] =	ssyncadd.s32 $0xFFFF8000  }
0x102: {  	[tilespmem:s6], [sflag:$0x1] =	stream.indirect.gather [hbm4b:s3+s4], $0x2000, s17, s4, $0xb8;
	[tilespmem:$0x11000] =	vst v63  }
0x103: {  	_ =	swait.ge [sflag:s8], $0x8000  }
0x104: {  	[sflag:s8] =	ssyncset.done $0x0  }
0x105: {  	s0 =	rddreg [dreg:$0x1a];
	[sflag:s8] =	ssyncadd.s32 $0xFFFF8000  }
0x106: {  	[hbm4b:s0+s2] =	stream.linear.scatter [tilespmem:s5], [sflag:$0x4], $0x8000, $0x38;
	[tilespmem:$0x11000] =	vst v63  }
0x107: {  	_ =	swait.ge [sflag:s4], $0x8000  }
0x108: {  	[sflag:s4] =	ssyncset.done $0x0  }
0x109: {  	[sflag:s4] =	ssyncadd.s32 $0xFFFF8000  }
0x10a: {  	[tilespmem:s5], [sflag:$0x2] =	stream.indirect.gather [hbm4b:s3+s4], $0x2000, s16, s4, $0xb8;
	[tilespmem:$0x11000] =	vst v63  }
0x10b: {  	_ =	swait.ge [sflag:s9], $0x8000  }
0x10c: {  	[sflag:s9] =	ssyncset.done $0x0  }
0x10d: {  	s0 =	rddreg [dreg:$0x1b];
	[sflag:s9] =	ssyncadd.s32 $0xFFFF8000  }
0x10e: {  	[hbm4b:s0+s2] =	stream.linear.scatter [tilespmem:s6], [sflag:$0x3], $0x8000, $0x38;
	[tilespmem:$0x11000] =	vst v63  }
0x10f: {  	_ =	swait.ge [sflag:s7], $0x8000  }
0x110: {  	[sflag:s7] =	ssyncset.done $0x0  }
0x111: {  	[sflag:s7] =	ssyncadd.s32 $0xFFFF8000  }
0x112: {  	[tilespmem:s6], [sflag:$0x1] =	stream.indirect.gather [hbm4b:s3+s4], $0x2000, s15, s4, $0xb8;
	[tilespmem:$0x11000] =	vst v63  }
0x113: {  	_ =	swait.ge [sflag:s8], $0x8000  }
0x114: {  	[sflag:s8] =	ssyncset.done $0x0  }
0x115: {  	s0 =	rddreg [dreg:$0x1c];
	[sflag:s8] =	ssyncadd.s32 $0xFFFF8000  }
0x116: {  	[hbm4b:s0+s2] =	stream.linear.scatter [tilespmem:s5], [sflag:$0x4], $0x8000, $0x38;
	[tilespmem:$0x11000] =	vst v63  }
0x117: {  	_ =	swait.ge [sflag:s4], $0x8000  }
0x118: {  	[sflag:s4] =	ssyncset.done $0x0  }
0x119: {  	[sflag:s4] =	ssyncadd.s32 $0xFFFF8000  }
0x11a: {  	[tilespmem:s5], [sflag:$0x2] =	stream.indirect.gather [hbm4b:s3+s4], $0x2000, s14, s4, $0xb8;
	[tilespmem:$0x11000] =	vst v63  }
0x11b: {  	_ =	swait.ge [sflag:s9], $0x8000  }
0x11c: {  	[sflag:s9] =	ssyncset.done $0x0  }
0x11d: {  	s0 =	rddreg [dreg:$0x1d];
	[sflag:s9] =	ssyncadd.s32 $0xFFFF8000  }
0x11e: {  	[hbm4b:s0+s2] =	stream.linear.scatter [tilespmem:s6], [sflag:$0x3], $0x8000, $0x38;
	[tilespmem:$0x11000] =	vst v63  }
0x11f: {  	_ =	swait.ge [sflag:s7], $0x8000  }
0x120: {  	[sflag:s7] =	ssyncset.done $0x0  }
0x121: {  	[sflag:s7] =	ssyncadd.s32 $0xFFFF8000  }
0x122: {  	[tilespmem:s6], [sflag:$0x1] =	stream.indirect.gather [hbm4b:s3+s4], $0x2000, s13, s4, $0xb8;
	[tilespmem:$0x11000] =	vst v63  }
0x123: {  	_ =	swait.ge [sflag:s8], $0x8000  }
0x124: {  	[sflag:s8] =	ssyncset.done $0x0  }
0x125: {  	s0 =	rddreg [dreg:$0x1e];
	[sflag:s8] =	ssyncadd.s32 $0xFFFF8000  }
0x126: {  	[hbm4b:s0+s2] =	stream.linear.scatter [tilespmem:s5], [sflag:$0x4], $0x8000, $0x38;
	[tilespmem:$0x11000] =	vst v63  }
0x127: {  	_ =	swait.ge [sflag:s4], $0x8000  }
0x128: {  	[sflag:s4] =	ssyncset.done $0x0  }
0x129: {  	[sflag:s4] =	ssyncadd.s32 $0xFFFF8000  }
0x12a: {  	[tilespmem:s5], [sflag:$0x2] =	stream.indirect.gather [hbm4b:s3+s4], $0x2000, s12, s4, $0xb8;
	[tilespmem:$0x11000] =	vst v63  }
0x12b: {  	_ =	swait.ge [sflag:s9], $0x8000  }
0x12c: {  	[sflag:s9] =	ssyncset.done $0x0  }
0x12d: {  	s0 =	rddreg [dreg:$0x1f];
	[sflag:s9] =	ssyncadd.s32 $0xFFFF8000  }
0x12e: {  	[hbm4b:s0+s2] =	stream.linear.scatter [tilespmem:s6], [sflag:$0x3], $0x8000, $0x38;
	[tilespmem:$0x11000] =	vst v63  }
0x12f: {  	_ =	swait.ge [sflag:s7], $0x8000  }
0x130: {  	[sflag:s7] =	ssyncset.done $0x0  }
0x131: {  	[sflag:s7] =	ssyncadd.s32 $0xFFFF8000  }
0x132: {  	[tilespmem:s6], [sflag:$0x1] =	stream.indirect.gather [hbm4b:s3+s4], $0x2000, s11, s4, $0xb8;
	[tilespmem:$0x11000] =	vst v63  }
0x133: {  	_ =	swait.ge [sflag:s8], $0x8000  }
0x134: {  	s0 =	sld [smem:$0x7F0]  }
0x135: {  	[sflag:s8] =	ssyncset.done $0x0  }
0x136: {  	[sflag:s8] =	ssyncadd.s32 $0xFFFF8000  }
0x137: {  	[hbm4b:s0+s2] =	stream.linear.scatter [tilespmem:s5], [sflag:$0x4], $0x8000, $0x38;
	[tilespmem:$0x11000] =	vst v63  }
0x138: {  	_ =	swait.ge [sflag:s4], $0x8000  }
0x139: {  	[sflag:s4] =	ssyncset.done $0x0  }
0x13a: {  	[sflag:s4] =	ssyncadd.s32 $0xFFFF8000  }
0x13b: {  	[tilespmem:s5], [sflag:$0x2] =	stream.indirect.gather [hbm4b:s3+s4], $0x2000, s10, s4, $0xb8;
	[tilespmem:$0x11000] =	vst v63  }
0x13c: {  	_ =	swait.ge [sflag:s9], $0x8000  }
0x13d: {  	s0 =	sld [smem:$0x7F1]  }
0x13e: {  	[sflag:s9] =	ssyncset.done $0x0  }
0x13f: {  	[sflag:s9] =	ssyncadd.s32 $0xFFFF8000  }
0x140: {  	[hbm4b:s0+s2] =	stream.linear.scatter [tilespmem:s6], [sflag:$0x3], $0x8000, $0x38;
	[tilespmem:$0x11000] =	vst v63  }
0x141: {  	_ =	swait.ge [sflag:s8], $0x8000  }
0x142: {  	s0 =	sld [smem:$0x7F2]  }
0x143: {  	[sflag:s8] =	ssyncset.done $0x0  }
0x144: {  	p1 =	sne.s32 s1, $0x1;
	[sflag:s8] =	ssyncadd.s32 $0xFFFF8000  }
0x145: {  	[hbm4b:s0+s2] =	stream.linear.scatter [tilespmem:s5], [sflag:$0x4], $0x8000, $0x38;
	[tilespmem:$0x11000] =	vst v63  }
.Ltmp1:
0x146: {  	_ =	swait.ge [sflag:s7], $0x8000;
	(pc) =	sbr.rel @!p1 .LBB2_3-.Ltmp1, $4  }
0x147: {  	[sflag:s7] =	ssyncset.done $0x0  }
0x148: {  	[sflag:s7] =	ssyncadd.s32 $0xFFFF8000  }
0x149: {  	s1 =	sadd.s32 $0xFFFFFFFF, s1;
	_ =	swait.ge [sflag:s4], $0x8000  }
0x14a: {  	p0 =	por $0x1, $0x1;
	s0 =	rddreg [dreg:$0x2];
	[sflag:s4] =	ssyncset.done $0x0  }
.LBB2_2:
0x14b: {  	[sflag:s4] =	ssyncadd.s32 $0xFFFF8000  }
0x14c: {  	[tilespmem:s2], [sflag:$0x5] =	stream.linear.gather [hbm4b:s0+s2], $0x1000, $0x38;
	[tilespmem:$0x11000] =	vst v63  }
0x14d: {  	_ =	swait.ge [sflag:s31], $0x1000  }
0x14e: {  	[sflag:s31] =	ssyncset.done $0x0  }
0x14f: {  	s0 =	sld [smem:$0x7F3];
	[sflag:s31] =	ssyncadd.s32 $0xFFFFF000  }
0x150: {  	[tilespmem:s6], [sflag:$0x1] =	stream.indirect.gather [hbm4b:s3+s4], $0x2000, s2, s4, $0xb8;
	[tilespmem:$0x11000] =	vst v63  }
0x151: {  	_ = 	snop  }
0x152: {  	[tilespmem:s5], [sflag:$0x2] =	stream.indirect.gather [hbm4b:s3+s4], $0x2000, s0, s4, $0xb8;
	[tilespmem:$0x11000] =	vst v63  }
0x153: {  	_ =	swait.ge [sflag:s9], $0x8000  }
0x154: {  	[sflag:s9] =	ssyncset.done $0x0  }
0x155: {  	s0 =	rddreg [dreg:$0x3];
	[sflag:s9] =	ssyncadd.s32 $0xFFFF8000  }
0x156: {  	[hbm4b:s0+s2] =	stream.linear.scatter [tilespmem:s6], [sflag:$0x3], $0x8000, $0x38;
	[tilespmem:$0x11000] =	vst v63  }
0x157: {  	_ =	swait.ge [sflag:s7], $0x8000  }
0x158: {  	s0 =	sld [smem:$0x7F4]  }
0x159: {  	[sflag:s7] =	ssyncset.done $0x0  }
0x15a: {  	[sflag:s7] =	ssyncadd.s32 $0xFFFF8000  }
0x15b: {  	[tilespmem:s6], [sflag:$0x1] =	stream.indirect.gather [hbm4b:s3+s4], $0x2000, s0, s4, $0xb8;
	[tilespmem:$0x11000] =	vst v63  }
0x15c: {  	_ =	swait.ge [sflag:s8], $0x8000  }
0x15d: {  	[sflag:s8] =	ssyncset.done $0x0  }
0x15e: {  	s0 =	rddreg [dreg:$0x4];
	[sflag:s8] =	ssyncadd.s32 $0xFFFF8000  }
0x15f: {  	[hbm4b:s0+s2] =	stream.linear.scatter [tilespmem:s5], [sflag:$0x4], $0x8000, $0x38;
	[tilespmem:$0x11000] =	vst v63  }
0x160: {  	_ =	swait.ge [sflag:s4], $0x8000  }
0x161: {  	s0 =	sld [smem:$0x7F5]  }
0x162: {  	[sflag:s4] =	ssyncset.done $0x0  }
0x163: {  	[sflag:s4] =	ssyncadd.s32 $0xFFFF8000  }
0x164: {  	[tilespmem:s5], [sflag:$0x2] =	stream.indirect.gather [hbm4b:s3+s4], $0x2000, s0, s4, $0xb8;
	[tilespmem:$0x11000] =	vst v63  }
0x165: {  	_ =	swait.ge [sflag:s9], $0x8000  }
0x166: {  	[sflag:s9] =	ssyncset.done $0x0  }
0x167: {  	s0 =	rddreg [dreg:$0x5];
	[sflag:s9] =	ssyncadd.s32 $0xFFFF8000  }
0x168: {  	[hbm4b:s0+s2] =	stream.linear.scatter [tilespmem:s6], [sflag:$0x3], $0x8000, $0x38;
	[tilespmem:$0x11000] =	vst v63  }
0x169: {  	_ =	swait.ge [sflag:s7], $0x8000  }
0x16a: {  	s0 =	sld [smem:$0x7F6]  }
0x16b: {  	[sflag:s7] =	ssyncset.done $0x0  }
0x16c: {  	[sflag:s7] =	ssyncadd.s32 $0xFFFF8000  }
0x16d: {  	[tilespmem:s6], [sflag:$0x1] =	stream.indirect.gather [hbm4b:s3+s4], $0x2000, s0, s4, $0xb8;
	[tilespmem:$0x11000] =	vst v63  }
0x16e: {  	_ =	swait.ge [sflag:s8], $0x8000  }
0x16f: {  	[sflag:s8] =	ssyncset.done $0x0  }
0x170: {  	s0 =	rddreg [dreg:$0x6];
	[sflag:s8] =	ssyncadd.s32 $0xFFFF8000  }
0x171: {  	[hbm4b:s0+s2] =	stream.linear.scatter [tilespmem:s5], [sflag:$0x4], $0x8000, $0x38;
	[tilespmem:$0x11000] =	vst v63  }
0x172: {  	_ =	swait.ge [sflag:s4], $0x8000  }
0x173: {  	s0 =	sld [smem:$0x7F7]  }
0x174: {  	[sflag:s4] =	ssyncset.done $0x0  }
0x175: {  	[sflag:s4] =	ssyncadd.s32 $0xFFFF8000  }
0x176: {  	[tilespmem:s5], [sflag:$0x2] =	stream.indirect.gather [hbm4b:s3+s4], $0x2000, s0, s4, $0xb8;
	[tilespmem:$0x11000] =	vst v63  }
0x177: {  	_ =	swait.ge [sflag:s9], $0x8000  }
0x178: {  	[sflag:s9] =	ssyncset.done $0x0  }
0x179: {  	s0 =	rddreg [dreg:$0x7];
	[sflag:s9] =	ssyncadd.s32 $0xFFFF8000  }
0x17a: {  	[hbm4b:s0+s2] =	stream.linear.scatter [tilespmem:s6], [sflag:$0x3], $0x8000, $0x38;
	[tilespmem:$0x11000] =	vst v63  }
0x17b: {  	_ =	swait.ge [sflag:s7], $0x8000  }
0x17c: {  	s0 =	sld [smem:$0x7F8]  }
0x17d: {  	[sflag:s7] =	ssyncset.done $0x0  }
0x17e: {  	[sflag:s7] =	ssyncadd.s32 $0xFFFF8000  }
0x17f: {  	[tilespmem:s6], [sflag:$0x1] =	stream.indirect.gather [hbm4b:s3+s4], $0x2000, s0, s4, $0xb8;
	[tilespmem:$0x11000] =	vst v63  }
0x180: {  	_ =	swait.ge [sflag:s8], $0x8000  }
0x181: {  	[sflag:s8] =	ssyncset.done $0x0  }
0x182: {  	s0 =	rddreg [dreg:$0x8];
	[sflag:s8] =	ssyncadd.s32 $0xFFFF8000  }
0x183: {  	[hbm4b:s0+s2] =	stream.linear.scatter [tilespmem:s5], [sflag:$0x4], $0x8000, $0x38;
	[tilespmem:$0x11000] =	vst v63  }
0x184: {  	_ =	swait.ge [sflag:s4], $0x8000  }
0x185: {  	s0 =	sld [smem:$0x7F9]  }
0x186: {  	[sflag:s4] =	ssyncset.done $0x0  }
0x187: {  	[sflag:s4] =	ssyncadd.s32 $0xFFFF8000  }
0x188: {  	[tilespmem:s5], [sflag:$0x2] =	stream.indirect.gather [hbm4b:s3+s4], $0x2000, s0, s4, $0xb8;
	[tilespmem:$0x11000] =	vst v63  }
0x189: {  	_ =	swait.ge [sflag:s9], $0x8000  }
0x18a: {  	[sflag:s9] =	ssyncset.done $0x0  }
0x18b: {  	s0 =	rddreg [dreg:$0x9];
	[sflag:s9] =	ssyncadd.s32 $0xFFFF8000  }
0x18c: {  	[hbm4b:s0+s2] =	stream.linear.scatter [tilespmem:s6], [sflag:$0x3], $0x8000, $0x38;
	[tilespmem:$0x11000] =	vst v63  }
0x18d: {  	_ =	swait.ge [sflag:s7], $0x8000  }
0x18e: {  	s0 =	sld [smem:$0x7FA]  }
0x18f: {  	[sflag:s7] =	ssyncset.done $0x0  }
0x190: {  	[sflag:s7] =	ssyncadd.s32 $0xFFFF8000  }
0x191: {  	[tilespmem:s6], [sflag:$0x1] =	stream.indirect.gather [hbm4b:s3+s4], $0x2000, s0, s4, $0xb8;
	[tilespmem:$0x11000] =	vst v63  }
0x192: {  	_ =	swait.ge [sflag:s8], $0x8000  }
0x193: {  	[sflag:s8] =	ssyncset.done $0x0  }
0x194: {  	s0 =	rddreg [dreg:$0xa];
	[sflag:s8] =	ssyncadd.s32 $0xFFFF8000  }
0x195: {  	[hbm4b:s0+s2] =	stream.linear.scatter [tilespmem:s5], [sflag:$0x4], $0x8000, $0x38;
	[tilespmem:$0x11000] =	vst v63  }
0x196: {  	_ =	swait.ge [sflag:s4], $0x8000  }
0x197: {  	s0 =	sld [smem:$0x7FB]  }
0x198: {  	[sflag:s4] =	ssyncset.done $0x0  }
0x199: {  	[sflag:s4] =	ssyncadd.s32 $0xFFFF8000  }
0x19a: {  	[tilespmem:s5], [sflag:$0x2] =	stream.indirect.gather [hbm4b:s3+s4], $0x2000, s0, s4, $0xb8;
	[tilespmem:$0x11000] =	vst v63  }
0x19b: {  	_ =	swait.ge [sflag:s9], $0x8000  }
0x19c: {  	[sflag:s9] =	ssyncset.done $0x0  }
0x19d: {  	s0 =	rddreg [dreg:$0xb];
	[sflag:s9] =	ssyncadd.s32 $0xFFFF8000  }
0x19e: {  	[hbm4b:s0+s2] =	stream.linear.scatter [tilespmem:s6], [sflag:$0x3], $0x8000, $0x38;
	[tilespmem:$0x11000] =	vst v63  }
0x19f: {  	_ =	swait.ge [sflag:s7], $0x8000  }
0x1a0: {  	s0 =	sld [smem:$0x7FC]  }
0x1a1: {  	[sflag:s7] =	ssyncset.done $0x0  }
0x1a2: {  	[sflag:s7] =	ssyncadd.s32 $0xFFFF8000  }
0x1a3: {  	[tilespmem:s6], [sflag:$0x1] =	stream.indirect.gather [hbm4b:s3+s4], $0x2000, s0, s4, $0xb8;
	[tilespmem:$0x11000] =	vst v63  }
0x1a4: {  	_ =	swait.ge [sflag:s8], $0x8000  }
0x1a5: {  	[sflag:s8] =	ssyncset.done $0x0  }
0x1a6: {  	s0 =	rddreg [dreg:$0xc];
	[sflag:s8] =	ssyncadd.s32 $0xFFFF8000  }
0x1a7: {  	[hbm4b:s0+s2] =	stream.linear.scatter [tilespmem:s5], [sflag:$0x4], $0x8000, $0x38;
	[tilespmem:$0x11000] =	vst v63  }
0x1a8: {  	_ =	swait.ge [sflag:s4], $0x8000  }
0x1a9: {  	s0 =	sld [smem:$0x7FD]  }
0x1aa: {  	[sflag:s4] =	ssyncset.done $0x0  }
0x1ab: {  	[sflag:s4] =	ssyncadd.s32 $0xFFFF8000  }
0x1ac: {  	[tilespmem:s5], [sflag:$0x2] =	stream.indirect.gather [hbm4b:s3+s4], $0x2000, s0, s4, $0xb8;
	[tilespmem:$0x11000] =	vst v63  }
0x1ad: {  	_ =	swait.ge [sflag:s9], $0x8000  }
0x1ae: {  	[sflag:s9] =	ssyncset.done $0x0  }
0x1af: {  	s0 =	rddreg [dreg:$0xd];
	[sflag:s9] =	ssyncadd.s32 $0xFFFF8000  }
0x1b0: {  	[hbm4b:s0+s2] =	stream.linear.scatter [tilespmem:s6], [sflag:$0x3], $0x8000, $0x38;
	[tilespmem:$0x11000] =	vst v63  }
0x1b1: {  	_ =	swait.ge [sflag:s7], $0x8000  }
0x1b2: {  	[sflag:s7] =	ssyncset.done $0x0  }
0x1b3: {  	[sflag:s7] =	ssyncadd.s32 $0xFFFF8000  }
0x1b4: {  	[tilespmem:s6], [sflag:$0x1] =	stream.indirect.gather [hbm4b:s3+s4], $0x2000, s30, s4, $0xb8;
	[tilespmem:$0x11000] =	vst v63  }
0x1b5: {  	_ =	swait.ge [sflag:s8], $0x8000  }
0x1b6: {  	[sflag:s8] =	ssyncset.done $0x0  }
0x1b7: {  	s0 =	rddreg [dreg:$0xe];
	[sflag:s8] =	ssyncadd.s32 $0xFFFF8000  }
0x1b8: {  	[hbm4b:s0+s2] =	stream.linear.scatter [tilespmem:s5], [sflag:$0x4], $0x8000, $0x38;
	[tilespmem:$0x11000] =	vst v63  }
0x1b9: {  	_ =	swait.ge [sflag:s4], $0x8000  }
0x1ba: {  	[sflag:s4] =	ssyncset.done $0x0  }
0x1bb: {  	[sflag:s4] =	ssyncadd.s32 $0xFFFF8000  }
0x1bc: {  	[tilespmem:s5], [sflag:$0x2] =	stream.indirect.gather [hbm4b:s3+s4], $0x2000, s29, s4, $0xb8;
	[tilespmem:$0x11000] =	vst v63  }
0x1bd: {  	_ =	swait.ge [sflag:s9], $0x8000  }
0x1be: {  	[sflag:s9] =	ssyncset.done $0x0  }
0x1bf: {  	s0 =	rddreg [dreg:$0xf];
	[sflag:s9] =	ssyncadd.s32 $0xFFFF8000  }
0x1c0: {  	[hbm4b:s0+s2] =	stream.linear.scatter [tilespmem:s6], [sflag:$0x3], $0x8000, $0x38;
	[tilespmem:$0x11000] =	vst v63  }
0x1c1: {  	_ =	swait.ge [sflag:s7], $0x8000  }
0x1c2: {  	[sflag:s7] =	ssyncset.done $0x0  }
0x1c3: {  	[sflag:s7] =	ssyncadd.s32 $0xFFFF8000  }
0x1c4: {  	[tilespmem:s6], [sflag:$0x1] =	stream.indirect.gather [hbm4b:s3+s4], $0x2000, s28, s4, $0xb8;
	[tilespmem:$0x11000] =	vst v63  }
0x1c5: {  	_ =	swait.ge [sflag:s8], $0x8000  }
0x1c6: {  	[sflag:s8] =	ssyncset.done $0x0  }
0x1c7: {  	s0 =	rddreg [dreg:$0x10];
	[sflag:s8] =	ssyncadd.s32 $0xFFFF8000  }
0x1c8: {  	[hbm4b:s0+s2] =	stream.linear.scatter [tilespmem:s5], [sflag:$0x4], $0x8000, $0x38;
	[tilespmem:$0x11000] =	vst v63  }
0x1c9: {  	_ =	swait.ge [sflag:s4], $0x8000  }
0x1ca: {  	[sflag:s4] =	ssyncset.done $0x0  }
0x1cb: {  	[sflag:s4] =	ssyncadd.s32 $0xFFFF8000  }
0x1cc: {  	[tilespmem:s5], [sflag:$0x2] =	stream.indirect.gather [hbm4b:s3+s4], $0x2000, s26, s4, $0xb8;
	[tilespmem:$0x11000] =	vst v63  }
0x1cd: {  	_ =	swait.ge [sflag:s9], $0x8000  }
0x1ce: {  	[sflag:s9] =	ssyncset.done $0x0  }
0x1cf: {  	s0 =	rddreg [dreg:$0x11];
	[sflag:s9] =	ssyncadd.s32 $0xFFFF8000  }
0x1d0: {  	[hbm4b:s0+s2] =	stream.linear.scatter [tilespmem:s6], [sflag:$0x3], $0x8000, $0x38;
	[tilespmem:$0x11000] =	vst v63  }
0x1d1: {  	_ =	swait.ge [sflag:s7], $0x8000  }
0x1d2: {  	[sflag:s7] =	ssyncset.done $0x0  }
0x1d3: {  	[sflag:s7] =	ssyncadd.s32 $0xFFFF8000  }
0x1d4: {  	[tilespmem:s6], [sflag:$0x1] =	stream.indirect.gather [hbm4b:s3+s4], $0x2000, s25, s4, $0xb8;
	[tilespmem:$0x11000] =	vst v63  }
0x1d5: {  	_ =	swait.ge [sflag:s8], $0x8000  }
0x1d6: {  	[sflag:s8] =	ssyncset.done $0x0  }
0x1d7: {  	s0 =	rddreg [dreg:$0x12];
	[sflag:s8] =	ssyncadd.s32 $0xFFFF8000  }
0x1d8: {  	[hbm4b:s0+s2] =	stream.linear.scatter [tilespmem:s5], [sflag:$0x4], $0x8000, $0x38;
	[tilespmem:$0x11000] =	vst v63  }
0x1d9: {  	_ =	swait.ge [sflag:s4], $0x8000  }
0x1da: {  	[sflag:s4] =	ssyncset.done $0x0  }
0x1db: {  	[sflag:s4] =	ssyncadd.s32 $0xFFFF8000  }
0x1dc: {  	[tilespmem:s5], [sflag:$0x2] =	stream.indirect.gather [hbm4b:s3+s4], $0x2000, s24, s4, $0xb8;
	[tilespmem:$0x11000] =	vst v63  }
0x1dd: {  	_ =	swait.ge [sflag:s9], $0x8000  }
0x1de: {  	[sflag:s9] =	ssyncset.done $0x0  }
0x1df: {  	s0 =	rddreg [dreg:$0x13];
	[sflag:s9] =	ssyncadd.s32 $0xFFFF8000  }
0x1e0: {  	[hbm4b:s0+s2] =	stream.linear.scatter [tilespmem:s6], [sflag:$0x3], $0x8000, $0x38;
	[tilespmem:$0x11000] =	vst v63  }
0x1e1: {  	_ =	swait.ge [sflag:s7], $0x8000  }
0x1e2: {  	[sflag:s7] =	ssyncset.done $0x0  }
0x1e3: {  	[sflag:s7] =	ssyncadd.s32 $0xFFFF8000  }
0x1e4: {  	[tilespmem:s6], [sflag:$0x1] =	stream.indirect.gather [hbm4b:s3+s4], $0x2000, s23, s4, $0xb8;
	[tilespmem:$0x11000] =	vst v63  }
0x1e5: {  	_ =	swait.ge [sflag:s8], $0x8000  }
0x1e6: {  	[sflag:s8] =	ssyncset.done $0x0  }
0x1e7: {  	s0 =	rddreg [dreg:$0x14];
	[sflag:s8] =	ssyncadd.s32 $0xFFFF8000  }
0x1e8: {  	[hbm4b:s0+s2] =	stream.linear.scatter [tilespmem:s5], [sflag:$0x4], $0x8000, $0x38;
	[tilespmem:$0x11000] =	vst v63  }
0x1e9: {  	_ =	swait.ge [sflag:s4], $0x8000  }
0x1ea: {  	[sflag:s4] =	ssyncset.done $0x0  }
0x1eb: {  	[sflag:s4] =	ssyncadd.s32 $0xFFFF8000  }
0x1ec: {  	[tilespmem:s5], [sflag:$0x2] =	stream.indirect.gather [hbm4b:s3+s4], $0x2000, s22, s4, $0xb8;
	[tilespmem:$0x11000] =	vst v63  }
0x1ed: {  	_ =	swait.ge [sflag:s9], $0x8000  }
0x1ee: {  	[sflag:s9] =	ssyncset.done $0x0  }
0x1ef: {  	s0 =	rddreg [dreg:$0x15];
	[sflag:s9] =	ssyncadd.s32 $0xFFFF8000  }
0x1f0: {  	[hbm4b:s0+s2] =	stream.linear.scatter [tilespmem:s6], [sflag:$0x3], $0x8000, $0x38;
	[tilespmem:$0x11000] =	vst v63  }
0x1f1: {  	_ =	swait.ge [sflag:s7], $0x8000  }
0x1f2: {  	[sflag:s7] =	ssyncset.done $0x0  }
0x1f3: {  	[sflag:s7] =	ssyncadd.s32 $0xFFFF8000  }
0x1f4: {  	[tilespmem:s6], [sflag:$0x1] =	stream.indirect.gather [hbm4b:s3+s4], $0x2000, s21, s4, $0xb8;
	[tilespmem:$0x11000] =	vst v63  }
0x1f5: {  	_ =	swait.ge [sflag:s8], $0x8000  }
0x1f6: {  	[sflag:s8] =	ssyncset.done $0x0  }
0x1f7: {  	s0 =	rddreg [dreg:$0x16];
	[sflag:s8] =	ssyncadd.s32 $0xFFFF8000  }
0x1f8: {  	[hbm4b:s0+s2] =	stream.linear.scatter [tilespmem:s5], [sflag:$0x4], $0x8000, $0x38;
	[tilespmem:$0x11000] =	vst v63  }
0x1f9: {  	_ =	swait.ge [sflag:s4], $0x8000  }
0x1fa: {  	[sflag:s4] =	ssyncset.done $0x0  }
0x1fb: {  	[sflag:s4] =	ssyncadd.s32 $0xFFFF8000  }
0x1fc: {  	[tilespmem:s5], [sflag:$0x2] =	stream.indirect.gather [hbm4b:s3+s4], $0x2000, s20, s4, $0xb8;
	[tilespmem:$0x11000] =	vst v63  }
0x1fd: {  	_ =	swait.ge [sflag:s9], $0x8000  }
0x1fe: {  	[sflag:s9] =	ssyncset.done $0x0  }
0x1ff: {  	s0 =	rddreg [dreg:$0x17];
	[sflag:s9] =	ssyncadd.s32 $0xFFFF8000  }
0x200: {  	[hbm4b:s0+s2] =	stream.linear.scatter [tilespmem:s6], [sflag:$0x3], $0x8000, $0x38;
	[tilespmem:$0x11000] =	vst v63  }
0x201: {  	_ =	swait.ge [sflag:s7], $0x8000  }
0x202: {  	[sflag:s7] =	ssyncset.done $0x0  }
0x203: {  	[sflag:s7] =	ssyncadd.s32 $0xFFFF8000  }
0x204: {  	[tilespmem:s6], [sflag:$0x1] =	stream.indirect.gather [hbm4b:s3+s4], $0x2000, s19, s4, $0xb8;
	[tilespmem:$0x11000] =	vst v63  }
0x205: {  	_ =	swait.ge [sflag:s8], $0x8000  }
0x206: {  	[sflag:s8] =	ssyncset.done $0x0  }
0x207: {  	s0 =	rddreg [dreg:$0x18];
	[sflag:s8] =	ssyncadd.s32 $0xFFFF8000  }
0x208: {  	[hbm4b:s0+s2] =	stream.linear.scatter [tilespmem:s5], [sflag:$0x4], $0x8000, $0x38;
	[tilespmem:$0x11000] =	vst v63  }
0x209: {  	_ =	swait.ge [sflag:s4], $0x8000  }
0x20a: {  	[sflag:s4] =	ssyncset.done $0x0  }
0x20b: {  	[sflag:s4] =	ssyncadd.s32 $0xFFFF8000  }
0x20c: {  	[tilespmem:s5], [sflag:$0x2] =	stream.indirect.gather [hbm4b:s3+s4], $0x2000, s18, s4, $0xb8;
	[tilespmem:$0x11000] =	vst v63  }
0x20d: {  	_ =	swait.ge [sflag:s9], $0x8000  }
0x20e: {  	[sflag:s9] =	ssyncset.done $0x0  }
0x20f: {  	s0 =	rddreg [dreg:$0x19];
	[sflag:s9] =	ssyncadd.s32 $0xFFFF8000  }
0x210: {  	[hbm4b:s0+s2] =	stream.linear.scatter [tilespmem:s6], [sflag:$0x3], $0x8000, $0x38;
	[tilespmem:$0x11000] =	vst v63  }
0x211: {  	_ =	swait.ge [sflag:s7], $0x8000  }
0x212: {  	[sflag:s7] =	ssyncset.done $0x0  }
0x213: {  	[sflag:s7] =	ssyncadd.s32 $0xFFFF8000  }
0x214: {  	[tilespmem:s6], [sflag:$0x1] =	stream.indirect.gather [hbm4b:s3+s4], $0x2000, s17, s4, $0xb8;
	[tilespmem:$0x11000] =	vst v63  }
0x215: {  	_ =	swait.ge [sflag:s8], $0x8000  }
0x216: {  	[sflag:s8] =	ssyncset.done $0x0  }
0x217: {  	s0 =	rddreg [dreg:$0x1a];
	[sflag:s8] =	ssyncadd.s32 $0xFFFF8000  }
0x218: {  	[hbm4b:s0+s2] =	stream.linear.scatter [tilespmem:s5], [sflag:$0x4], $0x8000, $0x38;
	[tilespmem:$0x11000] =	vst v63  }
0x219: {  	_ =	swait.ge [sflag:s4], $0x8000  }
0x21a: {  	[sflag:s4] =	ssyncset.done $0x0  }
0x21b: {  	[sflag:s4] =	ssyncadd.s32 $0xFFFF8000  }
0x21c: {  	[tilespmem:s5], [sflag:$0x2] =	stream.indirect.gather [hbm4b:s3+s4], $0x2000, s16, s4, $0xb8;
	[tilespmem:$0x11000] =	vst v63  }
0x21d: {  	_ =	swait.ge [sflag:s9], $0x8000  }
0x21e: {  	[sflag:s9] =	ssyncset.done $0x0  }
0x21f: {  	s0 =	rddreg [dreg:$0x1b];
	[sflag:s9] =	ssyncadd.s32 $0xFFFF8000  }
0x220: {  	[hbm4b:s0+s2] =	stream.linear.scatter [tilespmem:s6], [sflag:$0x3], $0x8000, $0x38;
	[tilespmem:$0x11000] =	vst v63  }
0x221: {  	_ =	swait.ge [sflag:s7], $0x8000  }
0x222: {  	[sflag:s7] =	ssyncset.done $0x0  }
0x223: {  	[sflag:s7] =	ssyncadd.s32 $0xFFFF8000  }
0x224: {  	[tilespmem:s6], [sflag:$0x1] =	stream.indirect.gather [hbm4b:s3+s4], $0x2000, s15, s4, $0xb8;
	[tilespmem:$0x11000] =	vst v63  }
0x225: {  	_ =	swait.ge [sflag:s8], $0x8000  }
0x226: {  	[sflag:s8] =	ssyncset.done $0x0  }
0x227: {  	s0 =	rddreg [dreg:$0x1c];
	[sflag:s8] =	ssyncadd.s32 $0xFFFF8000  }
0x228: {  	[hbm4b:s0+s2] =	stream.linear.scatter [tilespmem:s5], [sflag:$0x4], $0x8000, $0x38;
	[tilespmem:$0x11000] =	vst v63  }
0x229: {  	_ =	swait.ge [sflag:s4], $0x8000  }
0x22a: {  	[sflag:s4] =	ssyncset.done $0x0  }
0x22b: {  	[sflag:s4] =	ssyncadd.s32 $0xFFFF8000  }
0x22c: {  	[tilespmem:s5], [sflag:$0x2] =	stream.indirect.gather [hbm4b:s3+s4], $0x2000, s14, s4, $0xb8;
	[tilespmem:$0x11000] =	vst v63  }
0x22d: {  	_ =	swait.ge [sflag:s9], $0x8000  }
0x22e: {  	[sflag:s9] =	ssyncset.done $0x0  }
0x22f: {  	s0 =	rddreg [dreg:$0x1d];
	[sflag:s9] =	ssyncadd.s32 $0xFFFF8000  }
0x230: {  	[hbm4b:s0+s2] =	stream.linear.scatter [tilespmem:s6], [sflag:$0x3], $0x8000, $0x38;
	[tilespmem:$0x11000] =	vst v63  }
0x231: {  	_ =	swait.ge [sflag:s7], $0x8000  }
0x232: {  	[sflag:s7] =	ssyncset.done $0x0  }
0x233: {  	[sflag:s7] =	ssyncadd.s32 $0xFFFF8000  }
0x234: {  	[tilespmem:s6], [sflag:$0x1] =	stream.indirect.gather [hbm4b:s3+s4], $0x2000, s13, s4, $0xb8;
	[tilespmem:$0x11000] =	vst v63  }
0x235: {  	_ =	swait.ge [sflag:s8], $0x8000  }
0x236: {  	[sflag:s8] =	ssyncset.done $0x0  }
0x237: {  	s0 =	rddreg [dreg:$0x1e];
	[sflag:s8] =	ssyncadd.s32 $0xFFFF8000  }
0x238: {  	[hbm4b:s0+s2] =	stream.linear.scatter [tilespmem:s5], [sflag:$0x4], $0x8000, $0x38;
	[tilespmem:$0x11000] =	vst v63  }
0x239: {  	_ =	swait.ge [sflag:s4], $0x8000  }
0x23a: {  	[sflag:s4] =	ssyncset.done $0x0  }
0x23b: {  	[sflag:s4] =	ssyncadd.s32 $0xFFFF8000  }
0x23c: {  	[tilespmem:s5], [sflag:$0x2] =	stream.indirect.gather [hbm4b:s3+s4], $0x2000, s12, s4, $0xb8;
	[tilespmem:$0x11000] =	vst v63  }
0x23d: {  	_ =	swait.ge [sflag:s9], $0x8000  }
0x23e: {  	[sflag:s9] =	ssyncset.done $0x0  }
0x23f: {  	s0 =	rddreg [dreg:$0x1f];
	[sflag:s9] =	ssyncadd.s32 $0xFFFF8000  }
0x240: {  	[hbm4b:s0+s2] =	stream.linear.scatter [tilespmem:s6], [sflag:$0x3], $0x8000, $0x38;
	[tilespmem:$0x11000] =	vst v63  }
0x241: {  	_ =	swait.ge [sflag:s7], $0x8000  }
0x242: {  	[sflag:s7] =	ssyncset.done $0x0  }
0x243: {  	[sflag:s7] =	ssyncadd.s32 $0xFFFF8000  }
0x244: {  	[tilespmem:s6], [sflag:$0x1] =	stream.indirect.gather [hbm4b:s3+s4], $0x2000, s11, s4, $0xb8;
	[tilespmem:$0x11000] =	vst v63  }
0x245: {  	_ =	swait.ge [sflag:s8], $0x8000  }
0x246: {  	s0 =	sld [smem:$0x7F0]  }
0x247: {  	[sflag:s8] =	ssyncset.done $0x0  }
0x248: {  	[sflag:s8] =	ssyncadd.s32 $0xFFFF8000  }
0x249: {  	[hbm4b:s0+s2] =	stream.linear.scatter [tilespmem:s5], [sflag:$0x4], $0x8000, $0x38;
	[tilespmem:$0x11000] =	vst v63  }
0x24a: {  	_ =	swait.ge [sflag:s4], $0x8000  }
0x24b: {  	[sflag:s4] =	ssyncset.done $0x0  }
0x24c: {  	[sflag:s4] =	ssyncadd.s32 $0xFFFF8000  }
0x24d: {  	[tilespmem:s5], [sflag:$0x2] =	stream.indirect.gather [hbm4b:s3+s4], $0x2000, s10, s4, $0xb8;
	[tilespmem:$0x11000] =	vst v63  }
0x24e: {  	_ =	swait.ge [sflag:s9], $0x8000  }
0x24f: {  	s0 =	sld [smem:$0x7F1]  }
0x250: {  	[sflag:s9] =	ssyncset.done $0x0  }
0x251: {  	[sflag:s9] =	ssyncadd.s32 $0xFFFF8000  }
0x252: {  	[hbm4b:s0+s2] =	stream.linear.scatter [tilespmem:s6], [sflag:$0x3], $0x8000, $0x38;
	[tilespmem:$0x11000] =	vst v63  }
0x253: {  	_ =	swait.ge [sflag:s8], $0x8000  }
0x254: {  	s0 =	sld [smem:$0x7F2]  }
0x255: {  	[sflag:s8] =	ssyncset.done $0x0  }
0x256: {  	p1 =	sne.s32 s1, $0x1;
	[sflag:s8] =	ssyncadd.s32 $0xFFFF8000  }
0x257: {  	[hbm4b:s0+s2] =	stream.linear.scatter [tilespmem:s5], [sflag:$0x4], $0x8000, $0x38;
	[tilespmem:$0x11000] =	vst v63  }
.Ltmp2:
0x258: {  	_ =	swait.ge [sflag:s7], $0x8000;
	(pc) =	sbr.rel @p1 .LBB2_2-.Ltmp2, $4  }
0x259: {  	[sflag:s7] =	ssyncset.done $0x0  }
0x25a: {  	[sflag:s7] =	ssyncadd.s32 $0xFFFF8000  }
0x25b: {  	_ =	swait.ge [sflag:s4], $0x8000  }
0x25c: {  	s1 =	sadd.s32 $0xFFFFFFFF, s1;
	s0 =	rddreg [dreg:$0x2];
	[sflag:s4] =	ssyncset.done $0x0  }
.LBB2_3:
0x25d: {  	[sflag:s4] =	ssyncadd.s32 @p0 $0xFFFF8000  }
0x25e: {  	[tilespmem:s2], [sflag:$0x5] =	stream.linear.gather [hbm4b:s0+s2], $0x1000, $0x38;
	[tilespmem:$0x11000] =	vst v63  }
0x25f: {  	_ =	swait.ge [sflag:s31], $0x1000  }
0x260: {  	[sflag:s31] =	ssyncset.done $0x0  }
0x261: {  	s1 =	sld [smem:$0x7F3];
	[sflag:s31] =	ssyncadd.s32 $0xFFFFF000  }
0x262: {  	[tilespmem:s6], [sflag:$0x1] =	stream.indirect.gather [hbm4b:s3+s4], $0x2000, s2, s4, $0xb8;
	[tilespmem:$0x11000] =	vst v63  }
0x263: {  	_ = 	snop  }
0x264: {  	[tilespmem:s5], [sflag:$0x2] =	stream.indirect.gather [hbm4b:s3+s4], $0x2000, s1, s4, $0xb8;
	[tilespmem:$0x11000] =	vst v63  }
0x265: {  	_ =	swait.ge [sflag:s9], $0x8000  }
0x266: {  	[sflag:s9] =	ssyncset.done $0x0  }
0x267: {  	s31 =	rddreg [dreg:$0x3];
	[sflag:s9] =	ssyncadd.s32 $0xFFFF8000  }
0x268: {  	[hbm4b:s31+s2] =	stream.linear.scatter [tilespmem:s6], [sflag:$0x3], $0x8000, $0x38;
	[tilespmem:$0x11000] =	vst v63  }
0x269: {  	_ =	swait.ge [sflag:s7], $0x8000  }
0x26a: {  	s1 =	sld [smem:$0x7F4]  }
0x26b: {  	[sflag:s7] =	ssyncset.done $0x0  }
0x26c: {  	[sflag:s7] =	ssyncadd.s32 $0xFFFF8000  }
0x26d: {  	[tilespmem:s6], [sflag:$0x1] =	stream.indirect.gather [hbm4b:s3+s4], $0x2000, s1, s4, $0xb8;
	[tilespmem:$0x11000] =	vst v63  }
0x26e: {  	_ =	swait.ge [sflag:s8], $0x8000  }
0x26f: {  	[sflag:s8] =	ssyncset.done $0x0  }
0x270: {  	s31 =	rddreg [dreg:$0x4];
	[sflag:s8] =	ssyncadd.s32 $0xFFFF8000  }
0x271: {  	[hbm4b:s31+s2] =	stream.linear.scatter [tilespmem:s5], [sflag:$0x4], $0x8000, $0x38;
	[tilespmem:$0x11000] =	vst v63  }
0x272: {  	_ =	swait.ge [sflag:s4], $0x8000  }
0x273: {  	s1 =	sld [smem:$0x7F5]  }
0x274: {  	[sflag:s4] =	ssyncset.done $0x0  }
0x275: {  	[sflag:s4] =	ssyncadd.s32 $0xFFFF8000  }
0x276: {  	[tilespmem:s5], [sflag:$0x2] =	stream.indirect.gather [hbm4b:s3+s4], $0x2000, s1, s4, $0xb8;
	[tilespmem:$0x11000] =	vst v63  }
0x277: {  	_ =	swait.ge [sflag:s9], $0x8000  }
0x278: {  	[sflag:s9] =	ssyncset.done $0x0  }
0x279: {  	s31 =	rddreg [dreg:$0x5];
	[sflag:s9] =	ssyncadd.s32 $0xFFFF8000  }
0x27a: {  	[hbm4b:s31+s2] =	stream.linear.scatter [tilespmem:s6], [sflag:$0x3], $0x8000, $0x38;
	[tilespmem:$0x11000] =	vst v63  }
0x27b: {  	_ =	swait.ge [sflag:s7], $0x8000  }
0x27c: {  	s1 =	sld [smem:$0x7F6]  }
0x27d: {  	[sflag:s7] =	ssyncset.done $0x0  }
0x27e: {  	[sflag:s7] =	ssyncadd.s32 $0xFFFF8000  }
0x27f: {  	[tilespmem:s6], [sflag:$0x1] =	stream.indirect.gather [hbm4b:s3+s4], $0x2000, s1, s4, $0xb8;
	[tilespmem:$0x11000] =	vst v63  }
0x280: {  	_ =	swait.ge [sflag:s8], $0x8000  }
0x281: {  	[sflag:s8] =	ssyncset.done $0x0  }
0x282: {  	s31 =	rddreg [dreg:$0x6];
	[sflag:s8] =	ssyncadd.s32 $0xFFFF8000  }
0x283: {  	[hbm4b:s31+s2] =	stream.linear.scatter [tilespmem:s5], [sflag:$0x4], $0x8000, $0x38;
	[tilespmem:$0x11000] =	vst v63  }
0x284: {  	_ =	swait.ge [sflag:s4], $0x8000  }
0x285: {  	s1 =	sld [smem:$0x7F7]  }
0x286: {  	[sflag:s4] =	ssyncset.done $0x0  }
0x287: {  	[sflag:s4] =	ssyncadd.s32 $0xFFFF8000  }
0x288: {  	[tilespmem:s5], [sflag:$0x2] =	stream.indirect.gather [hbm4b:s3+s4], $0x2000, s1, s4, $0xb8;
	[tilespmem:$0x11000] =	vst v63  }
0x289: {  	_ =	swait.ge [sflag:s9], $0x8000  }
0x28a: {  	[sflag:s9] =	ssyncset.done $0x0  }
0x28b: {  	s31 =	rddreg [dreg:$0x7];
	[sflag:s9] =	ssyncadd.s32 $0xFFFF8000  }
0x28c: {  	[hbm4b:s31+s2] =	stream.linear.scatter [tilespmem:s6], [sflag:$0x3], $0x8000, $0x38;
	[tilespmem:$0x11000] =	vst v63  }
0x28d: {  	_ =	swait.ge [sflag:s7], $0x8000  }
0x28e: {  	s1 =	sld [smem:$0x7F8]  }
0x28f: {  	[sflag:s7] =	ssyncset.done $0x0  }
0x290: {  	[sflag:s7] =	ssyncadd.s32 $0xFFFF8000  }
0x291: {  	[tilespmem:s6], [sflag:$0x1] =	stream.indirect.gather [hbm4b:s3+s4], $0x2000, s1, s4, $0xb8;
	[tilespmem:$0x11000] =	vst v63  }
0x292: {  	_ =	swait.ge [sflag:s8], $0x8000  }
0x293: {  	[sflag:s8] =	ssyncset.done $0x0  }
0x294: {  	s31 =	rddreg [dreg:$0x8];
	[sflag:s8] =	ssyncadd.s32 $0xFFFF8000  }
0x295: {  	[hbm4b:s31+s2] =	stream.linear.scatter [tilespmem:s5], [sflag:$0x4], $0x8000, $0x38;
	[tilespmem:$0x11000] =	vst v63  }
0x296: {  	_ =	swait.ge [sflag:s4], $0x8000  }
0x297: {  	s1 =	sld [smem:$0x7F9]  }
0x298: {  	[sflag:s4] =	ssyncset.done $0x0  }
0x299: {  	[sflag:s4] =	ssyncadd.s32 $0xFFFF8000  }
0x29a: {  	[tilespmem:s5], [sflag:$0x2] =	stream.indirect.gather [hbm4b:s3+s4], $0x2000, s1, s4, $0xb8;
	[tilespmem:$0x11000] =	vst v63  }
0x29b: {  	_ =	swait.ge [sflag:s9], $0x8000  }
0x29c: {  	[sflag:s9] =	ssyncset.done $0x0  }
0x29d: {  	s31 =	rddreg [dreg:$0x9];
	[sflag:s9] =	ssyncadd.s32 $0xFFFF8000  }
0x29e: {  	[hbm4b:s31+s2] =	stream.linear.scatter [tilespmem:s6], [sflag:$0x3], $0x8000, $0x38;
	[tilespmem:$0x11000] =	vst v63  }
0x29f: {  	_ =	swait.ge [sflag:s7], $0x8000  }
0x2a0: {  	s1 =	sld [smem:$0x7FA]  }
0x2a1: {  	[sflag:s7] =	ssyncset.done $0x0  }
0x2a2: {  	[sflag:s7] =	ssyncadd.s32 $0xFFFF8000  }
0x2a3: {  	[tilespmem:s6], [sflag:$0x1] =	stream.indirect.gather [hbm4b:s3+s4], $0x2000, s1, s4, $0xb8;
	[tilespmem:$0x11000] =	vst v63  }
0x2a4: {  	_ =	swait.ge [sflag:s8], $0x8000  }
0x2a5: {  	[sflag:s8] =	ssyncset.done $0x0  }
0x2a6: {  	s31 =	rddreg [dreg:$0xa];
	[sflag:s8] =	ssyncadd.s32 $0xFFFF8000  }
0x2a7: {  	[hbm4b:s31+s2] =	stream.linear.scatter [tilespmem:s5], [sflag:$0x4], $0x8000, $0x38;
	[tilespmem:$0x11000] =	vst v63  }
0x2a8: {  	_ =	swait.ge [sflag:s4], $0x8000  }
0x2a9: {  	s1 =	sld [smem:$0x7FB]  }
0x2aa: {  	[sflag:s4] =	ssyncset.done $0x0  }
0x2ab: {  	[sflag:s4] =	ssyncadd.s32 $0xFFFF8000  }
0x2ac: {  	[tilespmem:s5], [sflag:$0x2] =	stream.indirect.gather [hbm4b:s3+s4], $0x2000, s1, s4, $0xb8;
	[tilespmem:$0x11000] =	vst v63  }
0x2ad: {  	_ =	swait.ge [sflag:s9], $0x8000  }
0x2ae: {  	[sflag:s9] =	ssyncset.done $0x0  }
0x2af: {  	s31 =	rddreg [dreg:$0xb];
	[sflag:s9] =	ssyncadd.s32 $0xFFFF8000  }
0x2b0: {  	[hbm4b:s31+s2] =	stream.linear.scatter [tilespmem:s6], [sflag:$0x3], $0x8000, $0x38;
	[tilespmem:$0x11000] =	vst v63  }
0x2b1: {  	_ =	swait.ge [sflag:s7], $0x8000  }
0x2b2: {  	s1 =	sld [smem:$0x7FC]  }
0x2b3: {  	[sflag:s7] =	ssyncset.done $0x0  }
0x2b4: {  	[sflag:s7] =	ssyncadd.s32 $0xFFFF8000  }
0x2b5: {  	[tilespmem:s6], [sflag:$0x1] =	stream.indirect.gather [hbm4b:s3+s4], $0x2000, s1, s4, $0xb8;
	[tilespmem:$0x11000] =	vst v63  }
0x2b6: {  	_ =	swait.ge [sflag:s8], $0x8000  }
0x2b7: {  	[sflag:s8] =	ssyncset.done $0x0  }
0x2b8: {  	s31 =	rddreg [dreg:$0xc];
	[sflag:s8] =	ssyncadd.s32 $0xFFFF8000  }
0x2b9: {  	[hbm4b:s31+s2] =	stream.linear.scatter [tilespmem:s5], [sflag:$0x4], $0x8000, $0x38;
	[tilespmem:$0x11000] =	vst v63  }
0x2ba: {  	_ =	swait.ge [sflag:s4], $0x8000  }
0x2bb: {  	s1 =	sld [smem:$0x7FD]  }
0x2bc: {  	[sflag:s4] =	ssyncset.done $0x0  }
0x2bd: {  	[sflag:s4] =	ssyncadd.s32 $0xFFFF8000  }
0x2be: {  	[tilespmem:s5], [sflag:$0x2] =	stream.indirect.gather [hbm4b:s3+s4], $0x2000, s1, s4, $0xb8;
	[tilespmem:$0x11000] =	vst v63  }
0x2bf: {  	_ =	swait.ge [sflag:s9], $0x8000  }
0x2c0: {  	[sflag:s9] =	ssyncset.done $0x0  }
0x2c1: {  	s31 =	rddreg [dreg:$0xd];
	[sflag:s9] =	ssyncadd.s32 $0xFFFF8000  }
0x2c2: {  	[hbm4b:s31+s2] =	stream.linear.scatter [tilespmem:s6], [sflag:$0x3], $0x8000, $0x38;
	[tilespmem:$0x11000] =	vst v63  }
0x2c3: {  	_ =	swait.ge [sflag:s7], $0x8000  }
0x2c4: {  	[sflag:s7] =	ssyncset.done $0x0  }
0x2c5: {  	[sflag:s7] =	ssyncadd.s32 $0xFFFF8000  }
0x2c6: {  	[tilespmem:s6], [sflag:$0x1] =	stream.indirect.gather [hbm4b:s3+s4], $0x2000, s30, s4, $0xb8;
	[tilespmem:$0x11000] =	vst v63  }
0x2c7: {  	_ =	swait.ge [sflag:s8], $0x8000  }
0x2c8: {  	[sflag:s8] =	ssyncset.done $0x0  }
0x2c9: {  	s1 =	rddreg [dreg:$0xe];
	[sflag:s8] =	ssyncadd.s32 $0xFFFF8000  }
0x2ca: {  	[hbm4b:s1+s2] =	stream.linear.scatter [tilespmem:s5], [sflag:$0x4], $0x8000, $0x38;
	[tilespmem:$0x11000] =	vst v63  }
0x2cb: {  	_ =	swait.ge [sflag:s4], $0x8000  }
0x2cc: {  	[sflag:s4] =	ssyncset.done $0x0  }
0x2cd: {  	[sflag:s4] =	ssyncadd.s32 $0xFFFF8000  }
0x2ce: {  	[tilespmem:s5], [sflag:$0x2] =	stream.indirect.gather [hbm4b:s3+s4], $0x2000, s29, s4, $0xb8;
	[tilespmem:$0x11000] =	vst v63  }
0x2cf: {  	_ =	swait.ge [sflag:s9], $0x8000  }
0x2d0: {  	[sflag:s9] =	ssyncset.done $0x0  }
0x2d1: {  	s30 =	rddreg [dreg:$0xf];
	[sflag:s9] =	ssyncadd.s32 $0xFFFF8000  }
0x2d2: {  	[hbm4b:s30+s2] =	stream.linear.scatter [tilespmem:s6], [sflag:$0x3], $0x8000, $0x38;
	[tilespmem:$0x11000] =	vst v63  }
0x2d3: {  	_ =	swait.ge [sflag:s7], $0x8000  }
0x2d4: {  	[sflag:s7] =	ssyncset.done $0x0  }
0x2d5: {  	[sflag:s7] =	ssyncadd.s32 $0xFFFF8000  }
0x2d6: {  	[tilespmem:s6], [sflag:$0x1] =	stream.indirect.gather [hbm4b:s3+s4], $0x2000, s28, s4, $0xb8;
	[tilespmem:$0x11000] =	vst v63  }
0x2d7: {  	_ =	swait.ge [sflag:s8], $0x8000  }
0x2d8: {  	[sflag:s8] =	ssyncset.done $0x0  }
0x2d9: {  	s31 =	rddreg [dreg:$0x10];
	[sflag:s8] =	ssyncadd.s32 $0xFFFF8000  }
0x2da: {  	[hbm4b:s31+s2] =	stream.linear.scatter [tilespmem:s5], [sflag:$0x4], $0x8000, $0x38;
	[tilespmem:$0x11000] =	vst v63  }
0x2db: {  	_ =	swait.ge [sflag:s4], $0x8000  }
0x2dc: {  	[sflag:s4] =	ssyncset.done $0x0  }
0x2dd: {  	[sflag:s4] =	ssyncadd.s32 $0xFFFF8000  }
0x2de: {  	[tilespmem:s5], [sflag:$0x2] =	stream.indirect.gather [hbm4b:s3+s4], $0x2000, s26, s4, $0xb8;
	[tilespmem:$0x11000] =	vst v63  }
0x2df: {  	_ =	swait.ge [sflag:s9], $0x8000  }
0x2e0: {  	[sflag:s9] =	ssyncset.done $0x0  }
0x2e1: {  	s1 =	rddreg [dreg:$0x11];
	[sflag:s9] =	ssyncadd.s32 $0xFFFF8000  }
0x2e2: {  	[hbm4b:s1+s2] =	stream.linear.scatter [tilespmem:s6], [sflag:$0x3], $0x8000, $0x38;
	[tilespmem:$0x11000] =	vst v63  }
0x2e3: {  	_ =	swait.ge [sflag:s7], $0x8000  }
0x2e4: {  	[sflag:s7] =	ssyncset.done $0x0  }
0x2e5: {  	[sflag:s7] =	ssyncadd.s32 $0xFFFF8000  }
0x2e6: {  	[tilespmem:s6], [sflag:$0x1] =	stream.indirect.gather [hbm4b:s3+s4], $0x2000, s25, s4, $0xb8;
	[tilespmem:$0x11000] =	vst v63  }
0x2e7: {  	_ =	swait.ge [sflag:s8], $0x8000  }
0x2e8: {  	[sflag:s8] =	ssyncset.done $0x0  }
0x2e9: {  	s26 =	rddreg [dreg:$0x12];
	[sflag:s8] =	ssyncadd.s32 $0xFFFF8000  }
0x2ea: {  	[hbm4b:s26+s2] =	stream.linear.scatter [tilespmem:s5], [sflag:$0x4], $0x8000, $0x38;
	[tilespmem:$0x11000] =	vst v63  }
0x2eb: {  	_ =	swait.ge [sflag:s4], $0x8000  }
0x2ec: {  	[sflag:s4] =	ssyncset.done $0x0  }
0x2ed: {  	[sflag:s4] =	ssyncadd.s32 $0xFFFF8000  }
0x2ee: {  	[tilespmem:s5], [sflag:$0x2] =	stream.indirect.gather [hbm4b:s3+s4], $0x2000, s24, s4, $0xb8;
	[tilespmem:$0x11000] =	vst v63  }
0x2ef: {  	_ =	swait.ge [sflag:s9], $0x8000  }
0x2f0: {  	[sflag:s9] =	ssyncset.done $0x0  }
0x2f1: {  	s28 =	rddreg [dreg:$0x13];
	[sflag:s9] =	ssyncadd.s32 $0xFFFF8000  }
0x2f2: {  	[hbm4b:s28+s2] =	stream.linear.scatter [tilespmem:s6], [sflag:$0x3], $0x8000, $0x38;
	[tilespmem:$0x11000] =	vst v63  }
0x2f3: {  	_ =	swait.ge [sflag:s7], $0x8000  }
0x2f4: {  	[sflag:s7] =	ssyncset.done $0x0  }
0x2f5: {  	[sflag:s7] =	ssyncadd.s32 $0xFFFF8000  }
0x2f6: {  	[tilespmem:s6], [sflag:$0x1] =	stream.indirect.gather [hbm4b:s3+s4], $0x2000, s23, s4, $0xb8;
	[tilespmem:$0x11000] =	vst v63  }
0x2f7: {  	_ =	swait.ge [sflag:s8], $0x8000  }
0x2f8: {  	[sflag:s8] =	ssyncset.done $0x0  }
0x2f9: {  	s29 =	rddreg [dreg:$0x14];
	[sflag:s8] =	ssyncadd.s32 $0xFFFF8000  }
0x2fa: {  	[hbm4b:s29+s2] =	stream.linear.scatter [tilespmem:s5], [sflag:$0x4], $0x8000, $0x38;
	[tilespmem:$0x11000] =	vst v63  }
0x2fb: {  	_ =	swait.ge [sflag:s4], $0x8000  }
0x2fc: {  	[sflag:s4] =	ssyncset.done $0x0  }
0x2fd: {  	[sflag:s4] =	ssyncadd.s32 $0xFFFF8000  }
0x2fe: {  	[tilespmem:s5], [sflag:$0x2] =	stream.indirect.gather [hbm4b:s3+s4], $0x2000, s22, s4, $0xb8;
	[tilespmem:$0x11000] =	vst v63  }
0x2ff: {  	_ =	swait.ge [sflag:s9], $0x8000  }
0x300: {  	[sflag:s9] =	ssyncset.done $0x0  }
0x301: {  	s30 =	rddreg [dreg:$0x15];
	[sflag:s9] =	ssyncadd.s32 $0xFFFF8000  }
0x302: {  	[hbm4b:s30+s2] =	stream.linear.scatter [tilespmem:s6], [sflag:$0x3], $0x8000, $0x38;
	[tilespmem:$0x11000] =	vst v63  }
0x303: {  	_ =	swait.ge [sflag:s7], $0x8000  }
0x304: {  	[sflag:s7] =	ssyncset.done $0x0  }
0x305: {  	[sflag:s7] =	ssyncadd.s32 $0xFFFF8000  }
0x306: {  	[tilespmem:s6], [sflag:$0x1] =	stream.indirect.gather [hbm4b:s3+s4], $0x2000, s21, s4, $0xb8;
	[tilespmem:$0x11000] =	vst v63  }
0x307: {  	_ =	swait.ge [sflag:s8], $0x8000  }
0x308: {  	[sflag:s8] =	ssyncset.done $0x0  }
0x309: {  	s31 =	rddreg [dreg:$0x16];
	[sflag:s8] =	ssyncadd.s32 $0xFFFF8000  }
0x30a: {  	[hbm4b:s31+s2] =	stream.linear.scatter [tilespmem:s5], [sflag:$0x4], $0x8000, $0x38;
	[tilespmem:$0x11000] =	vst v63  }
0x30b: {  	_ =	swait.ge [sflag:s4], $0x8000  }
0x30c: {  	[sflag:s4] =	ssyncset.done $0x0  }
0x30d: {  	[sflag:s4] =	ssyncadd.s32 $0xFFFF8000  }
0x30e: {  	[tilespmem:s5], [sflag:$0x2] =	stream.indirect.gather [hbm4b:s3+s4], $0x2000, s20, s4, $0xb8;
	[tilespmem:$0x11000] =	vst v63  }
0x30f: {  	_ =	swait.ge [sflag:s9], $0x8000  }
0x310: {  	[sflag:s9] =	ssyncset.done $0x0  }
0x311: {  	s1 =	rddreg [dreg:$0x17];
	[sflag:s9] =	ssyncadd.s32 $0xFFFF8000  }
0x312: {  	[hbm4b:s1+s2] =	stream.linear.scatter [tilespmem:s6], [sflag:$0x3], $0x8000, $0x38;
	[tilespmem:$0x11000] =	vst v63  }
0x313: {  	_ =	swait.ge [sflag:s7], $0x8000  }
0x314: {  	[sflag:s7] =	ssyncset.done $0x0  }
0x315: {  	[sflag:s7] =	ssyncadd.s32 $0xFFFF8000  }
0x316: {  	[tilespmem:s6], [sflag:$0x1] =	stream.indirect.gather [hbm4b:s3+s4], $0x2000, s19, s4, $0xb8;
	[tilespmem:$0x11000] =	vst v63  }
0x317: {  	_ =	swait.ge [sflag:s8], $0x8000  }
0x318: {  	[sflag:s8] =	ssyncset.done $0x0  }
0x319: {  	s19 =	rddreg [dreg:$0x18];
	[sflag:s8] =	ssyncadd.s32 $0xFFFF8000  }
0x31a: {  	[hbm4b:s19+s2] =	stream.linear.scatter [tilespmem:s5], [sflag:$0x4], $0x8000, $0x38;
	[tilespmem:$0x11000] =	vst v63  }
0x31b: {  	_ =	swait.ge [sflag:s4], $0x8000  }
0x31c: {  	[sflag:s4] =	ssyncset.done $0x0  }
0x31d: {  	[sflag:s4] =	ssyncadd.s32 $0xFFFF8000  }
0x31e: {  	[tilespmem:s5], [sflag:$0x2] =	stream.indirect.gather [hbm4b:s3+s4], $0x2000, s18, s4, $0xb8;
	[tilespmem:$0x11000] =	vst v63  }
0x31f: {  	_ =	swait.ge [sflag:s9], $0x8000  }
0x320: {  	[sflag:s9] =	ssyncset.done $0x0  }
0x321: {  	s20 =	rddreg [dreg:$0x19];
	[sflag:s9] =	ssyncadd.s32 $0xFFFF8000  }
0x322: {  	[hbm4b:s20+s2] =	stream.linear.scatter [tilespmem:s6], [sflag:$0x3], $0x8000, $0x38;
	[tilespmem:$0x11000] =	vst v63  }
0x323: {  	_ =	swait.ge [sflag:s7], $0x8000  }
0x324: {  	[sflag:s7] =	ssyncset.done $0x0  }
0x325: {  	[sflag:s7] =	ssyncadd.s32 $0xFFFF8000  }
0x326: {  	[tilespmem:s6], [sflag:$0x1] =	stream.indirect.gather [hbm4b:s3+s4], $0x2000, s17, s4, $0xb8;
	[tilespmem:$0x11000] =	vst v63  }
0x327: {  	_ =	swait.ge [sflag:s8], $0x8000  }
0x328: {  	[sflag:s8] =	ssyncset.done $0x0  }
0x329: {  	s21 =	rddreg [dreg:$0x1a];
	[sflag:s8] =	ssyncadd.s32 $0xFFFF8000  }
0x32a: {  	[hbm4b:s21+s2] =	stream.linear.scatter [tilespmem:s5], [sflag:$0x4], $0x8000, $0x38;
	[tilespmem:$0x11000] =	vst v63  }
0x32b: {  	_ =	swait.ge [sflag:s4], $0x8000  }
0x32c: {  	[sflag:s4] =	ssyncset.done $0x0  }
0x32d: {  	[sflag:s4] =	ssyncadd.s32 $0xFFFF8000  }
0x32e: {  	[tilespmem:s5], [sflag:$0x2] =	stream.indirect.gather [hbm4b:s3+s4], $0x2000, s16, s4, $0xb8;
	[tilespmem:$0x11000] =	vst v63  }
0x32f: {  	_ =	swait.ge [sflag:s9], $0x8000  }
0x330: {  	[sflag:s9] =	ssyncset.done $0x0  }
0x331: {  	s22 =	rddreg [dreg:$0x1b];
	[sflag:s9] =	ssyncadd.s32 $0xFFFF8000  }
0x332: {  	[hbm4b:s22+s2] =	stream.linear.scatter [tilespmem:s6], [sflag:$0x3], $0x8000, $0x38;
	[tilespmem:$0x11000] =	vst v63  }
0x333: {  	_ =	swait.ge [sflag:s7], $0x8000  }
0x334: {  	[sflag:s7] =	ssyncset.done $0x0  }
0x335: {  	[sflag:s7] =	ssyncadd.s32 $0xFFFF8000  }
0x336: {  	[tilespmem:s6], [sflag:$0x1] =	stream.indirect.gather [hbm4b:s3+s4], $0x2000, s15, s4, $0xb8;
	[tilespmem:$0x11000] =	vst v63  }
0x337: {  	_ =	swait.ge [sflag:s8], $0x8000  }
0x338: {  	[sflag:s8] =	ssyncset.done $0x0  }
0x339: {  	s23 =	rddreg [dreg:$0x1c];
	[sflag:s8] =	ssyncadd.s32 $0xFFFF8000  }
0x33a: {  	[hbm4b:s23+s2] =	stream.linear.scatter [tilespmem:s5], [sflag:$0x4], $0x8000, $0x38;
	[tilespmem:$0x11000] =	vst v63  }
0x33b: {  	_ =	swait.ge [sflag:s4], $0x8000  }
0x33c: {  	[sflag:s4] =	ssyncset.done $0x0  }
0x33d: {  	[sflag:s4] =	ssyncadd.s32 $0xFFFF8000  }
0x33e: {  	[tilespmem:s5], [sflag:$0x2] =	stream.indirect.gather [hbm4b:s3+s4], $0x2000, s14, s4, $0xb8;
	[tilespmem:$0x11000] =	vst v63  }
0x33f: {  	_ =	swait.ge [sflag:s9], $0x8000  }
0x340: {  	[sflag:s9] =	ssyncset.done $0x0  }
0x341: {  	s24 =	rddreg [dreg:$0x1d];
	[sflag:s9] =	ssyncadd.s32 $0xFFFF8000  }
0x342: {  	[hbm4b:s24+s2] =	stream.linear.scatter [tilespmem:s6], [sflag:$0x3], $0x8000, $0x38;
	[tilespmem:$0x11000] =	vst v63  }
0x343: {  	_ =	swait.ge [sflag:s7], $0x8000  }
0x344: {  	[sflag:s7] =	ssyncset.done $0x0  }
0x345: {  	[sflag:s7] =	ssyncadd.s32 $0xFFFF8000  }
0x346: {  	[tilespmem:s6], [sflag:$0x1] =	stream.indirect.gather [hbm4b:s3+s4], $0x2000, s13, s4, $0xb8;
	[tilespmem:$0x11000] =	vst v63  }
0x347: {  	_ =	swait.ge [sflag:s8], $0x8000  }
0x348: {  	[sflag:s8] =	ssyncset.done $0x0  }
0x349: {  	s25 =	rddreg [dreg:$0x1e];
	[sflag:s8] =	ssyncadd.s32 $0xFFFF8000  }
0x34a: {  	[hbm4b:s25+s2] =	stream.linear.scatter [tilespmem:s5], [sflag:$0x4], $0x8000, $0x38;
	[tilespmem:$0x11000] =	vst v63  }
0x34b: {  	_ =	swait.ge [sflag:s4], $0x8000  }
0x34c: {  	[sflag:s4] =	ssyncset.done $0x0  }
0x34d: {  	[sflag:s4] =	ssyncadd.s32 $0xFFFF8000  }
0x34e: {  	[tilespmem:s5], [sflag:$0x2] =	stream.indirect.gather [hbm4b:s3+s4], $0x2000, s12, s4, $0xb8;
	[tilespmem:$0x11000] =	vst v63  }
0x34f: {  	_ =	swait.ge [sflag:s9], $0x8000  }
0x350: {  	[sflag:s9] =	ssyncset.done $0x0  }
0x351: {  	s26 =	rddreg [dreg:$0x1f];
	[sflag:s9] =	ssyncadd.s32 $0xFFFF8000  }
0x352: {  	[hbm4b:s26+s2] =	stream.linear.scatter [tilespmem:s6], [sflag:$0x3], $0x8000, $0x38;
	[tilespmem:$0x11000] =	vst v63  }
0x353: {  	_ =	swait.ge [sflag:s7], $0x8000  }
0x354: {  	[sflag:s7] =	ssyncset.done $0x0  }
0x355: {  	[sflag:s7] =	ssyncadd.s32 $0xFFFF8000  }
0x356: {  	[tilespmem:s6], [sflag:$0x1] =	stream.indirect.gather [hbm4b:s3+s4], $0x2000, s11, s4, $0xb8;
	[tilespmem:$0x11000] =	vst v63  }
0x357: {  	_ =	swait.ge [sflag:s8], $0x8000  }
0x358: {  	s28 =	sld [smem:$0x7F0]  }
0x359: {  	[sflag:s8] =	ssyncset.done $0x0  }
0x35a: {  	[sflag:s8] =	ssyncadd.s32 $0xFFFF8000  }
0x35b: {  	[hbm4b:s28+s2] =	stream.linear.scatter [tilespmem:s5], [sflag:$0x4], $0x8000, $0x38;
	[tilespmem:$0x11000] =	vst v63  }
0x35c: {  	_ =	swait.ge [sflag:s4], $0x8000  }
0x35d: {  	[sflag:s4] =	ssyncset.done $0x0  }
0x35e: {  	[sflag:s4] =	ssyncadd.s32 $0xFFFF8000  }
0x35f: {  	[tilespmem:s5], [sflag:$0x2] =	stream.indirect.gather [hbm4b:s3+s4], $0x2000, s10, s4, $0xb8;
	[tilespmem:$0x11000] =	vst v63  }
0x360: {  	_ =	swait.ge [sflag:s9], $0x8000  }
0x361: {  	s29 =	sld [smem:$0x7F1]  }
0x362: {  	[sflag:s9] =	ssyncset.done $0x0  }
0x363: {  	[sflag:s9] =	ssyncadd.s32 $0xFFFF8000  }
0x364: {  	[hbm4b:s29+s2] =	stream.linear.scatter [tilespmem:s6], [sflag:$0x3], $0x8000, $0x38;
	[tilespmem:$0x11000] =	vst v63  }
0x365: {  	_ =	swait.ge [sflag:s8], $0x8000  }
0x366: {  	s30 =	sld [smem:$0x7F2]  }
0x367: {  	[sflag:s8] =	ssyncset.done $0x0  }
0x368: {  	[sflag:s8] =	ssyncadd.s32 $0xFFFF8000  }
0x369: {  	[hbm4b:s30+s2] =	stream.linear.scatter [tilespmem:s5], [sflag:$0x4], $0x8000, $0x38;
	[tilespmem:$0x11000] =	vst v63  }
0x36a: {  	_ =	swait.ge [sflag:s7], $0x8000  }
0x36b: {  	[sflag:s7] =	ssyncset.done $0x0  }
0x36c: {  	[sflag:s7] =	ssyncadd.s32 $0xFFFF8000  }
0x36d: {  	_ =	swait.ge [sflag:s4], $0x8000  }
0x36e: {  	[sflag:s4] =	ssyncset.done $0x0  }
0x36f: {  	[sflag:s4] =	ssyncadd.s32 $0xFFFF8000  }
0x370: {  	_ =	sfence.sel $0x180000  }
0x371: {  	[bflag:$0x0] =	sbarrier.arrive $0xFFFF  }
0x372: {  	_ =	strace $0x9000004A  }
0x373: {  	s31 =	stileid.u32;
	[bflag:$0x2] =	sbarrier.arrive $0xFFFF  }
0x374: {  	p0 =	sne.s32 s31, $0x0;
	s0 =	rddreg [dreg:$0x1]  }
0x375: {  	s0 =	sadd.s32 @!p0 $0x100000, s0  }
0x376: {  	[sflag:s0] =	ssyncadd.tile.s32 @!p0 $0x1;
	_ =	shalt  }
.Lfunc_end2:
_tile_overlayer_lowered:
.L_overlay_start_2:
0x377: {  	(tag) =	ssettag $0x2  }
0x378: {  	s0 =	rddreg [dreg:$0x0];
	s2 =	stileid.u32  }
0x379: {  	s1 =	rddreg [dreg:$0x1];
	p0 =	sne.s32 s2, $0x0  }
0x37a: {  	s3 =	rddreg [dreg:$0x2];
	[bflag:$0x3] =	sbarrier.arrive $0xFFFF;
	s2 =	simm.s32 @!p0 $0x1C05  }
0x37b: {  	[timem:s3], [sflag:s2] =	dma.local @!p0 [hbm:s0], s1  }
0x37c: {  	s0 =	simm.s32 @!p0 $0x5  }
0x37d: {  	_ =	swait.ge @!p0 [sflag:s0], s1  }
0x37e: {  	s1 =	ssub.s32 @!p0 $0x0, s1;
	[sflag:s0] =	ssyncset.done @!p0 $0x0  }
0x37f: {  	[sflag:s0] =	ssyncadd.s32 @!p0 s1  }
0x380: {  	[bflag:$0x3] =	sbarrier.arrive $0xFFFF  }
0x381: {  	_ =	shalt  }

</sc_bundles>
